<compile_context>
chip_gen: v7x
topology: tpu7x:2x2x1
jax: 0.10.2.dev20260603
libtpu: 0.0.44.dev20260713+nightly
codegen_flags: <defaults>
</compile_context>

<pallas_src>
import functools

import jax
import jax.numpy as jnp
from jax import lax
from jax.experimental import pallas as pl
from jax.experimental.pallas import tpu as pltpu
from jax.experimental.pallas import tpu_sc as plsc

BOHR = 0.52917721067121
NC, NS = 2, 16
NW = NC * NS
ROW = 128
CR = 20
NSLOT = 3


def _recip(x):
    i = lax.bitcast_convert_type(x, jnp.int32)
    y = lax.bitcast_convert_type(jnp.int32(0x7EF311C3) - i, jnp.float32)
    y = y * (2.0 - x * y)
    y = y * (2.0 - x * y)
    return y


@functools.lru_cache(maxsize=None)
def _make_sc_kernel(N, E):
    assert E % ROW == 0
    R = E // ROW
    base_rows = R // NW
    X = R % NW
    Np = ((N + 1023) // 1024) * 1024
    n_full, rem = divmod(base_rows, CR)
    CE = CR * ROW

    mesh = plsc.VectorSubcoreMesh(
        core_axis_name="c", subcore_axis_name="s",
        num_cores=NC, num_subcores=NS)

    @functools.partial(
        pl.kernel,
        out_type=jax.ShapeDtypeStruct((NW, Np), jnp.float32),
        mesh=mesh,
        compiler_params=pltpu.CompilerParams(use_tc_tiling_on_sc=False,
                                             needs_layout_passes=False),
        scratch_types=[
            pltpu.VMEM((N,), jnp.float32),
            pltpu.VMEM((Np,), jnp.float32),
            pltpu.VMEM((CE,), jnp.int32),
            pltpu.VMEM((CE,), jnp.int32),
            pltpu.VMEM((CE,), jnp.float32),
            pltpu.VMEM((CE,), jnp.float32),
            pltpu.VMEM((CE,), jnp.int32),
            pltpu.VMEM((CE,), jnp.int32),
            pltpu.VMEM((CE,), jnp.float32),
            pltpu.VMEM((CE,), jnp.float32),
            pltpu.VMEM((CE,), jnp.int32),
            pltpu.VMEM((CE,), jnp.int32),
            pltpu.VMEM((CE,), jnp.float32),
            pltpu.VMEM((CE,), jnp.float32),
            pltpu.SemaphoreType.DMA,
            pltpu.SemaphoreType.DMA,
            pltpu.SemaphoreType.DMA,
            pltpu.SemaphoreType.DMA,
        ],
    )
    def sc_kernel(q_hbm, src_hbm, dst_hbm, dist_hbm, sw_hbm, out_hbm,
                  q_v, accum_v,
                  src0, dst0, dist0, sw0, src1, dst1, dist1, sw1,
                  src2, dst2, dist2, sw2,
                  sem0, sem1, sem2, qsem):
        cid = lax.axis_index("c")
        sid = lax.axis_index("s")
        wid = sid * NC + cid

        slots = ((src0, dst0, dist0, sw0, sem0),
                 (src1, dst1, dist1, sw1, sem1),
                 (src2, dst2, dist2, sw2, sem2))

        def stage(slot, r0, nrows):
            ne = nrows * ROW
            e0 = r0 * ROW
            sv, dv, di, sw, sem = slots[slot]
            return [
                pltpu.async_copy(src_hbm.at[pl.ds(e0, ne)], sv.at[pl.ds(0, ne)], sem),
                pltpu.async_copy(dst_hbm.at[pl.ds(e0, ne)], dv.at[pl.ds(0, ne)], sem),
                pltpu.async_copy(dist_hbm.at[pl.ds(e0, ne)], di.at[pl.ds(0, ne)], sem),
                pltpu.async_copy(sw_hbm.at[pl.ds(e0, ne)], sw.at[pl.ds(0, ne)], sem),
            ]

        def compute(slot, nrows):
            sv, dv, di, sw, _ = slots[slot]

            @plsc.parallel_loop(0, nrows * ROW // 16, 1, unroll=4)
            def _compute(j):
                sl = pl.ds(j * 16, 16)
                qd = plsc.load_gather(q_v, [dv[sl]])
                coef = (sw[sl] * BOHR) * _recip(di[sl])
                plsc.addupdate_scatter(accum_v, [sv[sl]], coef * qd)

        qdesc = pltpu.async_copy(q_hbm, q_v, qsem)
        row0 = wid * base_rows
        chunks = [(row0 + c * CR, CR) for c in range(n_full)]
        if rem:
            chunks.append((row0 + n_full * CR, rem))
        descs = {c: stage(c, *chunks[c]) for c in range(min(NSLOT - 1, len(chunks)))}

        def _zero(i, c):
            accum_v[pl.ds(i * 16, 16)] = jnp.zeros((16,), jnp.float32)
            return c
        lax.fori_loop(0, Np // 16, _zero, 0)
        qdesc.wait()

        for c in range(len(chunks)):
            for d in descs.pop(c):
                d.wait()
            nxt = c + NSLOT - 1
            if nxt < len(chunks):
                descs[nxt] = stage(nxt % NSLOT, *chunks[nxt])
            compute(c % NSLOT, chunks[c][1])

        if X:
            @pl.when(wid < X)
            def _extra():
                r0 = NW * base_rows + wid
                for d in stage(0, r0, 1):
                    d.wait()
                compute(0, 1)

        pltpu.sync_copy(accum_v, out_hbm.at[wid])

    return sc_kernel, Np


def _combine_body(q_ref, p_ref, o_ref):
    o_ref[...] = 0.5 * q_ref[...] * jnp.sum(p_ref[...], axis=0)


def kernel(species, charges, edge_src, edge_dst, distances, switch):
    del species
    N = charges.shape[0]
    E = edge_src.shape[0]
    Ep = -(-E // ROW) * ROW
    if Ep != E:
        pad = Ep - E
        edge_src = jnp.pad(edge_src, (0, pad))
        edge_dst = jnp.pad(edge_dst, (0, pad))
        distances = jnp.pad(distances, (0, pad), constant_values=1.0)
        switch = jnp.pad(switch, (0, pad))

    sc_kernel, Np = _make_sc_kernel(N, Ep)
    partial = sc_kernel(
        charges,
        edge_src.astype(jnp.int32),
        edge_dst.astype(jnp.int32),
        distances,
        switch,
    )

    M = Np // 128
    G = next(g for g in (7, 4, 2, 1) if M % g == 0 and (M // g) % 8 == 0)
    RB = M // G
    qp = jnp.pad(charges, (0, Np - N)).reshape(M, 128)
    out = pl.pallas_call(
        _combine_body,
        grid=(G,),
        in_specs=[
            pl.BlockSpec((RB, 128), lambda i: (i, 0)),
            pl.BlockSpec((NW, RB, 128), lambda i: (0, i, 0)),
        ],
        out_specs=pl.BlockSpec((RB, 128), lambda i: (i, 0)),
        out_shape=jax.ShapeDtypeStruct((M, 128), jnp.float32),
    )(qp, partial.reshape(NW, M, 128))
    return out.reshape(-1)[:N]

# --- scband reference (transcript-rebuilt; emitter-appended) ---
"""Pipeline reference for scband-coulomb-55198919688297 (READ-ONLY COPY).

The authoritative reference and input builder live on the scoring server;
editing this copy changes nothing except your own understanding.
"""

import jax, jax.numpy as jnp
import numpy as np

N = 50000
E = 1600000
BOHR = 0.52917721067121


def setup_inputs(seed: int = 0) -> dict:
    key = jax.random.key(seed)
    k1, k2, k3, k4, k5, k6 = jax.random.split(key, 6)
    species = jax.random.randint(k1, (N,), 1, 86)
    charges = jax.random.normal(k2, (N,), dtype=jnp.float32) * 0.5
    edge_src = jax.random.randint(k3, (E,), 0, N)
    edge_dst = jax.random.randint(k4, (E,), 0, N)
    distances = jax.random.uniform(k5, (E,), minval=0.5, maxval=6.0, dtype=jnp.float32)
    switch = jax.random.uniform(k6, (E,), dtype=jnp.float32)
    return {
        "species": species,
        "charges": charges,
        "edge_src": edge_src,
        "edge_dst": edge_dst,
        "distances": distances,
        "switch": switch,
    }


def reference(species, charges, edge_src, edge_dst, distances, switch):
    # Coulomb module with damp_style=None, bscreen<=0, no k_points in graph:
    # dirfact = 1.0, no reciprocal-space term, no charge_scale param.
    q = charges
    rij = distances / BOHR
    dirfact = 1.0
    Aij = switch * dirfact / rij
    eat = 0.5 * q * jax.ops.segment_sum(Aij * q[edge_dst], edge_src, num_segments=species.shape[0])
    return eat

if __name__ == "__main__":
    import jax
    _d = setup_inputs()
    print(jax.jit(kernel)(*tuple(_d.values())))

</pallas_src>

<mosaic_0001>
#map = affine_map<(d0, d1) -> (0)>
#map1 = affine_map<(d0, d1) -> (0, 0)>
module attributes {stable_mosaic.version = 14 : i64} {
  func.func @sc_kernel(%arg0: i32, %arg1: i32, %arg2: memref<50000xf32, #tpu.memory_space<hbm>>, %arg3: memref<1600000xi32, #tpu.memory_space<hbm>>, %arg4: memref<1600000xi32, #tpu.memory_space<hbm>>, %arg5: memref<1600000xf32, #tpu.memory_space<hbm>>, %arg6: memref<1600000xf32, #tpu.memory_space<hbm>>, %arg7: memref<32x50176xf32, #tpu.memory_space<hbm>>, %arg8: memref<50000xf32, #tpu.memory_space<vmem>>, %arg9: memref<50176xf32, #tpu.memory_space<vmem>>, %arg10: memref<2560xi32, #tpu.memory_space<vmem>>, %arg11: memref<2560xi32, #tpu.memory_space<vmem>>, %arg12: memref<2560xf32, #tpu.memory_space<vmem>>, %arg13: memref<2560xf32, #tpu.memory_space<vmem>>, %arg14: memref<2560xi32, #tpu.memory_space<vmem>>, %arg15: memref<2560xi32, #tpu.memory_space<vmem>>, %arg16: memref<2560xf32, #tpu.memory_space<vmem>>, %arg17: memref<2560xf32, #tpu.memory_space<vmem>>, %arg18: memref<2560xi32, #tpu.memory_space<vmem>>, %arg19: memref<2560xi32, #tpu.memory_space<vmem>>, %arg20: memref<2560xf32, #tpu.memory_space<vmem>>, %arg21: memref<2560xf32, #tpu.memory_space<vmem>>, %arg22: memref<!tpu.dma_semaphore, #tpu.memory_space<semaphore_mem>>, %arg23: memref<!tpu.dma_semaphore, #tpu.memory_space<semaphore_mem>>, %arg24: memref<!tpu.dma_semaphore, #tpu.memory_space<semaphore_mem>>, %arg25: memref<!tpu.dma_semaphore, #tpu.memory_space<semaphore_mem>>) attributes {dimension_semantics = [#tpu.dimension_semantics<core_parallel>, #tpu.dimension_semantics<subcore_parallel>], iteration_bounds = array<i64: 2, 16>, scalar_prefetch = 0 : i64, scratch_operands = 18 : i64, tpu.core_type = #tpu.core_type<sc_vector_subcore>, window_params = [{transform_indices = #map}, {transform_indices = #map}, {transform_indices = #map}, {transform_indices = #map}, {transform_indices = #map}, {transform_indices = #map1}]} {
    %mul3A = arith.constant 2 : i32
    %mul3A_0 = arith.muli %arg1, %mul3A : i32
    %add3A = arith.addi %mul3A_0, %arg0 : i32
    tpu.enqueue_dma source(%arg2 : memref<50000xf32, #tpu.memory_space<hbm>>) target(%arg8 : memref<50000xf32, #tpu.memory_space<vmem>>) target_semaphore(%arg25 : memref<!tpu.dma_semaphore, #tpu.memory_space<semaphore_mem>>)
    %mul3A_1 = arith.constant 390 : i32
    %mul3A_2 = arith.muli %add3A, %mul3A_1 : i32
    %add3A_3 = arith.constant 0 : i32
    %add3A_4 = arith.addi %mul3A_2, %add3A_3 : i32
    %add3A_5 = arith.constant 20 : i32
    %add3A_6 = arith.addi %mul3A_2, %add3A_5 : i32
    %add3A_7 = arith.constant 40 : i32
    %add3A_8 = arith.addi %mul3A_2, %add3A_7 : i32
    %add3A_9 = arith.constant 60 : i32
    %add3A_10 = arith.addi %mul3A_2, %add3A_9 : i32
    %add3A_11 = arith.constant 80 : i32
    %add3A_12 = arith.addi %mul3A_2, %add3A_11 : i32
    %add3A_13 = arith.constant 100 : i32
    %add3A_14 = arith.addi %mul3A_2, %add3A_13 : i32
    %add3A_15 = arith.constant 120 : i32
    %add3A_16 = arith.addi %mul3A_2, %add3A_15 : i32
    %add3A_17 = arith.constant 140 : i32
    %add3A_18 = arith.addi %mul3A_2, %add3A_17 : i32
    %add3A_19 = arith.constant 160 : i32
    %add3A_20 = arith.addi %mul3A_2, %add3A_19 : i32
    %add3A_21 = arith.constant 180 : i32
    %add3A_22 = arith.addi %mul3A_2, %add3A_21 : i32
    %add3A_23 = arith.constant 200 : i32
    %add3A_24 = arith.addi %mul3A_2, %add3A_23 : i32
    %add3A_25 = arith.constant 220 : i32
    %add3A_26 = arith.addi %mul3A_2, %add3A_25 : i32
    %add3A_27 = arith.constant 240 : i32
    %add3A_28 = arith.addi %mul3A_2, %add3A_27 : i32
    %add3A_29 = arith.constant 260 : i32
    %add3A_30 = arith.addi %mul3A_2, %add3A_29 : i32
    %add3A_31 = arith.constant 280 : i32
    %add3A_32 = arith.addi %mul3A_2, %add3A_31 : i32
    %add3A_33 = arith.constant 300 : i32
    %add3A_34 = arith.addi %mul3A_2, %add3A_33 : i32
    %add3A_35 = arith.constant 320 : i32
    %add3A_36 = arith.addi %mul3A_2, %add3A_35 : i32
    %add3A_37 = arith.constant 340 : i32
    %add3A_38 = arith.addi %mul3A_2, %add3A_37 : i32
    %add3A_39 = arith.constant 360 : i32
    %add3A_40 = arith.addi %mul3A_2, %add3A_39 : i32
    %add3A_41 = arith.constant 380 : i32
    %add3A_42 = arith.addi %mul3A_2, %add3A_41 : i32
    %mul3A_43 = arith.constant 128 : i32
    %mul3A_44 = arith.muli %add3A_4, %mul3A_43 : i32
    %dma_start3A = arith.constant 0 : i32
    %dma_start3A_45 = tpu.memref_slice %arg10[%dma_start3A] : memref<2560xi32, #tpu.memory_space<vmem>> -> memref<2560xi32, #tpu.memory_space<vmem>>
    %dma_start3A_46 = tpu.memref_slice %arg3[%mul3A_44] : memref<1600000xi32, #tpu.memory_space<hbm>> -> memref<2560xi32, #tpu.memory_space<hbm>>
    %dma_start3A_47 = arith.constant 0 : i32
    %dma_start3A_48 = tpu.memref_slice %arg10[%dma_start3A_47] : memref<2560xi32, #tpu.memory_space<vmem>> -> memref<2560xi32, #tpu.memory_space<vmem>>
    %dma_start3A_49 = tpu.memref_slice %arg3[%mul3A_44] : memref<1600000xi32, #tpu.memory_space<hbm>> -> memref<2560xi32, #tpu.memory_space<hbm>>
    tpu.enqueue_dma source(%dma_start3A_49 : memref<2560xi32, #tpu.memory_space<hbm>>) target(%dma_start3A_48 : memref<2560xi32, #tpu.memory_space<vmem>>) target_semaphore(%arg22 : memref<!tpu.dma_semaphore, #tpu.memory_space<semaphore_mem>>)
    %dma_start3A_50 = arith.constant 0 : i32
    %dma_start3A_51 = tpu.memref_slice %arg11[%dma_start3A_50] : memref<2560xi32, #tpu.memory_space<vmem>> -> memref<2560xi32, #tpu.memory_space<vmem>>
    %dma_start3A_52 = tpu.memref_slice %arg4[%mul3A_44] : memref<1600000xi32, #tpu.memory_space<hbm>> -> memref<2560xi32, #tpu.memory_space<hbm>>
    %dma_start3A_53 = arith.constant 0 : i32
    %dma_start3A_54 = tpu.memref_slice %arg11[%dma_start3A_53] : memref<2560xi32, #tpu.memory_space<vmem>> -> memref<2560xi32, #tpu.memory_space<vmem>>
    %dma_start3A_55 = tpu.memref_slice %arg4[%mul3A_44] : memref<1600000xi32, #tpu.memory_space<hbm>> -> memref<2560xi32, #tpu.memory_space<hbm>>
    tpu.enqueue_dma source(%dma_start3A_55 : memref<2560xi32, #tpu.memory_space<hbm>>) target(%dma_start3A_54 : memref<2560xi32, #tpu.memory_space<vmem>>) target_semaphore(%arg22 : memref<!tpu.dma_semaphore, #tpu.memory_space<semaphore_mem>>)
    %dma_start3A_56 = arith.constant 0 : i32
    %dma_start3A_57 = tpu.memref_slice %arg12[%dma_start3A_56] : memref<2560xf32, #tpu.memory_space<vmem>> -> memref<2560xf32, #tpu.memory_space<vmem>>
    %dma_start3A_58 = tpu.memref_slice %arg5[%mul3A_44] : memref<1600000xf32, #tpu.memory_space<hbm>> -> memref<2560xf32, #tpu.memory_space<hbm>>
    %dma_start3A_59 = arith.constant 0 : i32
    %dma_start3A_60 = tpu.memref_slice %arg12[%dma_start3A_59] : memref<2560xf32, #tpu.memory_space<vmem>> -> memref<2560xf32, #tpu.memory_space<vmem>>
    %dma_start3A_61 = tpu.memref_slice %arg5[%mul3A_44] : memref<1600000xf32, #tpu.memory_space<hbm>> -> memref<2560xf32, #tpu.memory_space<hbm>>
    tpu.enqueue_dma source(%dma_start3A_61 : memref<2560xf32, #tpu.memory_space<hbm>>) target(%dma_start3A_60 : memref<2560xf32, #tpu.memory_space<vmem>>) target_semaphore(%arg22 : memref<!tpu.dma_semaphore, #tpu.memory_space<semaphore_mem>>)
    %dma_start3A_62 = arith.constant 0 : i32
    %dma_start3A_63 = tpu.memref_slice %arg13[%dma_start3A_62] : memref<2560xf32, #tpu.memory_space<vmem>> -> memref<2560xf32, #tpu.memory_space<vmem>>
    %dma_start3A_64 = tpu.memref_slice %arg6[%mul3A_44] : memref<1600000xf32, #tpu.memory_space<hbm>> -> memref<2560xf32, #tpu.memory_space<hbm>>
    %dma_start3A_65 = arith.constant 0 : i32
    %dma_start3A_66 = tpu.memref_slice %arg13[%dma_start3A_65] : memref<2560xf32, #tpu.memory_space<vmem>> -> memref<2560xf32, #tpu.memory_space<vmem>>
    %dma_start3A_67 = tpu.memref_slice %arg6[%mul3A_44] : memref<1600000xf32, #tpu.memory_space<hbm>> -> memref<2560xf32, #tpu.memory_space<hbm>>
    tpu.enqueue_dma source(%dma_start3A_67 : memref<2560xf32, #tpu.memory_space<hbm>>) target(%dma_start3A_66 : memref<2560xf32, #tpu.memory_space<vmem>>) target_semaphore(%arg22 : memref<!tpu.dma_semaphore, #tpu.memory_space<semaphore_mem>>)
    %mul3A_68 = arith.constant 128 : i32
    %mul3A_69 = arith.muli %add3A_6, %mul3A_68 : i32
    %dma_start3A_70 = arith.constant 0 : i32
    %dma_start3A_71 = tpu.memref_slice %arg14[%dma_start3A_70] : memref<2560xi32, #tpu.memory_space<vmem>> -> memref<2560xi32, #tpu.memory_space<vmem>>
    %dma_start3A_72 = tpu.memref_slice %arg3[%mul3A_69] : memref<1600000xi32, #tpu.memory_space<hbm>> -> memref<2560xi32, #tpu.memory_space<hbm>>
    %dma_start3A_73 = arith.constant 0 : i32
    %dma_start3A_74 = tpu.memref_slice %arg14[%dma_start3A_73] : memref<2560xi32, #tpu.memory_space<vmem>> -> memref<2560xi32, #tpu.memory_space<vmem>>
    %dma_start3A_75 = tpu.memref_slice %arg3[%mul3A_69] : memref<1600000xi32, #tpu.memory_space<hbm>> -> memref<2560xi32, #tpu.memory_space<hbm>>
    tpu.enqueue_dma source(%dma_start3A_75 : memref<2560xi32, #tpu.memory_space<hbm>>) target(%dma_start3A_74 : memref<2560xi32, #tpu.memory_space<vmem>>) target_semaphore(%arg23 : memref<!tpu.dma_semaphore, #tpu.memory_space<semaphore_mem>>)
    %dma_start3A_76 = arith.constant 0 : i32
    %dma_start3A_77 = tpu.memref_slice %arg15[%dma_start3A_76] : memref<2560xi32, #tpu.memory_space<vmem>> -> memref<2560xi32, #tpu.memory_space<vmem>>
    %dma_start3A_78 = tpu.memref_slice %arg4[%mul3A_69] : memref<1600000xi32, #tpu.memory_space<hbm>> -> memref<2560xi32, #tpu.memory_space<hbm>>
    %dma_start3A_79 = arith.constant 0 : i32
    %dma_start3A_80 = tpu.memref_slice %arg15[%dma_start3A_79] : memref<2560xi32, #tpu.memory_space<vmem>> -> memref<2560xi32, #tpu.memory_space<vmem>>
    %dma_start3A_81 = tpu.memref_slice %arg4[%mul3A_69] : memref<1600000xi32, #tpu.memory_space<hbm>> -> memref<2560xi32, #tpu.memory_space<hbm>>
    tpu.enqueue_dma source(%dma_start3A_81 : memref<2560xi32, #tpu.memory_space<hbm>>) target(%dma_start3A_80 : memref<2560xi32, #tpu.memory_space<vmem>>) target_semaphore(%arg23 : memref<!tpu.dma_semaphore, #tpu.memory_space<semaphore_mem>>)
    %dma_start3A_82 = arith.constant 0 : i32
    %dma_start3A_83 = tpu.memref_slice %arg16[%dma_start3A_82] : memref<2560xf32, #tpu.memory_space<vmem>> -> memref<2560xf32, #tpu.memory_space<vmem>>
    %dma_start3A_84 = tpu.memref_slice %arg5[%mul3A_69] : memref<1600000xf32, #tpu.memory_space<hbm>> -> memref<2560xf32, #tpu.memory_space<hbm>>
    %dma_start3A_85 = arith.constant 0 : i32
    %dma_start3A_86 = tpu.memref_slice %arg16[%dma_start3A_85] : memref<2560xf32, #tpu.memory_space<vmem>> -> memref<2560xf32, #tpu.memory_space<vmem>>
    %dma_start3A_87 = tpu.memref_slice %arg5[%mul3A_69] : memref<1600000xf32, #tpu.memory_space<hbm>> -> memref<2560xf32, #tpu.memory_space<hbm>>
    tpu.enqueue_dma source(%dma_start3A_87 : memref<2560xf32, #tpu.memory_space<hbm>>) target(%dma_start3A_86 : memref<2560xf32, #tpu.memory_space<vmem>>) target_semaphore(%arg23 : memref<!tpu.dma_semaphore, #tpu.memory_space<semaphore_mem>>)
    %dma_start3A_88 = arith.constant 0 : i32
    %dma_start3A_89 = tpu.memref_slice %arg17[%dma_start3A_88] : memref<2560xf32, #tpu.memory_space<vmem>> -> memref<2560xf32, #tpu.memory_space<vmem>>
    %dma_start3A_90 = tpu.memref_slice %arg6[%mul3A_69] : memref<1600000xf32, #tpu.memory_space<hbm>> -> memref<2560xf32, #tpu.memory_space<hbm>>
    %dma_start3A_91 = arith.constant 0 : i32
    %dma_start3A_92 = tpu.memref_slice %arg17[%dma_start3A_91] : memref<2560xf32, #tpu.memory_space<vmem>> -> memref<2560xf32, #tpu.memory_space<vmem>>
    %dma_start3A_93 = tpu.memref_slice %arg6[%mul3A_69] : memref<1600000xf32, #tpu.memory_space<hbm>> -> memref<2560xf32, #tpu.memory_space<hbm>>
    tpu.enqueue_dma source(%dma_start3A_93 : memref<2560xf32, #tpu.memory_space<hbm>>) target(%dma_start3A_92 : memref<2560xf32, #tpu.memory_space<vmem>>) target_semaphore(%arg23 : memref<!tpu.dma_semaphore, #tpu.memory_space<semaphore_mem>>)
    %scan3A = arith.constant 0 : i32
    %scan3A_94 = arith.constant 0 : i32
    %scan3A_95 = arith.constant 3136 : i32
    %scan3A_96 = arith.addi %scan3A_94, %scan3A_95 : i32
    %scan3A_97 = arith.constant 1 : i32
    scf.for %scan3A_1107 = %scan3A_94 to %scan3A_96 step %scan3A_97  : i32 {
      %broadcast_in_dim3A = arith.constant 0.000000e+00 : f32
      %broadcast_in_dim3A_1108 = vector.broadcast %broadcast_in_dim3A : f32 to vector<16xf32>
      %mul3A_1109 = arith.constant 16 : i32
      %mul3A_1110 = arith.muli %scan3A_1107, %mul3A_1109 : i32
      %swap3A = arith.index_cast %mul3A_1110 : i32 to index
      %swap3A_1111 = tpu.vector_load %arg9[%swap3A] {strides = array<i32>} : memref<50176xf32, #tpu.memory_space<vmem>>, vector<16xf32>,
      tpu.vector_store %arg9[%swap3A], %broadcast_in_dim3A_1108 {strides = array<i32>} : memref<50176xf32, #tpu.memory_space<vmem>>, vector<16xf32>,
    }
    %scan3A_98 = arith.constant 3136 : i32
    tpu.wait_dma2 semaphore(%arg25 : memref<!tpu.dma_semaphore, #tpu.memory_space<semaphore_mem>>) src(%arg2 : memref<50000xf32, #tpu.memory_space<hbm>>) dst(%arg8 : memref<50000xf32, #tpu.memory_space<vmem>>)
    %dma_wait3A = arith.constant 0 : i32
    %dma_wait3A_99 = tpu.memref_slice %arg10[%dma_wait3A] : memref<2560xi32, #tpu.memory_space<vmem>> -> memref<2560xi32, #tpu.memory_space<vmem>>
    %dma_wait3A_100 = tpu.memref_slice %arg3[%mul3A_44] : memref<1600000xi32, #tpu.memory_space<hbm>> -> memref<2560xi32, #tpu.memory_space<hbm>>
    %dma_wait3A_101 = arith.constant 0 : i32
    %dma_wait3A_102 = tpu.memref_slice %arg10[%dma_wait3A_101] : memref<2560xi32, #tpu.memory_space<vmem>> -> memref<2560xi32, #tpu.memory_space<vmem>>
    %dma_wait3A_103 = tpu.memref_slice %arg3[%mul3A_44] : memref<1600000xi32, #tpu.memory_space<hbm>> -> memref<2560xi32, #tpu.memory_space<hbm>>
    tpu.wait_dma2 semaphore(%arg22 : memref<!tpu.dma_semaphore, #tpu.memory_space<semaphore_mem>>) src(%dma_wait3A_103 : memref<2560xi32, #tpu.memory_space<hbm>>) dst(%dma_wait3A_102 : memref<2560xi32, #tpu.memory_space<vmem>>)
    %dma_wait3A_104 = arith.constant 0 : i32
    %dma_wait3A_105 = tpu.memref_slice %arg11[%dma_wait3A_104] : memref<2560xi32, #tpu.memory_space<vmem>> -> memref<2560xi32, #tpu.memory_space<vmem>>
    %dma_wait3A_106 = tpu.memref_slice %arg4[%mul3A_44] : memref<1600000xi32, #tpu.memory_space<hbm>> -> memref<2560xi32, #tpu.memory_space<hbm>>
    %dma_wait3A_107 = arith.constant 0 : i32
    %dma_wait3A_108 = tpu.memref_slice %arg11[%dma_wait3A_107] : memref<2560xi32, #tpu.memory_space<vmem>> -> memref<2560xi32, #tpu.memory_space<vmem>>
    %dma_wait3A_109 = tpu.memref_slice %arg4[%mul3A_44] : memref<1600000xi32, #tpu.memory_space<hbm>> -> memref<2560xi32, #tpu.memory_space<hbm>>
    tpu.wait_dma2 semaphore(%arg22 : memref<!tpu.dma_semaphore, #tpu.memory_space<semaphore_mem>>) src(%dma_wait3A_109 : memref<2560xi32, #tpu.memory_space<hbm>>) dst(%dma_wait3A_108 : memref<2560xi32, #tpu.memory_space<vmem>>)
    %dma_wait3A_110 = arith.constant 0 : i32
    %dma_wait3A_111 = tpu.memref_slice %arg12[%dma_wait3A_110] : memref<2560xf32, #tpu.memory_space<vmem>> -> memref<2560xf32, #tpu.memory_space<vmem>>
    %dma_wait3A_112 = tpu.memref_slice %arg5[%mul3A_44] : memref<1600000xf32, #tpu.memory_space<hbm>> -> memref<2560xf32, #tpu.memory_space<hbm>>
    %dma_wait3A_113 = arith.constant 0 : i32
    %dma_wait3A_114 = tpu.memref_slice %arg12[%dma_wait3A_113] : memref<2560xf32, #tpu.memory_space<vmem>> -> memref<2560xf32, #tpu.memory_space<vmem>>
    %dma_wait3A_115 = tpu.memref_slice %arg5[%mul3A_44] : memref<1600000xf32, #tpu.memory_space<hbm>> -> memref<2560xf32, #tpu.memory_space<hbm>>
    tpu.wait_dma2 semaphore(%arg22 : memref<!tpu.dma_semaphore, #tpu.memory_space<semaphore_mem>>) src(%dma_wait3A_115 : memref<2560xf32, #tpu.memory_space<hbm>>) dst(%dma_wait3A_114 : memref<2560xf32, #tpu.memory_space<vmem>>)
    %dma_wait3A_116 = arith.constant 0 : i32
    %dma_wait3A_117 = tpu.memref_slice %arg13[%dma_wait3A_116] : memref<2560xf32, #tpu.memory_space<vmem>> -> memref<2560xf32, #tpu.memory_space<vmem>>
    %dma_wait3A_118 = tpu.memref_slice %arg6[%mul3A_44] : memref<1600000xf32, #tpu.memory_space<hbm>> -> memref<2560xf32, #tpu.memory_space<hbm>>
    %dma_wait3A_119 = arith.constant 0 : i32
    %dma_wait3A_120 = tpu.memref_slice %arg13[%dma_wait3A_119] : memref<2560xf32, #tpu.memory_space<vmem>> -> memref<2560xf32, #tpu.memory_space<vmem>>
    %dma_wait3A_121 = tpu.memref_slice %arg6[%mul3A_44] : memref<1600000xf32, #tpu.memory_space<hbm>> -> memref<2560xf32, #tpu.memory_space<hbm>>
    tpu.wait_dma2 semaphore(%arg22 : memref<!tpu.dma_semaphore, #tpu.memory_space<semaphore_mem>>) src(%dma_wait3A_121 : memref<2560xf32, #tpu.memory_space<hbm>>) dst(%dma_wait3A_120 : memref<2560xf32, #tpu.memory_space<vmem>>)
    %mul3A_122 = arith.constant 128 : i32
    %mul3A_123 = arith.muli %add3A_8, %mul3A_122 : i32
    %dma_start3A_124 = arith.constant 0 : i32
    %dma_start3A_125 = tpu.memref_slice %arg18[%dma_start3A_124] : memref<2560xi32, #tpu.memory_space<vmem>> -> memref<2560xi32, #tpu.memory_space<vmem>>
    %dma_start3A_126 = tpu.memref_slice %arg3[%mul3A_123] : memref<1600000xi32, #tpu.memory_space<hbm>> -> memref<2560xi32, #tpu.memory_space<hbm>>
    %dma_start3A_127 = arith.constant 0 : i32
    %dma_start3A_128 = tpu.memref_slice %arg18[%dma_start3A_127] : memref<2560xi32, #tpu.memory_space<vmem>> -> memref<2560xi32, #tpu.memory_space<vmem>>
    %dma_start3A_129 = tpu.memref_slice %arg3[%mul3A_123] : memref<1600000xi32, #tpu.memory_space<hbm>> -> memref<2560xi32, #tpu.memory_space<hbm>>
    tpu.enqueue_dma source(%dma_start3A_129 : memref<2560xi32, #tpu.memory_space<hbm>>) target(%dma_start3A_128 : memref<2560xi32, #tpu.memory_space<vmem>>) target_semaphore(%arg24 : memref<!tpu.dma_semaphore, #tpu.memory_space<semaphore_mem>>)
    %dma_start3A_130 = arith.constant 0 : i32
    %dma_start3A_131 = tpu.memref_slice %arg19[%dma_start3A_130] : memref<2560xi32, #tpu.memory_space<vmem>> -> memref<2560xi32, #tpu.memory_space<vmem>>
    %dma_start3A_132 = tpu.memref_slice %arg4[%mul3A_123] : memref<1600000xi32, #tpu.memory_space<hbm>> -> memref<2560xi32, #tpu.memory_space<hbm>>
    %dma_start3A_133 = arith.constant 0 : i32
    %dma_start3A_134 = tpu.memref_slice %arg19[%dma_start3A_133] : memref<2560xi32, #tpu.memory_space<vmem>> -> memref<2560xi32, #tpu.memory_space<vmem>>
    %dma_start3A_135 = tpu.memref_slice %arg4[%mul3A_123] : memref<1600000xi32, #tpu.memory_space<hbm>> -> memref<2560xi32, #tpu.memory_space<hbm>>
    tpu.enqueue_dma source(%dma_start3A_135 : memref<2560xi32, #tpu.memory_space<hbm>>) target(%dma_start3A_134 : memref<2560xi32, #tpu.memory_space<vmem>>) target_semaphore(%arg24 : memref<!tpu.dma_semaphore, #tpu.memory_space<semaphore_mem>>)
    %dma_start3A_136 = arith.constant 0 : i32
    %dma_start3A_137 = tpu.memref_slice %arg20[%dma_start3A_136] : memref<2560xf32, #tpu.memory_space<vmem>> -> memref<2560xf32, #tpu.memory_space<vmem>>
    %dma_start3A_138 = tpu.memref_slice %arg5[%mul3A_123] : memref<1600000xf32, #tpu.memory_space<hbm>> -> memref<2560xf32, #tpu.memory_space<hbm>>
    %dma_start3A_139 = arith.constant 0 : i32
    %dma_start3A_140 = tpu.memref_slice %arg20[%dma_start3A_139] : memref<2560xf32, #tpu.memory_space<vmem>> -> memref<2560xf32, #tpu.memory_space<vmem>>
    %dma_start3A_141 = tpu.memref_slice %arg5[%mul3A_123] : memref<1600000xf32, #tpu.memory_space<hbm>> -> memref<2560xf32, #tpu.memory_space<hbm>>
    tpu.enqueue_dma source(%dma_start3A_141 : memref<2560xf32, #tpu.memory_space<hbm>>) target(%dma_start3A_140 : memref<2560xf32, #tpu.memory_space<vmem>>) target_semaphore(%arg24 : memref<!tpu.dma_semaphore, #tpu.memory_space<semaphore_mem>>)
    %dma_start3A_142 = arith.constant 0 : i32
    %dma_start3A_143 = tpu.memref_slice %arg21[%dma_start3A_142] : memref<2560xf32, #tpu.memory_space<vmem>> -> memref<2560xf32, #tpu.memory_space<vmem>>
    %dma_start3A_144 = tpu.memref_slice %arg6[%mul3A_123] : memref<1600000xf32, #tpu.memory_space<hbm>> -> memref<2560xf32, #tpu.memory_space<hbm>>
    %dma_start3A_145 = arith.constant 0 : i32
    %dma_start3A_146 = tpu.memref_slice %arg21[%dma_start3A_145] : memref<2560xf32, #tpu.memory_space<vmem>> -> memref<2560xf32, #tpu.memory_space<vmem>>
    %dma_start3A_147 = tpu.memref_slice %arg6[%mul3A_123] : memref<1600000xf32, #tpu.memory_space<hbm>> -> memref<2560xf32, #tpu.memory_space<hbm>>
    tpu.enqueue_dma source(%dma_start3A_147 : memref<2560xf32, #tpu.memory_space<hbm>>) target(%dma_start3A_146 : memref<2560xf32, #tpu.memory_space<vmem>>) target_semaphore(%arg24 : memref<!tpu.dma_semaphore, #tpu.memory_space<semaphore_mem>>)
    %parallel_loop3A = arith.constant 0 : i32
    %parallel_loop3A_148 = arith.constant 160 : i32
    %parallel_loop3A_149 = arith.constant 1 : i32
    scf.for %parallel_loop3A_1107 = %parallel_loop3A to %parallel_loop3A_148 step %parallel_loop3A_149  : i32 {
      %parallel_loop3A_1108 = arith.constant 16 : i32
      %parallel_loop3A_1109 = arith.muli %parallel_loop3A_1107, %parallel_loop3A_1108 : i32
      %parallel_loop3A_1110 = arith.index_cast %parallel_loop3A_1109 : i32 to index
      %parallel_loop3A_1111 = tpu.vector_load %arg11[%parallel_loop3A_1110] {strides = array<i32>} : memref<2560xi32, #tpu.memory_space<vmem>>, vector<16xi32>,
      %parallel_loop3A_1112 = tpu.vector_load_idx %arg8[%parallel_loop3A_1111] : memref<50000xf32, #tpu.memory_space<vmem>>[vector<16xi32>], vector<16xf32>,
      %parallel_loop3A_1113 = arith.index_cast %parallel_loop3A_1109 : i32 to index
      %parallel_loop3A_1114 = tpu.vector_load %arg13[%parallel_loop3A_1113] {strides = array<i32>} : memref<2560xf32, #tpu.memory_space<vmem>>, vector<16xf32>,
      %parallel_loop3A_1115 = arith.constant 0.529177189 : f32
      %parallel_loop3A_1116 = vector.broadcast %parallel_loop3A_1115 : f32 to vector<16xf32>
      %parallel_loop3A_1117 = arith.mulf %parallel_loop3A_1114, %parallel_loop3A_1116 : vector<16xf32>
      %parallel_loop3A_1118 = arith.index_cast %parallel_loop3A_1109 : i32 to index
      %parallel_loop3A_1119 = tpu.vector_load %arg12[%parallel_loop3A_1118] {strides = array<i32>} : memref<2560xf32, #tpu.memory_space<vmem>>, vector<16xf32>,
      %parallel_loop3A_1120 = tpu.bitcast %parallel_loop3A_1119 : vector<16xf32> -> vector<16xi32>
      %parallel_loop3A_1121 = arith.constant 2129859011 : i32
      %parallel_loop3A_1122 = vector.broadcast %parallel_loop3A_1121 : i32 to vector<16xi32>
      %parallel_loop3A_1123 = arith.subi %parallel_loop3A_1122, %parallel_loop3A_1120 : vector<16xi32>
      %parallel_loop3A_1124 = tpu.bitcast %parallel_loop3A_1123 : vector<16xi32> -> vector<16xf32>
      %parallel_loop3A_1125 = arith.mulf %parallel_loop3A_1119, %parallel_loop3A_1124 : vector<16xf32>
      %parallel_loop3A_1126 = arith.constant 2.000000e+00 : f32
      %parallel_loop3A_1127 = vector.broadcast %parallel_loop3A_1126 : f32 to vector<16xf32>
      %parallel_loop3A_1128 = arith.subf %parallel_loop3A_1127, %parallel_loop3A_1125 : vector<16xf32>
      %parallel_loop3A_1129 = arith.mulf %parallel_loop3A_1124, %parallel_loop3A_1128 : vector<16xf32>
      %parallel_loop3A_1130 = arith.mulf %parallel_loop3A_1119, %parallel_loop3A_1129 : vector<16xf32>
      %parallel_loop3A_1131 = arith.constant 2.000000e+00 : f32
      %parallel_loop3A_1132 = vector.broadcast %parallel_loop3A_1131 : f32 to vector<16xf32>
      %parallel_loop3A_1133 = arith.subf %parallel_loop3A_1132, %parallel_loop3A_1130 : vector<16xf32>
      %parallel_loop3A_1134 = arith.mulf %parallel_loop3A_1129, %parallel_loop3A_1133 : vector<16xf32>
      %parallel_loop3A_1135 = arith.mulf %parallel_loop3A_1117, %parallel_loop3A_1134 : vector<16xf32>
      %parallel_loop3A_1136 = arith.index_cast %parallel_loop3A_1109 : i32 to index
      %parallel_loop3A_1137 = tpu.vector_load %arg10[%parallel_loop3A_1136] {strides = array<i32>} : memref<2560xi32, #tpu.memory_space<vmem>>, vector<16xi32>,
      %parallel_loop3A_1138 = arith.mulf %parallel_loop3A_1135, %parallel_loop3A_1112 : vector<16xf32>
      tpu.vector_store_idx %arg9[%parallel_loop3A_1137], %parallel_loop3A_1138 {add = true} : memref<50176xf32, #tpu.memory_space<vmem>>[vector<16xi32>], vector<16xf32>,
    } {sc.loop_unroll_factor = 4 : i64, sc.parallel_access}
    %dma_wait3A_150 = arith.constant 0 : i32
    %dma_wait3A_151 = tpu.memref_slice %arg14[%dma_wait3A_150] : memref<2560xi32, #tpu.memory_space<vmem>> -> memref<2560xi32, #tpu.memory_space<vmem>>
    %dma_wait3A_152 = tpu.memref_slice %arg3[%mul3A_69] : memref<1600000xi32, #tpu.memory_space<hbm>> -> memref<2560xi32, #tpu.memory_space<hbm>>
    %dma_wait3A_153 = arith.constant 0 : i32
    %dma_wait3A_154 = tpu.memref_slice %arg14[%dma_wait3A_153] : memref<2560xi32, #tpu.memory_space<vmem>> -> memref<2560xi32, #tpu.memory_space<vmem>>
    %dma_wait3A_155 = tpu.memref_slice %arg3[%mul3A_69] : memref<1600000xi32, #tpu.memory_space<hbm>> -> memref<2560xi32, #tpu.memory_space<hbm>>
    tpu.wait_dma2 semaphore(%arg23 : memref<!tpu.dma_semaphore, #tpu.memory_space<semaphore_mem>>) src(%dma_wait3A_155 : memref<2560xi32, #tpu.memory_space<hbm>>) dst(%dma_wait3A_154 : memref<2560xi32, #tpu.memory_space<vmem>>)
    %dma_wait3A_156 = arith.constant 0 : i32
    %dma_wait3A_157 = tpu.memref_slice %arg15[%dma_wait3A_156] : memref<2560xi32, #tpu.memory_space<vmem>> -> memref<2560xi32, #tpu.memory_space<vmem>>
    %dma_wait3A_158 = tpu.memref_slice %arg4[%mul3A_69] : memref<1600000xi32, #tpu.memory_space<hbm>> -> memref<2560xi32, #tpu.memory_space<hbm>>
    %dma_wait3A_159 = arith.constant 0 : i32
    %dma_wait3A_160 = tpu.memref_slice %arg15[%dma_wait3A_159] : memref<2560xi32, #tpu.memory_space<vmem>> -> memref<2560xi32, #tpu.memory_space<vmem>>
    %dma_wait3A_161 = tpu.memref_slice %arg4[%mul3A_69] : memref<1600000xi32, #tpu.memory_space<hbm>> -> memref<2560xi32, #tpu.memory_space<hbm>>
    tpu.wait_dma2 semaphore(%arg23 : memref<!tpu.dma_semaphore, #tpu.memory_space<semaphore_mem>>) src(%dma_wait3A_161 : memref<2560xi32, #tpu.memory_space<hbm>>) dst(%dma_wait3A_160 : memref<2560xi32, #tpu.memory_space<vmem>>)
    %dma_wait3A_162 = arith.constant 0 : i32
    %dma_wait3A_163 = tpu.memref_slice %arg16[%dma_wait3A_162] : memref<2560xf32, #tpu.memory_space<vmem>> -> memref<2560xf32, #tpu.memory_space<vmem>>
    %dma_wait3A_164 = tpu.memref_slice %arg5[%mul3A_69] : memref<1600000xf32, #tpu.memory_space<hbm>> -> memref<2560xf32, #tpu.memory_space<hbm>>
    %dma_wait3A_165 = arith.constant 0 : i32
    %dma_wait3A_166 = tpu.memref_slice %arg16[%dma_wait3A_165] : memref<2560xf32, #tpu.memory_space<vmem>> -> memref<2560xf32, #tpu.memory_space<vmem>>
    %dma_wait3A_167 = tpu.memref_slice %arg5[%mul3A_69] : memref<1600000xf32, #tpu.memory_space<hbm>> -> memref<2560xf32, #tpu.memory_space<hbm>>
    tpu.wait_dma2 semaphore(%arg23 : memref<!tpu.dma_semaphore, #tpu.memory_space<semaphore_mem>>) src(%dma_wait3A_167 : memref<2560xf32, #tpu.memory_space<hbm>>) dst(%dma_wait3A_166 : memref<2560xf32, #tpu.memory_space<vmem>>)
    %dma_wait3A_168 = arith.constant 0 : i32
    %dma_wait3A_169 = tpu.memref_slice %arg17[%dma_wait3A_168] : memref<2560xf32, #tpu.memory_space<vmem>> -> memref<2560xf32, #tpu.memory_space<vmem>>
    %dma_wait3A_170 = tpu.memref_slice %arg6[%mul3A_69] : memref<1600000xf32, #tpu.memory_space<hbm>> -> memref<2560xf32, #tpu.memory_space<hbm>>
    %dma_wait3A_171 = arith.constant 0 : i32
    %dma_wait3A_172 = tpu.memref_slice %arg17[%dma_wait3A_171] : memref<2560xf32, #tpu.memory_space<vmem>> -> memref<2560xf32, #tpu.memory_space<vmem>>
    %dma_wait3A_173 = tpu.memref_slice %arg6[%mul3A_69] : memref<1600000xf32, #tpu.memory_space<hbm>> -> memref<2560xf32, #tpu.memory_space<hbm>>
    tpu.wait_dma2 semaphore(%arg23 : memref<!tpu.dma_semaphore, #tpu.memory_space<semaphore_mem>>) src(%dma_wait3A_173 : memref<2560xf32, #tpu.memory_space<hbm>>) dst(%dma_wait3A_172 : memref<2560xf32, #tpu.memory_space<vmem>>)
    %mul3A_174 = arith.constant 128 : i32
    %mul3A_175 = arith.muli %add3A_10, %mul3A_174 : i32
    %dma_start3A_176 = arith.constant 0 : i32
    %dma_start3A_177 = tpu.memref_slice %arg10[%dma_start3A_176] : memref<2560xi32, #tpu.memory_space<vmem>> -> memref<2560xi32, #tpu.memory_space<vmem>>
    %dma_start3A_178 = tpu.memref_slice %arg3[%mul3A_175] : memref<1600000xi32, #tpu.memory_space<hbm>> -> memref<2560xi32, #tpu.memory_space<hbm>>
    %dma_start3A_179 = arith.constant 0 : i32
    %dma_start3A_180 = tpu.memref_slice %arg10[%dma_start3A_179] : memref<2560xi32, #tpu.memory_space<vmem>> -> memref<2560xi32, #tpu.memory_space<vmem>>
    %dma_start3A_181 = tpu.memref_slice %arg3[%mul3A_175] : memref<1600000xi32, #tpu.memory_space<hbm>> -> memref<2560xi32, #tpu.memory_space<hbm>>
    tpu.enqueue_dma source(%dma_start3A_181 : memref<2560xi32, #tpu.memory_space<hbm>>) target(%dma_start3A_180 : memref<2560xi32, #tpu.memory_space<vmem>>) target_semaphore(%arg22 : memref<!tpu.dma_semaphore, #tpu.memory_space<semaphore_mem>>)
    %dma_start3A_182 = arith.constant 0 : i32
    %dma_start3A_183 = tpu.memref_slice %arg11[%dma_start3A_182] : memref<2560xi32, #tpu.memory_space<vmem>> -> memref<2560xi32, #tpu.memory_space<vmem>>
    %dma_start3A_184 = tpu.memref_slice %arg4[%mul3A_175] : memref<1600000xi32, #tpu.memory_space<hbm>> -> memref<2560xi32, #tpu.memory_space<hbm>>
    %dma_start3A_185 = arith.constant 0 : i32
    %dma_start3A_186 = tpu.memref_slice %arg11[%dma_start3A_185] : memref<2560xi32, #tpu.memory_space<vmem>> -> memref<2560xi32, #tpu.memory_space<vmem>>
    %dma_start3A_187 = tpu.memref_slice %arg4[%mul3A_175] : memref<1600000xi32, #tpu.memory_space<hbm>> -> memref<2560xi32, #tpu.memory_space<hbm>>
    tpu.enqueue_dma source(%dma_start3A_187 : memref<2560xi32, #tpu.memory_space<hbm>>) target(%dma_start3A_186 : memref<2560xi32, #tpu.memory_space<vmem>>) target_semaphore(%arg22 : memref<!tpu.dma_semaphore, #tpu.memory_space<semaphore_mem>>)
    %dma_start3A_188 = arith.constant 0 : i32
    %dma_start3A_189 = tpu.memref_slice %arg12[%dma_start3A_188] : memref<2560xf32, #tpu.memory_space<vmem>> -> memref<2560xf32, #tpu.memory_space<vmem>>
    %dma_start3A_190 = tpu.memref_slice %arg5[%mul3A_175] : memref<1600000xf32, #tpu.memory_space<hbm>> -> memref<2560xf32, #tpu.memory_space<hbm>>
    %dma_start3A_191 = arith.constant 0 : i32
    %dma_start3A_192 = tpu.memref_slice %arg12[%dma_start3A_191] : memref<2560xf32, #tpu.memory_space<vmem>> -> memref<2560xf32, #tpu.memory_space<vmem>>
    %dma_start3A_193 = tpu.memref_slice %arg5[%mul3A_175] : memref<1600000xf32, #tpu.memory_space<hbm>> -> memref<2560xf32, #tpu.memory_space<hbm>>
    tpu.enqueue_dma source(%dma_start3A_193 : memref<2560xf32, #tpu.memory_space<hbm>>) target(%dma_start3A_192 : memref<2560xf32, #tpu.memory_space<vmem>>) target_semaphore(%arg22 : memref<!tpu.dma_semaphore, #tpu.memory_space<semaphore_mem>>)
    %dma_start3A_194 = arith.constant 0 : i32
    %dma_start3A_195 = tpu.memref_slice %arg13[%dma_start3A_194] : memref<2560xf32, #tpu.memory_space<vmem>> -> memref<2560xf32, #tpu.memory_space<vmem>>
    %dma_start3A_196 = tpu.memref_slice %arg6[%mul3A_175] : memref<1600000xf32, #tpu.memory_space<hbm>> -> memref<2560xf32, #tpu.memory_space<hbm>>
    %dma_start3A_197 = arith.constant 0 : i32
    %dma_start3A_198 = tpu.memref_slice %arg13[%dma_start3A_197] : memref<2560xf32, #tpu.memory_space<vmem>> -> memref<2560xf32, #tpu.memory_space<vmem>>
    %dma_start3A_199 = tpu.memref_slice %arg6[%mul3A_175] : memref<1600000xf32, #tpu.memory_space<hbm>> -> memref<2560xf32, #tpu.memory_space<hbm>>
    tpu.enqueue_dma source(%dma_start3A_199 : memref<2560xf32, #tpu.memory_space<hbm>>) target(%dma_start3A_198 : memref<2560xf32, #tpu.memory_space<vmem>>) target_semaphore(%arg22 : memref<!tpu.dma_semaphore, #tpu.memory_space<semaphore_mem>>)
    %parallel_loop3A_200 = arith.constant 0 : i32
    %parallel_loop3A_201 = arith.constant 160 : i32
    %parallel_loop3A_202 = arith.constant 1 : i32
    scf.for %parallel_loop3A_1107 = %parallel_loop3A_200 to %parallel_loop3A_201 step %parallel_loop3A_202  : i32 {
      %parallel_loop3A_1108 = arith.constant 16 : i32
      %parallel_loop3A_1109 = arith.muli %parallel_loop3A_1107, %parallel_loop3A_1108 : i32
      %parallel_loop3A_1110 = arith.index_cast %parallel_loop3A_1109 : i32 to index
      %parallel_loop3A_1111 = tpu.vector_load %arg15[%parallel_loop3A_1110] {strides = array<i32>} : memref<2560xi32, #tpu.memory_space<vmem>>, vector<16xi32>,
      %parallel_loop3A_1112 = tpu.vector_load_idx %arg8[%parallel_loop3A_1111] : memref<50000xf32, #tpu.memory_space<vmem>>[vector<16xi32>], vector<16xf32>,
      %parallel_loop3A_1113 = arith.index_cast %parallel_loop3A_1109 : i32 to index
      %parallel_loop3A_1114 = tpu.vector_load %arg17[%parallel_loop3A_1113] {strides = array<i32>} : memref<2560xf32, #tpu.memory_space<vmem>>, vector<16xf32>,
      %parallel_loop3A_1115 = arith.constant 0.529177189 : f32
      %parallel_loop3A_1116 = vector.broadcast %parallel_loop3A_1115 : f32 to vector<16xf32>
      %parallel_loop3A_1117 = arith.mulf %parallel_loop3A_1114, %parallel_loop3A_1116 : vector<16xf32>
      %parallel_loop3A_1118 = arith.index_cast %parallel_loop3A_1109 : i32 to index
      %parallel_loop3A_1119 = tpu.vector_load %arg16[%parallel_loop3A_1118] {strides = array<i32>} : memref<2560xf32, #tpu.memory_space<vmem>>, vector<16xf32>,
      %parallel_loop3A_1120 = tpu.bitcast %parallel_loop3A_1119 : vector<16xf32> -> vector<16xi32>
      %parallel_loop3A_1121 = arith.constant 2129859011 : i32
      %parallel_loop3A_1122 = vector.broadcast %parallel_loop3A_1121 : i32 to vector<16xi32>
      %parallel_loop3A_1123 = arith.subi %parallel_loop3A_1122, %parallel_loop3A_1120 : vector<16xi32>
      %parallel_loop3A_1124 = tpu.bitcast %parallel_loop3A_1123 : vector<16xi32> -> vector<16xf32>
      %parallel_loop3A_1125 = arith.mulf %parallel_loop3A_1119, %parallel_loop3A_1124 : vector<16xf32>
      %parallel_loop3A_1126 = arith.constant 2.000000e+00 : f32
      %parallel_loop3A_1127 = vector.broadcast %parallel_loop3A_1126 : f32 to vector<16xf32>
      %parallel_loop3A_1128 = arith.subf %parallel_loop3A_1127, %parallel_loop3A_1125 : vector<16xf32>
      %parallel_loop3A_1129 = arith.mulf %parallel_loop3A_1124, %parallel_loop3A_1128 : vector<16xf32>
      %parallel_loop3A_1130 = arith.mulf %parallel_loop3A_1119, %parallel_loop3A_1129 : vector<16xf32>
      %parallel_loop3A_1131 = arith.constant 2.000000e+00 : f32
      %parallel_loop3A_1132 = vector.broadcast %parallel_loop3A_1131 : f32 to vector<16xf32>
      %parallel_loop3A_1133 = arith.subf %parallel_loop3A_1132, %parallel_loop3A_1130 : vector<16xf32>
      %parallel_loop3A_1134 = arith.mulf %parallel_loop3A_1129, %parallel_loop3A_1133 : vector<16xf32>
      %parallel_loop3A_1135 = arith.mulf %parallel_loop3A_1117, %parallel_loop3A_1134 : vector<16xf32>
      %parallel_loop3A_1136 = arith.index_cast %parallel_loop3A_1109 : i32 to index
      %parallel_loop3A_1137 = tpu.vector_load %arg14[%parallel_loop3A_1136] {strides = array<i32>} : memref<2560xi32, #tpu.memory_space<vmem>>, vector<16xi32>,
      %parallel_loop3A_1138 = arith.mulf %parallel_loop3A_1135, %parallel_loop3A_1112 : vector<16xf32>
      tpu.vector_store_idx %arg9[%parallel_loop3A_1137], %parallel_loop3A_1138 {add = true} : memref<50176xf32, #tpu.memory_space<vmem>>[vector<16xi32>], vector<16xf32>,
    } {sc.loop_unroll_factor = 4 : i64, sc.parallel_access}
    %dma_wait3A_203 = arith.constant 0 : i32
    %dma_wait3A_204 = tpu.memref_slice %arg18[%dma_wait3A_203] : memref<2560xi32, #tpu.memory_space<vmem>> -> memref<2560xi32, #tpu.memory_space<vmem>>
    %dma_wait3A_205 = tpu.memref_slice %arg3[%mul3A_123] : memref<1600000xi32, #tpu.memory_space<hbm>> -> memref<2560xi32, #tpu.memory_space<hbm>>
    %dma_wait3A_206 = arith.constant 0 : i32
    %dma_wait3A_207 = tpu.memref_slice %arg18[%dma_wait3A_206] : memref<2560xi32, #tpu.memory_space<vmem>> -> memref<2560xi32, #tpu.memory_space<vmem>>
    %dma_wait3A_208 = tpu.memref_slice %arg3[%mul3A_123] : memref<1600000xi32, #tpu.memory_space<hbm>> -> memref<2560xi32, #tpu.memory_space<hbm>>
    tpu.wait_dma2 semaphore(%arg24 : memref<!tpu.dma_semaphore, #tpu.memory_space<semaphore_mem>>) src(%dma_wait3A_208 : memref<2560xi32, #tpu.memory_space<hbm>>) dst(%dma_wait3A_207 : memref<2560xi32, #tpu.memory_space<vmem>>)
    %dma_wait3A_209 = arith.constant 0 : i32
    %dma_wait3A_210 = tpu.memref_slice %arg19[%dma_wait3A_209] : memref<2560xi32, #tpu.memory_space<vmem>> -> memref<2560xi32, #tpu.memory_space<vmem>>
    %dma_wait3A_211 = tpu.memref_slice %arg4[%mul3A_123] : memref<1600000xi32, #tpu.memory_space<hbm>> -> memref<2560xi32, #tpu.memory_space<hbm>>
    %dma_wait3A_212 = arith.constant 0 : i32
    %dma_wait3A_213 = tpu.memref_slice %arg19[%dma_wait3A_212] : memref<2560xi32, #tpu.memory_space<vmem>> -> memref<2560xi32, #tpu.memory_space<vmem>>
    %dma_wait3A_214 = tpu.memref_slice %arg4[%mul3A_123] : memref<1600000xi32, #tpu.memory_space<hbm>> -> memref<2560xi32, #tpu.memory_space<hbm>>
    tpu.wait_dma2 semaphore(%arg24 : memref<!tpu.dma_semaphore, #tpu.memory_space<semaphore_mem>>) src(%dma_wait3A_214 : memref<2560xi32, #tpu.memory_space<hbm>>) dst(%dma_wait3A_213 : memref<2560xi32, #tpu.memory_space<vmem>>)
    %dma_wait3A_215 = arith.constant 0 : i32
    %dma_wait3A_216 = tpu.memref_slice %arg20[%dma_wait3A_215] : memref<2560xf32, #tpu.memory_space<vmem>> -> memref<2560xf32, #tpu.memory_space<vmem>>
    %dma_wait3A_217 = tpu.memref_slice %arg5[%mul3A_123] : memref<1600000xf32, #tpu.memory_space<hbm>> -> memref<2560xf32, #tpu.memory_space<hbm>>
    %dma_wait3A_218 = arith.constant 0 : i32
    %dma_wait3A_219 = tpu.memref_slice %arg20[%dma_wait3A_218] : memref<2560xf32, #tpu.memory_space<vmem>> -> memref<2560xf32, #tpu.memory_space<vmem>>
    %dma_wait3A_220 = tpu.memref_slice %arg5[%mul3A_123] : memref<1600000xf32, #tpu.memory_space<hbm>> -> memref<2560xf32, #tpu.memory_space<hbm>>
    tpu.wait_dma2 semaphore(%arg24 : memref<!tpu.dma_semaphore, #tpu.memory_space<semaphore_mem>>) src(%dma_wait3A_220 : memref<2560xf32, #tpu.memory_space<hbm>>) dst(%dma_wait3A_219 : memref<2560xf32, #tpu.memory_space<vmem>>)
    %dma_wait3A_221 = arith.constant 0 : i32
    %dma_wait3A_222 = tpu.memref_slice %arg21[%dma_wait3A_221] : memref<2560xf32, #tpu.memory_space<vmem>> -> memref<2560xf32, #tpu.memory_space<vmem>>
    %dma_wait3A_223 = tpu.memref_slice %arg6[%mul3A_123] : memref<1600000xf32, #tpu.memory_space<hbm>> -> memref<2560xf32, #tpu.memory_space<hbm>>
    %dma_wait3A_224 = arith.constant 0 : i32
    %dma_wait3A_225 = tpu.memref_slice %arg21[%dma_wait3A_224] : memref<2560xf32, #tpu.memory_space<vmem>> -> memref<2560xf32, #tpu.memory_space<vmem>>
    %dma_wait3A_226 = tpu.memref_slice %arg6[%mul3A_123] : memref<1600000xf32, #tpu.memory_space<hbm>> -> memref<2560xf32, #tpu.memory_space<hbm>>
    tpu.wait_dma2 semaphore(%arg24 : memref<!tpu.dma_semaphore, #tpu.memory_space<semaphore_mem>>) src(%dma_wait3A_226 : memref<2560xf32, #tpu.memory_space<hbm>>) dst(%dma_wait3A_225 : memref<2560xf32, #tpu.memory_space<vmem>>)
    %mul3A_227 = arith.constant 128 : i32
    %mul3A_228 = arith.muli %add3A_12, %mul3A_227 : i32
    %dma_start3A_229 = arith.constant 0 : i32
    %dma_start3A_230 = tpu.memref_slice %arg14[%dma_start3A_229] : memref<2560xi32, #tpu.memory_space<vmem>> -> memref<2560xi32, #tpu.memory_space<vmem>>
    %dma_start3A_231 = tpu.memref_slice %arg3[%mul3A_228] : memref<1600000xi32, #tpu.memory_space<hbm>> -> memref<2560xi32, #tpu.memory_space<hbm>>
    %dma_start3A_232 = arith.constant 0 : i32
    %dma_start3A_233 = tpu.memref_slice %arg14[%dma_start3A_232] : memref<2560xi32, #tpu.memory_space<vmem>> -> memref<2560xi32, #tpu.memory_space<vmem>>
    %dma_start3A_234 = tpu.memref_slice %arg3[%mul3A_228] : memref<1600000xi32, #tpu.memory_space<hbm>> -> memref<2560xi32, #tpu.memory_space<hbm>>
    tpu.enqueue_dma source(%dma_start3A_234 : memref<2560xi32, #tpu.memory_space<hbm>>) target(%dma_start3A_233 : memref<2560xi32, #tpu.memory_space<vmem>>) target_semaphore(%arg23 : memref<!tpu.dma_semaphore, #tpu.memory_space<semaphore_mem>>)
    %dma_start3A_235 = arith.constant 0 : i32
    %dma_start3A_236 = tpu.memref_slice %arg15[%dma_start3A_235] : memref<2560xi32, #tpu.memory_space<vmem>> -> memref<2560xi32, #tpu.memory_space<vmem>>
    %dma_start3A_237 = tpu.memref_slice %arg4[%mul3A_228] : memref<1600000xi32, #tpu.memory_space<hbm>> -> memref<2560xi32, #tpu.memory_space<hbm>>
    %dma_start3A_238 = arith.constant 0 : i32
    %dma_start3A_239 = tpu.memref_slice %arg15[%dma_start3A_238] : memref<2560xi32, #tpu.memory_space<vmem>> -> memref<2560xi32, #tpu.memory_space<vmem>>
    %dma_start3A_240 = tpu.memref_slice %arg4[%mul3A_228] : memref<1600000xi32, #tpu.memory_space<hbm>> -> memref<2560xi32, #tpu.memory_space<hbm>>
    tpu.enqueue_dma source(%dma_start3A_240 : memref<2560xi32, #tpu.memory_space<hbm>>) target(%dma_start3A_239 : memref<2560xi32, #tpu.memory_space<vmem>>) target_semaphore(%arg23 : memref<!tpu.dma_semaphore, #tpu.memory_space<semaphore_mem>>)
    %dma_start3A_241 = arith.constant 0 : i32
    %dma_start3A_242 = tpu.memref_slice %arg16[%dma_start3A_241] : memref<2560xf32, #tpu.memory_space<vmem>> -> memref<2560xf32, #tpu.memory_space<vmem>>
    %dma_start3A_243 = tpu.memref_slice %arg5[%mul3A_228] : memref<1600000xf32, #tpu.memory_space<hbm>> -> memref<2560xf32, #tpu.memory_space<hbm>>
    %dma_start3A_244 = arith.constant 0 : i32
    %dma_start3A_245 = tpu.memref_slice %arg16[%dma_start3A_244] : memref<2560xf32, #tpu.memory_space<vmem>> -> memref<2560xf32, #tpu.memory_space<vmem>>
    %dma_start3A_246 = tpu.memref_slice %arg5[%mul3A_228] : memref<1600000xf32, #tpu.memory_space<hbm>> -> memref<2560xf32, #tpu.memory_space<hbm>>
    tpu.enqueue_dma source(%dma_start3A_246 : memref<2560xf32, #tpu.memory_space<hbm>>) target(%dma_start3A_245 : memref<2560xf32, #tpu.memory_space<vmem>>) target_semaphore(%arg23 : memref<!tpu.dma_semaphore, #tpu.memory_space<semaphore_mem>>)
    %dma_start3A_247 = arith.constant 0 : i32
    %dma_start3A_248 = tpu.memref_slice %arg17[%dma_start3A_247] : memref<2560xf32, #tpu.memory_space<vmem>> -> memref<2560xf32, #tpu.memory_space<vmem>>
    %dma_start3A_249 = tpu.memref_slice %arg6[%mul3A_228] : memref<1600000xf32, #tpu.memory_space<hbm>> -> memref<2560xf32, #tpu.memory_space<hbm>>
    %dma_start3A_250 = arith.constant 0 : i32
    %dma_start3A_251 = tpu.memref_slice %arg17[%dma_start3A_250] : memref<2560xf32, #tpu.memory_space<vmem>> -> memref<2560xf32, #tpu.memory_space<vmem>>
    %dma_start3A_252 = tpu.memref_slice %arg6[%mul3A_228] : memref<1600000xf32, #tpu.memory_space<hbm>> -> memref<2560xf32, #tpu.memory_space<hbm>>
    tpu.enqueue_dma source(%dma_start3A_252 : memref<2560xf32, #tpu.memory_space<hbm>>) target(%dma_start3A_251 : memref<2560xf32, #tpu.memory_space<vmem>>) target_semaphore(%arg23 : memref<!tpu.dma_semaphore, #tpu.memory_space<semaphore_mem>>)
    %parallel_loop3A_253 = arith.constant 0 : i32
    %parallel_loop3A_254 = arith.constant 160 : i32
    %parallel_loop3A_255 = arith.constant 1 : i32
    scf.for %parallel_loop3A_1107 = %parallel_loop3A_253 to %parallel_loop3A_254 step %parallel_loop3A_255  : i32 {
      %parallel_loop3A_1108 = arith.constant 16 : i32
      %parallel_loop3A_1109 = arith.muli %parallel_loop3A_1107, %parallel_loop3A_1108 : i32
      %parallel_loop3A_1110 = arith.index_cast %parallel_loop3A_1109 : i32 to index
      %parallel_loop3A_1111 = tpu.vector_load %arg19[%parallel_loop3A_1110] {strides = array<i32>} : memref<2560xi32, #tpu.memory_space<vmem>>, vector<16xi32>,
      %parallel_loop3A_1112 = tpu.vector_load_idx %arg8[%parallel_loop3A_1111] : memref<50000xf32, #tpu.memory_space<vmem>>[vector<16xi32>], vector<16xf32>,
      %parallel_loop3A_1113 = arith.index_cast %parallel_loop3A_1109 : i32 to index
      %parallel_loop3A_1114 = tpu.vector_load %arg21[%parallel_loop3A_1113] {strides = array<i32>} : memref<2560xf32, #tpu.memory_space<vmem>>, vector<16xf32>,
      %parallel_loop3A_1115 = arith.constant 0.529177189 : f32
      %parallel_loop3A_1116 = vector.broadcast %parallel_loop3A_1115 : f32 to vector<16xf32>
      %parallel_loop3A_1117 = arith.mulf %parallel_loop3A_1114, %parallel_loop3A_1116 : vector<16xf32>
      %parallel_loop3A_1118 = arith.index_cast %parallel_loop3A_1109 : i32 to index
      %parallel_loop3A_1119 = tpu.vector_load %arg20[%parallel_loop3A_1118] {strides = array<i32>} : memref<2560xf32, #tpu.memory_space<vmem>>, vector<16xf32>,
      %parallel_loop3A_1120 = tpu.bitcast %parallel_loop3A_1119 : vector<16xf32> -> vector<16xi32>
      %parallel_loop3A_1121 = arith.constant 2129859011 : i32
      %parallel_loop3A_1122 = vector.broadcast %parallel_loop3A_1121 : i32 to vector<16xi32>
      %parallel_loop3A_1123 = arith.subi %parallel_loop3A_1122, %parallel_loop3A_1120 : vector<16xi32>
      %parallel_loop3A_1124 = tpu.bitcast %parallel_loop3A_1123 : vector<16xi32> -> vector<16xf32>
      %parallel_loop3A_1125 = arith.mulf %parallel_loop3A_1119, %parallel_loop3A_1124 : vector<16xf32>
      %parallel_loop3A_1126 = arith.constant 2.000000e+00 : f32
      %parallel_loop3A_1127 = vector.broadcast %parallel_loop3A_1126 : f32 to vector<16xf32>
      %parallel_loop3A_1128 = arith.subf %parallel_loop3A_1127, %parallel_loop3A_1125 : vector<16xf32>
      %parallel_loop3A_1129 = arith.mulf %parallel_loop3A_1124, %parallel_loop3A_1128 : vector<16xf32>
      %parallel_loop3A_1130 = arith.mulf %parallel_loop3A_1119, %parallel_loop3A_1129 : vector<16xf32>
      %parallel_loop3A_1131 = arith.constant 2.000000e+00 : f32
      %parallel_loop3A_1132 = vector.broadcast %parallel_loop3A_1131 : f32 to vector<16xf32>
      %parallel_loop3A_1133 = arith.subf %parallel_loop3A_1132, %parallel_loop3A_1130 : vector<16xf32>
      %parallel_loop3A_1134 = arith.mulf %parallel_loop3A_1129, %parallel_loop3A_1133 : vector<16xf32>
      %parallel_loop3A_1135 = arith.mulf %parallel_loop3A_1117, %parallel_loop3A_1134 : vector<16xf32>
      %parallel_loop3A_1136 = arith.index_cast %parallel_loop3A_1109 : i32 to index
      %parallel_loop3A_1137 = tpu.vector_load %arg18[%parallel_loop3A_1136] {strides = array<i32>} : memref<2560xi32, #tpu.memory_space<vmem>>, vector<16xi32>,
      %parallel_loop3A_1138 = arith.mulf %parallel_loop3A_1135, %parallel_loop3A_1112 : vector<16xf32>
      tpu.vector_store_idx %arg9[%parallel_loop3A_1137], %parallel_loop3A_1138 {add = true} : memref<50176xf32, #tpu.memory_space<vmem>>[vector<16xi32>], vector<16xf32>,
    } {sc.loop_unroll_factor = 4 : i64, sc.parallel_access}
    %dma_wait3A_256 = arith.constant 0 : i32
    %dma_wait3A_257 = tpu.memref_slice %arg10[%dma_wait3A_256] : memref<2560xi32, #tpu.memory_space<vmem>> -> memref<2560xi32, #tpu.memory_space<vmem>>
    %dma_wait3A_258 = tpu.memref_slice %arg3[%mul3A_175] : memref<1600000xi32, #tpu.memory_space<hbm>> -> memref<2560xi32, #tpu.memory_space<hbm>>
    %dma_wait3A_259 = arith.constant 0 : i32
    %dma_wait3A_260 = tpu.memref_slice %arg10[%dma_wait3A_259] : memref<2560xi32, #tpu.memory_space<vmem>> -> memref<2560xi32, #tpu.memory_space<vmem>>
    %dma_wait3A_261 = tpu.memref_slice %arg3[%mul3A_175] : memref<1600000xi32, #tpu.memory_space<hbm>> -> memref<2560xi32, #tpu.memory_space<hbm>>
    tpu.wait_dma2 semaphore(%arg22 : memref<!tpu.dma_semaphore, #tpu.memory_space<semaphore_mem>>) src(%dma_wait3A_261 : memref<2560xi32, #tpu.memory_space<hbm>>) dst(%dma_wait3A_260 : memref<2560xi32, #tpu.memory_space<vmem>>)
    %dma_wait3A_262 = arith.constant 0 : i32
    %dma_wait3A_263 = tpu.memref_slice %arg11[%dma_wait3A_262] : memref<2560xi32, #tpu.memory_space<vmem>> -> memref<2560xi32, #tpu.memory_space<vmem>>
    %dma_wait3A_264 = tpu.memref_slice %arg4[%mul3A_175] : memref<1600000xi32, #tpu.memory_space<hbm>> -> memref<2560xi32, #tpu.memory_space<hbm>>
    %dma_wait3A_265 = arith.constant 0 : i32
    %dma_wait3A_266 = tpu.memref_slice %arg11[%dma_wait3A_265] : memref<2560xi32, #tpu.memory_space<vmem>> -> memref<2560xi32, #tpu.memory_space<vmem>>
    %dma_wait3A_267 = tpu.memref_slice %arg4[%mul3A_175] : memref<1600000xi32, #tpu.memory_space<hbm>> -> memref<2560xi32, #tpu.memory_space<hbm>>
    tpu.wait_dma2 semaphore(%arg22 : memref<!tpu.dma_semaphore, #tpu.memory_space<semaphore_mem>>) src(%dma_wait3A_267 : memref<2560xi32, #tpu.memory_space<hbm>>) dst(%dma_wait3A_266 : memref<2560xi32, #tpu.memory_space<vmem>>)
    %dma_wait3A_268 = arith.constant 0 : i32
    %dma_wait3A_269 = tpu.memref_slice %arg12[%dma_wait3A_268] : memref<2560xf32, #tpu.memory_space<vmem>> -> memref<2560xf32, #tpu.memory_space<vmem>>
    %dma_wait3A_270 = tpu.memref_slice %arg5[%mul3A_175] : memref<1600000xf32, #tpu.memory_space<hbm>> -> memref<2560xf32, #tpu.memory_space<hbm>>
    %dma_wait3A_271 = arith.constant 0 : i32
    %dma_wait3A_272 = tpu.memref_slice %arg12[%dma_wait3A_271] : memref<2560xf32, #tpu.memory_space<vmem>> -> memref<2560xf32, #tpu.memory_space<vmem>>
    %dma_wait3A_273 = tpu.memref_slice %arg5[%mul3A_175] : memref<1600000xf32, #tpu.memory_space<hbm>> -> memref<2560xf32, #tpu.memory_space<hbm>>
    tpu.wait_dma2 semaphore(%arg22 : memref<!tpu.dma_semaphore, #tpu.memory_space<semaphore_mem>>) src(%dma_wait3A_273 : memref<2560xf32, #tpu.memory_space<hbm>>) dst(%dma_wait3A_272 : memref<2560xf32, #tpu.memory_space<vmem>>)
    %dma_wait3A_274 = arith.constant 0 : i32
    %dma_wait3A_275 = tpu.memref_slice %arg13[%dma_wait3A_274] : memref<2560xf32, #tpu.memory_space<vmem>> -> memref<2560xf32, #tpu.memory_space<vmem>>
    %dma_wait3A_276 = tpu.memref_slice %arg6[%mul3A_175] : memref<1600000xf32, #tpu.memory_space<hbm>> -> memref<2560xf32, #tpu.memory_space<hbm>>
    %dma_wait3A_277 = arith.constant 0 : i32
    %dma_wait3A_278 = tpu.memref_slice %arg13[%dma_wait3A_277] : memref<2560xf32, #tpu.memory_space<vmem>> -> memref<2560xf32, #tpu.memory_space<vmem>>
    %dma_wait3A_279 = tpu.memref_slice %arg6[%mul3A_175] : memref<1600000xf32, #tpu.memory_space<hbm>> -> memref<2560xf32, #tpu.memory_space<hbm>>
    tpu.wait_dma2 semaphore(%arg22 : memref<!tpu.dma_semaphore, #tpu.memory_space<semaphore_mem>>) src(%dma_wait3A_279 : memref<2560xf32, #tpu.memory_space<hbm>>) dst(%dma_wait3A_278 : memref<2560xf32, #tpu.memory_space<vmem>>)
    %mul3A_280 = arith.constant 128 : i32
    %mul3A_281 = arith.muli %add3A_14, %mul3A_280 : i32
    %dma_start3A_282 = arith.constant 0 : i32
    %dma_start3A_283 = tpu.memref_slice %arg18[%dma_start3A_282] : memref<2560xi32, #tpu.memory_space<vmem>> -> memref<2560xi32, #tpu.memory_space<vmem>>
    %dma_start3A_284 = tpu.memref_slice %arg3[%mul3A_281] : memref<1600000xi32, #tpu.memory_space<hbm>> -> memref<2560xi32, #tpu.memory_space<hbm>>
    %dma_start3A_285 = arith.constant 0 : i32
    %dma_start3A_286 = tpu.memref_slice %arg18[%dma_start3A_285] : memref<2560xi32, #tpu.memory_space<vmem>> -> memref<2560xi32, #tpu.memory_space<vmem>>
    %dma_start3A_287 = tpu.memref_slice %arg3[%mul3A_281] : memref<1600000xi32, #tpu.memory_space<hbm>> -> memref<2560xi32, #tpu.memory_space<hbm>>
    tpu.enqueue_dma source(%dma_start3A_287 : memref<2560xi32, #tpu.memory_space<hbm>>) target(%dma_start3A_286 : memref<2560xi32, #tpu.memory_space<vmem>>) target_semaphore(%arg24 : memref<!tpu.dma_semaphore, #tpu.memory_space<semaphore_mem>>)
    %dma_start3A_288 = arith.constant 0 : i32
    %dma_start3A_289 = tpu.memref_slice %arg19[%dma_start3A_288] : memref<2560xi32, #tpu.memory_space<vmem>> -> memref<2560xi32, #tpu.memory_space<vmem>>
    %dma_start3A_290 = tpu.memref_slice %arg4[%mul3A_281] : memref<1600000xi32, #tpu.memory_space<hbm>> -> memref<2560xi32, #tpu.memory_space<hbm>>
    %dma_start3A_291 = arith.constant 0 : i32
    %dma_start3A_292 = tpu.memref_slice %arg19[%dma_start3A_291] : memref<2560xi32, #tpu.memory_space<vmem>> -> memref<2560xi32, #tpu.memory_space<vmem>>
    %dma_start3A_293 = tpu.memref_slice %arg4[%mul3A_281] : memref<1600000xi32, #tpu.memory_space<hbm>> -> memref<2560xi32, #tpu.memory_space<hbm>>
    tpu.enqueue_dma source(%dma_start3A_293 : memref<2560xi32, #tpu.memory_space<hbm>>) target(%dma_start3A_292 : memref<2560xi32, #tpu.memory_space<vmem>>) target_semaphore(%arg24 : memref<!tpu.dma_semaphore, #tpu.memory_space<semaphore_mem>>)
    %dma_start3A_294 = arith.constant 0 : i32
    %dma_start3A_295 = tpu.memref_slice %arg20[%dma_start3A_294] : memref<2560xf32, #tpu.memory_space<vmem>> -> memref<2560xf32, #tpu.memory_space<vmem>>
    %dma_start3A_296 = tpu.memref_slice %arg5[%mul3A_281] : memref<1600000xf32, #tpu.memory_space<hbm>> -> memref<2560xf32, #tpu.memory_space<hbm>>
    %dma_start3A_297 = arith.constant 0 : i32
    %dma_start3A_298 = tpu.memref_slice %arg20[%dma_start3A_297] : memref<2560xf32, #tpu.memory_space<vmem>> -> memref<2560xf32, #tpu.memory_space<vmem>>
    %dma_start3A_299 = tpu.memref_slice %arg5[%mul3A_281] : memref<1600000xf32, #tpu.memory_space<hbm>> -> memref<2560xf32, #tpu.memory_space<hbm>>
    tpu.enqueue_dma source(%dma_start3A_299 : memref<2560xf32, #tpu.memory_space<hbm>>) target(%dma_start3A_298 : memref<2560xf32, #tpu.memory_space<vmem>>) target_semaphore(%arg24 : memref<!tpu.dma_semaphore, #tpu.memory_space<semaphore_mem>>)
    %dma_start3A_300 = arith.constant 0 : i32
    %dma_start3A_301 = tpu.memref_slice %arg21[%dma_start3A_300] : memref<2560xf32, #tpu.memory_space<vmem>> -> memref<2560xf32, #tpu.memory_space<vmem>>
    %dma_start3A_302 = tpu.memref_slice %arg6[%mul3A_281] : memref<1600000xf32, #tpu.memory_space<hbm>> -> memref<2560xf32, #tpu.memory_space<hbm>>
    %dma_start3A_303 = arith.constant 0 : i32
    %dma_start3A_304 = tpu.memref_slice %arg21[%dma_start3A_303] : memref<2560xf32, #tpu.memory_space<vmem>> -> memref<2560xf32, #tpu.memory_space<vmem>>
    %dma_start3A_305 = tpu.memref_slice %arg6[%mul3A_281] : memref<1600000xf32, #tpu.memory_space<hbm>> -> memref<2560xf32, #tpu.memory_space<hbm>>
    tpu.enqueue_dma source(%dma_start3A_305 : memref<2560xf32, #tpu.memory_space<hbm>>) target(%dma_start3A_304 : memref<2560xf32, #tpu.memory_space<vmem>>) target_semaphore(%arg24 : memref<!tpu.dma_semaphore, #tpu.memory_space<semaphore_mem>>)
    %parallel_loop3A_306 = arith.constant 0 : i32
    %parallel_loop3A_307 = arith.constant 160 : i32
    %parallel_loop3A_308 = arith.constant 1 : i32
    scf.for %parallel_loop3A_1107 = %parallel_loop3A_306 to %parallel_loop3A_307 step %parallel_loop3A_308  : i32 {
      %parallel_loop3A_1108 = arith.constant 16 : i32
      %parallel_loop3A_1109 = arith.muli %parallel_loop3A_1107, %parallel_loop3A_1108 : i32
      %parallel_loop3A_1110 = arith.index_cast %parallel_loop3A_1109 : i32 to index
      %parallel_loop3A_1111 = tpu.vector_load %arg11[%parallel_loop3A_1110] {strides = array<i32>} : memref<2560xi32, #tpu.memory_space<vmem>>, vector<16xi32>,
      %parallel_loop3A_1112 = tpu.vector_load_idx %arg8[%parallel_loop3A_1111] : memref<50000xf32, #tpu.memory_space<vmem>>[vector<16xi32>], vector<16xf32>,
      %parallel_loop3A_1113 = arith.index_cast %parallel_loop3A_1109 : i32 to index
      %parallel_loop3A_1114 = tpu.vector_load %arg13[%parallel_loop3A_1113] {strides = array<i32>} : memref<2560xf32, #tpu.memory_space<vmem>>, vector<16xf32>,
      %parallel_loop3A_1115 = arith.constant 0.529177189 : f32
      %parallel_loop3A_1116 = vector.broadcast %parallel_loop3A_1115 : f32 to vector<16xf32>
      %parallel_loop3A_1117 = arith.mulf %parallel_loop3A_1114, %parallel_loop3A_1116 : vector<16xf32>
      %parallel_loop3A_1118 = arith.index_cast %parallel_loop3A_1109 : i32 to index
      %parallel_loop3A_1119 = tpu.vector_load %arg12[%parallel_loop3A_1118] {strides = array<i32>} : memref<2560xf32, #tpu.memory_space<vmem>>, vector<16xf32>,
      %parallel_loop3A_1120 = tpu.bitcast %parallel_loop3A_1119 : vector<16xf32> -> vector<16xi32>
      %parallel_loop3A_1121 = arith.constant 2129859011 : i32
      %parallel_loop3A_1122 = vector.broadcast %parallel_loop3A_1121 : i32 to vector<16xi32>
      %parallel_loop3A_1123 = arith.subi %parallel_loop3A_1122, %parallel_loop3A_1120 : vector<16xi32>
      %parallel_loop3A_1124 = tpu.bitcast %parallel_loop3A_1123 : vector<16xi32> -> vector<16xf32>
      %parallel_loop3A_1125 = arith.mulf %parallel_loop3A_1119, %parallel_loop3A_1124 : vector<16xf32>
      %parallel_loop3A_1126 = arith.constant 2.000000e+00 : f32
      %parallel_loop3A_1127 = vector.broadcast %parallel_loop3A_1126 : f32 to vector<16xf32>
      %parallel_loop3A_1128 = arith.subf %parallel_loop3A_1127, %parallel_loop3A_1125 : vector<16xf32>
      %parallel_loop3A_1129 = arith.mulf %parallel_loop3A_1124, %parallel_loop3A_1128 : vector<16xf32>
      %parallel_loop3A_1130 = arith.mulf %parallel_loop3A_1119, %parallel_loop3A_1129 : vector<16xf32>
      %parallel_loop3A_1131 = arith.constant 2.000000e+00 : f32
      %parallel_loop3A_1132 = vector.broadcast %parallel_loop3A_1131 : f32 to vector<16xf32>
      %parallel_loop3A_1133 = arith.subf %parallel_loop3A_1132, %parallel_loop3A_1130 : vector<16xf32>
      %parallel_loop3A_1134 = arith.mulf %parallel_loop3A_1129, %parallel_loop3A_1133 : vector<16xf32>
      %parallel_loop3A_1135 = arith.mulf %parallel_loop3A_1117, %parallel_loop3A_1134 : vector<16xf32>
      %parallel_loop3A_1136 = arith.index_cast %parallel_loop3A_1109 : i32 to index
      %parallel_loop3A_1137 = tpu.vector_load %arg10[%parallel_loop3A_1136] {strides = array<i32>} : memref<2560xi32, #tpu.memory_space<vmem>>, vector<16xi32>,
      %parallel_loop3A_1138 = arith.mulf %parallel_loop3A_1135, %parallel_loop3A_1112 : vector<16xf32>
      tpu.vector_store_idx %arg9[%parallel_loop3A_1137], %parallel_loop3A_1138 {add = true} : memref<50176xf32, #tpu.memory_space<vmem>>[vector<16xi32>], vector<16xf32>,
    } {sc.loop_unroll_factor = 4 : i64, sc.parallel_access}
    %dma_wait3A_309 = arith.constant 0 : i32
    %dma_wait3A_310 = tpu.memref_slice %arg14[%dma_wait3A_309] : memref<2560xi32, #tpu.memory_space<vmem>> -> memref<2560xi32, #tpu.memory_space<vmem>>
    %dma_wait3A_311 = tpu.memref_slice %arg3[%mul3A_228] : memref<1600000xi32, #tpu.memory_space<hbm>> -> memref<2560xi32, #tpu.memory_space<hbm>>
    %dma_wait3A_312 = arith.constant 0 : i32
    %dma_wait3A_313 = tpu.memref_slice %arg14[%dma_wait3A_312] : memref<2560xi32, #tpu.memory_space<vmem>> -> memref<2560xi32, #tpu.memory_space<vmem>>
    %dma_wait3A_314 = tpu.memref_slice %arg3[%mul3A_228] : memref<1600000xi32, #tpu.memory_space<hbm>> -> memref<2560xi32, #tpu.memory_space<hbm>>
    tpu.wait_dma2 semaphore(%arg23 : memref<!tpu.dma_semaphore, #tpu.memory_space<semaphore_mem>>) src(%dma_wait3A_314 : memref<2560xi32, #tpu.memory_space<hbm>>) dst(%dma_wait3A_313 : memref<2560xi32, #tpu.memory_space<vmem>>)
    %dma_wait3A_315 = arith.constant 0 : i32
    %dma_wait3A_316 = tpu.memref_slice %arg15[%dma_wait3A_315] : memref<2560xi32, #tpu.memory_space<vmem>> -> memref<2560xi32, #tpu.memory_space<vmem>>
    %dma_wait3A_317 = tpu.memref_slice %arg4[%mul3A_228] : memref<1600000xi32, #tpu.memory_space<hbm>> -> memref<2560xi32, #tpu.memory_space<hbm>>
    %dma_wait3A_318 = arith.constant 0 : i32
    %dma_wait3A_319 = tpu.memref_slice %arg15[%dma_wait3A_318] : memref<2560xi32, #tpu.memory_space<vmem>> -> memref<2560xi32, #tpu.memory_space<vmem>>
    %dma_wait3A_320 = tpu.memref_slice %arg4[%mul3A_228] : memref<1600000xi32, #tpu.memory_space<hbm>> -> memref<2560xi32, #tpu.memory_space<hbm>>
    tpu.wait_dma2 semaphore(%arg23 : memref<!tpu.dma_semaphore, #tpu.memory_space<semaphore_mem>>) src(%dma_wait3A_320 : memref<2560xi32, #tpu.memory_space<hbm>>) dst(%dma_wait3A_319 : memref<2560xi32, #tpu.memory_space<vmem>>)
    %dma_wait3A_321 = arith.constant 0 : i32
    %dma_wait3A_322 = tpu.memref_slice %arg16[%dma_wait3A_321] : memref<2560xf32, #tpu.memory_space<vmem>> -> memref<2560xf32, #tpu.memory_space<vmem>>
    %dma_wait3A_323 = tpu.memref_slice %arg5[%mul3A_228] : memref<1600000xf32, #tpu.memory_space<hbm>> -> memref<2560xf32, #tpu.memory_space<hbm>>
    %dma_wait3A_324 = arith.constant 0 : i32
    %dma_wait3A_325 = tpu.memref_slice %arg16[%dma_wait3A_324] : memref<2560xf32, #tpu.memory_space<vmem>> -> memref<2560xf32, #tpu.memory_space<vmem>>
    %dma_wait3A_326 = tpu.memref_slice %arg5[%mul3A_228] : memref<1600000xf32, #tpu.memory_space<hbm>> -> memref<2560xf32, #tpu.memory_space<hbm>>
    tpu.wait_dma2 semaphore(%arg23 : memref<!tpu.dma_semaphore, #tpu.memory_space<semaphore_mem>>) src(%dma_wait3A_326 : memref<2560xf32, #tpu.memory_space<hbm>>) dst(%dma_wait3A_325 : memref<2560xf32, #tpu.memory_space<vmem>>)
    %dma_wait3A_327 = arith.constant 0 : i32
    %dma_wait3A_328 = tpu.memref_slice %arg17[%dma_wait3A_327] : memref<2560xf32, #tpu.memory_space<vmem>> -> memref<2560xf32, #tpu.memory_space<vmem>>
    %dma_wait3A_329 = tpu.memref_slice %arg6[%mul3A_228] : memref<1600000xf32, #tpu.memory_space<hbm>> -> memref<2560xf32, #tpu.memory_space<hbm>>
    %dma_wait3A_330 = arith.constant 0 : i32
    %dma_wait3A_331 = tpu.memref_slice %arg17[%dma_wait3A_330] : memref<2560xf32, #tpu.memory_space<vmem>> -> memref<2560xf32, #tpu.memory_space<vmem>>
    %dma_wait3A_332 = tpu.memref_slice %arg6[%mul3A_228] : memref<1600000xf32, #tpu.memory_space<hbm>> -> memref<2560xf32, #tpu.memory_space<hbm>>
    tpu.wait_dma2 semaphore(%arg23 : memref<!tpu.dma_semaphore, #tpu.memory_space<semaphore_mem>>) src(%dma_wait3A_332 : memref<2560xf32, #tpu.memory_space<hbm>>) dst(%dma_wait3A_331 : memref<2560xf32, #tpu.memory_space<vmem>>)
    %mul3A_333 = arith.constant 128 : i32
    %mul3A_334 = arith.muli %add3A_16, %mul3A_333 : i32
    %dma_start3A_335 = arith.constant 0 : i32
    %dma_start3A_336 = tpu.memref_slice %arg10[%dma_start3A_335] : memref<2560xi32, #tpu.memory_space<vmem>> -> memref<2560xi32, #tpu.memory_space<vmem>>
    %dma_start3A_337 = tpu.memref_slice %arg3[%mul3A_334] : memref<1600000xi32, #tpu.memory_space<hbm>> -> memref<2560xi32, #tpu.memory_space<hbm>>
    %dma_start3A_338 = arith.constant 0 : i32
    %dma_start3A_339 = tpu.memref_slice %arg10[%dma_start3A_338] : memref<2560xi32, #tpu.memory_space<vmem>> -> memref<2560xi32, #tpu.memory_space<vmem>>
    %dma_start3A_340 = tpu.memref_slice %arg3[%mul3A_334] : memref<1600000xi32, #tpu.memory_space<hbm>> -> memref<2560xi32, #tpu.memory_space<hbm>>
    tpu.enqueue_dma source(%dma_start3A_340 : memref<2560xi32, #tpu.memory_space<hbm>>) target(%dma_start3A_339 : memref<2560xi32, #tpu.memory_space<vmem>>) target_semaphore(%arg22 : memref<!tpu.dma_semaphore, #tpu.memory_space<semaphore_mem>>)
    %dma_start3A_341 = arith.constant 0 : i32
    %dma_start3A_342 = tpu.memref_slice %arg11[%dma_start3A_341] : memref<2560xi32, #tpu.memory_space<vmem>> -> memref<2560xi32, #tpu.memory_space<vmem>>
    %dma_start3A_343 = tpu.memref_slice %arg4[%mul3A_334] : memref<1600000xi32, #tpu.memory_space<hbm>> -> memref<2560xi32, #tpu.memory_space<hbm>>
    %dma_start3A_344 = arith.constant 0 : i32
    %dma_start3A_345 = tpu.memref_slice %arg11[%dma_start3A_344] : memref<2560xi32, #tpu.memory_space<vmem>> -> memref<2560xi32, #tpu.memory_space<vmem>>
    %dma_start3A_346 = tpu.memref_slice %arg4[%mul3A_334] : memref<1600000xi32, #tpu.memory_space<hbm>> -> memref<2560xi32, #tpu.memory_space<hbm>>
    tpu.enqueue_dma source(%dma_start3A_346 : memref<2560xi32, #tpu.memory_space<hbm>>) target(%dma_start3A_345 : memref<2560xi32, #tpu.memory_space<vmem>>) target_semaphore(%arg22 : memref<!tpu.dma_semaphore, #tpu.memory_space<semaphore_mem>>)
    %dma_start3A_347 = arith.constant 0 : i32
    %dma_start3A_348 = tpu.memref_slice %arg12[%dma_start3A_347] : memref<2560xf32, #tpu.memory_space<vmem>> -> memref<2560xf32, #tpu.memory_space<vmem>>
    %dma_start3A_349 = tpu.memref_slice %arg5[%mul3A_334] : memref<1600000xf32, #tpu.memory_space<hbm>> -> memref<2560xf32, #tpu.memory_space<hbm>>
    %dma_start3A_350 = arith.constant 0 : i32
    %dma_start3A_351 = tpu.memref_slice %arg12[%dma_start3A_350] : memref<2560xf32, #tpu.memory_space<vmem>> -> memref<2560xf32, #tpu.memory_space<vmem>>
    %dma_start3A_352 = tpu.memref_slice %arg5[%mul3A_334] : memref<1600000xf32, #tpu.memory_space<hbm>> -> memref<2560xf32, #tpu.memory_space<hbm>>
    tpu.enqueue_dma source(%dma_start3A_352 : memref<2560xf32, #tpu.memory_space<hbm>>) target(%dma_start3A_351 : memref<2560xf32, #tpu.memory_space<vmem>>) target_semaphore(%arg22 : memref<!tpu.dma_semaphore, #tpu.memory_space<semaphore_mem>>)
    %dma_start3A_353 = arith.constant 0 : i32
    %dma_start3A_354 = tpu.memref_slice %arg13[%dma_start3A_353] : memref<2560xf32, #tpu.memory_space<vmem>> -> memref<2560xf32, #tpu.memory_space<vmem>>
    %dma_start3A_355 = tpu.memref_slice %arg6[%mul3A_334] : memref<1600000xf32, #tpu.memory_space<hbm>> -> memref<2560xf32, #tpu.memory_space<hbm>>
    %dma_start3A_356 = arith.constant 0 : i32
    %dma_start3A_357 = tpu.memref_slice %arg13[%dma_start3A_356] : memref<2560xf32, #tpu.memory_space<vmem>> -> memref<2560xf32, #tpu.memory_space<vmem>>
    %dma_start3A_358 = tpu.memref_slice %arg6[%mul3A_334] : memref<1600000xf32, #tpu.memory_space<hbm>> -> memref<2560xf32, #tpu.memory_space<hbm>>
    tpu.enqueue_dma source(%dma_start3A_358 : memref<2560xf32, #tpu.memory_space<hbm>>) target(%dma_start3A_357 : memref<2560xf32, #tpu.memory_space<vmem>>) target_semaphore(%arg22 : memref<!tpu.dma_semaphore, #tpu.memory_space<semaphore_mem>>)
    %parallel_loop3A_359 = arith.constant 0 : i32
    %parallel_loop3A_360 = arith.constant 160 : i32
    %parallel_loop3A_361 = arith.constant 1 : i32
    scf.for %parallel_loop3A_1107 = %parallel_loop3A_359 to %parallel_loop3A_360 step %parallel_loop3A_361  : i32 {
      %parallel_loop3A_1108 = arith.constant 16 : i32
      %parallel_loop3A_1109 = arith.muli %parallel_loop3A_1107, %parallel_loop3A_1108 : i32
      %parallel_loop3A_1110 = arith.index_cast %parallel_loop3A_1109 : i32 to index
      %parallel_loop3A_1111 = tpu.vector_load %arg15[%parallel_loop3A_1110] {strides = array<i32>} : memref<2560xi32, #tpu.memory_space<vmem>>, vector<16xi32>,
      %parallel_loop3A_1112 = tpu.vector_load_idx %arg8[%parallel_loop3A_1111] : memref<50000xf32, #tpu.memory_space<vmem>>[vector<16xi32>], vector<16xf32>,
      %parallel_loop3A_1113 = arith.index_cast %parallel_loop3A_1109 : i32 to index
      %parallel_loop3A_1114 = tpu.vector_load %arg17[%parallel_loop3A_1113] {strides = array<i32>} : memref<2560xf32, #tpu.memory_space<vmem>>, vector<16xf32>,
      %parallel_loop3A_1115 = arith.constant 0.529177189 : f32
      %parallel_loop3A_1116 = vector.broadcast %parallel_loop3A_1115 : f32 to vector<16xf32>
      %parallel_loop3A_1117 = arith.mulf %parallel_loop3A_1114, %parallel_loop3A_1116 : vector<16xf32>
      %parallel_loop3A_1118 = arith.index_cast %parallel_loop3A_1109 : i32 to index
      %parallel_loop3A_1119 = tpu.vector_load %arg16[%parallel_loop3A_1118] {strides = array<i32>} : memref<2560xf32, #tpu.memory_space<vmem>>, vector<16xf32>,
      %parallel_loop3A_1120 = tpu.bitcast %parallel_loop3A_1119 : vector<16xf32> -> vector<16xi32>
      %parallel_loop3A_1121 = arith.constant 2129859011 : i32
      %parallel_loop3A_1122 = vector.broadcast %parallel_loop3A_1121 : i32 to vector<16xi32>
      %parallel_loop3A_1123 = arith.subi %parallel_loop3A_1122, %parallel_loop3A_1120 : vector<16xi32>
      %parallel_loop3A_1124 = tpu.bitcast %parallel_loop3A_1123 : vector<16xi32> -> vector<16xf32>
      %parallel_loop3A_1125 = arith.mulf %parallel_loop3A_1119, %parallel_loop3A_1124 : vector<16xf32>
      %parallel_loop3A_1126 = arith.constant 2.000000e+00 : f32
      %parallel_loop3A_1127 = vector.broadcast %parallel_loop3A_1126 : f32 to vector<16xf32>
      %parallel_loop3A_1128 = arith.subf %parallel_loop3A_1127, %parallel_loop3A_1125 : vector<16xf32>
      %parallel_loop3A_1129 = arith.mulf %parallel_loop3A_1124, %parallel_loop3A_1128 : vector<16xf32>
      %parallel_loop3A_1130 = arith.mulf %parallel_loop3A_1119, %parallel_loop3A_1129 : vector<16xf32>
      %parallel_loop3A_1131 = arith.constant 2.000000e+00 : f32
      %parallel_loop3A_1132 = vector.broadcast %parallel_loop3A_1131 : f32 to vector<16xf32>
      %parallel_loop3A_1133 = arith.subf %parallel_loop3A_1132, %parallel_loop3A_1130 : vector<16xf32>
      %parallel_loop3A_1134 = arith.mulf %parallel_loop3A_1129, %parallel_loop3A_1133 : vector<16xf32>
      %parallel_loop3A_1135 = arith.mulf %parallel_loop3A_1117, %parallel_loop3A_1134 : vector<16xf32>
      %parallel_loop3A_1136 = arith.index_cast %parallel_loop3A_1109 : i32 to index
      %parallel_loop3A_1137 = tpu.vector_load %arg14[%parallel_loop3A_1136] {strides = array<i32>} : memref<2560xi32, #tpu.memory_space<vmem>>, vector<16xi32>,
      %parallel_loop3A_1138 = arith.mulf %parallel_loop3A_1135, %parallel_loop3A_1112 : vector<16xf32>
      tpu.vector_store_idx %arg9[%parallel_loop3A_1137], %parallel_loop3A_1138 {add = true} : memref<50176xf32, #tpu.memory_space<vmem>>[vector<16xi32>], vector<16xf32>,
    } {sc.loop_unroll_factor = 4 : i64, sc.parallel_access}
    %dma_wait3A_362 = arith.constant 0 : i32
    %dma_wait3A_363 = tpu.memref_slice %arg18[%dma_wait3A_362] : memref<2560xi32, #tpu.memory_space<vmem>> -> memref<2560xi32, #tpu.memory_space<vmem>>
    %dma_wait3A_364 = tpu.memref_slice %arg3[%mul3A_281] : memref<1600000xi32, #tpu.memory_space<hbm>> -> memref<2560xi32, #tpu.memory_space<hbm>>
    %dma_wait3A_365 = arith.constant 0 : i32
    %dma_wait3A_366 = tpu.memref_slice %arg18[%dma_wait3A_365] : memref<2560xi32, #tpu.memory_space<vmem>> -> memref<2560xi32, #tpu.memory_space<vmem>>
    %dma_wait3A_367 = tpu.memref_slice %arg3[%mul3A_281] : memref<1600000xi32, #tpu.memory_space<hbm>> -> memref<2560xi32, #tpu.memory_space<hbm>>
    tpu.wait_dma2 semaphore(%arg24 : memref<!tpu.dma_semaphore, #tpu.memory_space<semaphore_mem>>) src(%dma_wait3A_367 : memref<2560xi32, #tpu.memory_space<hbm>>) dst(%dma_wait3A_366 : memref<2560xi32, #tpu.memory_space<vmem>>)
    %dma_wait3A_368 = arith.constant 0 : i32
    %dma_wait3A_369 = tpu.memref_slice %arg19[%dma_wait3A_368] : memref<2560xi32, #tpu.memory_space<vmem>> -> memref<2560xi32, #tpu.memory_space<vmem>>
    %dma_wait3A_370 = tpu.memref_slice %arg4[%mul3A_281] : memref<1600000xi32, #tpu.memory_space<hbm>> -> memref<2560xi32, #tpu.memory_space<hbm>>
    %dma_wait3A_371 = arith.constant 0 : i32
    %dma_wait3A_372 = tpu.memref_slice %arg19[%dma_wait3A_371] : memref<2560xi32, #tpu.memory_space<vmem>> -> memref<2560xi32, #tpu.memory_space<vmem>>
    %dma_wait3A_373 = tpu.memref_slice %arg4[%mul3A_281] : memref<1600000xi32, #tpu.memory_space<hbm>> -> memref<2560xi32, #tpu.memory_space<hbm>>
    tpu.wait_dma2 semaphore(%arg24 : memref<!tpu.dma_semaphore, #tpu.memory_space<semaphore_mem>>) src(%dma_wait3A_373 : memref<2560xi32, #tpu.memory_space<hbm>>) dst(%dma_wait3A_372 : memref<2560xi32, #tpu.memory_space<vmem>>)
    %dma_wait3A_374 = arith.constant 0 : i32
    %dma_wait3A_375 = tpu.memref_slice %arg20[%dma_wait3A_374] : memref<2560xf32, #tpu.memory_space<vmem>> -> memref<2560xf32, #tpu.memory_space<vmem>>
    %dma_wait3A_376 = tpu.memref_slice %arg5[%mul3A_281] : memref<1600000xf32, #tpu.memory_space<hbm>> -> memref<2560xf32, #tpu.memory_space<hbm>>
    %dma_wait3A_377 = arith.constant 0 : i32
    %dma_wait3A_378 = tpu.memref_slice %arg20[%dma_wait3A_377] : memref<2560xf32, #tpu.memory_space<vmem>> -> memref<2560xf32, #tpu.memory_space<vmem>>
    %dma_wait3A_379 = tpu.memref_slice %arg5[%mul3A_281] : memref<1600000xf32, #tpu.memory_space<hbm>> -> memref<2560xf32, #tpu.memory_space<hbm>>
    tpu.wait_dma2 semaphore(%arg24 : memref<!tpu.dma_semaphore, #tpu.memory_space<semaphore_mem>>) src(%dma_wait3A_379 : memref<2560xf32, #tpu.memory_space<hbm>>) dst(%dma_wait3A_378 : memref<2560xf32, #tpu.memory_space<vmem>>)
    %dma_wait3A_380 = arith.constant 0 : i32
    %dma_wait3A_381 = tpu.memref_slice %arg21[%dma_wait3A_380] : memref<2560xf32, #tpu.memory_space<vmem>> -> memref<2560xf32, #tpu.memory_space<vmem>>
    %dma_wait3A_382 = tpu.memref_slice %arg6[%mul3A_281] : memref<1600000xf32, #tpu.memory_space<hbm>> -> memref<2560xf32, #tpu.memory_space<hbm>>
    %dma_wait3A_383 = arith.constant 0 : i32
    %dma_wait3A_384 = tpu.memref_slice %arg21[%dma_wait3A_383] : memref<2560xf32, #tpu.memory_space<vmem>> -> memref<2560xf32, #tpu.memory_space<vmem>>
    %dma_wait3A_385 = tpu.memref_slice %arg6[%mul3A_281] : memref<1600000xf32, #tpu.memory_space<hbm>> -> memref<2560xf32, #tpu.memory_space<hbm>>
    tpu.wait_dma2 semaphore(%arg24 : memref<!tpu.dma_semaphore, #tpu.memory_space<semaphore_mem>>) src(%dma_wait3A_385 : memref<2560xf32, #tpu.memory_space<hbm>>) dst(%dma_wait3A_384 : memref<2560xf32, #tpu.memory_space<vmem>>)
    %mul3A_386 = arith.constant 128 : i32
    %mul3A_387 = arith.muli %add3A_18, %mul3A_386 : i32
    %dma_start3A_388 = arith.constant 0 : i32
    %dma_start3A_389 = tpu.memref_slice %arg14[%dma_start3A_388] : memref<2560xi32, #tpu.memory_space<vmem>> -> memref<2560xi32, #tpu.memory_space<vmem>>
    %dma_start3A_390 = tpu.memref_slice %arg3[%mul3A_387] : memref<1600000xi32, #tpu.memory_space<hbm>> -> memref<2560xi32, #tpu.memory_space<hbm>>
    %dma_start3A_391 = arith.constant 0 : i32
    %dma_start3A_392 = tpu.memref_slice %arg14[%dma_start3A_391] : memref<2560xi32, #tpu.memory_space<vmem>> -> memref<2560xi32, #tpu.memory_space<vmem>>
    %dma_start3A_393 = tpu.memref_slice %arg3[%mul3A_387] : memref<1600000xi32, #tpu.memory_space<hbm>> -> memref<2560xi32, #tpu.memory_space<hbm>>
    tpu.enqueue_dma source(%dma_start3A_393 : memref<2560xi32, #tpu.memory_space<hbm>>) target(%dma_start3A_392 : memref<2560xi32, #tpu.memory_space<vmem>>) target_semaphore(%arg23 : memref<!tpu.dma_semaphore, #tpu.memory_space<semaphore_mem>>)
    %dma_start3A_394 = arith.constant 0 : i32
    %dma_start3A_395 = tpu.memref_slice %arg15[%dma_start3A_394] : memref<2560xi32, #tpu.memory_space<vmem>> -> memref<2560xi32, #tpu.memory_space<vmem>>
    %dma_start3A_396 = tpu.memref_slice %arg4[%mul3A_387] : memref<1600000xi32, #tpu.memory_space<hbm>> -> memref<2560xi32, #tpu.memory_space<hbm>>
    %dma_start3A_397 = arith.constant 0 : i32
    %dma_start3A_398 = tpu.memref_slice %arg15[%dma_start3A_397] : memref<2560xi32, #tpu.memory_space<vmem>> -> memref<2560xi32, #tpu.memory_space<vmem>>
    %dma_start3A_399 = tpu.memref_slice %arg4[%mul3A_387] : memref<1600000xi32, #tpu.memory_space<hbm>> -> memref<2560xi32, #tpu.memory_space<hbm>>
    tpu.enqueue_dma source(%dma_start3A_399 : memref<2560xi32, #tpu.memory_space<hbm>>) target(%dma_start3A_398 : memref<2560xi32, #tpu.memory_space<vmem>>) target_semaphore(%arg23 : memref<!tpu.dma_semaphore, #tpu.memory_space<semaphore_mem>>)
    %dma_start3A_400 = arith.constant 0 : i32
    %dma_start3A_401 = tpu.memref_slice %arg16[%dma_start3A_400] : memref<2560xf32, #tpu.memory_space<vmem>> -> memref<2560xf32, #tpu.memory_space<vmem>>
    %dma_start3A_402 = tpu.memref_slice %arg5[%mul3A_387] : memref<1600000xf32, #tpu.memory_space<hbm>> -> memref<2560xf32, #tpu.memory_space<hbm>>
    %dma_start3A_403 = arith.constant 0 : i32
    %dma_start3A_404 = tpu.memref_slice %arg16[%dma_start3A_403] : memref<2560xf32, #tpu.memory_space<vmem>> -> memref<2560xf32, #tpu.memory_space<vmem>>
    %dma_start3A_405 = tpu.memref_slice %arg5[%mul3A_387] : memref<1600000xf32, #tpu.memory_space<hbm>> -> memref<2560xf32, #tpu.memory_space<hbm>>
    tpu.enqueue_dma source(%dma_start3A_405 : memref<2560xf32, #tpu.memory_space<hbm>>) target(%dma_start3A_404 : memref<2560xf32, #tpu.memory_space<vmem>>) target_semaphore(%arg23 : memref<!tpu.dma_semaphore, #tpu.memory_space<semaphore_mem>>)
    %dma_start3A_406 = arith.constant 0 : i32
    %dma_start3A_407 = tpu.memref_slice %arg17[%dma_start3A_406] : memref<2560xf32, #tpu.memory_space<vmem>> -> memref<2560xf32, #tpu.memory_space<vmem>>
    %dma_start3A_408 = tpu.memref_slice %arg6[%mul3A_387] : memref<1600000xf32, #tpu.memory_space<hbm>> -> memref<2560xf32, #tpu.memory_space<hbm>>
    %dma_start3A_409 = arith.constant 0 : i32
    %dma_start3A_410 = tpu.memref_slice %arg17[%dma_start3A_409] : memref<2560xf32, #tpu.memory_space<vmem>> -> memref<2560xf32, #tpu.memory_space<vmem>>
    %dma_start3A_411 = tpu.memref_slice %arg6[%mul3A_387] : memref<1600000xf32, #tpu.memory_space<hbm>> -> memref<2560xf32, #tpu.memory_space<hbm>>
    tpu.enqueue_dma source(%dma_start3A_411 : memref<2560xf32, #tpu.memory_space<hbm>>) target(%dma_start3A_410 : memref<2560xf32, #tpu.memory_space<vmem>>) target_semaphore(%arg23 : memref<!tpu.dma_semaphore, #tpu.memory_space<semaphore_mem>>)
    %parallel_loop3A_412 = arith.constant 0 : i32
    %parallel_loop3A_413 = arith.constant 160 : i32
    %parallel_loop3A_414 = arith.constant 1 : i32
    scf.for %parallel_loop3A_1107 = %parallel_loop3A_412 to %parallel_loop3A_413 step %parallel_loop3A_414  : i32 {
      %parallel_loop3A_1108 = arith.constant 16 : i32
      %parallel_loop3A_1109 = arith.muli %parallel_loop3A_1107, %parallel_loop3A_1108 : i32
      %parallel_loop3A_1110 = arith.index_cast %parallel_loop3A_1109 : i32 to index
      %parallel_loop3A_1111 = tpu.vector_load %arg19[%parallel_loop3A_1110] {strides = array<i32>} : memref<2560xi32, #tpu.memory_space<vmem>>, vector<16xi32>,
      %parallel_loop3A_1112 = tpu.vector_load_idx %arg8[%parallel_loop3A_1111] : memref<50000xf32, #tpu.memory_space<vmem>>[vector<16xi32>], vector<16xf32>,
      %parallel_loop3A_1113 = arith.index_cast %parallel_loop3A_1109 : i32 to index
      %parallel_loop3A_1114 = tpu.vector_load %arg21[%parallel_loop3A_1113] {strides = array<i32>} : memref<2560xf32, #tpu.memory_space<vmem>>, vector<16xf32>,
      %parallel_loop3A_1115 = arith.constant 0.529177189 : f32
      %parallel_loop3A_1116 = vector.broadcast %parallel_loop3A_1115 : f32 to vector<16xf32>
      %parallel_loop3A_1117 = arith.mulf %parallel_loop3A_1114, %parallel_loop3A_1116 : vector<16xf32>
      %parallel_loop3A_1118 = arith.index_cast %parallel_loop3A_1109 : i32 to index
      %parallel_loop3A_1119 = tpu.vector_load %arg20[%parallel_loop3A_1118] {strides = array<i32>} : memref<2560xf32, #tpu.memory_space<vmem>>, vector<16xf32>,
      %parallel_loop3A_1120 = tpu.bitcast %parallel_loop3A_1119 : vector<16xf32> -> vector<16xi32>
      %parallel_loop3A_1121 = arith.constant 2129859011 : i32
      %parallel_loop3A_1122 = vector.broadcast %parallel_loop3A_1121 : i32 to vector<16xi32>
      %parallel_loop3A_1123 = arith.subi %parallel_loop3A_1122, %parallel_loop3A_1120 : vector<16xi32>
      %parallel_loop3A_1124 = tpu.bitcast %parallel_loop3A_1123 : vector<16xi32> -> vector<16xf32>
      %parallel_loop3A_1125 = arith.mulf %parallel_loop3A_1119, %parallel_loop3A_1124 : vector<16xf32>
      %parallel_loop3A_1126 = arith.constant 2.000000e+00 : f32
      %parallel_loop3A_1127 = vector.broadcast %parallel_loop3A_1126 : f32 to vector<16xf32>
      %parallel_loop3A_1128 = arith.subf %parallel_loop3A_1127, %parallel_loop3A_1125 : vector<16xf32>
      %parallel_loop3A_1129 = arith.mulf %parallel_loop3A_1124, %parallel_loop3A_1128 : vector<16xf32>
      %parallel_loop3A_1130 = arith.mulf %parallel_loop3A_1119, %parallel_loop3A_1129 : vector<16xf32>
      %parallel_loop3A_1131 = arith.constant 2.000000e+00 : f32
      %parallel_loop3A_1132 = vector.broadcast %parallel_loop3A_1131 : f32 to vector<16xf32>
      %parallel_loop3A_1133 = arith.subf %parallel_loop3A_1132, %parallel_loop3A_1130 : vector<16xf32>
      %parallel_loop3A_1134 = arith.mulf %parallel_loop3A_1129, %parallel_loop3A_1133 : vector<16xf32>
      %parallel_loop3A_1135 = arith.mulf %parallel_loop3A_1117, %parallel_loop3A_1134 : vector<16xf32>
      %parallel_loop3A_1136 = arith.index_cast %parallel_loop3A_1109 : i32 to index
      %parallel_loop3A_1137 = tpu.vector_load %arg18[%parallel_loop3A_1136] {strides = array<i32>} : memref<2560xi32, #tpu.memory_space<vmem>>, vector<16xi32>,
      %parallel_loop3A_1138 = arith.mulf %parallel_loop3A_1135, %parallel_loop3A_1112 : vector<16xf32>
      tpu.vector_store_idx %arg9[%parallel_loop3A_1137], %parallel_loop3A_1138 {add = true} : memref<50176xf32, #tpu.memory_space<vmem>>[vector<16xi32>], vector<16xf32>,
    } {sc.loop_unroll_factor = 4 : i64, sc.parallel_access}
    %dma_wait3A_415 = arith.constant 0 : i32
    %dma_wait3A_416 = tpu.memref_slice %arg10[%dma_wait3A_415] : memref<2560xi32, #tpu.memory_space<vmem>> -> memref<2560xi32, #tpu.memory_space<vmem>>
    %dma_wait3A_417 = tpu.memref_slice %arg3[%mul3A_334] : memref<1600000xi32, #tpu.memory_space<hbm>> -> memref<2560xi32, #tpu.memory_space<hbm>>
    %dma_wait3A_418 = arith.constant 0 : i32
    %dma_wait3A_419 = tpu.memref_slice %arg10[%dma_wait3A_418] : memref<2560xi32, #tpu.memory_space<vmem>> -> memref<2560xi32, #tpu.memory_space<vmem>>
    %dma_wait3A_420 = tpu.memref_slice %arg3[%mul3A_334] : memref<1600000xi32, #tpu.memory_space<hbm>> -> memref<2560xi32, #tpu.memory_space<hbm>>
    tpu.wait_dma2 semaphore(%arg22 : memref<!tpu.dma_semaphore, #tpu.memory_space<semaphore_mem>>) src(%dma_wait3A_420 : memref<2560xi32, #tpu.memory_space<hbm>>) dst(%dma_wait3A_419 : memref<2560xi32, #tpu.memory_space<vmem>>)
    %dma_wait3A_421 = arith.constant 0 : i32
    %dma_wait3A_422 = tpu.memref_slice %arg11[%dma_wait3A_421] : memref<2560xi32, #tpu.memory_space<vmem>> -> memref<2560xi32, #tpu.memory_space<vmem>>
    %dma_wait3A_423 = tpu.memref_slice %arg4[%mul3A_334] : memref<1600000xi32, #tpu.memory_space<hbm>> -> memref<2560xi32, #tpu.memory_space<hbm>>
    %dma_wait3A_424 = arith.constant 0 : i32
    %dma_wait3A_425 = tpu.memref_slice %arg11[%dma_wait3A_424] : memref<2560xi32, #tpu.memory_space<vmem>> -> memref<2560xi32, #tpu.memory_space<vmem>>
    %dma_wait3A_426 = tpu.memref_slice %arg4[%mul3A_334] : memref<1600000xi32, #tpu.memory_space<hbm>> -> memref<2560xi32, #tpu.memory_space<hbm>>
    tpu.wait_dma2 semaphore(%arg22 : memref<!tpu.dma_semaphore, #tpu.memory_space<semaphore_mem>>) src(%dma_wait3A_426 : memref<2560xi32, #tpu.memory_space<hbm>>) dst(%dma_wait3A_425 : memref<2560xi32, #tpu.memory_space<vmem>>)
    %dma_wait3A_427 = arith.constant 0 : i32
    %dma_wait3A_428 = tpu.memref_slice %arg12[%dma_wait3A_427] : memref<2560xf32, #tpu.memory_space<vmem>> -> memref<2560xf32, #tpu.memory_space<vmem>>
    %dma_wait3A_429 = tpu.memref_slice %arg5[%mul3A_334] : memref<1600000xf32, #tpu.memory_space<hbm>> -> memref<2560xf32, #tpu.memory_space<hbm>>
    %dma_wait3A_430 = arith.constant 0 : i32
    %dma_wait3A_431 = tpu.memref_slice %arg12[%dma_wait3A_430] : memref<2560xf32, #tpu.memory_space<vmem>> -> memref<2560xf32, #tpu.memory_space<vmem>>
    %dma_wait3A_432 = tpu.memref_slice %arg5[%mul3A_334] : memref<1600000xf32, #tpu.memory_space<hbm>> -> memref<2560xf32, #tpu.memory_space<hbm>>
    tpu.wait_dma2 semaphore(%arg22 : memref<!tpu.dma_semaphore, #tpu.memory_space<semaphore_mem>>) src(%dma_wait3A_432 : memref<2560xf32, #tpu.memory_space<hbm>>) dst(%dma_wait3A_431 : memref<2560xf32, #tpu.memory_space<vmem>>)
    %dma_wait3A_433 = arith.constant 0 : i32
    %dma_wait3A_434 = tpu.memref_slice %arg13[%dma_wait3A_433] : memref<2560xf32, #tpu.memory_space<vmem>> -> memref<2560xf32, #tpu.memory_space<vmem>>
    %dma_wait3A_435 = tpu.memref_slice %arg6[%mul3A_334] : memref<1600000xf32, #tpu.memory_space<hbm>> -> memref<2560xf32, #tpu.memory_space<hbm>>
    %dma_wait3A_436 = arith.constant 0 : i32
    %dma_wait3A_437 = tpu.memref_slice %arg13[%dma_wait3A_436] : memref<2560xf32, #tpu.memory_space<vmem>> -> memref<2560xf32, #tpu.memory_space<vmem>>
    %dma_wait3A_438 = tpu.memref_slice %arg6[%mul3A_334] : memref<1600000xf32, #tpu.memory_space<hbm>> -> memref<2560xf32, #tpu.memory_space<hbm>>
    tpu.wait_dma2 semaphore(%arg22 : memref<!tpu.dma_semaphore, #tpu.memory_space<semaphore_mem>>) src(%dma_wait3A_438 : memref<2560xf32, #tpu.memory_space<hbm>>) dst(%dma_wait3A_437 : memref<2560xf32, #tpu.memory_space<vmem>>)
    %mul3A_439 = arith.constant 128 : i32
    %mul3A_440 = arith.muli %add3A_20, %mul3A_439 : i32
    %dma_start3A_441 = arith.constant 0 : i32
    %dma_start3A_442 = tpu.memref_slice %arg18[%dma_start3A_441] : memref<2560xi32, #tpu.memory_space<vmem>> -> memref<2560xi32, #tpu.memory_space<vmem>>
    %dma_start3A_443 = tpu.memref_slice %arg3[%mul3A_440] : memref<1600000xi32, #tpu.memory_space<hbm>> -> memref<2560xi32, #tpu.memory_space<hbm>>
    %dma_start3A_444 = arith.constant 0 : i32
    %dma_start3A_445 = tpu.memref_slice %arg18[%dma_start3A_444] : memref<2560xi32, #tpu.memory_space<vmem>> -> memref<2560xi32, #tpu.memory_space<vmem>>
    %dma_start3A_446 = tpu.memref_slice %arg3[%mul3A_440] : memref<1600000xi32, #tpu.memory_space<hbm>> -> memref<2560xi32, #tpu.memory_space<hbm>>
    tpu.enqueue_dma source(%dma_start3A_446 : memref<2560xi32, #tpu.memory_space<hbm>>) target(%dma_start3A_445 : memref<2560xi32, #tpu.memory_space<vmem>>) target_semaphore(%arg24 : memref<!tpu.dma_semaphore, #tpu.memory_space<semaphore_mem>>)
    %dma_start3A_447 = arith.constant 0 : i32
    %dma_start3A_448 = tpu.memref_slice %arg19[%dma_start3A_447] : memref<2560xi32, #tpu.memory_space<vmem>> -> memref<2560xi32, #tpu.memory_space<vmem>>
    %dma_start3A_449 = tpu.memref_slice %arg4[%mul3A_440] : memref<1600000xi32, #tpu.memory_space<hbm>> -> memref<2560xi32, #tpu.memory_space<hbm>>
    %dma_start3A_450 = arith.constant 0 : i32
    %dma_start3A_451 = tpu.memref_slice %arg19[%dma_start3A_450] : memref<2560xi32, #tpu.memory_space<vmem>> -> memref<2560xi32, #tpu.memory_space<vmem>>
    %dma_start3A_452 = tpu.memref_slice %arg4[%mul3A_440] : memref<1600000xi32, #tpu.memory_space<hbm>> -> memref<2560xi32, #tpu.memory_space<hbm>>
    tpu.enqueue_dma source(%dma_start3A_452 : memref<2560xi32, #tpu.memory_space<hbm>>) target(%dma_start3A_451 : memref<2560xi32, #tpu.memory_space<vmem>>) target_semaphore(%arg24 : memref<!tpu.dma_semaphore, #tpu.memory_space<semaphore_mem>>)
    %dma_start3A_453 = arith.constant 0 : i32
    %dma_start3A_454 = tpu.memref_slice %arg20[%dma_start3A_453] : memref<2560xf32, #tpu.memory_space<vmem>> -> memref<2560xf32, #tpu.memory_space<vmem>>
    %dma_start3A_455 = tpu.memref_slice %arg5[%mul3A_440] : memref<1600000xf32, #tpu.memory_space<hbm>> -> memref<2560xf32, #tpu.memory_space<hbm>>
    %dma_start3A_456 = arith.constant 0 : i32
    %dma_start3A_457 = tpu.memref_slice %arg20[%dma_start3A_456] : memref<2560xf32, #tpu.memory_space<vmem>> -> memref<2560xf32, #tpu.memory_space<vmem>>
    %dma_start3A_458 = tpu.memref_slice %arg5[%mul3A_440] : memref<1600000xf32, #tpu.memory_space<hbm>> -> memref<2560xf32, #tpu.memory_space<hbm>>
    tpu.enqueue_dma source(%dma_start3A_458 : memref<2560xf32, #tpu.memory_space<hbm>>) target(%dma_start3A_457 : memref<2560xf32, #tpu.memory_space<vmem>>) target_semaphore(%arg24 : memref<!tpu.dma_semaphore, #tpu.memory_space<semaphore_mem>>)
    %dma_start3A_459 = arith.constant 0 : i32
    %dma_start3A_460 = tpu.memref_slice %arg21[%dma_start3A_459] : memref<2560xf32, #tpu.memory_space<vmem>> -> memref<2560xf32, #tpu.memory_space<vmem>>
    %dma_start3A_461 = tpu.memref_slice %arg6[%mul3A_440] : memref<1600000xf32, #tpu.memory_space<hbm>> -> memref<2560xf32, #tpu.memory_space<hbm>>
    %dma_start3A_462 = arith.constant 0 : i32
    %dma_start3A_463 = tpu.memref_slice %arg21[%dma_start3A_462] : memref<2560xf32, #tpu.memory_space<vmem>> -> memref<2560xf32, #tpu.memory_space<vmem>>
    %dma_start3A_464 = tpu.memref_slice %arg6[%mul3A_440] : memref<1600000xf32, #tpu.memory_space<hbm>> -> memref<2560xf32, #tpu.memory_space<hbm>>
    tpu.enqueue_dma source(%dma_start3A_464 : memref<2560xf32, #tpu.memory_space<hbm>>) target(%dma_start3A_463 : memref<2560xf32, #tpu.memory_space<vmem>>) target_semaphore(%arg24 : memref<!tpu.dma_semaphore, #tpu.memory_space<semaphore_mem>>)
    %parallel_loop3A_465 = arith.constant 0 : i32
    %parallel_loop3A_466 = arith.constant 160 : i32
    %parallel_loop3A_467 = arith.constant 1 : i32
    scf.for %parallel_loop3A_1107 = %parallel_loop3A_465 to %parallel_loop3A_466 step %parallel_loop3A_467  : i32 {
      %parallel_loop3A_1108 = arith.constant 16 : i32
      %parallel_loop3A_1109 = arith.muli %parallel_loop3A_1107, %parallel_loop3A_1108 : i32
      %parallel_loop3A_1110 = arith.index_cast %parallel_loop3A_1109 : i32 to index
      %parallel_loop3A_1111 = tpu.vector_load %arg11[%parallel_loop3A_1110] {strides = array<i32>} : memref<2560xi32, #tpu.memory_space<vmem>>, vector<16xi32>,
      %parallel_loop3A_1112 = tpu.vector_load_idx %arg8[%parallel_loop3A_1111] : memref<50000xf32, #tpu.memory_space<vmem>>[vector<16xi32>], vector<16xf32>,
      %parallel_loop3A_1113 = arith.index_cast %parallel_loop3A_1109 : i32 to index
      %parallel_loop3A_1114 = tpu.vector_load %arg13[%parallel_loop3A_1113] {strides = array<i32>} : memref<2560xf32, #tpu.memory_space<vmem>>, vector<16xf32>,
      %parallel_loop3A_1115 = arith.constant 0.529177189 : f32
      %parallel_loop3A_1116 = vector.broadcast %parallel_loop3A_1115 : f32 to vector<16xf32>
      %parallel_loop3A_1117 = arith.mulf %parallel_loop3A_1114, %parallel_loop3A_1116 : vector<16xf32>
      %parallel_loop3A_1118 = arith.index_cast %parallel_loop3A_1109 : i32 to index
      %parallel_loop3A_1119 = tpu.vector_load %arg12[%parallel_loop3A_1118] {strides = array<i32>} : memref<2560xf32, #tpu.memory_space<vmem>>, vector<16xf32>,
      %parallel_loop3A_1120 = tpu.bitcast %parallel_loop3A_1119 : vector<16xf32> -> vector<16xi32>
      %parallel_loop3A_1121 = arith.constant 2129859011 : i32
      %parallel_loop3A_1122 = vector.broadcast %parallel_loop3A_1121 : i32 to vector<16xi32>
      %parallel_loop3A_1123 = arith.subi %parallel_loop3A_1122, %parallel_loop3A_1120 : vector<16xi32>
      %parallel_loop3A_1124 = tpu.bitcast %parallel_loop3A_1123 : vector<16xi32> -> vector<16xf32>
      %parallel_loop3A_1125 = arith.mulf %parallel_loop3A_1119, %parallel_loop3A_1124 : vector<16xf32>
      %parallel_loop3A_1126 = arith.constant 2.000000e+00 : f32
      %parallel_loop3A_1127 = vector.broadcast %parallel_loop3A_1126 : f32 to vector<16xf32>
      %parallel_loop3A_1128 = arith.subf %parallel_loop3A_1127, %parallel_loop3A_1125 : vector<16xf32>
      %parallel_loop3A_1129 = arith.mulf %parallel_loop3A_1124, %parallel_loop3A_1128 : vector<16xf32>
      %parallel_loop3A_1130 = arith.mulf %parallel_loop3A_1119, %parallel_loop3A_1129 : vector<16xf32>
      %parallel_loop3A_1131 = arith.constant 2.000000e+00 : f32
      %parallel_loop3A_1132 = vector.broadcast %parallel_loop3A_1131 : f32 to vector<16xf32>
      %parallel_loop3A_1133 = arith.subf %parallel_loop3A_1132, %parallel_loop3A_1130 : vector<16xf32>
      %parallel_loop3A_1134 = arith.mulf %parallel_loop3A_1129, %parallel_loop3A_1133 : vector<16xf32>
      %parallel_loop3A_1135 = arith.mulf %parallel_loop3A_1117, %parallel_loop3A_1134 : vector<16xf32>
      %parallel_loop3A_1136 = arith.index_cast %parallel_loop3A_1109 : i32 to index
      %parallel_loop3A_1137 = tpu.vector_load %arg10[%parallel_loop3A_1136] {strides = array<i32>} : memref<2560xi32, #tpu.memory_space<vmem>>, vector<16xi32>,
      %parallel_loop3A_1138 = arith.mulf %parallel_loop3A_1135, %parallel_loop3A_1112 : vector<16xf32>
      tpu.vector_store_idx %arg9[%parallel_loop3A_1137], %parallel_loop3A_1138 {add = true} : memref<50176xf32, #tpu.memory_space<vmem>>[vector<16xi32>], vector<16xf32>,
    } {sc.loop_unroll_factor = 4 : i64, sc.parallel_access}
    %dma_wait3A_468 = arith.constant 0 : i32
    %dma_wait3A_469 = tpu.memref_slice %arg14[%dma_wait3A_468] : memref<2560xi32, #tpu.memory_space<vmem>> -> memref<2560xi32, #tpu.memory_space<vmem>>
    %dma_wait3A_470 = tpu.memref_slice %arg3[%mul3A_387] : memref<1600000xi32, #tpu.memory_space<hbm>> -> memref<2560xi32, #tpu.memory_space<hbm>>
    %dma_wait3A_471 = arith.constant 0 : i32
    %dma_wait3A_472 = tpu.memref_slice %arg14[%dma_wait3A_471] : memref<2560xi32, #tpu.memory_space<vmem>> -> memref<2560xi32, #tpu.memory_space<vmem>>
    %dma_wait3A_473 = tpu.memref_slice %arg3[%mul3A_387] : memref<1600000xi32, #tpu.memory_space<hbm>> -> memref<2560xi32, #tpu.memory_space<hbm>>
    tpu.wait_dma2 semaphore(%arg23 : memref<!tpu.dma_semaphore, #tpu.memory_space<semaphore_mem>>) src(%dma_wait3A_473 : memref<2560xi32, #tpu.memory_space<hbm>>) dst(%dma_wait3A_472 : memref<2560xi32, #tpu.memory_space<vmem>>)
    %dma_wait3A_474 = arith.constant 0 : i32
    %dma_wait3A_475 = tpu.memref_slice %arg15[%dma_wait3A_474] : memref<2560xi32, #tpu.memory_space<vmem>> -> memref<2560xi32, #tpu.memory_space<vmem>>
    %dma_wait3A_476 = tpu.memref_slice %arg4[%mul3A_387] : memref<1600000xi32, #tpu.memory_space<hbm>> -> memref<2560xi32, #tpu.memory_space<hbm>>
    %dma_wait3A_477 = arith.constant 0 : i32
    %dma_wait3A_478 = tpu.memref_slice %arg15[%dma_wait3A_477] : memref<2560xi32, #tpu.memory_space<vmem>> -> memref<2560xi32, #tpu.memory_space<vmem>>
    %dma_wait3A_479 = tpu.memref_slice %arg4[%mul3A_387] : memref<1600000xi32, #tpu.memory_space<hbm>> -> memref<2560xi32, #tpu.memory_space<hbm>>
    tpu.wait_dma2 semaphore(%arg23 : memref<!tpu.dma_semaphore, #tpu.memory_space<semaphore_mem>>) src(%dma_wait3A_479 : memref<2560xi32, #tpu.memory_space<hbm>>) dst(%dma_wait3A_478 : memref<2560xi32, #tpu.memory_space<vmem>>)
    %dma_wait3A_480 = arith.constant 0 : i32
    %dma_wait3A_481 = tpu.memref_slice %arg16[%dma_wait3A_480] : memref<2560xf32, #tpu.memory_space<vmem>> -> memref<2560xf32, #tpu.memory_space<vmem>>
    %dma_wait3A_482 = tpu.memref_slice %arg5[%mul3A_387] : memref<1600000xf32, #tpu.memory_space<hbm>> -> memref<2560xf32, #tpu.memory_space<hbm>>
    %dma_wait3A_483 = arith.constant 0 : i32
    %dma_wait3A_484 = tpu.memref_slice %arg16[%dma_wait3A_483] : memref<2560xf32, #tpu.memory_space<vmem>> -> memref<2560xf32, #tpu.memory_space<vmem>>
    %dma_wait3A_485 = tpu.memref_slice %arg5[%mul3A_387] : memref<1600000xf32, #tpu.memory_space<hbm>> -> memref<2560xf32, #tpu.memory_space<hbm>>
    tpu.wait_dma2 semaphore(%arg23 : memref<!tpu.dma_semaphore, #tpu.memory_space<semaphore_mem>>) src(%dma_wait3A_485 : memref<2560xf32, #tpu.memory_space<hbm>>) dst(%dma_wait3A_484 : memref<2560xf32, #tpu.memory_space<vmem>>)
    %dma_wait3A_486 = arith.constant 0 : i32
    %dma_wait3A_487 = tpu.memref_slice %arg17[%dma_wait3A_486] : memref<2560xf32, #tpu.memory_space<vmem>> -> memref<2560xf32, #tpu.memory_space<vmem>>
    %dma_wait3A_488 = tpu.memref_slice %arg6[%mul3A_387] : memref<1600000xf32, #tpu.memory_space<hbm>> -> memref<2560xf32, #tpu.memory_space<hbm>>
    %dma_wait3A_489 = arith.constant 0 : i32
    %dma_wait3A_490 = tpu.memref_slice %arg17[%dma_wait3A_489] : memref<2560xf32, #tpu.memory_space<vmem>> -> memref<2560xf32, #tpu.memory_space<vmem>>
    %dma_wait3A_491 = tpu.memref_slice %arg6[%mul3A_387] : memref<1600000xf32, #tpu.memory_space<hbm>> -> memref<2560xf32, #tpu.memory_space<hbm>>
    tpu.wait_dma2 semaphore(%arg23 : memref<!tpu.dma_semaphore, #tpu.memory_space<semaphore_mem>>) src(%dma_wait3A_491 : memref<2560xf32, #tpu.memory_space<hbm>>) dst(%dma_wait3A_490 : memref<2560xf32, #tpu.memory_space<vmem>>)
    %mul3A_492 = arith.constant 128 : i32
    %mul3A_493 = arith.muli %add3A_22, %mul3A_492 : i32
    %dma_start3A_494 = arith.constant 0 : i32
    %dma_start3A_495 = tpu.memref_slice %arg10[%dma_start3A_494] : memref<2560xi32, #tpu.memory_space<vmem>> -> memref<2560xi32, #tpu.memory_space<vmem>>
    %dma_start3A_496 = tpu.memref_slice %arg3[%mul3A_493] : memref<1600000xi32, #tpu.memory_space<hbm>> -> memref<2560xi32, #tpu.memory_space<hbm>>
    %dma_start3A_497 = arith.constant 0 : i32
    %dma_start3A_498 = tpu.memref_slice %arg10[%dma_start3A_497] : memref<2560xi32, #tpu.memory_space<vmem>> -> memref<2560xi32, #tpu.memory_space<vmem>>
    %dma_start3A_499 = tpu.memref_slice %arg3[%mul3A_493] : memref<1600000xi32, #tpu.memory_space<hbm>> -> memref<2560xi32, #tpu.memory_space<hbm>>
    tpu.enqueue_dma source(%dma_start3A_499 : memref<2560xi32, #tpu.memory_space<hbm>>) target(%dma_start3A_498 : memref<2560xi32, #tpu.memory_space<vmem>>) target_semaphore(%arg22 : memref<!tpu.dma_semaphore, #tpu.memory_space<semaphore_mem>>)
    %dma_start3A_500 = arith.constant 0 : i32
    %dma_start3A_501 = tpu.memref_slice %arg11[%dma_start3A_500] : memref<2560xi32, #tpu.memory_space<vmem>> -> memref<2560xi32, #tpu.memory_space<vmem>>
    %dma_start3A_502 = tpu.memref_slice %arg4[%mul3A_493] : memref<1600000xi32, #tpu.memory_space<hbm>> -> memref<2560xi32, #tpu.memory_space<hbm>>
    %dma_start3A_503 = arith.constant 0 : i32
    %dma_start3A_504 = tpu.memref_slice %arg11[%dma_start3A_503] : memref<2560xi32, #tpu.memory_space<vmem>> -> memref<2560xi32, #tpu.memory_space<vmem>>
    %dma_start3A_505 = tpu.memref_slice %arg4[%mul3A_493] : memref<1600000xi32, #tpu.memory_space<hbm>> -> memref<2560xi32, #tpu.memory_space<hbm>>
    tpu.enqueue_dma source(%dma_start3A_505 : memref<2560xi32, #tpu.memory_space<hbm>>) target(%dma_start3A_504 : memref<2560xi32, #tpu.memory_space<vmem>>) target_semaphore(%arg22 : memref<!tpu.dma_semaphore, #tpu.memory_space<semaphore_mem>>)
    %dma_start3A_506 = arith.constant 0 : i32
    %dma_start3A_507 = tpu.memref_slice %arg12[%dma_start3A_506] : memref<2560xf32, #tpu.memory_space<vmem>> -> memref<2560xf32, #tpu.memory_space<vmem>>
    %dma_start3A_508 = tpu.memref_slice %arg5[%mul3A_493] : memref<1600000xf32, #tpu.memory_space<hbm>> -> memref<2560xf32, #tpu.memory_space<hbm>>
    %dma_start3A_509 = arith.constant 0 : i32
    %dma_start3A_510 = tpu.memref_slice %arg12[%dma_start3A_509] : memref<2560xf32, #tpu.memory_space<vmem>> -> memref<2560xf32, #tpu.memory_space<vmem>>
    %dma_start3A_511 = tpu.memref_slice %arg5[%mul3A_493] : memref<1600000xf32, #tpu.memory_space<hbm>> -> memref<2560xf32, #tpu.memory_space<hbm>>
    tpu.enqueue_dma source(%dma_start3A_511 : memref<2560xf32, #tpu.memory_space<hbm>>) target(%dma_start3A_510 : memref<2560xf32, #tpu.memory_space<vmem>>) target_semaphore(%arg22 : memref<!tpu.dma_semaphore, #tpu.memory_space<semaphore_mem>>)
    %dma_start3A_512 = arith.constant 0 : i32
    %dma_start3A_513 = tpu.memref_slice %arg13[%dma_start3A_512] : memref<2560xf32, #tpu.memory_space<vmem>> -> memref<2560xf32, #tpu.memory_space<vmem>>
    %dma_start3A_514 = tpu.memref_slice %arg6[%mul3A_493] : memref<1600000xf32, #tpu.memory_space<hbm>> -> memref<2560xf32, #tpu.memory_space<hbm>>
    %dma_start3A_515 = arith.constant 0 : i32
    %dma_start3A_516 = tpu.memref_slice %arg13[%dma_start3A_515] : memref<2560xf32, #tpu.memory_space<vmem>> -> memref<2560xf32, #tpu.memory_space<vmem>>
    %dma_start3A_517 = tpu.memref_slice %arg6[%mul3A_493] : memref<1600000xf32, #tpu.memory_space<hbm>> -> memref<2560xf32, #tpu.memory_space<hbm>>
    tpu.enqueue_dma source(%dma_start3A_517 : memref<2560xf32, #tpu.memory_space<hbm>>) target(%dma_start3A_516 : memref<2560xf32, #tpu.memory_space<vmem>>) target_semaphore(%arg22 : memref<!tpu.dma_semaphore, #tpu.memory_space<semaphore_mem>>)
    %parallel_loop3A_518 = arith.constant 0 : i32
    %parallel_loop3A_519 = arith.constant 160 : i32
    %parallel_loop3A_520 = arith.constant 1 : i32
    scf.for %parallel_loop3A_1107 = %parallel_loop3A_518 to %parallel_loop3A_519 step %parallel_loop3A_520  : i32 {
      %parallel_loop3A_1108 = arith.constant 16 : i32
      %parallel_loop3A_1109 = arith.muli %parallel_loop3A_1107, %parallel_loop3A_1108 : i32
      %parallel_loop3A_1110 = arith.index_cast %parallel_loop3A_1109 : i32 to index
      %parallel_loop3A_1111 = tpu.vector_load %arg15[%parallel_loop3A_1110] {strides = array<i32>} : memref<2560xi32, #tpu.memory_space<vmem>>, vector<16xi32>,
      %parallel_loop3A_1112 = tpu.vector_load_idx %arg8[%parallel_loop3A_1111] : memref<50000xf32, #tpu.memory_space<vmem>>[vector<16xi32>], vector<16xf32>,
      %parallel_loop3A_1113 = arith.index_cast %parallel_loop3A_1109 : i32 to index
      %parallel_loop3A_1114 = tpu.vector_load %arg17[%parallel_loop3A_1113] {strides = array<i32>} : memref<2560xf32, #tpu.memory_space<vmem>>, vector<16xf32>,
      %parallel_loop3A_1115 = arith.constant 0.529177189 : f32
      %parallel_loop3A_1116 = vector.broadcast %parallel_loop3A_1115 : f32 to vector<16xf32>
      %parallel_loop3A_1117 = arith.mulf %parallel_loop3A_1114, %parallel_loop3A_1116 : vector<16xf32>
      %parallel_loop3A_1118 = arith.index_cast %parallel_loop3A_1109 : i32 to index
      %parallel_loop3A_1119 = tpu.vector_load %arg16[%parallel_loop3A_1118] {strides = array<i32>} : memref<2560xf32, #tpu.memory_space<vmem>>, vector<16xf32>,
      %parallel_loop3A_1120 = tpu.bitcast %parallel_loop3A_1119 : vector<16xf32> -> vector<16xi32>
      %parallel_loop3A_1121 = arith.constant 2129859011 : i32
      %parallel_loop3A_1122 = vector.broadcast %parallel_loop3A_1121 : i32 to vector<16xi32>
      %parallel_loop3A_1123 = arith.subi %parallel_loop3A_1122, %parallel_loop3A_1120 : vector<16xi32>
      %parallel_loop3A_1124 = tpu.bitcast %parallel_loop3A_1123 : vector<16xi32> -> vector<16xf32>
      %parallel_loop3A_1125 = arith.mulf %parallel_loop3A_1119, %parallel_loop3A_1124 : vector<16xf32>
      %parallel_loop3A_1126 = arith.constant 2.000000e+00 : f32
      %parallel_loop3A_1127 = vector.broadcast %parallel_loop3A_1126 : f32 to vector<16xf32>
      %parallel_loop3A_1128 = arith.subf %parallel_loop3A_1127, %parallel_loop3A_1125 : vector<16xf32>
      %parallel_loop3A_1129 = arith.mulf %parallel_loop3A_1124, %parallel_loop3A_1128 : vector<16xf32>
      %parallel_loop3A_1130 = arith.mulf %parallel_loop3A_1119, %parallel_loop3A_1129 : vector<16xf32>
      %parallel_loop3A_1131 = arith.constant 2.000000e+00 : f32
      %parallel_loop3A_1132 = vector.broadcast %parallel_loop3A_1131 : f32 to vector<16xf32>
      %parallel_loop3A_1133 = arith.subf %parallel_loop3A_1132, %parallel_loop3A_1130 : vector<16xf32>
      %parallel_loop3A_1134 = arith.mulf %parallel_loop3A_1129, %parallel_loop3A_1133 : vector<16xf32>
      %parallel_loop3A_1135 = arith.mulf %parallel_loop3A_1117, %parallel_loop3A_1134 : vector<16xf32>
      %parallel_loop3A_1136 = arith.index_cast %parallel_loop3A_1109 : i32 to index
      %parallel_loop3A_1137 = tpu.vector_load %arg14[%parallel_loop3A_1136] {strides = array<i32>} : memref<2560xi32, #tpu.memory_space<vmem>>, vector<16xi32>,
      %parallel_loop3A_1138 = arith.mulf %parallel_loop3A_1135, %parallel_loop3A_1112 : vector<16xf32>
      tpu.vector_store_idx %arg9[%parallel_loop3A_1137], %parallel_loop3A_1138 {add = true} : memref<50176xf32, #tpu.memory_space<vmem>>[vector<16xi32>], vector<16xf32>,
    } {sc.loop_unroll_factor = 4 : i64, sc.parallel_access}
    %dma_wait3A_521 = arith.constant 0 : i32
    %dma_wait3A_522 = tpu.memref_slice %arg18[%dma_wait3A_521] : memref<2560xi32, #tpu.memory_space<vmem>> -> memref<2560xi32, #tpu.memory_space<vmem>>
    %dma_wait3A_523 = tpu.memref_slice %arg3[%mul3A_440] : memref<1600000xi32, #tpu.memory_space<hbm>> -> memref<2560xi32, #tpu.memory_space<hbm>>
    %dma_wait3A_524 = arith.constant 0 : i32
    %dma_wait3A_525 = tpu.memref_slice %arg18[%dma_wait3A_524] : memref<2560xi32, #tpu.memory_space<vmem>> -> memref<2560xi32, #tpu.memory_space<vmem>>
    %dma_wait3A_526 = tpu.memref_slice %arg3[%mul3A_440] : memref<1600000xi32, #tpu.memory_space<hbm>> -> memref<2560xi32, #tpu.memory_space<hbm>>
    tpu.wait_dma2 semaphore(%arg24 : memref<!tpu.dma_semaphore, #tpu.memory_space<semaphore_mem>>) src(%dma_wait3A_526 : memref<2560xi32, #tpu.memory_space<hbm>>) dst(%dma_wait3A_525 : memref<2560xi32, #tpu.memory_space<vmem>>)
    %dma_wait3A_527 = arith.constant 0 : i32
    %dma_wait3A_528 = tpu.memref_slice %arg19[%dma_wait3A_527] : memref<2560xi32, #tpu.memory_space<vmem>> -> memref<2560xi32, #tpu.memory_space<vmem>>
    %dma_wait3A_529 = tpu.memref_slice %arg4[%mul3A_440] : memref<1600000xi32, #tpu.memory_space<hbm>> -> memref<2560xi32, #tpu.memory_space<hbm>>
    %dma_wait3A_530 = arith.constant 0 : i32
    %dma_wait3A_531 = tpu.memref_slice %arg19[%dma_wait3A_530] : memref<2560xi32, #tpu.memory_space<vmem>> -> memref<2560xi32, #tpu.memory_space<vmem>>
    %dma_wait3A_532 = tpu.memref_slice %arg4[%mul3A_440] : memref<1600000xi32, #tpu.memory_space<hbm>> -> memref<2560xi32, #tpu.memory_space<hbm>>
    tpu.wait_dma2 semaphore(%arg24 : memref<!tpu.dma_semaphore, #tpu.memory_space<semaphore_mem>>) src(%dma_wait3A_532 : memref<2560xi32, #tpu.memory_space<hbm>>) dst(%dma_wait3A_531 : memref<2560xi32, #tpu.memory_space<vmem>>)
    %dma_wait3A_533 = arith.constant 0 : i32
    %dma_wait3A_534 = tpu.memref_slice %arg20[%dma_wait3A_533] : memref<2560xf32, #tpu.memory_space<vmem>> -> memref<2560xf32, #tpu.memory_space<vmem>>
    %dma_wait3A_535 = tpu.memref_slice %arg5[%mul3A_440] : memref<1600000xf32, #tpu.memory_space<hbm>> -> memref<2560xf32, #tpu.memory_space<hbm>>
    %dma_wait3A_536 = arith.constant 0 : i32
    %dma_wait3A_537 = tpu.memref_slice %arg20[%dma_wait3A_536] : memref<2560xf32, #tpu.memory_space<vmem>> -> memref<2560xf32, #tpu.memory_space<vmem>>
    %dma_wait3A_538 = tpu.memref_slice %arg5[%mul3A_440] : memref<1600000xf32, #tpu.memory_space<hbm>> -> memref<2560xf32, #tpu.memory_space<hbm>>
    tpu.wait_dma2 semaphore(%arg24 : memref<!tpu.dma_semaphore, #tpu.memory_space<semaphore_mem>>) src(%dma_wait3A_538 : memref<2560xf32, #tpu.memory_space<hbm>>) dst(%dma_wait3A_537 : memref<2560xf32, #tpu.memory_space<vmem>>)
    %dma_wait3A_539 = arith.constant 0 : i32
    %dma_wait3A_540 = tpu.memref_slice %arg21[%dma_wait3A_539] : memref<2560xf32, #tpu.memory_space<vmem>> -> memref<2560xf32, #tpu.memory_space<vmem>>
    %dma_wait3A_541 = tpu.memref_slice %arg6[%mul3A_440] : memref<1600000xf32, #tpu.memory_space<hbm>> -> memref<2560xf32, #tpu.memory_space<hbm>>
    %dma_wait3A_542 = arith.constant 0 : i32
    %dma_wait3A_543 = tpu.memref_slice %arg21[%dma_wait3A_542] : memref<2560xf32, #tpu.memory_space<vmem>> -> memref<2560xf32, #tpu.memory_space<vmem>>
    %dma_wait3A_544 = tpu.memref_slice %arg6[%mul3A_440] : memref<1600000xf32, #tpu.memory_space<hbm>> -> memref<2560xf32, #tpu.memory_space<hbm>>
    tpu.wait_dma2 semaphore(%arg24 : memref<!tpu.dma_semaphore, #tpu.memory_space<semaphore_mem>>) src(%dma_wait3A_544 : memref<2560xf32, #tpu.memory_space<hbm>>) dst(%dma_wait3A_543 : memref<2560xf32, #tpu.memory_space<vmem>>)
    %mul3A_545 = arith.constant 128 : i32
    %mul3A_546 = arith.muli %add3A_24, %mul3A_545 : i32
    %dma_start3A_547 = arith.constant 0 : i32
    %dma_start3A_548 = tpu.memref_slice %arg14[%dma_start3A_547] : memref<2560xi32, #tpu.memory_space<vmem>> -> memref<2560xi32, #tpu.memory_space<vmem>>
    %dma_start3A_549 = tpu.memref_slice %arg3[%mul3A_546] : memref<1600000xi32, #tpu.memory_space<hbm>> -> memref<2560xi32, #tpu.memory_space<hbm>>
    %dma_start3A_550 = arith.constant 0 : i32
    %dma_start3A_551 = tpu.memref_slice %arg14[%dma_start3A_550] : memref<2560xi32, #tpu.memory_space<vmem>> -> memref<2560xi32, #tpu.memory_space<vmem>>
    %dma_start3A_552 = tpu.memref_slice %arg3[%mul3A_546] : memref<1600000xi32, #tpu.memory_space<hbm>> -> memref<2560xi32, #tpu.memory_space<hbm>>
    tpu.enqueue_dma source(%dma_start3A_552 : memref<2560xi32, #tpu.memory_space<hbm>>) target(%dma_start3A_551 : memref<2560xi32, #tpu.memory_space<vmem>>) target_semaphore(%arg23 : memref<!tpu.dma_semaphore, #tpu.memory_space<semaphore_mem>>)
    %dma_start3A_553 = arith.constant 0 : i32
    %dma_start3A_554 = tpu.memref_slice %arg15[%dma_start3A_553] : memref<2560xi32, #tpu.memory_space<vmem>> -> memref<2560xi32, #tpu.memory_space<vmem>>
    %dma_start3A_555 = tpu.memref_slice %arg4[%mul3A_546] : memref<1600000xi32, #tpu.memory_space<hbm>> -> memref<2560xi32, #tpu.memory_space<hbm>>
    %dma_start3A_556 = arith.constant 0 : i32
    %dma_start3A_557 = tpu.memref_slice %arg15[%dma_start3A_556] : memref<2560xi32, #tpu.memory_space<vmem>> -> memref<2560xi32, #tpu.memory_space<vmem>>
    %dma_start3A_558 = tpu.memref_slice %arg4[%mul3A_546] : memref<1600000xi32, #tpu.memory_space<hbm>> -> memref<2560xi32, #tpu.memory_space<hbm>>
    tpu.enqueue_dma source(%dma_start3A_558 : memref<2560xi32, #tpu.memory_space<hbm>>) target(%dma_start3A_557 : memref<2560xi32, #tpu.memory_space<vmem>>) target_semaphore(%arg23 : memref<!tpu.dma_semaphore, #tpu.memory_space<semaphore_mem>>)
    %dma_start3A_559 = arith.constant 0 : i32
    %dma_start3A_560 = tpu.memref_slice %arg16[%dma_start3A_559] : memref<2560xf32, #tpu.memory_space<vmem>> -> memref<2560xf32, #tpu.memory_space<vmem>>
    %dma_start3A_561 = tpu.memref_slice %arg5[%mul3A_546] : memref<1600000xf32, #tpu.memory_space<hbm>> -> memref<2560xf32, #tpu.memory_space<hbm>>
    %dma_start3A_562 = arith.constant 0 : i32
    %dma_start3A_563 = tpu.memref_slice %arg16[%dma_start3A_562] : memref<2560xf32, #tpu.memory_space<vmem>> -> memref<2560xf32, #tpu.memory_space<vmem>>
    %dma_start3A_564 = tpu.memref_slice %arg5[%mul3A_546] : memref<1600000xf32, #tpu.memory_space<hbm>> -> memref<2560xf32, #tpu.memory_space<hbm>>
    tpu.enqueue_dma source(%dma_start3A_564 : memref<2560xf32, #tpu.memory_space<hbm>>) target(%dma_start3A_563 : memref<2560xf32, #tpu.memory_space<vmem>>) target_semaphore(%arg23 : memref<!tpu.dma_semaphore, #tpu.memory_space<semaphore_mem>>)
    %dma_start3A_565 = arith.constant 0 : i32
    %dma_start3A_566 = tpu.memref_slice %arg17[%dma_start3A_565] : memref<2560xf32, #tpu.memory_space<vmem>> -> memref<2560xf32, #tpu.memory_space<vmem>>
    %dma_start3A_567 = tpu.memref_slice %arg6[%mul3A_546] : memref<1600000xf32, #tpu.memory_space<hbm>> -> memref<2560xf32, #tpu.memory_space<hbm>>
    %dma_start3A_568 = arith.constant 0 : i32
    %dma_start3A_569 = tpu.memref_slice %arg17[%dma_start3A_568] : memref<2560xf32, #tpu.memory_space<vmem>> -> memref<2560xf32, #tpu.memory_space<vmem>>
    %dma_start3A_570 = tpu.memref_slice %arg6[%mul3A_546] : memref<1600000xf32, #tpu.memory_space<hbm>> -> memref<2560xf32, #tpu.memory_space<hbm>>
    tpu.enqueue_dma source(%dma_start3A_570 : memref<2560xf32, #tpu.memory_space<hbm>>) target(%dma_start3A_569 : memref<2560xf32, #tpu.memory_space<vmem>>) target_semaphore(%arg23 : memref<!tpu.dma_semaphore, #tpu.memory_space<semaphore_mem>>)
    %parallel_loop3A_571 = arith.constant 0 : i32
    %parallel_loop3A_572 = arith.constant 160 : i32
    %parallel_loop3A_573 = arith.constant 1 : i32
    scf.for %parallel_loop3A_1107 = %parallel_loop3A_571 to %parallel_loop3A_572 step %parallel_loop3A_573  : i32 {
      %parallel_loop3A_1108 = arith.constant 16 : i32
      %parallel_loop3A_1109 = arith.muli %parallel_loop3A_1107, %parallel_loop3A_1108 : i32
      %parallel_loop3A_1110 = arith.index_cast %parallel_loop3A_1109 : i32 to index
      %parallel_loop3A_1111 = tpu.vector_load %arg19[%parallel_loop3A_1110] {strides = array<i32>} : memref<2560xi32, #tpu.memory_space<vmem>>, vector<16xi32>,
      %parallel_loop3A_1112 = tpu.vector_load_idx %arg8[%parallel_loop3A_1111] : memref<50000xf32, #tpu.memory_space<vmem>>[vector<16xi32>], vector<16xf32>,
      %parallel_loop3A_1113 = arith.index_cast %parallel_loop3A_1109 : i32 to index
      %parallel_loop3A_1114 = tpu.vector_load %arg21[%parallel_loop3A_1113] {strides = array<i32>} : memref<2560xf32, #tpu.memory_space<vmem>>, vector<16xf32>,
      %parallel_loop3A_1115 = arith.constant 0.529177189 : f32
      %parallel_loop3A_1116 = vector.broadcast %parallel_loop3A_1115 : f32 to vector<16xf32>
      %parallel_loop3A_1117 = arith.mulf %parallel_loop3A_1114, %parallel_loop3A_1116 : vector<16xf32>
      %parallel_loop3A_1118 = arith.index_cast %parallel_loop3A_1109 : i32 to index
      %parallel_loop3A_1119 = tpu.vector_load %arg20[%parallel_loop3A_1118] {strides = array<i32>} : memref<2560xf32, #tpu.memory_space<vmem>>, vector<16xf32>,
      %parallel_loop3A_1120 = tpu.bitcast %parallel_loop3A_1119 : vector<16xf32> -> vector<16xi32>
      %parallel_loop3A_1121 = arith.constant 2129859011 : i32
      %parallel_loop3A_1122 = vector.broadcast %parallel_loop3A_1121 : i32 to vector<16xi32>
      %parallel_loop3A_1123 = arith.subi %parallel_loop3A_1122, %parallel_loop3A_1120 : vector<16xi32>
      %parallel_loop3A_1124 = tpu.bitcast %parallel_loop3A_1123 : vector<16xi32> -> vector<16xf32>
      %parallel_loop3A_1125 = arith.mulf %parallel_loop3A_1119, %parallel_loop3A_1124 : vector<16xf32>
      %parallel_loop3A_1126 = arith.constant 2.000000e+00 : f32
      %parallel_loop3A_1127 = vector.broadcast %parallel_loop3A_1126 : f32 to vector<16xf32>
      %parallel_loop3A_1128 = arith.subf %parallel_loop3A_1127, %parallel_loop3A_1125 : vector<16xf32>
      %parallel_loop3A_1129 = arith.mulf %parallel_loop3A_1124, %parallel_loop3A_1128 : vector<16xf32>
      %parallel_loop3A_1130 = arith.mulf %parallel_loop3A_1119, %parallel_loop3A_1129 : vector<16xf32>
      %parallel_loop3A_1131 = arith.constant 2.000000e+00 : f32
      %parallel_loop3A_1132 = vector.broadcast %parallel_loop3A_1131 : f32 to vector<16xf32>
      %parallel_loop3A_1133 = arith.subf %parallel_loop3A_1132, %parallel_loop3A_1130 : vector<16xf32>
      %parallel_loop3A_1134 = arith.mulf %parallel_loop3A_1129, %parallel_loop3A_1133 : vector<16xf32>
      %parallel_loop3A_1135 = arith.mulf %parallel_loop3A_1117, %parallel_loop3A_1134 : vector<16xf32>
      %parallel_loop3A_1136 = arith.index_cast %parallel_loop3A_1109 : i32 to index
      %parallel_loop3A_1137 = tpu.vector_load %arg18[%parallel_loop3A_1136] {strides = array<i32>} : memref<2560xi32, #tpu.memory_space<vmem>>, vector<16xi32>,
      %parallel_loop3A_1138 = arith.mulf %parallel_loop3A_1135, %parallel_loop3A_1112 : vector<16xf32>
      tpu.vector_store_idx %arg9[%parallel_loop3A_1137], %parallel_loop3A_1138 {add = true} : memref<50176xf32, #tpu.memory_space<vmem>>[vector<16xi32>], vector<16xf32>,
    } {sc.loop_unroll_factor = 4 : i64, sc.parallel_access}
    %dma_wait3A_574 = arith.constant 0 : i32
    %dma_wait3A_575 = tpu.memref_slice %arg10[%dma_wait3A_574] : memref<2560xi32, #tpu.memory_space<vmem>> -> memref<2560xi32, #tpu.memory_space<vmem>>
    %dma_wait3A_576 = tpu.memref_slice %arg3[%mul3A_493] : memref<1600000xi32, #tpu.memory_space<hbm>> -> memref<2560xi32, #tpu.memory_space<hbm>>
    %dma_wait3A_577 = arith.constant 0 : i32
    %dma_wait3A_578 = tpu.memref_slice %arg10[%dma_wait3A_577] : memref<2560xi32, #tpu.memory_space<vmem>> -> memref<2560xi32, #tpu.memory_space<vmem>>
    %dma_wait3A_579 = tpu.memref_slice %arg3[%mul3A_493] : memref<1600000xi32, #tpu.memory_space<hbm>> -> memref<2560xi32, #tpu.memory_space<hbm>>
    tpu.wait_dma2 semaphore(%arg22 : memref<!tpu.dma_semaphore, #tpu.memory_space<semaphore_mem>>) src(%dma_wait3A_579 : memref<2560xi32, #tpu.memory_space<hbm>>) dst(%dma_wait3A_578 : memref<2560xi32, #tpu.memory_space<vmem>>)
    %dma_wait3A_580 = arith.constant 0 : i32
    %dma_wait3A_581 = tpu.memref_slice %arg11[%dma_wait3A_580] : memref<2560xi32, #tpu.memory_space<vmem>> -> memref<2560xi32, #tpu.memory_space<vmem>>
    %dma_wait3A_582 = tpu.memref_slice %arg4[%mul3A_493] : memref<1600000xi32, #tpu.memory_space<hbm>> -> memref<2560xi32, #tpu.memory_space<hbm>>
    %dma_wait3A_583 = arith.constant 0 : i32
    %dma_wait3A_584 = tpu.memref_slice %arg11[%dma_wait3A_583] : memref<2560xi32, #tpu.memory_space<vmem>> -> memref<2560xi32, #tpu.memory_space<vmem>>
    %dma_wait3A_585 = tpu.memref_slice %arg4[%mul3A_493] : memref<1600000xi32, #tpu.memory_space<hbm>> -> memref<2560xi32, #tpu.memory_space<hbm>>
    tpu.wait_dma2 semaphore(%arg22 : memref<!tpu.dma_semaphore, #tpu.memory_space<semaphore_mem>>) src(%dma_wait3A_585 : memref<2560xi32, #tpu.memory_space<hbm>>) dst(%dma_wait3A_584 : memref<2560xi32, #tpu.memory_space<vmem>>)
    %dma_wait3A_586 = arith.constant 0 : i32
    %dma_wait3A_587 = tpu.memref_slice %arg12[%dma_wait3A_586] : memref<2560xf32, #tpu.memory_space<vmem>> -> memref<2560xf32, #tpu.memory_space<vmem>>
    %dma_wait3A_588 = tpu.memref_slice %arg5[%mul3A_493] : memref<1600000xf32, #tpu.memory_space<hbm>> -> memref<2560xf32, #tpu.memory_space<hbm>>
    %dma_wait3A_589 = arith.constant 0 : i32
    %dma_wait3A_590 = tpu.memref_slice %arg12[%dma_wait3A_589] : memref<2560xf32, #tpu.memory_space<vmem>> -> memref<2560xf32, #tpu.memory_space<vmem>>
    %dma_wait3A_591 = tpu.memref_slice %arg5[%mul3A_493] : memref<1600000xf32, #tpu.memory_space<hbm>> -> memref<2560xf32, #tpu.memory_space<hbm>>
    tpu.wait_dma2 semaphore(%arg22 : memref<!tpu.dma_semaphore, #tpu.memory_space<semaphore_mem>>) src(%dma_wait3A_591 : memref<2560xf32, #tpu.memory_space<hbm>>) dst(%dma_wait3A_590 : memref<2560xf32, #tpu.memory_space<vmem>>)
    %dma_wait3A_592 = arith.constant 0 : i32
    %dma_wait3A_593 = tpu.memref_slice %arg13[%dma_wait3A_592] : memref<2560xf32, #tpu.memory_space<vmem>> -> memref<2560xf32, #tpu.memory_space<vmem>>
    %dma_wait3A_594 = tpu.memref_slice %arg6[%mul3A_493] : memref<1600000xf32, #tpu.memory_space<hbm>> -> memref<2560xf32, #tpu.memory_space<hbm>>
    %dma_wait3A_595 = arith.constant 0 : i32
    %dma_wait3A_596 = tpu.memref_slice %arg13[%dma_wait3A_595] : memref<2560xf32, #tpu.memory_space<vmem>> -> memref<2560xf32, #tpu.memory_space<vmem>>
    %dma_wait3A_597 = tpu.memref_slice %arg6[%mul3A_493] : memref<1600000xf32, #tpu.memory_space<hbm>> -> memref<2560xf32, #tpu.memory_space<hbm>>
    tpu.wait_dma2 semaphore(%arg22 : memref<!tpu.dma_semaphore, #tpu.memory_space<semaphore_mem>>) src(%dma_wait3A_597 : memref<2560xf32, #tpu.memory_space<hbm>>) dst(%dma_wait3A_596 : memref<2560xf32, #tpu.memory_space<vmem>>)
    %mul3A_598 = arith.constant 128 : i32
    %mul3A_599 = arith.muli %add3A_26, %mul3A_598 : i32
    %dma_start3A_600 = arith.constant 0 : i32
    %dma_start3A_601 = tpu.memref_slice %arg18[%dma_start3A_600] : memref<2560xi32, #tpu.memory_space<vmem>> -> memref<2560xi32, #tpu.memory_space<vmem>>
    %dma_start3A_602 = tpu.memref_slice %arg3[%mul3A_599] : memref<1600000xi32, #tpu.memory_space<hbm>> -> memref<2560xi32, #tpu.memory_space<hbm>>
    %dma_start3A_603 = arith.constant 0 : i32
    %dma_start3A_604 = tpu.memref_slice %arg18[%dma_start3A_603] : memref<2560xi32, #tpu.memory_space<vmem>> -> memref<2560xi32, #tpu.memory_space<vmem>>
    %dma_start3A_605 = tpu.memref_slice %arg3[%mul3A_599] : memref<1600000xi32, #tpu.memory_space<hbm>> -> memref<2560xi32, #tpu.memory_space<hbm>>
    tpu.enqueue_dma source(%dma_start3A_605 : memref<2560xi32, #tpu.memory_space<hbm>>) target(%dma_start3A_604 : memref<2560xi32, #tpu.memory_space<vmem>>) target_semaphore(%arg24 : memref<!tpu.dma_semaphore, #tpu.memory_space<semaphore_mem>>)
    %dma_start3A_606 = arith.constant 0 : i32
    %dma_start3A_607 = tpu.memref_slice %arg19[%dma_start3A_606] : memref<2560xi32, #tpu.memory_space<vmem>> -> memref<2560xi32, #tpu.memory_space<vmem>>
    %dma_start3A_608 = tpu.memref_slice %arg4[%mul3A_599] : memref<1600000xi32, #tpu.memory_space<hbm>> -> memref<2560xi32, #tpu.memory_space<hbm>>
    %dma_start3A_609 = arith.constant 0 : i32
    %dma_start3A_610 = tpu.memref_slice %arg19[%dma_start3A_609] : memref<2560xi32, #tpu.memory_space<vmem>> -> memref<2560xi32, #tpu.memory_space<vmem>>
    %dma_start3A_611 = tpu.memref_slice %arg4[%mul3A_599] : memref<1600000xi32, #tpu.memory_space<hbm>> -> memref<2560xi32, #tpu.memory_space<hbm>>
    tpu.enqueue_dma source(%dma_start3A_611 : memref<2560xi32, #tpu.memory_space<hbm>>) target(%dma_start3A_610 : memref<2560xi32, #tpu.memory_space<vmem>>) target_semaphore(%arg24 : memref<!tpu.dma_semaphore, #tpu.memory_space<semaphore_mem>>)
    %dma_start3A_612 = arith.constant 0 : i32
    %dma_start3A_613 = tpu.memref_slice %arg20[%dma_start3A_612] : memref<2560xf32, #tpu.memory_space<vmem>> -> memref<2560xf32, #tpu.memory_space<vmem>>
    %dma_start3A_614 = tpu.memref_slice %arg5[%mul3A_599] : memref<1600000xf32, #tpu.memory_space<hbm>> -> memref<2560xf32, #tpu.memory_space<hbm>>
    %dma_start3A_615 = arith.constant 0 : i32
    %dma_start3A_616 = tpu.memref_slice %arg20[%dma_start3A_615] : memref<2560xf32, #tpu.memory_space<vmem>> -> memref<2560xf32, #tpu.memory_space<vmem>>
    %dma_start3A_617 = tpu.memref_slice %arg5[%mul3A_599] : memref<1600000xf32, #tpu.memory_space<hbm>> -> memref<2560xf32, #tpu.memory_space<hbm>>
    tpu.enqueue_dma source(%dma_start3A_617 : memref<2560xf32, #tpu.memory_space<hbm>>) target(%dma_start3A_616 : memref<2560xf32, #tpu.memory_space<vmem>>) target_semaphore(%arg24 : memref<!tpu.dma_semaphore, #tpu.memory_space<semaphore_mem>>)
    %dma_start3A_618 = arith.constant 0 : i32
    %dma_start3A_619 = tpu.memref_slice %arg21[%dma_start3A_618] : memref<2560xf32, #tpu.memory_space<vmem>> -> memref<2560xf32, #tpu.memory_space<vmem>>
    %dma_start3A_620 = tpu.memref_slice %arg6[%mul3A_599] : memref<1600000xf32, #tpu.memory_space<hbm>> -> memref<2560xf32, #tpu.memory_space<hbm>>
    %dma_start3A_621 = arith.constant 0 : i32
    %dma_start3A_622 = tpu.memref_slice %arg21[%dma_start3A_621] : memref<2560xf32, #tpu.memory_space<vmem>> -> memref<2560xf32, #tpu.memory_space<vmem>>
    %dma_start3A_623 = tpu.memref_slice %arg6[%mul3A_599] : memref<1600000xf32, #tpu.memory_space<hbm>> -> memref<2560xf32, #tpu.memory_space<hbm>>
    tpu.enqueue_dma source(%dma_start3A_623 : memref<2560xf32, #tpu.memory_space<hbm>>) target(%dma_start3A_622 : memref<2560xf32, #tpu.memory_space<vmem>>) target_semaphore(%arg24 : memref<!tpu.dma_semaphore, #tpu.memory_space<semaphore_mem>>)
    %parallel_loop3A_624 = arith.constant 0 : i32
    %parallel_loop3A_625 = arith.constant 160 : i32
    %parallel_loop3A_626 = arith.constant 1 : i32
    scf.for %parallel_loop3A_1107 = %parallel_loop3A_624 to %parallel_loop3A_625 step %parallel_loop3A_626  : i32 {
      %parallel_loop3A_1108 = arith.constant 16 : i32
      %parallel_loop3A_1109 = arith.muli %parallel_loop3A_1107, %parallel_loop3A_1108 : i32
      %parallel_loop3A_1110 = arith.index_cast %parallel_loop3A_1109 : i32 to index
      %parallel_loop3A_1111 = tpu.vector_load %arg11[%parallel_loop3A_1110] {strides = array<i32>} : memref<2560xi32, #tpu.memory_space<vmem>>, vector<16xi32>,
      %parallel_loop3A_1112 = tpu.vector_load_idx %arg8[%parallel_loop3A_1111] : memref<50000xf32, #tpu.memory_space<vmem>>[vector<16xi32>], vector<16xf32>,
      %parallel_loop3A_1113 = arith.index_cast %parallel_loop3A_1109 : i32 to index
      %parallel_loop3A_1114 = tpu.vector_load %arg13[%parallel_loop3A_1113] {strides = array<i32>} : memref<2560xf32, #tpu.memory_space<vmem>>, vector<16xf32>,
      %parallel_loop3A_1115 = arith.constant 0.529177189 : f32
      %parallel_loop3A_1116 = vector.broadcast %parallel_loop3A_1115 : f32 to vector<16xf32>
      %parallel_loop3A_1117 = arith.mulf %parallel_loop3A_1114, %parallel_loop3A_1116 : vector<16xf32>
      %parallel_loop3A_1118 = arith.index_cast %parallel_loop3A_1109 : i32 to index
      %parallel_loop3A_1119 = tpu.vector_load %arg12[%parallel_loop3A_1118] {strides = array<i32>} : memref<2560xf32, #tpu.memory_space<vmem>>, vector<16xf32>,
      %parallel_loop3A_1120 = tpu.bitcast %parallel_loop3A_1119 : vector<16xf32> -> vector<16xi32>
      %parallel_loop3A_1121 = arith.constant 2129859011 : i32
      %parallel_loop3A_1122 = vector.broadcast %parallel_loop3A_1121 : i32 to vector<16xi32>
      %parallel_loop3A_1123 = arith.subi %parallel_loop3A_1122, %parallel_loop3A_1120 : vector<16xi32>
      %parallel_loop3A_1124 = tpu.bitcast %parallel_loop3A_1123 : vector<16xi32> -> vector<16xf32>
      %parallel_loop3A_1125 = arith.mulf %parallel_loop3A_1119, %parallel_loop3A_1124 : vector<16xf32>
      %parallel_loop3A_1126 = arith.constant 2.000000e+00 : f32
      %parallel_loop3A_1127 = vector.broadcast %parallel_loop3A_1126 : f32 to vector<16xf32>
      %parallel_loop3A_1128 = arith.subf %parallel_loop3A_1127, %parallel_loop3A_1125 : vector<16xf32>
      %parallel_loop3A_1129 = arith.mulf %parallel_loop3A_1124, %parallel_loop3A_1128 : vector<16xf32>
      %parallel_loop3A_1130 = arith.mulf %parallel_loop3A_1119, %parallel_loop3A_1129 : vector<16xf32>
      %parallel_loop3A_1131 = arith.constant 2.000000e+00 : f32
      %parallel_loop3A_1132 = vector.broadcast %parallel_loop3A_1131 : f32 to vector<16xf32>
      %parallel_loop3A_1133 = arith.subf %parallel_loop3A_1132, %parallel_loop3A_1130 : vector<16xf32>
      %parallel_loop3A_1134 = arith.mulf %parallel_loop3A_1129, %parallel_loop3A_1133 : vector<16xf32>
      %parallel_loop3A_1135 = arith.mulf %parallel_loop3A_1117, %parallel_loop3A_1134 : vector<16xf32>
      %parallel_loop3A_1136 = arith.index_cast %parallel_loop3A_1109 : i32 to index
      %parallel_loop3A_1137 = tpu.vector_load %arg10[%parallel_loop3A_1136] {strides = array<i32>} : memref<2560xi32, #tpu.memory_space<vmem>>, vector<16xi32>,
      %parallel_loop3A_1138 = arith.mulf %parallel_loop3A_1135, %parallel_loop3A_1112 : vector<16xf32>
      tpu.vector_store_idx %arg9[%parallel_loop3A_1137], %parallel_loop3A_1138 {add = true} : memref<50176xf32, #tpu.memory_space<vmem>>[vector<16xi32>], vector<16xf32>,
    } {sc.loop_unroll_factor = 4 : i64, sc.parallel_access}
    %dma_wait3A_627 = arith.constant 0 : i32
    %dma_wait3A_628 = tpu.memref_slice %arg14[%dma_wait3A_627] : memref<2560xi32, #tpu.memory_space<vmem>> -> memref<2560xi32, #tpu.memory_space<vmem>>
    %dma_wait3A_629 = tpu.memref_slice %arg3[%mul3A_546] : memref<1600000xi32, #tpu.memory_space<hbm>> -> memref<2560xi32, #tpu.memory_space<hbm>>
    %dma_wait3A_630 = arith.constant 0 : i32
    %dma_wait3A_631 = tpu.memref_slice %arg14[%dma_wait3A_630] : memref<2560xi32, #tpu.memory_space<vmem>> -> memref<2560xi32, #tpu.memory_space<vmem>>
    %dma_wait3A_632 = tpu.memref_slice %arg3[%mul3A_546] : memref<1600000xi32, #tpu.memory_space<hbm>> -> memref<2560xi32, #tpu.memory_space<hbm>>
    tpu.wait_dma2 semaphore(%arg23 : memref<!tpu.dma_semaphore, #tpu.memory_space<semaphore_mem>>) src(%dma_wait3A_632 : memref<2560xi32, #tpu.memory_space<hbm>>) dst(%dma_wait3A_631 : memref<2560xi32, #tpu.memory_space<vmem>>)
    %dma_wait3A_633 = arith.constant 0 : i32
    %dma_wait3A_634 = tpu.memref_slice %arg15[%dma_wait3A_633] : memref<2560xi32, #tpu.memory_space<vmem>> -> memref<2560xi32, #tpu.memory_space<vmem>>
    %dma_wait3A_635 = tpu.memref_slice %arg4[%mul3A_546] : memref<1600000xi32, #tpu.memory_space<hbm>> -> memref<2560xi32, #tpu.memory_space<hbm>>
    %dma_wait3A_636 = arith.constant 0 : i32
    %dma_wait3A_637 = tpu.memref_slice %arg15[%dma_wait3A_636] : memref<2560xi32, #tpu.memory_space<vmem>> -> memref<2560xi32, #tpu.memory_space<vmem>>
    %dma_wait3A_638 = tpu.memref_slice %arg4[%mul3A_546] : memref<1600000xi32, #tpu.memory_space<hbm>> -> memref<2560xi32, #tpu.memory_space<hbm>>
    tpu.wait_dma2 semaphore(%arg23 : memref<!tpu.dma_semaphore, #tpu.memory_space<semaphore_mem>>) src(%dma_wait3A_638 : memref<2560xi32, #tpu.memory_space<hbm>>) dst(%dma_wait3A_637 : memref<2560xi32, #tpu.memory_space<vmem>>)
    %dma_wait3A_639 = arith.constant 0 : i32
    %dma_wait3A_640 = tpu.memref_slice %arg16[%dma_wait3A_639] : memref<2560xf32, #tpu.memory_space<vmem>> -> memref<2560xf32, #tpu.memory_space<vmem>>
    %dma_wait3A_641 = tpu.memref_slice %arg5[%mul3A_546] : memref<1600000xf32, #tpu.memory_space<hbm>> -> memref<2560xf32, #tpu.memory_space<hbm>>
    %dma_wait3A_642 = arith.constant 0 : i32
    %dma_wait3A_643 = tpu.memref_slice %arg16[%dma_wait3A_642] : memref<2560xf32, #tpu.memory_space<vmem>> -> memref<2560xf32, #tpu.memory_space<vmem>>
    %dma_wait3A_644 = tpu.memref_slice %arg5[%mul3A_546] : memref<1600000xf32, #tpu.memory_space<hbm>> -> memref<2560xf32, #tpu.memory_space<hbm>>
    tpu.wait_dma2 semaphore(%arg23 : memref<!tpu.dma_semaphore, #tpu.memory_space<semaphore_mem>>) src(%dma_wait3A_644 : memref<2560xf32, #tpu.memory_space<hbm>>) dst(%dma_wait3A_643 : memref<2560xf32, #tpu.memory_space<vmem>>)
    %dma_wait3A_645 = arith.constant 0 : i32
    %dma_wait3A_646 = tpu.memref_slice %arg17[%dma_wait3A_645] : memref<2560xf32, #tpu.memory_space<vmem>> -> memref<2560xf32, #tpu.memory_space<vmem>>
    %dma_wait3A_647 = tpu.memref_slice %arg6[%mul3A_546] : memref<1600000xf32, #tpu.memory_space<hbm>> -> memref<2560xf32, #tpu.memory_space<hbm>>
    %dma_wait3A_648 = arith.constant 0 : i32
    %dma_wait3A_649 = tpu.memref_slice %arg17[%dma_wait3A_648] : memref<2560xf32, #tpu.memory_space<vmem>> -> memref<2560xf32, #tpu.memory_space<vmem>>
    %dma_wait3A_650 = tpu.memref_slice %arg6[%mul3A_546] : memref<1600000xf32, #tpu.memory_space<hbm>> -> memref<2560xf32, #tpu.memory_space<hbm>>
    tpu.wait_dma2 semaphore(%arg23 : memref<!tpu.dma_semaphore, #tpu.memory_space<semaphore_mem>>) src(%dma_wait3A_650 : memref<2560xf32, #tpu.memory_space<hbm>>) dst(%dma_wait3A_649 : memref<2560xf32, #tpu.memory_space<vmem>>)
    %mul3A_651 = arith.constant 128 : i32
    %mul3A_652 = arith.muli %add3A_28, %mul3A_651 : i32
    %dma_start3A_653 = arith.constant 0 : i32
    %dma_start3A_654 = tpu.memref_slice %arg10[%dma_start3A_653] : memref<2560xi32, #tpu.memory_space<vmem>> -> memref<2560xi32, #tpu.memory_space<vmem>>
    %dma_start3A_655 = tpu.memref_slice %arg3[%mul3A_652] : memref<1600000xi32, #tpu.memory_space<hbm>> -> memref<2560xi32, #tpu.memory_space<hbm>>
    %dma_start3A_656 = arith.constant 0 : i32
    %dma_start3A_657 = tpu.memref_slice %arg10[%dma_start3A_656] : memref<2560xi32, #tpu.memory_space<vmem>> -> memref<2560xi32, #tpu.memory_space<vmem>>
    %dma_start3A_658 = tpu.memref_slice %arg3[%mul3A_652] : memref<1600000xi32, #tpu.memory_space<hbm>> -> memref<2560xi32, #tpu.memory_space<hbm>>
    tpu.enqueue_dma source(%dma_start3A_658 : memref<2560xi32, #tpu.memory_space<hbm>>) target(%dma_start3A_657 : memref<2560xi32, #tpu.memory_space<vmem>>) target_semaphore(%arg22 : memref<!tpu.dma_semaphore, #tpu.memory_space<semaphore_mem>>)
    %dma_start3A_659 = arith.constant 0 : i32
    %dma_start3A_660 = tpu.memref_slice %arg11[%dma_start3A_659] : memref<2560xi32, #tpu.memory_space<vmem>> -> memref<2560xi32, #tpu.memory_space<vmem>>
    %dma_start3A_661 = tpu.memref_slice %arg4[%mul3A_652] : memref<1600000xi32, #tpu.memory_space<hbm>> -> memref<2560xi32, #tpu.memory_space<hbm>>
    %dma_start3A_662 = arith.constant 0 : i32
    %dma_start3A_663 = tpu.memref_slice %arg11[%dma_start3A_662] : memref<2560xi32, #tpu.memory_space<vmem>> -> memref<2560xi32, #tpu.memory_space<vmem>>
    %dma_start3A_664 = tpu.memref_slice %arg4[%mul3A_652] : memref<1600000xi32, #tpu.memory_space<hbm>> -> memref<2560xi32, #tpu.memory_space<hbm>>
    tpu.enqueue_dma source(%dma_start3A_664 : memref<2560xi32, #tpu.memory_space<hbm>>) target(%dma_start3A_663 : memref<2560xi32, #tpu.memory_space<vmem>>) target_semaphore(%arg22 : memref<!tpu.dma_semaphore, #tpu.memory_space<semaphore_mem>>)
    %dma_start3A_665 = arith.constant 0 : i32
    %dma_start3A_666 = tpu.memref_slice %arg12[%dma_start3A_665] : memref<2560xf32, #tpu.memory_space<vmem>> -> memref<2560xf32, #tpu.memory_space<vmem>>
    %dma_start3A_667 = tpu.memref_slice %arg5[%mul3A_652] : memref<1600000xf32, #tpu.memory_space<hbm>> -> memref<2560xf32, #tpu.memory_space<hbm>>
    %dma_start3A_668 = arith.constant 0 : i32
    %dma_start3A_669 = tpu.memref_slice %arg12[%dma_start3A_668] : memref<2560xf32, #tpu.memory_space<vmem>> -> memref<2560xf32, #tpu.memory_space<vmem>>
    %dma_start3A_670 = tpu.memref_slice %arg5[%mul3A_652] : memref<1600000xf32, #tpu.memory_space<hbm>> -> memref<2560xf32, #tpu.memory_space<hbm>>
    tpu.enqueue_dma source(%dma_start3A_670 : memref<2560xf32, #tpu.memory_space<hbm>>) target(%dma_start3A_669 : memref<2560xf32, #tpu.memory_space<vmem>>) target_semaphore(%arg22 : memref<!tpu.dma_semaphore, #tpu.memory_space<semaphore_mem>>)
    %dma_start3A_671 = arith.constant 0 : i32
    %dma_start3A_672 = tpu.memref_slice %arg13[%dma_start3A_671] : memref<2560xf32, #tpu.memory_space<vmem>> -> memref<2560xf32, #tpu.memory_space<vmem>>
    %dma_start3A_673 = tpu.memref_slice %arg6[%mul3A_652] : memref<1600000xf32, #tpu.memory_space<hbm>> -> memref<2560xf32, #tpu.memory_space<hbm>>
    %dma_start3A_674 = arith.constant 0 : i32
    %dma_start3A_675 = tpu.memref_slice %arg13[%dma_start3A_674] : memref<2560xf32, #tpu.memory_space<vmem>> -> memref<2560xf32, #tpu.memory_space<vmem>>
    %dma_start3A_676 = tpu.memref_slice %arg6[%mul3A_652] : memref<1600000xf32, #tpu.memory_space<hbm>> -> memref<2560xf32, #tpu.memory_space<hbm>>
    tpu.enqueue_dma source(%dma_start3A_676 : memref<2560xf32, #tpu.memory_space<hbm>>) target(%dma_start3A_675 : memref<2560xf32, #tpu.memory_space<vmem>>) target_semaphore(%arg22 : memref<!tpu.dma_semaphore, #tpu.memory_space<semaphore_mem>>)
    %parallel_loop3A_677 = arith.constant 0 : i32
    %parallel_loop3A_678 = arith.constant 160 : i32
    %parallel_loop3A_679 = arith.constant 1 : i32
    scf.for %parallel_loop3A_1107 = %parallel_loop3A_677 to %parallel_loop3A_678 step %parallel_loop3A_679  : i32 {
      %parallel_loop3A_1108 = arith.constant 16 : i32
      %parallel_loop3A_1109 = arith.muli %parallel_loop3A_1107, %parallel_loop3A_1108 : i32
      %parallel_loop3A_1110 = arith.index_cast %parallel_loop3A_1109 : i32 to index
      %parallel_loop3A_1111 = tpu.vector_load %arg15[%parallel_loop3A_1110] {strides = array<i32>} : memref<2560xi32, #tpu.memory_space<vmem>>, vector<16xi32>,
      %parallel_loop3A_1112 = tpu.vector_load_idx %arg8[%parallel_loop3A_1111] : memref<50000xf32, #tpu.memory_space<vmem>>[vector<16xi32>], vector<16xf32>,
      %parallel_loop3A_1113 = arith.index_cast %parallel_loop3A_1109 : i32 to index
      %parallel_loop3A_1114 = tpu.vector_load %arg17[%parallel_loop3A_1113] {strides = array<i32>} : memref<2560xf32, #tpu.memory_space<vmem>>, vector<16xf32>,
      %parallel_loop3A_1115 = arith.constant 0.529177189 : f32
      %parallel_loop3A_1116 = vector.broadcast %parallel_loop3A_1115 : f32 to vector<16xf32>
      %parallel_loop3A_1117 = arith.mulf %parallel_loop3A_1114, %parallel_loop3A_1116 : vector<16xf32>
      %parallel_loop3A_1118 = arith.index_cast %parallel_loop3A_1109 : i32 to index
      %parallel_loop3A_1119 = tpu.vector_load %arg16[%parallel_loop3A_1118] {strides = array<i32>} : memref<2560xf32, #tpu.memory_space<vmem>>, vector<16xf32>,
      %parallel_loop3A_1120 = tpu.bitcast %parallel_loop3A_1119 : vector<16xf32> -> vector<16xi32>
      %parallel_loop3A_1121 = arith.constant 2129859011 : i32
      %parallel_loop3A_1122 = vector.broadcast %parallel_loop3A_1121 : i32 to vector<16xi32>
      %parallel_loop3A_1123 = arith.subi %parallel_loop3A_1122, %parallel_loop3A_1120 : vector<16xi32>
      %parallel_loop3A_1124 = tpu.bitcast %parallel_loop3A_1123 : vector<16xi32> -> vector<16xf32>
      %parallel_loop3A_1125 = arith.mulf %parallel_loop3A_1119, %parallel_loop3A_1124 : vector<16xf32>
      %parallel_loop3A_1126 = arith.constant 2.000000e+00 : f32
      %parallel_loop3A_1127 = vector.broadcast %parallel_loop3A_1126 : f32 to vector<16xf32>
      %parallel_loop3A_1128 = arith.subf %parallel_loop3A_1127, %parallel_loop3A_1125 : vector<16xf32>
      %parallel_loop3A_1129 = arith.mulf %parallel_loop3A_1124, %parallel_loop3A_1128 : vector<16xf32>
      %parallel_loop3A_1130 = arith.mulf %parallel_loop3A_1119, %parallel_loop3A_1129 : vector<16xf32>
      %parallel_loop3A_1131 = arith.constant 2.000000e+00 : f32
      %parallel_loop3A_1132 = vector.broadcast %parallel_loop3A_1131 : f32 to vector<16xf32>
      %parallel_loop3A_1133 = arith.subf %parallel_loop3A_1132, %parallel_loop3A_1130 : vector<16xf32>
      %parallel_loop3A_1134 = arith.mulf %parallel_loop3A_1129, %parallel_loop3A_1133 : vector<16xf32>
      %parallel_loop3A_1135 = arith.mulf %parallel_loop3A_1117, %parallel_loop3A_1134 : vector<16xf32>
      %parallel_loop3A_1136 = arith.index_cast %parallel_loop3A_1109 : i32 to index
      %parallel_loop3A_1137 = tpu.vector_load %arg14[%parallel_loop3A_1136] {strides = array<i32>} : memref<2560xi32, #tpu.memory_space<vmem>>, vector<16xi32>,
      %parallel_loop3A_1138 = arith.mulf %parallel_loop3A_1135, %parallel_loop3A_1112 : vector<16xf32>
      tpu.vector_store_idx %arg9[%parallel_loop3A_1137], %parallel_loop3A_1138 {add = true} : memref<50176xf32, #tpu.memory_space<vmem>>[vector<16xi32>], vector<16xf32>,
    } {sc.loop_unroll_factor = 4 : i64, sc.parallel_access}
    %dma_wait3A_680 = arith.constant 0 : i32
    %dma_wait3A_681 = tpu.memref_slice %arg18[%dma_wait3A_680] : memref<2560xi32, #tpu.memory_space<vmem>> -> memref<2560xi32, #tpu.memory_space<vmem>>
    %dma_wait3A_682 = tpu.memref_slice %arg3[%mul3A_599] : memref<1600000xi32, #tpu.memory_space<hbm>> -> memref<2560xi32, #tpu.memory_space<hbm>>
    %dma_wait3A_683 = arith.constant 0 : i32
    %dma_wait3A_684 = tpu.memref_slice %arg18[%dma_wait3A_683] : memref<2560xi32, #tpu.memory_space<vmem>> -> memref<2560xi32, #tpu.memory_space<vmem>>
    %dma_wait3A_685 = tpu.memref_slice %arg3[%mul3A_599] : memref<1600000xi32, #tpu.memory_space<hbm>> -> memref<2560xi32, #tpu.memory_space<hbm>>
    tpu.wait_dma2 semaphore(%arg24 : memref<!tpu.dma_semaphore, #tpu.memory_space<semaphore_mem>>) src(%dma_wait3A_685 : memref<2560xi32, #tpu.memory_space<hbm>>) dst(%dma_wait3A_684 : memref<2560xi32, #tpu.memory_space<vmem>>)
    %dma_wait3A_686 = arith.constant 0 : i32
    %dma_wait3A_687 = tpu.memref_slice %arg19[%dma_wait3A_686] : memref<2560xi32, #tpu.memory_space<vmem>> -> memref<2560xi32, #tpu.memory_space<vmem>>
    %dma_wait3A_688 = tpu.memref_slice %arg4[%mul3A_599] : memref<1600000xi32, #tpu.memory_space<hbm>> -> memref<2560xi32, #tpu.memory_space<hbm>>
    %dma_wait3A_689 = arith.constant 0 : i32
    %dma_wait3A_690 = tpu.memref_slice %arg19[%dma_wait3A_689] : memref<2560xi32, #tpu.memory_space<vmem>> -> memref<2560xi32, #tpu.memory_space<vmem>>
    %dma_wait3A_691 = tpu.memref_slice %arg4[%mul3A_599] : memref<1600000xi32, #tpu.memory_space<hbm>> -> memref<2560xi32, #tpu.memory_space<hbm>>
    tpu.wait_dma2 semaphore(%arg24 : memref<!tpu.dma_semaphore, #tpu.memory_space<semaphore_mem>>) src(%dma_wait3A_691 : memref<2560xi32, #tpu.memory_space<hbm>>) dst(%dma_wait3A_690 : memref<2560xi32, #tpu.memory_space<vmem>>)
    %dma_wait3A_692 = arith.constant 0 : i32
    %dma_wait3A_693 = tpu.memref_slice %arg20[%dma_wait3A_692] : memref<2560xf32, #tpu.memory_space<vmem>> -> memref<2560xf32, #tpu.memory_space<vmem>>
    %dma_wait3A_694 = tpu.memref_slice %arg5[%mul3A_599] : memref<1600000xf32, #tpu.memory_space<hbm>> -> memref<2560xf32, #tpu.memory_space<hbm>>
    %dma_wait3A_695 = arith.constant 0 : i32
    %dma_wait3A_696 = tpu.memref_slice %arg20[%dma_wait3A_695] : memref<2560xf32, #tpu.memory_space<vmem>> -> memref<2560xf32, #tpu.memory_space<vmem>>
    %dma_wait3A_697 = tpu.memref_slice %arg5[%mul3A_599] : memref<1600000xf32, #tpu.memory_space<hbm>> -> memref<2560xf32, #tpu.memory_space<hbm>>
    tpu.wait_dma2 semaphore(%arg24 : memref<!tpu.dma_semaphore, #tpu.memory_space<semaphore_mem>>) src(%dma_wait3A_697 : memref<2560xf32, #tpu.memory_space<hbm>>) dst(%dma_wait3A_696 : memref<2560xf32, #tpu.memory_space<vmem>>)
    %dma_wait3A_698 = arith.constant 0 : i32
    %dma_wait3A_699 = tpu.memref_slice %arg21[%dma_wait3A_698] : memref<2560xf32, #tpu.memory_space<vmem>> -> memref<2560xf32, #tpu.memory_space<vmem>>
    %dma_wait3A_700 = tpu.memref_slice %arg6[%mul3A_599] : memref<1600000xf32, #tpu.memory_space<hbm>> -> memref<2560xf32, #tpu.memory_space<hbm>>
    %dma_wait3A_701 = arith.constant 0 : i32
    %dma_wait3A_702 = tpu.memref_slice %arg21[%dma_wait3A_701] : memref<2560xf32, #tpu.memory_space<vmem>> -> memref<2560xf32, #tpu.memory_space<vmem>>
    %dma_wait3A_703 = tpu.memref_slice %arg6[%mul3A_599] : memref<1600000xf32, #tpu.memory_space<hbm>> -> memref<2560xf32, #tpu.memory_space<hbm>>
    tpu.wait_dma2 semaphore(%arg24 : memref<!tpu.dma_semaphore, #tpu.memory_space<semaphore_mem>>) src(%dma_wait3A_703 : memref<2560xf32, #tpu.memory_space<hbm>>) dst(%dma_wait3A_702 : memref<2560xf32, #tpu.memory_space<vmem>>)
    %mul3A_704 = arith.constant 128 : i32
    %mul3A_705 = arith.muli %add3A_30, %mul3A_704 : i32
    %dma_start3A_706 = arith.constant 0 : i32
    %dma_start3A_707 = tpu.memref_slice %arg14[%dma_start3A_706] : memref<2560xi32, #tpu.memory_space<vmem>> -> memref<2560xi32, #tpu.memory_space<vmem>>
    %dma_start3A_708 = tpu.memref_slice %arg3[%mul3A_705] : memref<1600000xi32, #tpu.memory_space<hbm>> -> memref<2560xi32, #tpu.memory_space<hbm>>
    %dma_start3A_709 = arith.constant 0 : i32
    %dma_start3A_710 = tpu.memref_slice %arg14[%dma_start3A_709] : memref<2560xi32, #tpu.memory_space<vmem>> -> memref<2560xi32, #tpu.memory_space<vmem>>
    %dma_start3A_711 = tpu.memref_slice %arg3[%mul3A_705] : memref<1600000xi32, #tpu.memory_space<hbm>> -> memref<2560xi32, #tpu.memory_space<hbm>>
    tpu.enqueue_dma source(%dma_start3A_711 : memref<2560xi32, #tpu.memory_space<hbm>>) target(%dma_start3A_710 : memref<2560xi32, #tpu.memory_space<vmem>>) target_semaphore(%arg23 : memref<!tpu.dma_semaphore, #tpu.memory_space<semaphore_mem>>)
    %dma_start3A_712 = arith.constant 0 : i32
    %dma_start3A_713 = tpu.memref_slice %arg15[%dma_start3A_712] : memref<2560xi32, #tpu.memory_space<vmem>> -> memref<2560xi32, #tpu.memory_space<vmem>>
    %dma_start3A_714 = tpu.memref_slice %arg4[%mul3A_705] : memref<1600000xi32, #tpu.memory_space<hbm>> -> memref<2560xi32, #tpu.memory_space<hbm>>
    %dma_start3A_715 = arith.constant 0 : i32
    %dma_start3A_716 = tpu.memref_slice %arg15[%dma_start3A_715] : memref<2560xi32, #tpu.memory_space<vmem>> -> memref<2560xi32, #tpu.memory_space<vmem>>
    %dma_start3A_717 = tpu.memref_slice %arg4[%mul3A_705] : memref<1600000xi32, #tpu.memory_space<hbm>> -> memref<2560xi32, #tpu.memory_space<hbm>>
    tpu.enqueue_dma source(%dma_start3A_717 : memref<2560xi32, #tpu.memory_space<hbm>>) target(%dma_start3A_716 : memref<2560xi32, #tpu.memory_space<vmem>>) target_semaphore(%arg23 : memref<!tpu.dma_semaphore, #tpu.memory_space<semaphore_mem>>)
    %dma_start3A_718 = arith.constant 0 : i32
    %dma_start3A_719 = tpu.memref_slice %arg16[%dma_start3A_718] : memref<2560xf32, #tpu.memory_space<vmem>> -> memref<2560xf32, #tpu.memory_space<vmem>>
    %dma_start3A_720 = tpu.memref_slice %arg5[%mul3A_705] : memref<1600000xf32, #tpu.memory_space<hbm>> -> memref<2560xf32, #tpu.memory_space<hbm>>
    %dma_start3A_721 = arith.constant 0 : i32
    %dma_start3A_722 = tpu.memref_slice %arg16[%dma_start3A_721] : memref<2560xf32, #tpu.memory_space<vmem>> -> memref<2560xf32, #tpu.memory_space<vmem>>
    %dma_start3A_723 = tpu.memref_slice %arg5[%mul3A_705] : memref<1600000xf32, #tpu.memory_space<hbm>> -> memref<2560xf32, #tpu.memory_space<hbm>>
    tpu.enqueue_dma source(%dma_start3A_723 : memref<2560xf32, #tpu.memory_space<hbm>>) target(%dma_start3A_722 : memref<2560xf32, #tpu.memory_space<vmem>>) target_semaphore(%arg23 : memref<!tpu.dma_semaphore, #tpu.memory_space<semaphore_mem>>)
    %dma_start3A_724 = arith.constant 0 : i32
    %dma_start3A_725 = tpu.memref_slice %arg17[%dma_start3A_724] : memref<2560xf32, #tpu.memory_space<vmem>> -> memref<2560xf32, #tpu.memory_space<vmem>>
    %dma_start3A_726 = tpu.memref_slice %arg6[%mul3A_705] : memref<1600000xf32, #tpu.memory_space<hbm>> -> memref<2560xf32, #tpu.memory_space<hbm>>
    %dma_start3A_727 = arith.constant 0 : i32
    %dma_start3A_728 = tpu.memref_slice %arg17[%dma_start3A_727] : memref<2560xf32, #tpu.memory_space<vmem>> -> memref<2560xf32, #tpu.memory_space<vmem>>
    %dma_start3A_729 = tpu.memref_slice %arg6[%mul3A_705] : memref<1600000xf32, #tpu.memory_space<hbm>> -> memref<2560xf32, #tpu.memory_space<hbm>>
    tpu.enqueue_dma source(%dma_start3A_729 : memref<2560xf32, #tpu.memory_space<hbm>>) target(%dma_start3A_728 : memref<2560xf32, #tpu.memory_space<vmem>>) target_semaphore(%arg23 : memref<!tpu.dma_semaphore, #tpu.memory_space<semaphore_mem>>)
    %parallel_loop3A_730 = arith.constant 0 : i32
    %parallel_loop3A_731 = arith.constant 160 : i32
    %parallel_loop3A_732 = arith.constant 1 : i32
    scf.for %parallel_loop3A_1107 = %parallel_loop3A_730 to %parallel_loop3A_731 step %parallel_loop3A_732  : i32 {
      %parallel_loop3A_1108 = arith.constant 16 : i32
      %parallel_loop3A_1109 = arith.muli %parallel_loop3A_1107, %parallel_loop3A_1108 : i32
      %parallel_loop3A_1110 = arith.index_cast %parallel_loop3A_1109 : i32 to index
      %parallel_loop3A_1111 = tpu.vector_load %arg19[%parallel_loop3A_1110] {strides = array<i32>} : memref<2560xi32, #tpu.memory_space<vmem>>, vector<16xi32>,
      %parallel_loop3A_1112 = tpu.vector_load_idx %arg8[%parallel_loop3A_1111] : memref<50000xf32, #tpu.memory_space<vmem>>[vector<16xi32>], vector<16xf32>,
      %parallel_loop3A_1113 = arith.index_cast %parallel_loop3A_1109 : i32 to index
      %parallel_loop3A_1114 = tpu.vector_load %arg21[%parallel_loop3A_1113] {strides = array<i32>} : memref<2560xf32, #tpu.memory_space<vmem>>, vector<16xf32>,
      %parallel_loop3A_1115 = arith.constant 0.529177189 : f32
      %parallel_loop3A_1116 = vector.broadcast %parallel_loop3A_1115 : f32 to vector<16xf32>
      %parallel_loop3A_1117 = arith.mulf %parallel_loop3A_1114, %parallel_loop3A_1116 : vector<16xf32>
      %parallel_loop3A_1118 = arith.index_cast %parallel_loop3A_1109 : i32 to index
      %parallel_loop3A_1119 = tpu.vector_load %arg20[%parallel_loop3A_1118] {strides = array<i32>} : memref<2560xf32, #tpu.memory_space<vmem>>, vector<16xf32>,
      %parallel_loop3A_1120 = tpu.bitcast %parallel_loop3A_1119 : vector<16xf32> -> vector<16xi32>
      %parallel_loop3A_1121 = arith.constant 2129859011 : i32
      %parallel_loop3A_1122 = vector.broadcast %parallel_loop3A_1121 : i32 to vector<16xi32>
      %parallel_loop3A_1123 = arith.subi %parallel_loop3A_1122, %parallel_loop3A_1120 : vector<16xi32>
      %parallel_loop3A_1124 = tpu.bitcast %parallel_loop3A_1123 : vector<16xi32> -> vector<16xf32>
      %parallel_loop3A_1125 = arith.mulf %parallel_loop3A_1119, %parallel_loop3A_1124 : vector<16xf32>
      %parallel_loop3A_1126 = arith.constant 2.000000e+00 : f32
      %parallel_loop3A_1127 = vector.broadcast %parallel_loop3A_1126 : f32 to vector<16xf32>
      %parallel_loop3A_1128 = arith.subf %parallel_loop3A_1127, %parallel_loop3A_1125 : vector<16xf32>
      %parallel_loop3A_1129 = arith.mulf %parallel_loop3A_1124, %parallel_loop3A_1128 : vector<16xf32>
      %parallel_loop3A_1130 = arith.mulf %parallel_loop3A_1119, %parallel_loop3A_1129 : vector<16xf32>
      %parallel_loop3A_1131 = arith.constant 2.000000e+00 : f32
      %parallel_loop3A_1132 = vector.broadcast %parallel_loop3A_1131 : f32 to vector<16xf32>
      %parallel_loop3A_1133 = arith.subf %parallel_loop3A_1132, %parallel_loop3A_1130 : vector<16xf32>
      %parallel_loop3A_1134 = arith.mulf %parallel_loop3A_1129, %parallel_loop3A_1133 : vector<16xf32>
      %parallel_loop3A_1135 = arith.mulf %parallel_loop3A_1117, %parallel_loop3A_1134 : vector<16xf32>
      %parallel_loop3A_1136 = arith.index_cast %parallel_loop3A_1109 : i32 to index
      %parallel_loop3A_1137 = tpu.vector_load %arg18[%parallel_loop3A_1136] {strides = array<i32>} : memref<2560xi32, #tpu.memory_space<vmem>>, vector<16xi32>,
      %parallel_loop3A_1138 = arith.mulf %parallel_loop3A_1135, %parallel_loop3A_1112 : vector<16xf32>
      tpu.vector_store_idx %arg9[%parallel_loop3A_1137], %parallel_loop3A_1138 {add = true} : memref<50176xf32, #tpu.memory_space<vmem>>[vector<16xi32>], vector<16xf32>,
    } {sc.loop_unroll_factor = 4 : i64, sc.parallel_access}
    %dma_wait3A_733 = arith.constant 0 : i32
    %dma_wait3A_734 = tpu.memref_slice %arg10[%dma_wait3A_733] : memref<2560xi32, #tpu.memory_space<vmem>> -> memref<2560xi32, #tpu.memory_space<vmem>>
    %dma_wait3A_735 = tpu.memref_slice %arg3[%mul3A_652] : memref<1600000xi32, #tpu.memory_space<hbm>> -> memref<2560xi32, #tpu.memory_space<hbm>>
    %dma_wait3A_736 = arith.constant 0 : i32
    %dma_wait3A_737 = tpu.memref_slice %arg10[%dma_wait3A_736] : memref<2560xi32, #tpu.memory_space<vmem>> -> memref<2560xi32, #tpu.memory_space<vmem>>
    %dma_wait3A_738 = tpu.memref_slice %arg3[%mul3A_652] : memref<1600000xi32, #tpu.memory_space<hbm>> -> memref<2560xi32, #tpu.memory_space<hbm>>
    tpu.wait_dma2 semaphore(%arg22 : memref<!tpu.dma_semaphore, #tpu.memory_space<semaphore_mem>>) src(%dma_wait3A_738 : memref<2560xi32, #tpu.memory_space<hbm>>) dst(%dma_wait3A_737 : memref<2560xi32, #tpu.memory_space<vmem>>)
    %dma_wait3A_739 = arith.constant 0 : i32
    %dma_wait3A_740 = tpu.memref_slice %arg11[%dma_wait3A_739] : memref<2560xi32, #tpu.memory_space<vmem>> -> memref<2560xi32, #tpu.memory_space<vmem>>
    %dma_wait3A_741 = tpu.memref_slice %arg4[%mul3A_652] : memref<1600000xi32, #tpu.memory_space<hbm>> -> memref<2560xi32, #tpu.memory_space<hbm>>
    %dma_wait3A_742 = arith.constant 0 : i32
    %dma_wait3A_743 = tpu.memref_slice %arg11[%dma_wait3A_742] : memref<2560xi32, #tpu.memory_space<vmem>> -> memref<2560xi32, #tpu.memory_space<vmem>>
    %dma_wait3A_744 = tpu.memref_slice %arg4[%mul3A_652] : memref<1600000xi32, #tpu.memory_space<hbm>> -> memref<2560xi32, #tpu.memory_space<hbm>>
    tpu.wait_dma2 semaphore(%arg22 : memref<!tpu.dma_semaphore, #tpu.memory_space<semaphore_mem>>) src(%dma_wait3A_744 : memref<2560xi32, #tpu.memory_space<hbm>>) dst(%dma_wait3A_743 : memref<2560xi32, #tpu.memory_space<vmem>>)
    %dma_wait3A_745 = arith.constant 0 : i32
    %dma_wait3A_746 = tpu.memref_slice %arg12[%dma_wait3A_745] : memref<2560xf32, #tpu.memory_space<vmem>> -> memref<2560xf32, #tpu.memory_space<vmem>>
    %dma_wait3A_747 = tpu.memref_slice %arg5[%mul3A_652] : memref<1600000xf32, #tpu.memory_space<hbm>> -> memref<2560xf32, #tpu.memory_space<hbm>>
    %dma_wait3A_748 = arith.constant 0 : i32
    %dma_wait3A_749 = tpu.memref_slice %arg12[%dma_wait3A_748] : memref<2560xf32, #tpu.memory_space<vmem>> -> memref<2560xf32, #tpu.memory_space<vmem>>
    %dma_wait3A_750 = tpu.memref_slice %arg5[%mul3A_652] : memref<1600000xf32, #tpu.memory_space<hbm>> -> memref<2560xf32, #tpu.memory_space<hbm>>
    tpu.wait_dma2 semaphore(%arg22 : memref<!tpu.dma_semaphore, #tpu.memory_space<semaphore_mem>>) src(%dma_wait3A_750 : memref<2560xf32, #tpu.memory_space<hbm>>) dst(%dma_wait3A_749 : memref<2560xf32, #tpu.memory_space<vmem>>)
    %dma_wait3A_751 = arith.constant 0 : i32
    %dma_wait3A_752 = tpu.memref_slice %arg13[%dma_wait3A_751] : memref<2560xf32, #tpu.memory_space<vmem>> -> memref<2560xf32, #tpu.memory_space<vmem>>
    %dma_wait3A_753 = tpu.memref_slice %arg6[%mul3A_652] : memref<1600000xf32, #tpu.memory_space<hbm>> -> memref<2560xf32, #tpu.memory_space<hbm>>
    %dma_wait3A_754 = arith.constant 0 : i32
    %dma_wait3A_755 = tpu.memref_slice %arg13[%dma_wait3A_754] : memref<2560xf32, #tpu.memory_space<vmem>> -> memref<2560xf32, #tpu.memory_space<vmem>>
    %dma_wait3A_756 = tpu.memref_slice %arg6[%mul3A_652] : memref<1600000xf32, #tpu.memory_space<hbm>> -> memref<2560xf32, #tpu.memory_space<hbm>>
    tpu.wait_dma2 semaphore(%arg22 : memref<!tpu.dma_semaphore, #tpu.memory_space<semaphore_mem>>) src(%dma_wait3A_756 : memref<2560xf32, #tpu.memory_space<hbm>>) dst(%dma_wait3A_755 : memref<2560xf32, #tpu.memory_space<vmem>>)
    %mul3A_757 = arith.constant 128 : i32
    %mul3A_758 = arith.muli %add3A_32, %mul3A_757 : i32
    %dma_start3A_759 = arith.constant 0 : i32
    %dma_start3A_760 = tpu.memref_slice %arg18[%dma_start3A_759] : memref<2560xi32, #tpu.memory_space<vmem>> -> memref<2560xi32, #tpu.memory_space<vmem>>
    %dma_start3A_761 = tpu.memref_slice %arg3[%mul3A_758] : memref<1600000xi32, #tpu.memory_space<hbm>> -> memref<2560xi32, #tpu.memory_space<hbm>>
    %dma_start3A_762 = arith.constant 0 : i32
    %dma_start3A_763 = tpu.memref_slice %arg18[%dma_start3A_762] : memref<2560xi32, #tpu.memory_space<vmem>> -> memref<2560xi32, #tpu.memory_space<vmem>>
    %dma_start3A_764 = tpu.memref_slice %arg3[%mul3A_758] : memref<1600000xi32, #tpu.memory_space<hbm>> -> memref<2560xi32, #tpu.memory_space<hbm>>
    tpu.enqueue_dma source(%dma_start3A_764 : memref<2560xi32, #tpu.memory_space<hbm>>) target(%dma_start3A_763 : memref<2560xi32, #tpu.memory_space<vmem>>) target_semaphore(%arg24 : memref<!tpu.dma_semaphore, #tpu.memory_space<semaphore_mem>>)
    %dma_start3A_765 = arith.constant 0 : i32
    %dma_start3A_766 = tpu.memref_slice %arg19[%dma_start3A_765] : memref<2560xi32, #tpu.memory_space<vmem>> -> memref<2560xi32, #tpu.memory_space<vmem>>
    %dma_start3A_767 = tpu.memref_slice %arg4[%mul3A_758] : memref<1600000xi32, #tpu.memory_space<hbm>> -> memref<2560xi32, #tpu.memory_space<hbm>>
    %dma_start3A_768 = arith.constant 0 : i32
    %dma_start3A_769 = tpu.memref_slice %arg19[%dma_start3A_768] : memref<2560xi32, #tpu.memory_space<vmem>> -> memref<2560xi32, #tpu.memory_space<vmem>>
    %dma_start3A_770 = tpu.memref_slice %arg4[%mul3A_758] : memref<1600000xi32, #tpu.memory_space<hbm>> -> memref<2560xi32, #tpu.memory_space<hbm>>
    tpu.enqueue_dma source(%dma_start3A_770 : memref<2560xi32, #tpu.memory_space<hbm>>) target(%dma_start3A_769 : memref<2560xi32, #tpu.memory_space<vmem>>) target_semaphore(%arg24 : memref<!tpu.dma_semaphore, #tpu.memory_space<semaphore_mem>>)
    %dma_start3A_771 = arith.constant 0 : i32
    %dma_start3A_772 = tpu.memref_slice %arg20[%dma_start3A_771] : memref<2560xf32, #tpu.memory_space<vmem>> -> memref<2560xf32, #tpu.memory_space<vmem>>
    %dma_start3A_773 = tpu.memref_slice %arg5[%mul3A_758] : memref<1600000xf32, #tpu.memory_space<hbm>> -> memref<2560xf32, #tpu.memory_space<hbm>>
    %dma_start3A_774 = arith.constant 0 : i32
    %dma_start3A_775 = tpu.memref_slice %arg20[%dma_start3A_774] : memref<2560xf32, #tpu.memory_space<vmem>> -> memref<2560xf32, #tpu.memory_space<vmem>>
    %dma_start3A_776 = tpu.memref_slice %arg5[%mul3A_758] : memref<1600000xf32, #tpu.memory_space<hbm>> -> memref<2560xf32, #tpu.memory_space<hbm>>
    tpu.enqueue_dma source(%dma_start3A_776 : memref<2560xf32, #tpu.memory_space<hbm>>) target(%dma_start3A_775 : memref<2560xf32, #tpu.memory_space<vmem>>) target_semaphore(%arg24 : memref<!tpu.dma_semaphore, #tpu.memory_space<semaphore_mem>>)
    %dma_start3A_777 = arith.constant 0 : i32
    %dma_start3A_778 = tpu.memref_slice %arg21[%dma_start3A_777] : memref<2560xf32, #tpu.memory_space<vmem>> -> memref<2560xf32, #tpu.memory_space<vmem>>
    %dma_start3A_779 = tpu.memref_slice %arg6[%mul3A_758] : memref<1600000xf32, #tpu.memory_space<hbm>> -> memref<2560xf32, #tpu.memory_space<hbm>>
    %dma_start3A_780 = arith.constant 0 : i32
    %dma_start3A_781 = tpu.memref_slice %arg21[%dma_start3A_780] : memref<2560xf32, #tpu.memory_space<vmem>> -> memref<2560xf32, #tpu.memory_space<vmem>>
    %dma_start3A_782 = tpu.memref_slice %arg6[%mul3A_758] : memref<1600000xf32, #tpu.memory_space<hbm>> -> memref<2560xf32, #tpu.memory_space<hbm>>
    tpu.enqueue_dma source(%dma_start3A_782 : memref<2560xf32, #tpu.memory_space<hbm>>) target(%dma_start3A_781 : memref<2560xf32, #tpu.memory_space<vmem>>) target_semaphore(%arg24 : memref<!tpu.dma_semaphore, #tpu.memory_space<semaphore_mem>>)
    %parallel_loop3A_783 = arith.constant 0 : i32
    %parallel_loop3A_784 = arith.constant 160 : i32
    %parallel_loop3A_785 = arith.constant 1 : i32
    scf.for %parallel_loop3A_1107 = %parallel_loop3A_783 to %parallel_loop3A_784 step %parallel_loop3A_785  : i32 {
      %parallel_loop3A_1108 = arith.constant 16 : i32
      %parallel_loop3A_1109 = arith.muli %parallel_loop3A_1107, %parallel_loop3A_1108 : i32
      %parallel_loop3A_1110 = arith.index_cast %parallel_loop3A_1109 : i32 to index
      %parallel_loop3A_1111 = tpu.vector_load %arg11[%parallel_loop3A_1110] {strides = array<i32>} : memref<2560xi32, #tpu.memory_space<vmem>>, vector<16xi32>,
      %parallel_loop3A_1112 = tpu.vector_load_idx %arg8[%parallel_loop3A_1111] : memref<50000xf32, #tpu.memory_space<vmem>>[vector<16xi32>], vector<16xf32>,
      %parallel_loop3A_1113 = arith.index_cast %parallel_loop3A_1109 : i32 to index
      %parallel_loop3A_1114 = tpu.vector_load %arg13[%parallel_loop3A_1113] {strides = array<i32>} : memref<2560xf32, #tpu.memory_space<vmem>>, vector<16xf32>,
      %parallel_loop3A_1115 = arith.constant 0.529177189 : f32
      %parallel_loop3A_1116 = vector.broadcast %parallel_loop3A_1115 : f32 to vector<16xf32>
      %parallel_loop3A_1117 = arith.mulf %parallel_loop3A_1114, %parallel_loop3A_1116 : vector<16xf32>
      %parallel_loop3A_1118 = arith.index_cast %parallel_loop3A_1109 : i32 to index
      %parallel_loop3A_1119 = tpu.vector_load %arg12[%parallel_loop3A_1118] {strides = array<i32>} : memref<2560xf32, #tpu.memory_space<vmem>>, vector<16xf32>,
      %parallel_loop3A_1120 = tpu.bitcast %parallel_loop3A_1119 : vector<16xf32> -> vector<16xi32>
      %parallel_loop3A_1121 = arith.constant 2129859011 : i32
      %parallel_loop3A_1122 = vector.broadcast %parallel_loop3A_1121 : i32 to vector<16xi32>
      %parallel_loop3A_1123 = arith.subi %parallel_loop3A_1122, %parallel_loop3A_1120 : vector<16xi32>
      %parallel_loop3A_1124 = tpu.bitcast %parallel_loop3A_1123 : vector<16xi32> -> vector<16xf32>
      %parallel_loop3A_1125 = arith.mulf %parallel_loop3A_1119, %parallel_loop3A_1124 : vector<16xf32>
      %parallel_loop3A_1126 = arith.constant 2.000000e+00 : f32
      %parallel_loop3A_1127 = vector.broadcast %parallel_loop3A_1126 : f32 to vector<16xf32>
      %parallel_loop3A_1128 = arith.subf %parallel_loop3A_1127, %parallel_loop3A_1125 : vector<16xf32>
      %parallel_loop3A_1129 = arith.mulf %parallel_loop3A_1124, %parallel_loop3A_1128 : vector<16xf32>
      %parallel_loop3A_1130 = arith.mulf %parallel_loop3A_1119, %parallel_loop3A_1129 : vector<16xf32>
      %parallel_loop3A_1131 = arith.constant 2.000000e+00 : f32
      %parallel_loop3A_1132 = vector.broadcast %parallel_loop3A_1131 : f32 to vector<16xf32>
      %parallel_loop3A_1133 = arith.subf %parallel_loop3A_1132, %parallel_loop3A_1130 : vector<16xf32>
      %parallel_loop3A_1134 = arith.mulf %parallel_loop3A_1129, %parallel_loop3A_1133 : vector<16xf32>
      %parallel_loop3A_1135 = arith.mulf %parallel_loop3A_1117, %parallel_loop3A_1134 : vector<16xf32>
      %parallel_loop3A_1136 = arith.index_cast %parallel_loop3A_1109 : i32 to index
      %parallel_loop3A_1137 = tpu.vector_load %arg10[%parallel_loop3A_1136] {strides = array<i32>} : memref<2560xi32, #tpu.memory_space<vmem>>, vector<16xi32>,
      %parallel_loop3A_1138 = arith.mulf %parallel_loop3A_1135, %parallel_loop3A_1112 : vector<16xf32>
      tpu.vector_store_idx %arg9[%parallel_loop3A_1137], %parallel_loop3A_1138 {add = true} : memref<50176xf32, #tpu.memory_space<vmem>>[vector<16xi32>], vector<16xf32>,
    } {sc.loop_unroll_factor = 4 : i64, sc.parallel_access}
    %dma_wait3A_786 = arith.constant 0 : i32
    %dma_wait3A_787 = tpu.memref_slice %arg14[%dma_wait3A_786] : memref<2560xi32, #tpu.memory_space<vmem>> -> memref<2560xi32, #tpu.memory_space<vmem>>
    %dma_wait3A_788 = tpu.memref_slice %arg3[%mul3A_705] : memref<1600000xi32, #tpu.memory_space<hbm>> -> memref<2560xi32, #tpu.memory_space<hbm>>
    %dma_wait3A_789 = arith.constant 0 : i32
    %dma_wait3A_790 = tpu.memref_slice %arg14[%dma_wait3A_789] : memref<2560xi32, #tpu.memory_space<vmem>> -> memref<2560xi32, #tpu.memory_space<vmem>>
    %dma_wait3A_791 = tpu.memref_slice %arg3[%mul3A_705] : memref<1600000xi32, #tpu.memory_space<hbm>> -> memref<2560xi32, #tpu.memory_space<hbm>>
    tpu.wait_dma2 semaphore(%arg23 : memref<!tpu.dma_semaphore, #tpu.memory_space<semaphore_mem>>) src(%dma_wait3A_791 : memref<2560xi32, #tpu.memory_space<hbm>>) dst(%dma_wait3A_790 : memref<2560xi32, #tpu.memory_space<vmem>>)
    %dma_wait3A_792 = arith.constant 0 : i32
    %dma_wait3A_793 = tpu.memref_slice %arg15[%dma_wait3A_792] : memref<2560xi32, #tpu.memory_space<vmem>> -> memref<2560xi32, #tpu.memory_space<vmem>>
    %dma_wait3A_794 = tpu.memref_slice %arg4[%mul3A_705] : memref<1600000xi32, #tpu.memory_space<hbm>> -> memref<2560xi32, #tpu.memory_space<hbm>>
    %dma_wait3A_795 = arith.constant 0 : i32
    %dma_wait3A_796 = tpu.memref_slice %arg15[%dma_wait3A_795] : memref<2560xi32, #tpu.memory_space<vmem>> -> memref<2560xi32, #tpu.memory_space<vmem>>
    %dma_wait3A_797 = tpu.memref_slice %arg4[%mul3A_705] : memref<1600000xi32, #tpu.memory_space<hbm>> -> memref<2560xi32, #tpu.memory_space<hbm>>
    tpu.wait_dma2 semaphore(%arg23 : memref<!tpu.dma_semaphore, #tpu.memory_space<semaphore_mem>>) src(%dma_wait3A_797 : memref<2560xi32, #tpu.memory_space<hbm>>) dst(%dma_wait3A_796 : memref<2560xi32, #tpu.memory_space<vmem>>)
    %dma_wait3A_798 = arith.constant 0 : i32
    %dma_wait3A_799 = tpu.memref_slice %arg16[%dma_wait3A_798] : memref<2560xf32, #tpu.memory_space<vmem>> -> memref<2560xf32, #tpu.memory_space<vmem>>
    %dma_wait3A_800 = tpu.memref_slice %arg5[%mul3A_705] : memref<1600000xf32, #tpu.memory_space<hbm>> -> memref<2560xf32, #tpu.memory_space<hbm>>
    %dma_wait3A_801 = arith.constant 0 : i32
    %dma_wait3A_802 = tpu.memref_slice %arg16[%dma_wait3A_801] : memref<2560xf32, #tpu.memory_space<vmem>> -> memref<2560xf32, #tpu.memory_space<vmem>>
    %dma_wait3A_803 = tpu.memref_slice %arg5[%mul3A_705] : memref<1600000xf32, #tpu.memory_space<hbm>> -> memref<2560xf32, #tpu.memory_space<hbm>>
    tpu.wait_dma2 semaphore(%arg23 : memref<!tpu.dma_semaphore, #tpu.memory_space<semaphore_mem>>) src(%dma_wait3A_803 : memref<2560xf32, #tpu.memory_space<hbm>>) dst(%dma_wait3A_802 : memref<2560xf32, #tpu.memory_space<vmem>>)
    %dma_wait3A_804 = arith.constant 0 : i32
    %dma_wait3A_805 = tpu.memref_slice %arg17[%dma_wait3A_804] : memref<2560xf32, #tpu.memory_space<vmem>> -> memref<2560xf32, #tpu.memory_space<vmem>>
    %dma_wait3A_806 = tpu.memref_slice %arg6[%mul3A_705] : memref<1600000xf32, #tpu.memory_space<hbm>> -> memref<2560xf32, #tpu.memory_space<hbm>>
    %dma_wait3A_807 = arith.constant 0 : i32
    %dma_wait3A_808 = tpu.memref_slice %arg17[%dma_wait3A_807] : memref<2560xf32, #tpu.memory_space<vmem>> -> memref<2560xf32, #tpu.memory_space<vmem>>
    %dma_wait3A_809 = tpu.memref_slice %arg6[%mul3A_705] : memref<1600000xf32, #tpu.memory_space<hbm>> -> memref<2560xf32, #tpu.memory_space<hbm>>
    tpu.wait_dma2 semaphore(%arg23 : memref<!tpu.dma_semaphore, #tpu.memory_space<semaphore_mem>>) src(%dma_wait3A_809 : memref<2560xf32, #tpu.memory_space<hbm>>) dst(%dma_wait3A_808 : memref<2560xf32, #tpu.memory_space<vmem>>)
    %mul3A_810 = arith.constant 128 : i32
    %mul3A_811 = arith.muli %add3A_34, %mul3A_810 : i32
    %dma_start3A_812 = arith.constant 0 : i32
    %dma_start3A_813 = tpu.memref_slice %arg10[%dma_start3A_812] : memref<2560xi32, #tpu.memory_space<vmem>> -> memref<2560xi32, #tpu.memory_space<vmem>>
    %dma_start3A_814 = tpu.memref_slice %arg3[%mul3A_811] : memref<1600000xi32, #tpu.memory_space<hbm>> -> memref<2560xi32, #tpu.memory_space<hbm>>
    %dma_start3A_815 = arith.constant 0 : i32
    %dma_start3A_816 = tpu.memref_slice %arg10[%dma_start3A_815] : memref<2560xi32, #tpu.memory_space<vmem>> -> memref<2560xi32, #tpu.memory_space<vmem>>
    %dma_start3A_817 = tpu.memref_slice %arg3[%mul3A_811] : memref<1600000xi32, #tpu.memory_space<hbm>> -> memref<2560xi32, #tpu.memory_space<hbm>>
    tpu.enqueue_dma source(%dma_start3A_817 : memref<2560xi32, #tpu.memory_space<hbm>>) target(%dma_start3A_816 : memref<2560xi32, #tpu.memory_space<vmem>>) target_semaphore(%arg22 : memref<!tpu.dma_semaphore, #tpu.memory_space<semaphore_mem>>)
    %dma_start3A_818 = arith.constant 0 : i32
    %dma_start3A_819 = tpu.memref_slice %arg11[%dma_start3A_818] : memref<2560xi32, #tpu.memory_space<vmem>> -> memref<2560xi32, #tpu.memory_space<vmem>>
    %dma_start3A_820 = tpu.memref_slice %arg4[%mul3A_811] : memref<1600000xi32, #tpu.memory_space<hbm>> -> memref<2560xi32, #tpu.memory_space<hbm>>
    %dma_start3A_821 = arith.constant 0 : i32
    %dma_start3A_822 = tpu.memref_slice %arg11[%dma_start3A_821] : memref<2560xi32, #tpu.memory_space<vmem>> -> memref<2560xi32, #tpu.memory_space<vmem>>
    %dma_start3A_823 = tpu.memref_slice %arg4[%mul3A_811] : memref<1600000xi32, #tpu.memory_space<hbm>> -> memref<2560xi32, #tpu.memory_space<hbm>>
    tpu.enqueue_dma source(%dma_start3A_823 : memref<2560xi32, #tpu.memory_space<hbm>>) target(%dma_start3A_822 : memref<2560xi32, #tpu.memory_space<vmem>>) target_semaphore(%arg22 : memref<!tpu.dma_semaphore, #tpu.memory_space<semaphore_mem>>)
    %dma_start3A_824 = arith.constant 0 : i32
    %dma_start3A_825 = tpu.memref_slice %arg12[%dma_start3A_824] : memref<2560xf32, #tpu.memory_space<vmem>> -> memref<2560xf32, #tpu.memory_space<vmem>>
    %dma_start3A_826 = tpu.memref_slice %arg5[%mul3A_811] : memref<1600000xf32, #tpu.memory_space<hbm>> -> memref<2560xf32, #tpu.memory_space<hbm>>
    %dma_start3A_827 = arith.constant 0 : i32
    %dma_start3A_828 = tpu.memref_slice %arg12[%dma_start3A_827] : memref<2560xf32, #tpu.memory_space<vmem>> -> memref<2560xf32, #tpu.memory_space<vmem>>
    %dma_start3A_829 = tpu.memref_slice %arg5[%mul3A_811] : memref<1600000xf32, #tpu.memory_space<hbm>> -> memref<2560xf32, #tpu.memory_space<hbm>>
    tpu.enqueue_dma source(%dma_start3A_829 : memref<2560xf32, #tpu.memory_space<hbm>>) target(%dma_start3A_828 : memref<2560xf32, #tpu.memory_space<vmem>>) target_semaphore(%arg22 : memref<!tpu.dma_semaphore, #tpu.memory_space<semaphore_mem>>)
    %dma_start3A_830 = arith.constant 0 : i32
    %dma_start3A_831 = tpu.memref_slice %arg13[%dma_start3A_830] : memref<2560xf32, #tpu.memory_space<vmem>> -> memref<2560xf32, #tpu.memory_space<vmem>>
    %dma_start3A_832 = tpu.memref_slice %arg6[%mul3A_811] : memref<1600000xf32, #tpu.memory_space<hbm>> -> memref<2560xf32, #tpu.memory_space<hbm>>
    %dma_start3A_833 = arith.constant 0 : i32
    %dma_start3A_834 = tpu.memref_slice %arg13[%dma_start3A_833] : memref<2560xf32, #tpu.memory_space<vmem>> -> memref<2560xf32, #tpu.memory_space<vmem>>
    %dma_start3A_835 = tpu.memref_slice %arg6[%mul3A_811] : memref<1600000xf32, #tpu.memory_space<hbm>> -> memref<2560xf32, #tpu.memory_space<hbm>>
    tpu.enqueue_dma source(%dma_start3A_835 : memref<2560xf32, #tpu.memory_space<hbm>>) target(%dma_start3A_834 : memref<2560xf32, #tpu.memory_space<vmem>>) target_semaphore(%arg22 : memref<!tpu.dma_semaphore, #tpu.memory_space<semaphore_mem>>)
    %parallel_loop3A_836 = arith.constant 0 : i32
    %parallel_loop3A_837 = arith.constant 160 : i32
    %parallel_loop3A_838 = arith.constant 1 : i32
    scf.for %parallel_loop3A_1107 = %parallel_loop3A_836 to %parallel_loop3A_837 step %parallel_loop3A_838  : i32 {
      %parallel_loop3A_1108 = arith.constant 16 : i32
      %parallel_loop3A_1109 = arith.muli %parallel_loop3A_1107, %parallel_loop3A_1108 : i32
      %parallel_loop3A_1110 = arith.index_cast %parallel_loop3A_1109 : i32 to index
      %parallel_loop3A_1111 = tpu.vector_load %arg15[%parallel_loop3A_1110] {strides = array<i32>} : memref<2560xi32, #tpu.memory_space<vmem>>, vector<16xi32>,
      %parallel_loop3A_1112 = tpu.vector_load_idx %arg8[%parallel_loop3A_1111] : memref<50000xf32, #tpu.memory_space<vmem>>[vector<16xi32>], vector<16xf32>,
      %parallel_loop3A_1113 = arith.index_cast %parallel_loop3A_1109 : i32 to index
      %parallel_loop3A_1114 = tpu.vector_load %arg17[%parallel_loop3A_1113] {strides = array<i32>} : memref<2560xf32, #tpu.memory_space<vmem>>, vector<16xf32>,
      %parallel_loop3A_1115 = arith.constant 0.529177189 : f32
      %parallel_loop3A_1116 = vector.broadcast %parallel_loop3A_1115 : f32 to vector<16xf32>
      %parallel_loop3A_1117 = arith.mulf %parallel_loop3A_1114, %parallel_loop3A_1116 : vector<16xf32>
      %parallel_loop3A_1118 = arith.index_cast %parallel_loop3A_1109 : i32 to index
      %parallel_loop3A_1119 = tpu.vector_load %arg16[%parallel_loop3A_1118] {strides = array<i32>} : memref<2560xf32, #tpu.memory_space<vmem>>, vector<16xf32>,
      %parallel_loop3A_1120 = tpu.bitcast %parallel_loop3A_1119 : vector<16xf32> -> vector<16xi32>
      %parallel_loop3A_1121 = arith.constant 2129859011 : i32
      %parallel_loop3A_1122 = vector.broadcast %parallel_loop3A_1121 : i32 to vector<16xi32>
      %parallel_loop3A_1123 = arith.subi %parallel_loop3A_1122, %parallel_loop3A_1120 : vector<16xi32>
      %parallel_loop3A_1124 = tpu.bitcast %parallel_loop3A_1123 : vector<16xi32> -> vector<16xf32>
      %parallel_loop3A_1125 = arith.mulf %parallel_loop3A_1119, %parallel_loop3A_1124 : vector<16xf32>
      %parallel_loop3A_1126 = arith.constant 2.000000e+00 : f32
      %parallel_loop3A_1127 = vector.broadcast %parallel_loop3A_1126 : f32 to vector<16xf32>
      %parallel_loop3A_1128 = arith.subf %parallel_loop3A_1127, %parallel_loop3A_1125 : vector<16xf32>
      %parallel_loop3A_1129 = arith.mulf %parallel_loop3A_1124, %parallel_loop3A_1128 : vector<16xf32>
      %parallel_loop3A_1130 = arith.mulf %parallel_loop3A_1119, %parallel_loop3A_1129 : vector<16xf32>
      %parallel_loop3A_1131 = arith.constant 2.000000e+00 : f32
      %parallel_loop3A_1132 = vector.broadcast %parallel_loop3A_1131 : f32 to vector<16xf32>
      %parallel_loop3A_1133 = arith.subf %parallel_loop3A_1132, %parallel_loop3A_1130 : vector<16xf32>
      %parallel_loop3A_1134 = arith.mulf %parallel_loop3A_1129, %parallel_loop3A_1133 : vector<16xf32>
      %parallel_loop3A_1135 = arith.mulf %parallel_loop3A_1117, %parallel_loop3A_1134 : vector<16xf32>
      %parallel_loop3A_1136 = arith.index_cast %parallel_loop3A_1109 : i32 to index
      %parallel_loop3A_1137 = tpu.vector_load %arg14[%parallel_loop3A_1136] {strides = array<i32>} : memref<2560xi32, #tpu.memory_space<vmem>>, vector<16xi32>,
      %parallel_loop3A_1138 = arith.mulf %parallel_loop3A_1135, %parallel_loop3A_1112 : vector<16xf32>
      tpu.vector_store_idx %arg9[%parallel_loop3A_1137], %parallel_loop3A_1138 {add = true} : memref<50176xf32, #tpu.memory_space<vmem>>[vector<16xi32>], vector<16xf32>,
    } {sc.loop_unroll_factor = 4 : i64, sc.parallel_access}
    %dma_wait3A_839 = arith.constant 0 : i32
    %dma_wait3A_840 = tpu.memref_slice %arg18[%dma_wait3A_839] : memref<2560xi32, #tpu.memory_space<vmem>> -> memref<2560xi32, #tpu.memory_space<vmem>>
    %dma_wait3A_841 = tpu.memref_slice %arg3[%mul3A_758] : memref<1600000xi32, #tpu.memory_space<hbm>> -> memref<2560xi32, #tpu.memory_space<hbm>>
    %dma_wait3A_842 = arith.constant 0 : i32
    %dma_wait3A_843 = tpu.memref_slice %arg18[%dma_wait3A_842] : memref<2560xi32, #tpu.memory_space<vmem>> -> memref<2560xi32, #tpu.memory_space<vmem>>
    %dma_wait3A_844 = tpu.memref_slice %arg3[%mul3A_758] : memref<1600000xi32, #tpu.memory_space<hbm>> -> memref<2560xi32, #tpu.memory_space<hbm>>
    tpu.wait_dma2 semaphore(%arg24 : memref<!tpu.dma_semaphore, #tpu.memory_space<semaphore_mem>>) src(%dma_wait3A_844 : memref<2560xi32, #tpu.memory_space<hbm>>) dst(%dma_wait3A_843 : memref<2560xi32, #tpu.memory_space<vmem>>)
    %dma_wait3A_845 = arith.constant 0 : i32
    %dma_wait3A_846 = tpu.memref_slice %arg19[%dma_wait3A_845] : memref<2560xi32, #tpu.memory_space<vmem>> -> memref<2560xi32, #tpu.memory_space<vmem>>
    %dma_wait3A_847 = tpu.memref_slice %arg4[%mul3A_758] : memref<1600000xi32, #tpu.memory_space<hbm>> -> memref<2560xi32, #tpu.memory_space<hbm>>
    %dma_wait3A_848 = arith.constant 0 : i32
    %dma_wait3A_849 = tpu.memref_slice %arg19[%dma_wait3A_848] : memref<2560xi32, #tpu.memory_space<vmem>> -> memref<2560xi32, #tpu.memory_space<vmem>>
    %dma_wait3A_850 = tpu.memref_slice %arg4[%mul3A_758] : memref<1600000xi32, #tpu.memory_space<hbm>> -> memref<2560xi32, #tpu.memory_space<hbm>>
    tpu.wait_dma2 semaphore(%arg24 : memref<!tpu.dma_semaphore, #tpu.memory_space<semaphore_mem>>) src(%dma_wait3A_850 : memref<2560xi32, #tpu.memory_space<hbm>>) dst(%dma_wait3A_849 : memref<2560xi32, #tpu.memory_space<vmem>>)
    %dma_wait3A_851 = arith.constant 0 : i32
    %dma_wait3A_852 = tpu.memref_slice %arg20[%dma_wait3A_851] : memref<2560xf32, #tpu.memory_space<vmem>> -> memref<2560xf32, #tpu.memory_space<vmem>>
    %dma_wait3A_853 = tpu.memref_slice %arg5[%mul3A_758] : memref<1600000xf32, #tpu.memory_space<hbm>> -> memref<2560xf32, #tpu.memory_space<hbm>>
    %dma_wait3A_854 = arith.constant 0 : i32
    %dma_wait3A_855 = tpu.memref_slice %arg20[%dma_wait3A_854] : memref<2560xf32, #tpu.memory_space<vmem>> -> memref<2560xf32, #tpu.memory_space<vmem>>
    %dma_wait3A_856 = tpu.memref_slice %arg5[%mul3A_758] : memref<1600000xf32, #tpu.memory_space<hbm>> -> memref<2560xf32, #tpu.memory_space<hbm>>
    tpu.wait_dma2 semaphore(%arg24 : memref<!tpu.dma_semaphore, #tpu.memory_space<semaphore_mem>>) src(%dma_wait3A_856 : memref<2560xf32, #tpu.memory_space<hbm>>) dst(%dma_wait3A_855 : memref<2560xf32, #tpu.memory_space<vmem>>)
    %dma_wait3A_857 = arith.constant 0 : i32
    %dma_wait3A_858 = tpu.memref_slice %arg21[%dma_wait3A_857] : memref<2560xf32, #tpu.memory_space<vmem>> -> memref<2560xf32, #tpu.memory_space<vmem>>
    %dma_wait3A_859 = tpu.memref_slice %arg6[%mul3A_758] : memref<1600000xf32, #tpu.memory_space<hbm>> -> memref<2560xf32, #tpu.memory_space<hbm>>
    %dma_wait3A_860 = arith.constant 0 : i32
    %dma_wait3A_861 = tpu.memref_slice %arg21[%dma_wait3A_860] : memref<2560xf32, #tpu.memory_space<vmem>> -> memref<2560xf32, #tpu.memory_space<vmem>>
    %dma_wait3A_862 = tpu.memref_slice %arg6[%mul3A_758] : memref<1600000xf32, #tpu.memory_space<hbm>> -> memref<2560xf32, #tpu.memory_space<hbm>>
    tpu.wait_dma2 semaphore(%arg24 : memref<!tpu.dma_semaphore, #tpu.memory_space<semaphore_mem>>) src(%dma_wait3A_862 : memref<2560xf32, #tpu.memory_space<hbm>>) dst(%dma_wait3A_861 : memref<2560xf32, #tpu.memory_space<vmem>>)
    %mul3A_863 = arith.constant 128 : i32
    %mul3A_864 = arith.muli %add3A_36, %mul3A_863 : i32
    %dma_start3A_865 = arith.constant 0 : i32
    %dma_start3A_866 = tpu.memref_slice %arg14[%dma_start3A_865] : memref<2560xi32, #tpu.memory_space<vmem>> -> memref<2560xi32, #tpu.memory_space<vmem>>
    %dma_start3A_867 = tpu.memref_slice %arg3[%mul3A_864] : memref<1600000xi32, #tpu.memory_space<hbm>> -> memref<2560xi32, #tpu.memory_space<hbm>>
    %dma_start3A_868 = arith.constant 0 : i32
    %dma_start3A_869 = tpu.memref_slice %arg14[%dma_start3A_868] : memref<2560xi32, #tpu.memory_space<vmem>> -> memref<2560xi32, #tpu.memory_space<vmem>>
    %dma_start3A_870 = tpu.memref_slice %arg3[%mul3A_864] : memref<1600000xi32, #tpu.memory_space<hbm>> -> memref<2560xi32, #tpu.memory_space<hbm>>
    tpu.enqueue_dma source(%dma_start3A_870 : memref<2560xi32, #tpu.memory_space<hbm>>) target(%dma_start3A_869 : memref<2560xi32, #tpu.memory_space<vmem>>) target_semaphore(%arg23 : memref<!tpu.dma_semaphore, #tpu.memory_space<semaphore_mem>>)
    %dma_start3A_871 = arith.constant 0 : i32
    %dma_start3A_872 = tpu.memref_slice %arg15[%dma_start3A_871] : memref<2560xi32, #tpu.memory_space<vmem>> -> memref<2560xi32, #tpu.memory_space<vmem>>
    %dma_start3A_873 = tpu.memref_slice %arg4[%mul3A_864] : memref<1600000xi32, #tpu.memory_space<hbm>> -> memref<2560xi32, #tpu.memory_space<hbm>>
    %dma_start3A_874 = arith.constant 0 : i32
    %dma_start3A_875 = tpu.memref_slice %arg15[%dma_start3A_874] : memref<2560xi32, #tpu.memory_space<vmem>> -> memref<2560xi32, #tpu.memory_space<vmem>>
    %dma_start3A_876 = tpu.memref_slice %arg4[%mul3A_864] : memref<1600000xi32, #tpu.memory_space<hbm>> -> memref<2560xi32, #tpu.memory_space<hbm>>
    tpu.enqueue_dma source(%dma_start3A_876 : memref<2560xi32, #tpu.memory_space<hbm>>) target(%dma_start3A_875 : memref<2560xi32, #tpu.memory_space<vmem>>) target_semaphore(%arg23 : memref<!tpu.dma_semaphore, #tpu.memory_space<semaphore_mem>>)
    %dma_start3A_877 = arith.constant 0 : i32
    %dma_start3A_878 = tpu.memref_slice %arg16[%dma_start3A_877] : memref<2560xf32, #tpu.memory_space<vmem>> -> memref<2560xf32, #tpu.memory_space<vmem>>
    %dma_start3A_879 = tpu.memref_slice %arg5[%mul3A_864] : memref<1600000xf32, #tpu.memory_space<hbm>> -> memref<2560xf32, #tpu.memory_space<hbm>>
    %dma_start3A_880 = arith.constant 0 : i32
    %dma_start3A_881 = tpu.memref_slice %arg16[%dma_start3A_880] : memref<2560xf32, #tpu.memory_space<vmem>> -> memref<2560xf32, #tpu.memory_space<vmem>>
    %dma_start3A_882 = tpu.memref_slice %arg5[%mul3A_864] : memref<1600000xf32, #tpu.memory_space<hbm>> -> memref<2560xf32, #tpu.memory_space<hbm>>
    tpu.enqueue_dma source(%dma_start3A_882 : memref<2560xf32, #tpu.memory_space<hbm>>) target(%dma_start3A_881 : memref<2560xf32, #tpu.memory_space<vmem>>) target_semaphore(%arg23 : memref<!tpu.dma_semaphore, #tpu.memory_space<semaphore_mem>>)
    %dma_start3A_883 = arith.constant 0 : i32
    %dma_start3A_884 = tpu.memref_slice %arg17[%dma_start3A_883] : memref<2560xf32, #tpu.memory_space<vmem>> -> memref<2560xf32, #tpu.memory_space<vmem>>
    %dma_start3A_885 = tpu.memref_slice %arg6[%mul3A_864] : memref<1600000xf32, #tpu.memory_space<hbm>> -> memref<2560xf32, #tpu.memory_space<hbm>>
    %dma_start3A_886 = arith.constant 0 : i32
    %dma_start3A_887 = tpu.memref_slice %arg17[%dma_start3A_886] : memref<2560xf32, #tpu.memory_space<vmem>> -> memref<2560xf32, #tpu.memory_space<vmem>>
    %dma_start3A_888 = tpu.memref_slice %arg6[%mul3A_864] : memref<1600000xf32, #tpu.memory_space<hbm>> -> memref<2560xf32, #tpu.memory_space<hbm>>
    tpu.enqueue_dma source(%dma_start3A_888 : memref<2560xf32, #tpu.memory_space<hbm>>) target(%dma_start3A_887 : memref<2560xf32, #tpu.memory_space<vmem>>) target_semaphore(%arg23 : memref<!tpu.dma_semaphore, #tpu.memory_space<semaphore_mem>>)
    %parallel_loop3A_889 = arith.constant 0 : i32
    %parallel_loop3A_890 = arith.constant 160 : i32
    %parallel_loop3A_891 = arith.constant 1 : i32
    scf.for %parallel_loop3A_1107 = %parallel_loop3A_889 to %parallel_loop3A_890 step %parallel_loop3A_891  : i32 {
      %parallel_loop3A_1108 = arith.constant 16 : i32
      %parallel_loop3A_1109 = arith.muli %parallel_loop3A_1107, %parallel_loop3A_1108 : i32
      %parallel_loop3A_1110 = arith.index_cast %parallel_loop3A_1109 : i32 to index
      %parallel_loop3A_1111 = tpu.vector_load %arg19[%parallel_loop3A_1110] {strides = array<i32>} : memref<2560xi32, #tpu.memory_space<vmem>>, vector<16xi32>,
      %parallel_loop3A_1112 = tpu.vector_load_idx %arg8[%parallel_loop3A_1111] : memref<50000xf32, #tpu.memory_space<vmem>>[vector<16xi32>], vector<16xf32>,
      %parallel_loop3A_1113 = arith.index_cast %parallel_loop3A_1109 : i32 to index
      %parallel_loop3A_1114 = tpu.vector_load %arg21[%parallel_loop3A_1113] {strides = array<i32>} : memref<2560xf32, #tpu.memory_space<vmem>>, vector<16xf32>,
      %parallel_loop3A_1115 = arith.constant 0.529177189 : f32
      %parallel_loop3A_1116 = vector.broadcast %parallel_loop3A_1115 : f32 to vector<16xf32>
      %parallel_loop3A_1117 = arith.mulf %parallel_loop3A_1114, %parallel_loop3A_1116 : vector<16xf32>
      %parallel_loop3A_1118 = arith.index_cast %parallel_loop3A_1109 : i32 to index
      %parallel_loop3A_1119 = tpu.vector_load %arg20[%parallel_loop3A_1118] {strides = array<i32>} : memref<2560xf32, #tpu.memory_space<vmem>>, vector<16xf32>,
      %parallel_loop3A_1120 = tpu.bitcast %parallel_loop3A_1119 : vector<16xf32> -> vector<16xi32>
      %parallel_loop3A_1121 = arith.constant 2129859011 : i32
      %parallel_loop3A_1122 = vector.broadcast %parallel_loop3A_1121 : i32 to vector<16xi32>
      %parallel_loop3A_1123 = arith.subi %parallel_loop3A_1122, %parallel_loop3A_1120 : vector<16xi32>
      %parallel_loop3A_1124 = tpu.bitcast %parallel_loop3A_1123 : vector<16xi32> -> vector<16xf32>
      %parallel_loop3A_1125 = arith.mulf %parallel_loop3A_1119, %parallel_loop3A_1124 : vector<16xf32>
      %parallel_loop3A_1126 = arith.constant 2.000000e+00 : f32
      %parallel_loop3A_1127 = vector.broadcast %parallel_loop3A_1126 : f32 to vector<16xf32>
      %parallel_loop3A_1128 = arith.subf %parallel_loop3A_1127, %parallel_loop3A_1125 : vector<16xf32>
      %parallel_loop3A_1129 = arith.mulf %parallel_loop3A_1124, %parallel_loop3A_1128 : vector<16xf32>
      %parallel_loop3A_1130 = arith.mulf %parallel_loop3A_1119, %parallel_loop3A_1129 : vector<16xf32>
      %parallel_loop3A_1131 = arith.constant 2.000000e+00 : f32
      %parallel_loop3A_1132 = vector.broadcast %parallel_loop3A_1131 : f32 to vector<16xf32>
      %parallel_loop3A_1133 = arith.subf %parallel_loop3A_1132, %parallel_loop3A_1130 : vector<16xf32>
      %parallel_loop3A_1134 = arith.mulf %parallel_loop3A_1129, %parallel_loop3A_1133 : vector<16xf32>
      %parallel_loop3A_1135 = arith.mulf %parallel_loop3A_1117, %parallel_loop3A_1134 : vector<16xf32>
      %parallel_loop3A_1136 = arith.index_cast %parallel_loop3A_1109 : i32 to index
      %parallel_loop3A_1137 = tpu.vector_load %arg18[%parallel_loop3A_1136] {strides = array<i32>} : memref<2560xi32, #tpu.memory_space<vmem>>, vector<16xi32>,
      %parallel_loop3A_1138 = arith.mulf %parallel_loop3A_1135, %parallel_loop3A_1112 : vector<16xf32>
      tpu.vector_store_idx %arg9[%parallel_loop3A_1137], %parallel_loop3A_1138 {add = true} : memref<50176xf32, #tpu.memory_space<vmem>>[vector<16xi32>], vector<16xf32>,
    } {sc.loop_unroll_factor = 4 : i64, sc.parallel_access}
    %dma_wait3A_892 = arith.constant 0 : i32
    %dma_wait3A_893 = tpu.memref_slice %arg10[%dma_wait3A_892] : memref<2560xi32, #tpu.memory_space<vmem>> -> memref<2560xi32, #tpu.memory_space<vmem>>
    %dma_wait3A_894 = tpu.memref_slice %arg3[%mul3A_811] : memref<1600000xi32, #tpu.memory_space<hbm>> -> memref<2560xi32, #tpu.memory_space<hbm>>
    %dma_wait3A_895 = arith.constant 0 : i32
    %dma_wait3A_896 = tpu.memref_slice %arg10[%dma_wait3A_895] : memref<2560xi32, #tpu.memory_space<vmem>> -> memref<2560xi32, #tpu.memory_space<vmem>>
    %dma_wait3A_897 = tpu.memref_slice %arg3[%mul3A_811] : memref<1600000xi32, #tpu.memory_space<hbm>> -> memref<2560xi32, #tpu.memory_space<hbm>>
    tpu.wait_dma2 semaphore(%arg22 : memref<!tpu.dma_semaphore, #tpu.memory_space<semaphore_mem>>) src(%dma_wait3A_897 : memref<2560xi32, #tpu.memory_space<hbm>>) dst(%dma_wait3A_896 : memref<2560xi32, #tpu.memory_space<vmem>>)
    %dma_wait3A_898 = arith.constant 0 : i32
    %dma_wait3A_899 = tpu.memref_slice %arg11[%dma_wait3A_898] : memref<2560xi32, #tpu.memory_space<vmem>> -> memref<2560xi32, #tpu.memory_space<vmem>>
    %dma_wait3A_900 = tpu.memref_slice %arg4[%mul3A_811] : memref<1600000xi32, #tpu.memory_space<hbm>> -> memref<2560xi32, #tpu.memory_space<hbm>>
    %dma_wait3A_901 = arith.constant 0 : i32
    %dma_wait3A_902 = tpu.memref_slice %arg11[%dma_wait3A_901] : memref<2560xi32, #tpu.memory_space<vmem>> -> memref<2560xi32, #tpu.memory_space<vmem>>
    %dma_wait3A_903 = tpu.memref_slice %arg4[%mul3A_811] : memref<1600000xi32, #tpu.memory_space<hbm>> -> memref<2560xi32, #tpu.memory_space<hbm>>
    tpu.wait_dma2 semaphore(%arg22 : memref<!tpu.dma_semaphore, #tpu.memory_space<semaphore_mem>>) src(%dma_wait3A_903 : memref<2560xi32, #tpu.memory_space<hbm>>) dst(%dma_wait3A_902 : memref<2560xi32, #tpu.memory_space<vmem>>)
    %dma_wait3A_904 = arith.constant 0 : i32
    %dma_wait3A_905 = tpu.memref_slice %arg12[%dma_wait3A_904] : memref<2560xf32, #tpu.memory_space<vmem>> -> memref<2560xf32, #tpu.memory_space<vmem>>
    %dma_wait3A_906 = tpu.memref_slice %arg5[%mul3A_811] : memref<1600000xf32, #tpu.memory_space<hbm>> -> memref<2560xf32, #tpu.memory_space<hbm>>
    %dma_wait3A_907 = arith.constant 0 : i32
    %dma_wait3A_908 = tpu.memref_slice %arg12[%dma_wait3A_907] : memref<2560xf32, #tpu.memory_space<vmem>> -> memref<2560xf32, #tpu.memory_space<vmem>>
    %dma_wait3A_909 = tpu.memref_slice %arg5[%mul3A_811] : memref<1600000xf32, #tpu.memory_space<hbm>> -> memref<2560xf32, #tpu.memory_space<hbm>>
    tpu.wait_dma2 semaphore(%arg22 : memref<!tpu.dma_semaphore, #tpu.memory_space<semaphore_mem>>) src(%dma_wait3A_909 : memref<2560xf32, #tpu.memory_space<hbm>>) dst(%dma_wait3A_908 : memref<2560xf32, #tpu.memory_space<vmem>>)
    %dma_wait3A_910 = arith.constant 0 : i32
    %dma_wait3A_911 = tpu.memref_slice %arg13[%dma_wait3A_910] : memref<2560xf32, #tpu.memory_space<vmem>> -> memref<2560xf32, #tpu.memory_space<vmem>>
    %dma_wait3A_912 = tpu.memref_slice %arg6[%mul3A_811] : memref<1600000xf32, #tpu.memory_space<hbm>> -> memref<2560xf32, #tpu.memory_space<hbm>>
    %dma_wait3A_913 = arith.constant 0 : i32
    %dma_wait3A_914 = tpu.memref_slice %arg13[%dma_wait3A_913] : memref<2560xf32, #tpu.memory_space<vmem>> -> memref<2560xf32, #tpu.memory_space<vmem>>
    %dma_wait3A_915 = tpu.memref_slice %arg6[%mul3A_811] : memref<1600000xf32, #tpu.memory_space<hbm>> -> memref<2560xf32, #tpu.memory_space<hbm>>
    tpu.wait_dma2 semaphore(%arg22 : memref<!tpu.dma_semaphore, #tpu.memory_space<semaphore_mem>>) src(%dma_wait3A_915 : memref<2560xf32, #tpu.memory_space<hbm>>) dst(%dma_wait3A_914 : memref<2560xf32, #tpu.memory_space<vmem>>)
    %mul3A_916 = arith.constant 128 : i32
    %mul3A_917 = arith.muli %add3A_38, %mul3A_916 : i32
    %dma_start3A_918 = arith.constant 0 : i32
    %dma_start3A_919 = tpu.memref_slice %arg18[%dma_start3A_918] : memref<2560xi32, #tpu.memory_space<vmem>> -> memref<2560xi32, #tpu.memory_space<vmem>>
    %dma_start3A_920 = tpu.memref_slice %arg3[%mul3A_917] : memref<1600000xi32, #tpu.memory_space<hbm>> -> memref<2560xi32, #tpu.memory_space<hbm>>
    %dma_start3A_921 = arith.constant 0 : i32
    %dma_start3A_922 = tpu.memref_slice %arg18[%dma_start3A_921] : memref<2560xi32, #tpu.memory_space<vmem>> -> memref<2560xi32, #tpu.memory_space<vmem>>
    %dma_start3A_923 = tpu.memref_slice %arg3[%mul3A_917] : memref<1600000xi32, #tpu.memory_space<hbm>> -> memref<2560xi32, #tpu.memory_space<hbm>>
    tpu.enqueue_dma source(%dma_start3A_923 : memref<2560xi32, #tpu.memory_space<hbm>>) target(%dma_start3A_922 : memref<2560xi32, #tpu.memory_space<vmem>>) target_semaphore(%arg24 : memref<!tpu.dma_semaphore, #tpu.memory_space<semaphore_mem>>)
    %dma_start3A_924 = arith.constant 0 : i32
    %dma_start3A_925 = tpu.memref_slice %arg19[%dma_start3A_924] : memref<2560xi32, #tpu.memory_space<vmem>> -> memref<2560xi32, #tpu.memory_space<vmem>>
    %dma_start3A_926 = tpu.memref_slice %arg4[%mul3A_917] : memref<1600000xi32, #tpu.memory_space<hbm>> -> memref<2560xi32, #tpu.memory_space<hbm>>
    %dma_start3A_927 = arith.constant 0 : i32
    %dma_start3A_928 = tpu.memref_slice %arg19[%dma_start3A_927] : memref<2560xi32, #tpu.memory_space<vmem>> -> memref<2560xi32, #tpu.memory_space<vmem>>
    %dma_start3A_929 = tpu.memref_slice %arg4[%mul3A_917] : memref<1600000xi32, #tpu.memory_space<hbm>> -> memref<2560xi32, #tpu.memory_space<hbm>>
    tpu.enqueue_dma source(%dma_start3A_929 : memref<2560xi32, #tpu.memory_space<hbm>>) target(%dma_start3A_928 : memref<2560xi32, #tpu.memory_space<vmem>>) target_semaphore(%arg24 : memref<!tpu.dma_semaphore, #tpu.memory_space<semaphore_mem>>)
    %dma_start3A_930 = arith.constant 0 : i32
    %dma_start3A_931 = tpu.memref_slice %arg20[%dma_start3A_930] : memref<2560xf32, #tpu.memory_space<vmem>> -> memref<2560xf32, #tpu.memory_space<vmem>>
    %dma_start3A_932 = tpu.memref_slice %arg5[%mul3A_917] : memref<1600000xf32, #tpu.memory_space<hbm>> -> memref<2560xf32, #tpu.memory_space<hbm>>
    %dma_start3A_933 = arith.constant 0 : i32
    %dma_start3A_934 = tpu.memref_slice %arg20[%dma_start3A_933] : memref<2560xf32, #tpu.memory_space<vmem>> -> memref<2560xf32, #tpu.memory_space<vmem>>
    %dma_start3A_935 = tpu.memref_slice %arg5[%mul3A_917] : memref<1600000xf32, #tpu.memory_space<hbm>> -> memref<2560xf32, #tpu.memory_space<hbm>>
    tpu.enqueue_dma source(%dma_start3A_935 : memref<2560xf32, #tpu.memory_space<hbm>>) target(%dma_start3A_934 : memref<2560xf32, #tpu.memory_space<vmem>>) target_semaphore(%arg24 : memref<!tpu.dma_semaphore, #tpu.memory_space<semaphore_mem>>)
    %dma_start3A_936 = arith.constant 0 : i32
    %dma_start3A_937 = tpu.memref_slice %arg21[%dma_start3A_936] : memref<2560xf32, #tpu.memory_space<vmem>> -> memref<2560xf32, #tpu.memory_space<vmem>>
    %dma_start3A_938 = tpu.memref_slice %arg6[%mul3A_917] : memref<1600000xf32, #tpu.memory_space<hbm>> -> memref<2560xf32, #tpu.memory_space<hbm>>
    %dma_start3A_939 = arith.constant 0 : i32
    %dma_start3A_940 = tpu.memref_slice %arg21[%dma_start3A_939] : memref<2560xf32, #tpu.memory_space<vmem>> -> memref<2560xf32, #tpu.memory_space<vmem>>
    %dma_start3A_941 = tpu.memref_slice %arg6[%mul3A_917] : memref<1600000xf32, #tpu.memory_space<hbm>> -> memref<2560xf32, #tpu.memory_space<hbm>>
    tpu.enqueue_dma source(%dma_start3A_941 : memref<2560xf32, #tpu.memory_space<hbm>>) target(%dma_start3A_940 : memref<2560xf32, #tpu.memory_space<vmem>>) target_semaphore(%arg24 : memref<!tpu.dma_semaphore, #tpu.memory_space<semaphore_mem>>)
    %parallel_loop3A_942 = arith.constant 0 : i32
    %parallel_loop3A_943 = arith.constant 160 : i32
    %parallel_loop3A_944 = arith.constant 1 : i32
    scf.for %parallel_loop3A_1107 = %parallel_loop3A_942 to %parallel_loop3A_943 step %parallel_loop3A_944  : i32 {
      %parallel_loop3A_1108 = arith.constant 16 : i32
      %parallel_loop3A_1109 = arith.muli %parallel_loop3A_1107, %parallel_loop3A_1108 : i32
      %parallel_loop3A_1110 = arith.index_cast %parallel_loop3A_1109 : i32 to index
      %parallel_loop3A_1111 = tpu.vector_load %arg11[%parallel_loop3A_1110] {strides = array<i32>} : memref<2560xi32, #tpu.memory_space<vmem>>, vector<16xi32>,
      %parallel_loop3A_1112 = tpu.vector_load_idx %arg8[%parallel_loop3A_1111] : memref<50000xf32, #tpu.memory_space<vmem>>[vector<16xi32>], vector<16xf32>,
      %parallel_loop3A_1113 = arith.index_cast %parallel_loop3A_1109 : i32 to index
      %parallel_loop3A_1114 = tpu.vector_load %arg13[%parallel_loop3A_1113] {strides = array<i32>} : memref<2560xf32, #tpu.memory_space<vmem>>, vector<16xf32>,
      %parallel_loop3A_1115 = arith.constant 0.529177189 : f32
      %parallel_loop3A_1116 = vector.broadcast %parallel_loop3A_1115 : f32 to vector<16xf32>
      %parallel_loop3A_1117 = arith.mulf %parallel_loop3A_1114, %parallel_loop3A_1116 : vector<16xf32>
      %parallel_loop3A_1118 = arith.index_cast %parallel_loop3A_1109 : i32 to index
      %parallel_loop3A_1119 = tpu.vector_load %arg12[%parallel_loop3A_1118] {strides = array<i32>} : memref<2560xf32, #tpu.memory_space<vmem>>, vector<16xf32>,
      %parallel_loop3A_1120 = tpu.bitcast %parallel_loop3A_1119 : vector<16xf32> -> vector<16xi32>
      %parallel_loop3A_1121 = arith.constant 2129859011 : i32
      %parallel_loop3A_1122 = vector.broadcast %parallel_loop3A_1121 : i32 to vector<16xi32>
      %parallel_loop3A_1123 = arith.subi %parallel_loop3A_1122, %parallel_loop3A_1120 : vector<16xi32>
      %parallel_loop3A_1124 = tpu.bitcast %parallel_loop3A_1123 : vector<16xi32> -> vector<16xf32>
      %parallel_loop3A_1125 = arith.mulf %parallel_loop3A_1119, %parallel_loop3A_1124 : vector<16xf32>
      %parallel_loop3A_1126 = arith.constant 2.000000e+00 : f32
      %parallel_loop3A_1127 = vector.broadcast %parallel_loop3A_1126 : f32 to vector<16xf32>
      %parallel_loop3A_1128 = arith.subf %parallel_loop3A_1127, %parallel_loop3A_1125 : vector<16xf32>
      %parallel_loop3A_1129 = arith.mulf %parallel_loop3A_1124, %parallel_loop3A_1128 : vector<16xf32>
      %parallel_loop3A_1130 = arith.mulf %parallel_loop3A_1119, %parallel_loop3A_1129 : vector<16xf32>
      %parallel_loop3A_1131 = arith.constant 2.000000e+00 : f32
      %parallel_loop3A_1132 = vector.broadcast %parallel_loop3A_1131 : f32 to vector<16xf32>
      %parallel_loop3A_1133 = arith.subf %parallel_loop3A_1132, %parallel_loop3A_1130 : vector<16xf32>
      %parallel_loop3A_1134 = arith.mulf %parallel_loop3A_1129, %parallel_loop3A_1133 : vector<16xf32>
      %parallel_loop3A_1135 = arith.mulf %parallel_loop3A_1117, %parallel_loop3A_1134 : vector<16xf32>
      %parallel_loop3A_1136 = arith.index_cast %parallel_loop3A_1109 : i32 to index
      %parallel_loop3A_1137 = tpu.vector_load %arg10[%parallel_loop3A_1136] {strides = array<i32>} : memref<2560xi32, #tpu.memory_space<vmem>>, vector<16xi32>,
      %parallel_loop3A_1138 = arith.mulf %parallel_loop3A_1135, %parallel_loop3A_1112 : vector<16xf32>
      tpu.vector_store_idx %arg9[%parallel_loop3A_1137], %parallel_loop3A_1138 {add = true} : memref<50176xf32, #tpu.memory_space<vmem>>[vector<16xi32>], vector<16xf32>,
    } {sc.loop_unroll_factor = 4 : i64, sc.parallel_access}
    %dma_wait3A_945 = arith.constant 0 : i32
    %dma_wait3A_946 = tpu.memref_slice %arg14[%dma_wait3A_945] : memref<2560xi32, #tpu.memory_space<vmem>> -> memref<2560xi32, #tpu.memory_space<vmem>>
    %dma_wait3A_947 = tpu.memref_slice %arg3[%mul3A_864] : memref<1600000xi32, #tpu.memory_space<hbm>> -> memref<2560xi32, #tpu.memory_space<hbm>>
    %dma_wait3A_948 = arith.constant 0 : i32
    %dma_wait3A_949 = tpu.memref_slice %arg14[%dma_wait3A_948] : memref<2560xi32, #tpu.memory_space<vmem>> -> memref<2560xi32, #tpu.memory_space<vmem>>
    %dma_wait3A_950 = tpu.memref_slice %arg3[%mul3A_864] : memref<1600000xi32, #tpu.memory_space<hbm>> -> memref<2560xi32, #tpu.memory_space<hbm>>
    tpu.wait_dma2 semaphore(%arg23 : memref<!tpu.dma_semaphore, #tpu.memory_space<semaphore_mem>>) src(%dma_wait3A_950 : memref<2560xi32, #tpu.memory_space<hbm>>) dst(%dma_wait3A_949 : memref<2560xi32, #tpu.memory_space<vmem>>)
    %dma_wait3A_951 = arith.constant 0 : i32
    %dma_wait3A_952 = tpu.memref_slice %arg15[%dma_wait3A_951] : memref<2560xi32, #tpu.memory_space<vmem>> -> memref<2560xi32, #tpu.memory_space<vmem>>
    %dma_wait3A_953 = tpu.memref_slice %arg4[%mul3A_864] : memref<1600000xi32, #tpu.memory_space<hbm>> -> memref<2560xi32, #tpu.memory_space<hbm>>
    %dma_wait3A_954 = arith.constant 0 : i32
    %dma_wait3A_955 = tpu.memref_slice %arg15[%dma_wait3A_954] : memref<2560xi32, #tpu.memory_space<vmem>> -> memref<2560xi32, #tpu.memory_space<vmem>>
    %dma_wait3A_956 = tpu.memref_slice %arg4[%mul3A_864] : memref<1600000xi32, #tpu.memory_space<hbm>> -> memref<2560xi32, #tpu.memory_space<hbm>>
    tpu.wait_dma2 semaphore(%arg23 : memref<!tpu.dma_semaphore, #tpu.memory_space<semaphore_mem>>) src(%dma_wait3A_956 : memref<2560xi32, #tpu.memory_space<hbm>>) dst(%dma_wait3A_955 : memref<2560xi32, #tpu.memory_space<vmem>>)
    %dma_wait3A_957 = arith.constant 0 : i32
    %dma_wait3A_958 = tpu.memref_slice %arg16[%dma_wait3A_957] : memref<2560xf32, #tpu.memory_space<vmem>> -> memref<2560xf32, #tpu.memory_space<vmem>>
    %dma_wait3A_959 = tpu.memref_slice %arg5[%mul3A_864] : memref<1600000xf32, #tpu.memory_space<hbm>> -> memref<2560xf32, #tpu.memory_space<hbm>>
    %dma_wait3A_960 = arith.constant 0 : i32
    %dma_wait3A_961 = tpu.memref_slice %arg16[%dma_wait3A_960] : memref<2560xf32, #tpu.memory_space<vmem>> -> memref<2560xf32, #tpu.memory_space<vmem>>
    %dma_wait3A_962 = tpu.memref_slice %arg5[%mul3A_864] : memref<1600000xf32, #tpu.memory_space<hbm>> -> memref<2560xf32, #tpu.memory_space<hbm>>
    tpu.wait_dma2 semaphore(%arg23 : memref<!tpu.dma_semaphore, #tpu.memory_space<semaphore_mem>>) src(%dma_wait3A_962 : memref<2560xf32, #tpu.memory_space<hbm>>) dst(%dma_wait3A_961 : memref<2560xf32, #tpu.memory_space<vmem>>)
    %dma_wait3A_963 = arith.constant 0 : i32
    %dma_wait3A_964 = tpu.memref_slice %arg17[%dma_wait3A_963] : memref<2560xf32, #tpu.memory_space<vmem>> -> memref<2560xf32, #tpu.memory_space<vmem>>
    %dma_wait3A_965 = tpu.memref_slice %arg6[%mul3A_864] : memref<1600000xf32, #tpu.memory_space<hbm>> -> memref<2560xf32, #tpu.memory_space<hbm>>
    %dma_wait3A_966 = arith.constant 0 : i32
    %dma_wait3A_967 = tpu.memref_slice %arg17[%dma_wait3A_966] : memref<2560xf32, #tpu.memory_space<vmem>> -> memref<2560xf32, #tpu.memory_space<vmem>>
    %dma_wait3A_968 = tpu.memref_slice %arg6[%mul3A_864] : memref<1600000xf32, #tpu.memory_space<hbm>> -> memref<2560xf32, #tpu.memory_space<hbm>>
    tpu.wait_dma2 semaphore(%arg23 : memref<!tpu.dma_semaphore, #tpu.memory_space<semaphore_mem>>) src(%dma_wait3A_968 : memref<2560xf32, #tpu.memory_space<hbm>>) dst(%dma_wait3A_967 : memref<2560xf32, #tpu.memory_space<vmem>>)
    %mul3A_969 = arith.constant 128 : i32
    %mul3A_970 = arith.muli %add3A_40, %mul3A_969 : i32
    %dma_start3A_971 = arith.constant 0 : i32
    %dma_start3A_972 = tpu.memref_slice %arg10[%dma_start3A_971] : memref<2560xi32, #tpu.memory_space<vmem>> -> memref<2560xi32, #tpu.memory_space<vmem>>
    %dma_start3A_973 = tpu.memref_slice %arg3[%mul3A_970] : memref<1600000xi32, #tpu.memory_space<hbm>> -> memref<2560xi32, #tpu.memory_space<hbm>>
    %dma_start3A_974 = arith.constant 0 : i32
    %dma_start3A_975 = tpu.memref_slice %arg10[%dma_start3A_974] : memref<2560xi32, #tpu.memory_space<vmem>> -> memref<2560xi32, #tpu.memory_space<vmem>>
    %dma_start3A_976 = tpu.memref_slice %arg3[%mul3A_970] : memref<1600000xi32, #tpu.memory_space<hbm>> -> memref<2560xi32, #tpu.memory_space<hbm>>
    tpu.enqueue_dma source(%dma_start3A_976 : memref<2560xi32, #tpu.memory_space<hbm>>) target(%dma_start3A_975 : memref<2560xi32, #tpu.memory_space<vmem>>) target_semaphore(%arg22 : memref<!tpu.dma_semaphore, #tpu.memory_space<semaphore_mem>>)
    %dma_start3A_977 = arith.constant 0 : i32
    %dma_start3A_978 = tpu.memref_slice %arg11[%dma_start3A_977] : memref<2560xi32, #tpu.memory_space<vmem>> -> memref<2560xi32, #tpu.memory_space<vmem>>
    %dma_start3A_979 = tpu.memref_slice %arg4[%mul3A_970] : memref<1600000xi32, #tpu.memory_space<hbm>> -> memref<2560xi32, #tpu.memory_space<hbm>>
    %dma_start3A_980 = arith.constant 0 : i32
    %dma_start3A_981 = tpu.memref_slice %arg11[%dma_start3A_980] : memref<2560xi32, #tpu.memory_space<vmem>> -> memref<2560xi32, #tpu.memory_space<vmem>>
    %dma_start3A_982 = tpu.memref_slice %arg4[%mul3A_970] : memref<1600000xi32, #tpu.memory_space<hbm>> -> memref<2560xi32, #tpu.memory_space<hbm>>
    tpu.enqueue_dma source(%dma_start3A_982 : memref<2560xi32, #tpu.memory_space<hbm>>) target(%dma_start3A_981 : memref<2560xi32, #tpu.memory_space<vmem>>) target_semaphore(%arg22 : memref<!tpu.dma_semaphore, #tpu.memory_space<semaphore_mem>>)
    %dma_start3A_983 = arith.constant 0 : i32
    %dma_start3A_984 = tpu.memref_slice %arg12[%dma_start3A_983] : memref<2560xf32, #tpu.memory_space<vmem>> -> memref<2560xf32, #tpu.memory_space<vmem>>
    %dma_start3A_985 = tpu.memref_slice %arg5[%mul3A_970] : memref<1600000xf32, #tpu.memory_space<hbm>> -> memref<2560xf32, #tpu.memory_space<hbm>>
    %dma_start3A_986 = arith.constant 0 : i32
    %dma_start3A_987 = tpu.memref_slice %arg12[%dma_start3A_986] : memref<2560xf32, #tpu.memory_space<vmem>> -> memref<2560xf32, #tpu.memory_space<vmem>>
    %dma_start3A_988 = tpu.memref_slice %arg5[%mul3A_970] : memref<1600000xf32, #tpu.memory_space<hbm>> -> memref<2560xf32, #tpu.memory_space<hbm>>
    tpu.enqueue_dma source(%dma_start3A_988 : memref<2560xf32, #tpu.memory_space<hbm>>) target(%dma_start3A_987 : memref<2560xf32, #tpu.memory_space<vmem>>) target_semaphore(%arg22 : memref<!tpu.dma_semaphore, #tpu.memory_space<semaphore_mem>>)
    %dma_start3A_989 = arith.constant 0 : i32
    %dma_start3A_990 = tpu.memref_slice %arg13[%dma_start3A_989] : memref<2560xf32, #tpu.memory_space<vmem>> -> memref<2560xf32, #tpu.memory_space<vmem>>
    %dma_start3A_991 = tpu.memref_slice %arg6[%mul3A_970] : memref<1600000xf32, #tpu.memory_space<hbm>> -> memref<2560xf32, #tpu.memory_space<hbm>>
    %dma_start3A_992 = arith.constant 0 : i32
    %dma_start3A_993 = tpu.memref_slice %arg13[%dma_start3A_992] : memref<2560xf32, #tpu.memory_space<vmem>> -> memref<2560xf32, #tpu.memory_space<vmem>>
    %dma_start3A_994 = tpu.memref_slice %arg6[%mul3A_970] : memref<1600000xf32, #tpu.memory_space<hbm>> -> memref<2560xf32, #tpu.memory_space<hbm>>
    tpu.enqueue_dma source(%dma_start3A_994 : memref<2560xf32, #tpu.memory_space<hbm>>) target(%dma_start3A_993 : memref<2560xf32, #tpu.memory_space<vmem>>) target_semaphore(%arg22 : memref<!tpu.dma_semaphore, #tpu.memory_space<semaphore_mem>>)
    %parallel_loop3A_995 = arith.constant 0 : i32
    %parallel_loop3A_996 = arith.constant 160 : i32
    %parallel_loop3A_997 = arith.constant 1 : i32
    scf.for %parallel_loop3A_1107 = %parallel_loop3A_995 to %parallel_loop3A_996 step %parallel_loop3A_997  : i32 {
      %parallel_loop3A_1108 = arith.constant 16 : i32
      %parallel_loop3A_1109 = arith.muli %parallel_loop3A_1107, %parallel_loop3A_1108 : i32
      %parallel_loop3A_1110 = arith.index_cast %parallel_loop3A_1109 : i32 to index
      %parallel_loop3A_1111 = tpu.vector_load %arg15[%parallel_loop3A_1110] {strides = array<i32>} : memref<2560xi32, #tpu.memory_space<vmem>>, vector<16xi32>,
      %parallel_loop3A_1112 = tpu.vector_load_idx %arg8[%parallel_loop3A_1111] : memref<50000xf32, #tpu.memory_space<vmem>>[vector<16xi32>], vector<16xf32>,
      %parallel_loop3A_1113 = arith.index_cast %parallel_loop3A_1109 : i32 to index
      %parallel_loop3A_1114 = tpu.vector_load %arg17[%parallel_loop3A_1113] {strides = array<i32>} : memref<2560xf32, #tpu.memory_space<vmem>>, vector<16xf32>,
      %parallel_loop3A_1115 = arith.constant 0.529177189 : f32
      %parallel_loop3A_1116 = vector.broadcast %parallel_loop3A_1115 : f32 to vector<16xf32>
      %parallel_loop3A_1117 = arith.mulf %parallel_loop3A_1114, %parallel_loop3A_1116 : vector<16xf32>
      %parallel_loop3A_1118 = arith.index_cast %parallel_loop3A_1109 : i32 to index
      %parallel_loop3A_1119 = tpu.vector_load %arg16[%parallel_loop3A_1118] {strides = array<i32>} : memref<2560xf32, #tpu.memory_space<vmem>>, vector<16xf32>,
      %parallel_loop3A_1120 = tpu.bitcast %parallel_loop3A_1119 : vector<16xf32> -> vector<16xi32>
      %parallel_loop3A_1121 = arith.constant 2129859011 : i32
      %parallel_loop3A_1122 = vector.broadcast %parallel_loop3A_1121 : i32 to vector<16xi32>
      %parallel_loop3A_1123 = arith.subi %parallel_loop3A_1122, %parallel_loop3A_1120 : vector<16xi32>
      %parallel_loop3A_1124 = tpu.bitcast %parallel_loop3A_1123 : vector<16xi32> -> vector<16xf32>
      %parallel_loop3A_1125 = arith.mulf %parallel_loop3A_1119, %parallel_loop3A_1124 : vector<16xf32>
      %parallel_loop3A_1126 = arith.constant 2.000000e+00 : f32
      %parallel_loop3A_1127 = vector.broadcast %parallel_loop3A_1126 : f32 to vector<16xf32>
      %parallel_loop3A_1128 = arith.subf %parallel_loop3A_1127, %parallel_loop3A_1125 : vector<16xf32>
      %parallel_loop3A_1129 = arith.mulf %parallel_loop3A_1124, %parallel_loop3A_1128 : vector<16xf32>
      %parallel_loop3A_1130 = arith.mulf %parallel_loop3A_1119, %parallel_loop3A_1129 : vector<16xf32>
      %parallel_loop3A_1131 = arith.constant 2.000000e+00 : f32
      %parallel_loop3A_1132 = vector.broadcast %parallel_loop3A_1131 : f32 to vector<16xf32>
      %parallel_loop3A_1133 = arith.subf %parallel_loop3A_1132, %parallel_loop3A_1130 : vector<16xf32>
      %parallel_loop3A_1134 = arith.mulf %parallel_loop3A_1129, %parallel_loop3A_1133 : vector<16xf32>
      %parallel_loop3A_1135 = arith.mulf %parallel_loop3A_1117, %parallel_loop3A_1134 : vector<16xf32>
      %parallel_loop3A_1136 = arith.index_cast %parallel_loop3A_1109 : i32 to index
      %parallel_loop3A_1137 = tpu.vector_load %arg14[%parallel_loop3A_1136] {strides = array<i32>} : memref<2560xi32, #tpu.memory_space<vmem>>, vector<16xi32>,
      %parallel_loop3A_1138 = arith.mulf %parallel_loop3A_1135, %parallel_loop3A_1112 : vector<16xf32>
      tpu.vector_store_idx %arg9[%parallel_loop3A_1137], %parallel_loop3A_1138 {add = true} : memref<50176xf32, #tpu.memory_space<vmem>>[vector<16xi32>], vector<16xf32>,
    } {sc.loop_unroll_factor = 4 : i64, sc.parallel_access}
    %dma_wait3A_998 = arith.constant 0 : i32
    %dma_wait3A_999 = tpu.memref_slice %arg18[%dma_wait3A_998] : memref<2560xi32, #tpu.memory_space<vmem>> -> memref<2560xi32, #tpu.memory_space<vmem>>
    %dma_wait3A_1000 = tpu.memref_slice %arg3[%mul3A_917] : memref<1600000xi32, #tpu.memory_space<hbm>> -> memref<2560xi32, #tpu.memory_space<hbm>>
    %dma_wait3A_1001 = arith.constant 0 : i32
    %dma_wait3A_1002 = tpu.memref_slice %arg18[%dma_wait3A_1001] : memref<2560xi32, #tpu.memory_space<vmem>> -> memref<2560xi32, #tpu.memory_space<vmem>>
    %dma_wait3A_1003 = tpu.memref_slice %arg3[%mul3A_917] : memref<1600000xi32, #tpu.memory_space<hbm>> -> memref<2560xi32, #tpu.memory_space<hbm>>
    tpu.wait_dma2 semaphore(%arg24 : memref<!tpu.dma_semaphore, #tpu.memory_space<semaphore_mem>>) src(%dma_wait3A_1003 : memref<2560xi32, #tpu.memory_space<hbm>>) dst(%dma_wait3A_1002 : memref<2560xi32, #tpu.memory_space<vmem>>)
    %dma_wait3A_1004 = arith.constant 0 : i32
    %dma_wait3A_1005 = tpu.memref_slice %arg19[%dma_wait3A_1004] : memref<2560xi32, #tpu.memory_space<vmem>> -> memref<2560xi32, #tpu.memory_space<vmem>>
    %dma_wait3A_1006 = tpu.memref_slice %arg4[%mul3A_917] : memref<1600000xi32, #tpu.memory_space<hbm>> -> memref<2560xi32, #tpu.memory_space<hbm>>
    %dma_wait3A_1007 = arith.constant 0 : i32
    %dma_wait3A_1008 = tpu.memref_slice %arg19[%dma_wait3A_1007] : memref<2560xi32, #tpu.memory_space<vmem>> -> memref<2560xi32, #tpu.memory_space<vmem>>
    %dma_wait3A_1009 = tpu.memref_slice %arg4[%mul3A_917] : memref<1600000xi32, #tpu.memory_space<hbm>> -> memref<2560xi32, #tpu.memory_space<hbm>>
    tpu.wait_dma2 semaphore(%arg24 : memref<!tpu.dma_semaphore, #tpu.memory_space<semaphore_mem>>) src(%dma_wait3A_1009 : memref<2560xi32, #tpu.memory_space<hbm>>) dst(%dma_wait3A_1008 : memref<2560xi32, #tpu.memory_space<vmem>>)
    %dma_wait3A_1010 = arith.constant 0 : i32
    %dma_wait3A_1011 = tpu.memref_slice %arg20[%dma_wait3A_1010] : memref<2560xf32, #tpu.memory_space<vmem>> -> memref<2560xf32, #tpu.memory_space<vmem>>
    %dma_wait3A_1012 = tpu.memref_slice %arg5[%mul3A_917] : memref<1600000xf32, #tpu.memory_space<hbm>> -> memref<2560xf32, #tpu.memory_space<hbm>>
    %dma_wait3A_1013 = arith.constant 0 : i32
    %dma_wait3A_1014 = tpu.memref_slice %arg20[%dma_wait3A_1013] : memref<2560xf32, #tpu.memory_space<vmem>> -> memref<2560xf32, #tpu.memory_space<vmem>>
    %dma_wait3A_1015 = tpu.memref_slice %arg5[%mul3A_917] : memref<1600000xf32, #tpu.memory_space<hbm>> -> memref<2560xf32, #tpu.memory_space<hbm>>
    tpu.wait_dma2 semaphore(%arg24 : memref<!tpu.dma_semaphore, #tpu.memory_space<semaphore_mem>>) src(%dma_wait3A_1015 : memref<2560xf32, #tpu.memory_space<hbm>>) dst(%dma_wait3A_1014 : memref<2560xf32, #tpu.memory_space<vmem>>)
    %dma_wait3A_1016 = arith.constant 0 : i32
    %dma_wait3A_1017 = tpu.memref_slice %arg21[%dma_wait3A_1016] : memref<2560xf32, #tpu.memory_space<vmem>> -> memref<2560xf32, #tpu.memory_space<vmem>>
    %dma_wait3A_1018 = tpu.memref_slice %arg6[%mul3A_917] : memref<1600000xf32, #tpu.memory_space<hbm>> -> memref<2560xf32, #tpu.memory_space<hbm>>
    %dma_wait3A_1019 = arith.constant 0 : i32
    %dma_wait3A_1020 = tpu.memref_slice %arg21[%dma_wait3A_1019] : memref<2560xf32, #tpu.memory_space<vmem>> -> memref<2560xf32, #tpu.memory_space<vmem>>
    %dma_wait3A_1021 = tpu.memref_slice %arg6[%mul3A_917] : memref<1600000xf32, #tpu.memory_space<hbm>> -> memref<2560xf32, #tpu.memory_space<hbm>>
    tpu.wait_dma2 semaphore(%arg24 : memref<!tpu.dma_semaphore, #tpu.memory_space<semaphore_mem>>) src(%dma_wait3A_1021 : memref<2560xf32, #tpu.memory_space<hbm>>) dst(%dma_wait3A_1020 : memref<2560xf32, #tpu.memory_space<vmem>>)
    %mul3A_1022 = arith.constant 128 : i32
    %mul3A_1023 = arith.muli %add3A_42, %mul3A_1022 : i32
    %dma_start3A_1024 = arith.constant 0 : i32
    %dma_start3A_1025 = tpu.memref_slice %arg14[%dma_start3A_1024] : memref<2560xi32, #tpu.memory_space<vmem>> -> memref<1280xi32, #tpu.memory_space<vmem>>
    %dma_start3A_1026 = tpu.memref_slice %arg3[%mul3A_1023] : memref<1600000xi32, #tpu.memory_space<hbm>> -> memref<1280xi32, #tpu.memory_space<hbm>>
    %dma_start3A_1027 = arith.constant 0 : i32
    %dma_start3A_1028 = tpu.memref_slice %arg14[%dma_start3A_1027] : memref<2560xi32, #tpu.memory_space<vmem>> -> memref<1280xi32, #tpu.memory_space<vmem>>
    %dma_start3A_1029 = tpu.memref_slice %arg3[%mul3A_1023] : memref<1600000xi32, #tpu.memory_space<hbm>> -> memref<1280xi32, #tpu.memory_space<hbm>>
    tpu.enqueue_dma source(%dma_start3A_1029 : memref<1280xi32, #tpu.memory_space<hbm>>) target(%dma_start3A_1028 : memref<1280xi32, #tpu.memory_space<vmem>>) target_semaphore(%arg23 : memref<!tpu.dma_semaphore, #tpu.memory_space<semaphore_mem>>)
    %dma_start3A_1030 = arith.constant 0 : i32
    %dma_start3A_1031 = tpu.memref_slice %arg15[%dma_start3A_1030] : memref<2560xi32, #tpu.memory_space<vmem>> -> memref<1280xi32, #tpu.memory_space<vmem>>
    %dma_start3A_1032 = tpu.memref_slice %arg4[%mul3A_1023] : memref<1600000xi32, #tpu.memory_space<hbm>> -> memref<1280xi32, #tpu.memory_space<hbm>>
    %dma_start3A_1033 = arith.constant 0 : i32
    %dma_start3A_1034 = tpu.memref_slice %arg15[%dma_start3A_1033] : memref<2560xi32, #tpu.memory_space<vmem>> -> memref<1280xi32, #tpu.memory_space<vmem>>
    %dma_start3A_1035 = tpu.memref_slice %arg4[%mul3A_1023] : memref<1600000xi32, #tpu.memory_space<hbm>> -> memref<1280xi32, #tpu.memory_space<hbm>>
    tpu.enqueue_dma source(%dma_start3A_1035 : memref<1280xi32, #tpu.memory_space<hbm>>) target(%dma_start3A_1034 : memref<1280xi32, #tpu.memory_space<vmem>>) target_semaphore(%arg23 : memref<!tpu.dma_semaphore, #tpu.memory_space<semaphore_mem>>)
    %dma_start3A_1036 = arith.constant 0 : i32
    %dma_start3A_1037 = tpu.memref_slice %arg16[%dma_start3A_1036] : memref<2560xf32, #tpu.memory_space<vmem>> -> memref<1280xf32, #tpu.memory_space<vmem>>
    %dma_start3A_1038 = tpu.memref_slice %arg5[%mul3A_1023] : memref<1600000xf32, #tpu.memory_space<hbm>> -> memref<1280xf32, #tpu.memory_space<hbm>>
    %dma_start3A_1039 = arith.constant 0 : i32
    %dma_start3A_1040 = tpu.memref_slice %arg16[%dma_start3A_1039] : memref<2560xf32, #tpu.memory_space<vmem>> -> memref<1280xf32, #tpu.memory_space<vmem>>
    %dma_start3A_1041 = tpu.memref_slice %arg5[%mul3A_1023] : memref<1600000xf32, #tpu.memory_space<hbm>> -> memref<1280xf32, #tpu.memory_space<hbm>>
    tpu.enqueue_dma source(%dma_start3A_1041 : memref<1280xf32, #tpu.memory_space<hbm>>) target(%dma_start3A_1040 : memref<1280xf32, #tpu.memory_space<vmem>>) target_semaphore(%arg23 : memref<!tpu.dma_semaphore, #tpu.memory_space<semaphore_mem>>)
    %dma_start3A_1042 = arith.constant 0 : i32
    %dma_start3A_1043 = tpu.memref_slice %arg17[%dma_start3A_1042] : memref<2560xf32, #tpu.memory_space<vmem>> -> memref<1280xf32, #tpu.memory_space<vmem>>
    %dma_start3A_1044 = tpu.memref_slice %arg6[%mul3A_1023] : memref<1600000xf32, #tpu.memory_space<hbm>> -> memref<1280xf32, #tpu.memory_space<hbm>>
    %dma_start3A_1045 = arith.constant 0 : i32
    %dma_start3A_1046 = tpu.memref_slice %arg17[%dma_start3A_1045] : memref<2560xf32, #tpu.memory_space<vmem>> -> memref<1280xf32, #tpu.memory_space<vmem>>
    %dma_start3A_1047 = tpu.memref_slice %arg6[%mul3A_1023] : memref<1600000xf32, #tpu.memory_space<hbm>> -> memref<1280xf32, #tpu.memory_space<hbm>>
    tpu.enqueue_dma source(%dma_start3A_1047 : memref<1280xf32, #tpu.memory_space<hbm>>) target(%dma_start3A_1046 : memref<1280xf32, #tpu.memory_space<vmem>>) target_semaphore(%arg23 : memref<!tpu.dma_semaphore, #tpu.memory_space<semaphore_mem>>)
    %parallel_loop3A_1048 = arith.constant 0 : i32
    %parallel_loop3A_1049 = arith.constant 160 : i32
    %parallel_loop3A_1050 = arith.constant 1 : i32
    scf.for %parallel_loop3A_1107 = %parallel_loop3A_1048 to %parallel_loop3A_1049 step %parallel_loop3A_1050  : i32 {
      %parallel_loop3A_1108 = arith.constant 16 : i32
      %parallel_loop3A_1109 = arith.muli %parallel_loop3A_1107, %parallel_loop3A_1108 : i32
      %parallel_loop3A_1110 = arith.index_cast %parallel_loop3A_1109 : i32 to index
      %parallel_loop3A_1111 = tpu.vector_load %arg19[%parallel_loop3A_1110] {strides = array<i32>} : memref<2560xi32, #tpu.memory_space<vmem>>, vector<16xi32>,
      %parallel_loop3A_1112 = tpu.vector_load_idx %arg8[%parallel_loop3A_1111] : memref<50000xf32, #tpu.memory_space<vmem>>[vector<16xi32>], vector<16xf32>,
      %parallel_loop3A_1113 = arith.index_cast %parallel_loop3A_1109 : i32 to index
      %parallel_loop3A_1114 = tpu.vector_load %arg21[%parallel_loop3A_1113] {strides = array<i32>} : memref<2560xf32, #tpu.memory_space<vmem>>, vector<16xf32>,
      %parallel_loop3A_1115 = arith.constant 0.529177189 : f32
      %parallel_loop3A_1116 = vector.broadcast %parallel_loop3A_1115 : f32 to vector<16xf32>
      %parallel_loop3A_1117 = arith.mulf %parallel_loop3A_1114, %parallel_loop3A_1116 : vector<16xf32>
      %parallel_loop3A_1118 = arith.index_cast %parallel_loop3A_1109 : i32 to index
      %parallel_loop3A_1119 = tpu.vector_load %arg20[%parallel_loop3A_1118] {strides = array<i32>} : memref<2560xf32, #tpu.memory_space<vmem>>, vector<16xf32>,
      %parallel_loop3A_1120 = tpu.bitcast %parallel_loop3A_1119 : vector<16xf32> -> vector<16xi32>
      %parallel_loop3A_1121 = arith.constant 2129859011 : i32
      %parallel_loop3A_1122 = vector.broadcast %parallel_loop3A_1121 : i32 to vector<16xi32>
      %parallel_loop3A_1123 = arith.subi %parallel_loop3A_1122, %parallel_loop3A_1120 : vector<16xi32>
      %parallel_loop3A_1124 = tpu.bitcast %parallel_loop3A_1123 : vector<16xi32> -> vector<16xf32>
      %parallel_loop3A_1125 = arith.mulf %parallel_loop3A_1119, %parallel_loop3A_1124 : vector<16xf32>
      %parallel_loop3A_1126 = arith.constant 2.000000e+00 : f32
      %parallel_loop3A_1127 = vector.broadcast %parallel_loop3A_1126 : f32 to vector<16xf32>
      %parallel_loop3A_1128 = arith.subf %parallel_loop3A_1127, %parallel_loop3A_1125 : vector<16xf32>
      %parallel_loop3A_1129 = arith.mulf %parallel_loop3A_1124, %parallel_loop3A_1128 : vector<16xf32>
      %parallel_loop3A_1130 = arith.mulf %parallel_loop3A_1119, %parallel_loop3A_1129 : vector<16xf32>
      %parallel_loop3A_1131 = arith.constant 2.000000e+00 : f32
      %parallel_loop3A_1132 = vector.broadcast %parallel_loop3A_1131 : f32 to vector<16xf32>
      %parallel_loop3A_1133 = arith.subf %parallel_loop3A_1132, %parallel_loop3A_1130 : vector<16xf32>
      %parallel_loop3A_1134 = arith.mulf %parallel_loop3A_1129, %parallel_loop3A_1133 : vector<16xf32>
      %parallel_loop3A_1135 = arith.mulf %parallel_loop3A_1117, %parallel_loop3A_1134 : vector<16xf32>
      %parallel_loop3A_1136 = arith.index_cast %parallel_loop3A_1109 : i32 to index
      %parallel_loop3A_1137 = tpu.vector_load %arg18[%parallel_loop3A_1136] {strides = array<i32>} : memref<2560xi32, #tpu.memory_space<vmem>>, vector<16xi32>,
      %parallel_loop3A_1138 = arith.mulf %parallel_loop3A_1135, %parallel_loop3A_1112 : vector<16xf32>
      tpu.vector_store_idx %arg9[%parallel_loop3A_1137], %parallel_loop3A_1138 {add = true} : memref<50176xf32, #tpu.memory_space<vmem>>[vector<16xi32>], vector<16xf32>,
    } {sc.loop_unroll_factor = 4 : i64, sc.parallel_access}
    %dma_wait3A_1051 = arith.constant 0 : i32
    %dma_wait3A_1052 = tpu.memref_slice %arg10[%dma_wait3A_1051] : memref<2560xi32, #tpu.memory_space<vmem>> -> memref<2560xi32, #tpu.memory_space<vmem>>
    %dma_wait3A_1053 = tpu.memref_slice %arg3[%mul3A_970] : memref<1600000xi32, #tpu.memory_space<hbm>> -> memref<2560xi32, #tpu.memory_space<hbm>>
    %dma_wait3A_1054 = arith.constant 0 : i32
    %dma_wait3A_1055 = tpu.memref_slice %arg10[%dma_wait3A_1054] : memref<2560xi32, #tpu.memory_space<vmem>> -> memref<2560xi32, #tpu.memory_space<vmem>>
    %dma_wait3A_1056 = tpu.memref_slice %arg3[%mul3A_970] : memref<1600000xi32, #tpu.memory_space<hbm>> -> memref<2560xi32, #tpu.memory_space<hbm>>
    tpu.wait_dma2 semaphore(%arg22 : memref<!tpu.dma_semaphore, #tpu.memory_space<semaphore_mem>>) src(%dma_wait3A_1056 : memref<2560xi32, #tpu.memory_space<hbm>>) dst(%dma_wait3A_1055 : memref<2560xi32, #tpu.memory_space<vmem>>)
    %dma_wait3A_1057 = arith.constant 0 : i32
    %dma_wait3A_1058 = tpu.memref_slice %arg11[%dma_wait3A_1057] : memref<2560xi32, #tpu.memory_space<vmem>> -> memref<2560xi32, #tpu.memory_space<vmem>>
    %dma_wait3A_1059 = tpu.memref_slice %arg4[%mul3A_970] : memref<1600000xi32, #tpu.memory_space<hbm>> -> memref<2560xi32, #tpu.memory_space<hbm>>
    %dma_wait3A_1060 = arith.constant 0 : i32
    %dma_wait3A_1061 = tpu.memref_slice %arg11[%dma_wait3A_1060] : memref<2560xi32, #tpu.memory_space<vmem>> -> memref<2560xi32, #tpu.memory_space<vmem>>
    %dma_wait3A_1062 = tpu.memref_slice %arg4[%mul3A_970] : memref<1600000xi32, #tpu.memory_space<hbm>> -> memref<2560xi32, #tpu.memory_space<hbm>>
    tpu.wait_dma2 semaphore(%arg22 : memref<!tpu.dma_semaphore, #tpu.memory_space<semaphore_mem>>) src(%dma_wait3A_1062 : memref<2560xi32, #tpu.memory_space<hbm>>) dst(%dma_wait3A_1061 : memref<2560xi32, #tpu.memory_space<vmem>>)
    %dma_wait3A_1063 = arith.constant 0 : i32
    %dma_wait3A_1064 = tpu.memref_slice %arg12[%dma_wait3A_1063] : memref<2560xf32, #tpu.memory_space<vmem>> -> memref<2560xf32, #tpu.memory_space<vmem>>
    %dma_wait3A_1065 = tpu.memref_slice %arg5[%mul3A_970] : memref<1600000xf32, #tpu.memory_space<hbm>> -> memref<2560xf32, #tpu.memory_space<hbm>>
    %dma_wait3A_1066 = arith.constant 0 : i32
    %dma_wait3A_1067 = tpu.memref_slice %arg12[%dma_wait3A_1066] : memref<2560xf32, #tpu.memory_space<vmem>> -> memref<2560xf32, #tpu.memory_space<vmem>>
    %dma_wait3A_1068 = tpu.memref_slice %arg5[%mul3A_970] : memref<1600000xf32, #tpu.memory_space<hbm>> -> memref<2560xf32, #tpu.memory_space<hbm>>
    tpu.wait_dma2 semaphore(%arg22 : memref<!tpu.dma_semaphore, #tpu.memory_space<semaphore_mem>>) src(%dma_wait3A_1068 : memref<2560xf32, #tpu.memory_space<hbm>>) dst(%dma_wait3A_1067 : memref<2560xf32, #tpu.memory_space<vmem>>)
    %dma_wait3A_1069 = arith.constant 0 : i32
    %dma_wait3A_1070 = tpu.memref_slice %arg13[%dma_wait3A_1069] : memref<2560xf32, #tpu.memory_space<vmem>> -> memref<2560xf32, #tpu.memory_space<vmem>>
    %dma_wait3A_1071 = tpu.memref_slice %arg6[%mul3A_970] : memref<1600000xf32, #tpu.memory_space<hbm>> -> memref<2560xf32, #tpu.memory_space<hbm>>
    %dma_wait3A_1072 = arith.constant 0 : i32
    %dma_wait3A_1073 = tpu.memref_slice %arg13[%dma_wait3A_1072] : memref<2560xf32, #tpu.memory_space<vmem>> -> memref<2560xf32, #tpu.memory_space<vmem>>
    %dma_wait3A_1074 = tpu.memref_slice %arg6[%mul3A_970] : memref<1600000xf32, #tpu.memory_space<hbm>> -> memref<2560xf32, #tpu.memory_space<hbm>>
    tpu.wait_dma2 semaphore(%arg22 : memref<!tpu.dma_semaphore, #tpu.memory_space<semaphore_mem>>) src(%dma_wait3A_1074 : memref<2560xf32, #tpu.memory_space<hbm>>) dst(%dma_wait3A_1073 : memref<2560xf32, #tpu.memory_space<vmem>>)
    %parallel_loop3A_1075 = arith.constant 0 : i32
    %parallel_loop3A_1076 = arith.constant 160 : i32
    %parallel_loop3A_1077 = arith.constant 1 : i32
    scf.for %parallel_loop3A_1107 = %parallel_loop3A_1075 to %parallel_loop3A_1076 step %parallel_loop3A_1077  : i32 {
      %parallel_loop3A_1108 = arith.constant 16 : i32
      %parallel_loop3A_1109 = arith.muli %parallel_loop3A_1107, %parallel_loop3A_1108 : i32
      %parallel_loop3A_1110 = arith.index_cast %parallel_loop3A_1109 : i32 to index
      %parallel_loop3A_1111 = tpu.vector_load %arg11[%parallel_loop3A_1110] {strides = array<i32>} : memref<2560xi32, #tpu.memory_space<vmem>>, vector<16xi32>,
      %parallel_loop3A_1112 = tpu.vector_load_idx %arg8[%parallel_loop3A_1111] : memref<50000xf32, #tpu.memory_space<vmem>>[vector<16xi32>], vector<16xf32>,
      %parallel_loop3A_1113 = arith.index_cast %parallel_loop3A_1109 : i32 to index
      %parallel_loop3A_1114 = tpu.vector_load %arg13[%parallel_loop3A_1113] {strides = array<i32>} : memref<2560xf32, #tpu.memory_space<vmem>>, vector<16xf32>,
      %parallel_loop3A_1115 = arith.constant 0.529177189 : f32
      %parallel_loop3A_1116 = vector.broadcast %parallel_loop3A_1115 : f32 to vector<16xf32>
      %parallel_loop3A_1117 = arith.mulf %parallel_loop3A_1114, %parallel_loop3A_1116 : vector<16xf32>
      %parallel_loop3A_1118 = arith.index_cast %parallel_loop3A_1109 : i32 to index
      %parallel_loop3A_1119 = tpu.vector_load %arg12[%parallel_loop3A_1118] {strides = array<i32>} : memref<2560xf32, #tpu.memory_space<vmem>>, vector<16xf32>,
      %parallel_loop3A_1120 = tpu.bitcast %parallel_loop3A_1119 : vector<16xf32> -> vector<16xi32>
      %parallel_loop3A_1121 = arith.constant 2129859011 : i32
      %parallel_loop3A_1122 = vector.broadcast %parallel_loop3A_1121 : i32 to vector<16xi32>
      %parallel_loop3A_1123 = arith.subi %parallel_loop3A_1122, %parallel_loop3A_1120 : vector<16xi32>
      %parallel_loop3A_1124 = tpu.bitcast %parallel_loop3A_1123 : vector<16xi32> -> vector<16xf32>
      %parallel_loop3A_1125 = arith.mulf %parallel_loop3A_1119, %parallel_loop3A_1124 : vector<16xf32>
      %parallel_loop3A_1126 = arith.constant 2.000000e+00 : f32
      %parallel_loop3A_1127 = vector.broadcast %parallel_loop3A_1126 : f32 to vector<16xf32>
      %parallel_loop3A_1128 = arith.subf %parallel_loop3A_1127, %parallel_loop3A_1125 : vector<16xf32>
      %parallel_loop3A_1129 = arith.mulf %parallel_loop3A_1124, %parallel_loop3A_1128 : vector<16xf32>
      %parallel_loop3A_1130 = arith.mulf %parallel_loop3A_1119, %parallel_loop3A_1129 : vector<16xf32>
      %parallel_loop3A_1131 = arith.constant 2.000000e+00 : f32
      %parallel_loop3A_1132 = vector.broadcast %parallel_loop3A_1131 : f32 to vector<16xf32>
      %parallel_loop3A_1133 = arith.subf %parallel_loop3A_1132, %parallel_loop3A_1130 : vector<16xf32>
      %parallel_loop3A_1134 = arith.mulf %parallel_loop3A_1129, %parallel_loop3A_1133 : vector<16xf32>
      %parallel_loop3A_1135 = arith.mulf %parallel_loop3A_1117, %parallel_loop3A_1134 : vector<16xf32>
      %parallel_loop3A_1136 = arith.index_cast %parallel_loop3A_1109 : i32 to index
      %parallel_loop3A_1137 = tpu.vector_load %arg10[%parallel_loop3A_1136] {strides = array<i32>} : memref<2560xi32, #tpu.memory_space<vmem>>, vector<16xi32>,
      %parallel_loop3A_1138 = arith.mulf %parallel_loop3A_1135, %parallel_loop3A_1112 : vector<16xf32>
      tpu.vector_store_idx %arg9[%parallel_loop3A_1137], %parallel_loop3A_1138 {add = true} : memref<50176xf32, #tpu.memory_space<vmem>>[vector<16xi32>], vector<16xf32>,
    } {sc.loop_unroll_factor = 4 : i64, sc.parallel_access}
    %dma_wait3A_1078 = arith.constant 0 : i32
    %dma_wait3A_1079 = tpu.memref_slice %arg14[%dma_wait3A_1078] : memref<2560xi32, #tpu.memory_space<vmem>> -> memref<1280xi32, #tpu.memory_space<vmem>>
    %dma_wait3A_1080 = tpu.memref_slice %arg3[%mul3A_1023] : memref<1600000xi32, #tpu.memory_space<hbm>> -> memref<1280xi32, #tpu.memory_space<hbm>>
    %dma_wait3A_1081 = arith.constant 0 : i32
    %dma_wait3A_1082 = tpu.memref_slice %arg14[%dma_wait3A_1081] : memref<2560xi32, #tpu.memory_space<vmem>> -> memref<1280xi32, #tpu.memory_space<vmem>>
    %dma_wait3A_1083 = tpu.memref_slice %arg3[%mul3A_1023] : memref<1600000xi32, #tpu.memory_space<hbm>> -> memref<1280xi32, #tpu.memory_space<hbm>>
    tpu.wait_dma2 semaphore(%arg23 : memref<!tpu.dma_semaphore, #tpu.memory_space<semaphore_mem>>) src(%dma_wait3A_1083 : memref<1280xi32, #tpu.memory_space<hbm>>) dst(%dma_wait3A_1082 : memref<1280xi32, #tpu.memory_space<vmem>>)
    %dma_wait3A_1084 = arith.constant 0 : i32
    %dma_wait3A_1085 = tpu.memref_slice %arg15[%dma_wait3A_1084] : memref<2560xi32, #tpu.memory_space<vmem>> -> memref<1280xi32, #tpu.memory_space<vmem>>
    %dma_wait3A_1086 = tpu.memref_slice %arg4[%mul3A_1023] : memref<1600000xi32, #tpu.memory_space<hbm>> -> memref<1280xi32, #tpu.memory_space<hbm>>
    %dma_wait3A_1087 = arith.constant 0 : i32
    %dma_wait3A_1088 = tpu.memref_slice %arg15[%dma_wait3A_1087] : memref<2560xi32, #tpu.memory_space<vmem>> -> memref<1280xi32, #tpu.memory_space<vmem>>
    %dma_wait3A_1089 = tpu.memref_slice %arg4[%mul3A_1023] : memref<1600000xi32, #tpu.memory_space<hbm>> -> memref<1280xi32, #tpu.memory_space<hbm>>
    tpu.wait_dma2 semaphore(%arg23 : memref<!tpu.dma_semaphore, #tpu.memory_space<semaphore_mem>>) src(%dma_wait3A_1089 : memref<1280xi32, #tpu.memory_space<hbm>>) dst(%dma_wait3A_1088 : memref<1280xi32, #tpu.memory_space<vmem>>)
    %dma_wait3A_1090 = arith.constant 0 : i32
    %dma_wait3A_1091 = tpu.memref_slice %arg16[%dma_wait3A_1090] : memref<2560xf32, #tpu.memory_space<vmem>> -> memref<1280xf32, #tpu.memory_space<vmem>>
    %dma_wait3A_1092 = tpu.memref_slice %arg5[%mul3A_1023] : memref<1600000xf32, #tpu.memory_space<hbm>> -> memref<1280xf32, #tpu.memory_space<hbm>>
    %dma_wait3A_1093 = arith.constant 0 : i32
    %dma_wait3A_1094 = tpu.memref_slice %arg16[%dma_wait3A_1093] : memref<2560xf32, #tpu.memory_space<vmem>> -> memref<1280xf32, #tpu.memory_space<vmem>>
    %dma_wait3A_1095 = tpu.memref_slice %arg5[%mul3A_1023] : memref<1600000xf32, #tpu.memory_space<hbm>> -> memref<1280xf32, #tpu.memory_space<hbm>>
    tpu.wait_dma2 semaphore(%arg23 : memref<!tpu.dma_semaphore, #tpu.memory_space<semaphore_mem>>) src(%dma_wait3A_1095 : memref<1280xf32, #tpu.memory_space<hbm>>) dst(%dma_wait3A_1094 : memref<1280xf32, #tpu.memory_space<vmem>>)
    %dma_wait3A_1096 = arith.constant 0 : i32
    %dma_wait3A_1097 = tpu.memref_slice %arg17[%dma_wait3A_1096] : memref<2560xf32, #tpu.memory_space<vmem>> -> memref<1280xf32, #tpu.memory_space<vmem>>
    %dma_wait3A_1098 = tpu.memref_slice %arg6[%mul3A_1023] : memref<1600000xf32, #tpu.memory_space<hbm>> -> memref<1280xf32, #tpu.memory_space<hbm>>
    %dma_wait3A_1099 = arith.constant 0 : i32
    %dma_wait3A_1100 = tpu.memref_slice %arg17[%dma_wait3A_1099] : memref<2560xf32, #tpu.memory_space<vmem>> -> memref<1280xf32, #tpu.memory_space<vmem>>
    %dma_wait3A_1101 = tpu.memref_slice %arg6[%mul3A_1023] : memref<1600000xf32, #tpu.memory_space<hbm>> -> memref<1280xf32, #tpu.memory_space<hbm>>
    tpu.wait_dma2 semaphore(%arg23 : memref<!tpu.dma_semaphore, #tpu.memory_space<semaphore_mem>>) src(%dma_wait3A_1101 : memref<1280xf32, #tpu.memory_space<hbm>>) dst(%dma_wait3A_1100 : memref<1280xf32, #tpu.memory_space<vmem>>)
    %parallel_loop3A_1102 = arith.constant 0 : i32
    %parallel_loop3A_1103 = arith.constant 80 : i32
    %parallel_loop3A_1104 = arith.constant 1 : i32
    scf.for %parallel_loop3A_1107 = %parallel_loop3A_1102 to %parallel_loop3A_1103 step %parallel_loop3A_1104  : i32 {
      %parallel_loop3A_1108 = arith.constant 16 : i32
      %parallel_loop3A_1109 = arith.muli %parallel_loop3A_1107, %parallel_loop3A_1108 : i32
      %parallel_loop3A_1110 = arith.index_cast %parallel_loop3A_1109 : i32 to index
      %parallel_loop3A_1111 = tpu.vector_load %arg15[%parallel_loop3A_1110] {strides = array<i32>} : memref<2560xi32, #tpu.memory_space<vmem>>, vector<16xi32>,
      %parallel_loop3A_1112 = tpu.vector_load_idx %arg8[%parallel_loop3A_1111] : memref<50000xf32, #tpu.memory_space<vmem>>[vector<16xi32>], vector<16xf32>,
      %parallel_loop3A_1113 = arith.index_cast %parallel_loop3A_1109 : i32 to index
      %parallel_loop3A_1114 = tpu.vector_load %arg17[%parallel_loop3A_1113] {strides = array<i32>} : memref<2560xf32, #tpu.memory_space<vmem>>, vector<16xf32>,
      %parallel_loop3A_1115 = arith.constant 0.529177189 : f32
      %parallel_loop3A_1116 = vector.broadcast %parallel_loop3A_1115 : f32 to vector<16xf32>
      %parallel_loop3A_1117 = arith.mulf %parallel_loop3A_1114, %parallel_loop3A_1116 : vector<16xf32>
      %parallel_loop3A_1118 = arith.index_cast %parallel_loop3A_1109 : i32 to index
      %parallel_loop3A_1119 = tpu.vector_load %arg16[%parallel_loop3A_1118] {strides = array<i32>} : memref<2560xf32, #tpu.memory_space<vmem>>, vector<16xf32>,
      %parallel_loop3A_1120 = tpu.bitcast %parallel_loop3A_1119 : vector<16xf32> -> vector<16xi32>
      %parallel_loop3A_1121 = arith.constant 2129859011 : i32
      %parallel_loop3A_1122 = vector.broadcast %parallel_loop3A_1121 : i32 to vector<16xi32>
      %parallel_loop3A_1123 = arith.subi %parallel_loop3A_1122, %parallel_loop3A_1120 : vector<16xi32>
      %parallel_loop3A_1124 = tpu.bitcast %parallel_loop3A_1123 : vector<16xi32> -> vector<16xf32>
      %parallel_loop3A_1125 = arith.mulf %parallel_loop3A_1119, %parallel_loop3A_1124 : vector<16xf32>
      %parallel_loop3A_1126 = arith.constant 2.000000e+00 : f32
      %parallel_loop3A_1127 = vector.broadcast %parallel_loop3A_1126 : f32 to vector<16xf32>
      %parallel_loop3A_1128 = arith.subf %parallel_loop3A_1127, %parallel_loop3A_1125 : vector<16xf32>
      %parallel_loop3A_1129 = arith.mulf %parallel_loop3A_1124, %parallel_loop3A_1128 : vector<16xf32>
      %parallel_loop3A_1130 = arith.mulf %parallel_loop3A_1119, %parallel_loop3A_1129 : vector<16xf32>
      %parallel_loop3A_1131 = arith.constant 2.000000e+00 : f32
      %parallel_loop3A_1132 = vector.broadcast %parallel_loop3A_1131 : f32 to vector<16xf32>
      %parallel_loop3A_1133 = arith.subf %parallel_loop3A_1132, %parallel_loop3A_1130 : vector<16xf32>
      %parallel_loop3A_1134 = arith.mulf %parallel_loop3A_1129, %parallel_loop3A_1133 : vector<16xf32>
      %parallel_loop3A_1135 = arith.mulf %parallel_loop3A_1117, %parallel_loop3A_1134 : vector<16xf32>
      %parallel_loop3A_1136 = arith.index_cast %parallel_loop3A_1109 : i32 to index
      %parallel_loop3A_1137 = tpu.vector_load %arg14[%parallel_loop3A_1136] {strides = array<i32>} : memref<2560xi32, #tpu.memory_space<vmem>>, vector<16xi32>,
      %parallel_loop3A_1138 = arith.mulf %parallel_loop3A_1135, %parallel_loop3A_1112 : vector<16xf32>
      tpu.vector_store_idx %arg9[%parallel_loop3A_1137], %parallel_loop3A_1138 {add = true} : memref<50176xf32, #tpu.memory_space<vmem>>[vector<16xi32>], vector<16xf32>,
    } {sc.loop_unroll_factor = 4 : i64, sc.parallel_access}
    %lt3A = arith.constant 20 : i32
    %lt3A_1105 = arith.cmpi slt, %add3A, %lt3A : i32
    %convert_element_type3A = arith.extui %lt3A_1105 : i1 to i32
    %cond3A = arith.constant 0 : i32
    %cond3A_1106 = arith.cmpi ne, %convert_element_type3A, %cond3A : i32
    scf.if %cond3A_1106 {
      %add3A_1107 = arith.constant 12480 : i32
      %add3A_1108 = arith.addi %add3A_1107, %add3A : i32
      %mul3A_1109 = arith.constant 128 : i32
      %mul3A_1110 = arith.muli %add3A_1108, %mul3A_1109 : i32
      %dma_start3A_1111 = arith.constant 0 : i32
      %dma_start3A_1112 = tpu.memref_slice %arg10[%dma_start3A_1111] : memref<2560xi32, #tpu.memory_space<vmem>> -> memref<128xi32, #tpu.memory_space<vmem>>
      %dma_start3A_1113 = tpu.memref_slice %arg3[%mul3A_1110] : memref<1600000xi32, #tpu.memory_space<hbm>> -> memref<128xi32, #tpu.memory_space<hbm>>
      %dma_start3A_1114 = arith.constant 0 : i32
      %dma_start3A_1115 = tpu.memref_slice %arg10[%dma_start3A_1114] : memref<2560xi32, #tpu.memory_space<vmem>> -> memref<128xi32, #tpu.memory_space<vmem>>
      %dma_start3A_1116 = tpu.memref_slice %arg3[%mul3A_1110] : memref<1600000xi32, #tpu.memory_space<hbm>> -> memref<128xi32, #tpu.memory_space<hbm>>
      tpu.enqueue_dma source(%dma_start3A_1116 : memref<128xi32, #tpu.memory_space<hbm>>) target(%dma_start3A_1115 : memref<128xi32, #tpu.memory_space<vmem>>) target_semaphore(%arg22 : memref<!tpu.dma_semaphore, #tpu.memory_space<semaphore_mem>>)
      %dma_start3A_1117 = arith.constant 0 : i32
      %dma_start3A_1118 = tpu.memref_slice %arg11[%dma_start3A_1117] : memref<2560xi32, #tpu.memory_space<vmem>> -> memref<128xi32, #tpu.memory_space<vmem>>
      %dma_start3A_1119 = tpu.memref_slice %arg4[%mul3A_1110] : memref<1600000xi32, #tpu.memory_space<hbm>> -> memref<128xi32, #tpu.memory_space<hbm>>
      %dma_start3A_1120 = arith.constant 0 : i32
      %dma_start3A_1121 = tpu.memref_slice %arg11[%dma_start3A_1120] : memref<2560xi32, #tpu.memory_space<vmem>> -> memref<128xi32, #tpu.memory_space<vmem>>
      %dma_start3A_1122 = tpu.memref_slice %arg4[%mul3A_1110] : memref<1600000xi32, #tpu.memory_space<hbm>> -> memref<128xi32, #tpu.memory_space<hbm>>
      tpu.enqueue_dma source(%dma_start3A_1122 : memref<128xi32, #tpu.memory_space<hbm>>) target(%dma_start3A_1121 : memref<128xi32, #tpu.memory_space<vmem>>) target_semaphore(%arg22 : memref<!tpu.dma_semaphore, #tpu.memory_space<semaphore_mem>>)
      %dma_start3A_1123 = arith.constant 0 : i32
      %dma_start3A_1124 = tpu.memref_slice %arg12[%dma_start3A_1123] : memref<2560xf32, #tpu.memory_space<vmem>> -> memref<128xf32, #tpu.memory_space<vmem>>
      %dma_start3A_1125 = tpu.memref_slice %arg5[%mul3A_1110] : memref<1600000xf32, #tpu.memory_space<hbm>> -> memref<128xf32, #tpu.memory_space<hbm>>
      %dma_start3A_1126 = arith.constant 0 : i32
      %dma_start3A_1127 = tpu.memref_slice %arg12[%dma_start3A_1126] : memref<2560xf32, #tpu.memory_space<vmem>> -> memref<128xf32, #tpu.memory_space<vmem>>
      %dma_start3A_1128 = tpu.memref_slice %arg5[%mul3A_1110] : memref<1600000xf32, #tpu.memory_space<hbm>> -> memref<128xf32, #tpu.memory_space<hbm>>
      tpu.enqueue_dma source(%dma_start3A_1128 : memref<128xf32, #tpu.memory_space<hbm>>) target(%dma_start3A_1127 : memref<128xf32, #tpu.memory_space<vmem>>) target_semaphore(%arg22 : memref<!tpu.dma_semaphore, #tpu.memory_space<semaphore_mem>>)
      %dma_start3A_1129 = arith.constant 0 : i32
      %dma_start3A_1130 = tpu.memref_slice %arg13[%dma_start3A_1129] : memref<2560xf32, #tpu.memory_space<vmem>> -> memref<128xf32, #tpu.memory_space<vmem>>
      %dma_start3A_1131 = tpu.memref_slice %arg6[%mul3A_1110] : memref<1600000xf32, #tpu.memory_space<hbm>> -> memref<128xf32, #tpu.memory_space<hbm>>
      %dma_start3A_1132 = arith.constant 0 : i32
      %dma_start3A_1133 = tpu.memref_slice %arg13[%dma_start3A_1132] : memref<2560xf32, #tpu.memory_space<vmem>> -> memref<128xf32, #tpu.memory_space<vmem>>
      %dma_start3A_1134 = tpu.memref_slice %arg6[%mul3A_1110] : memref<1600000xf32, #tpu.memory_space<hbm>> -> memref<128xf32, #tpu.memory_space<hbm>>
      tpu.enqueue_dma source(%dma_start3A_1134 : memref<128xf32, #tpu.memory_space<hbm>>) target(%dma_start3A_1133 : memref<128xf32, #tpu.memory_space<vmem>>) target_semaphore(%arg22 : memref<!tpu.dma_semaphore, #tpu.memory_space<semaphore_mem>>)
      %dma_wait3A_1135 = arith.constant 0 : i32
      %dma_wait3A_1136 = tpu.memref_slice %arg10[%dma_wait3A_1135] : memref<2560xi32, #tpu.memory_space<vmem>> -> memref<128xi32, #tpu.memory_space<vmem>>
      %dma_wait3A_1137 = tpu.memref_slice %arg3[%mul3A_1110] : memref<1600000xi32, #tpu.memory_space<hbm>> -> memref<128xi32, #tpu.memory_space<hbm>>
      %dma_wait3A_1138 = arith.constant 0 : i32
      %dma_wait3A_1139 = tpu.memref_slice %arg10[%dma_wait3A_1138] : memref<2560xi32, #tpu.memory_space<vmem>> -> memref<128xi32, #tpu.memory_space<vmem>>
      %dma_wait3A_1140 = tpu.memref_slice %arg3[%mul3A_1110] : memref<1600000xi32, #tpu.memory_space<hbm>> -> memref<128xi32, #tpu.memory_space<hbm>>
      tpu.wait_dma2 semaphore(%arg22 : memref<!tpu.dma_semaphore, #tpu.memory_space<semaphore_mem>>) src(%dma_wait3A_1140 : memref<128xi32, #tpu.memory_space<hbm>>) dst(%dma_wait3A_1139 : memref<128xi32, #tpu.memory_space<vmem>>)
      %dma_wait3A_1141 = arith.constant 0 : i32
      %dma_wait3A_1142 = tpu.memref_slice %arg11[%dma_wait3A_1141] : memref<2560xi32, #tpu.memory_space<vmem>> -> memref<128xi32, #tpu.memory_space<vmem>>
      %dma_wait3A_1143 = tpu.memref_slice %arg4[%mul3A_1110] : memref<1600000xi32, #tpu.memory_space<hbm>> -> memref<128xi32, #tpu.memory_space<hbm>>
      %dma_wait3A_1144 = arith.constant 0 : i32
      %dma_wait3A_1145 = tpu.memref_slice %arg11[%dma_wait3A_1144] : memref<2560xi32, #tpu.memory_space<vmem>> -> memref<128xi32, #tpu.memory_space<vmem>>
      %dma_wait3A_1146 = tpu.memref_slice %arg4[%mul3A_1110] : memref<1600000xi32, #tpu.memory_space<hbm>> -> memref<128xi32, #tpu.memory_space<hbm>>
      tpu.wait_dma2 semaphore(%arg22 : memref<!tpu.dma_semaphore, #tpu.memory_space<semaphore_mem>>) src(%dma_wait3A_1146 : memref<128xi32, #tpu.memory_space<hbm>>) dst(%dma_wait3A_1145 : memref<128xi32, #tpu.memory_space<vmem>>)
      %dma_wait3A_1147 = arith.constant 0 : i32
      %dma_wait3A_1148 = tpu.memref_slice %arg12[%dma_wait3A_1147] : memref<2560xf32, #tpu.memory_space<vmem>> -> memref<128xf32, #tpu.memory_space<vmem>>
      %dma_wait3A_1149 = tpu.memref_slice %arg5[%mul3A_1110] : memref<1600000xf32, #tpu.memory_space<hbm>> -> memref<128xf32, #tpu.memory_space<hbm>>
      %dma_wait3A_1150 = arith.constant 0 : i32
      %dma_wait3A_1151 = tpu.memref_slice %arg12[%dma_wait3A_1150] : memref<2560xf32, #tpu.memory_space<vmem>> -> memref<128xf32, #tpu.memory_space<vmem>>
      %dma_wait3A_1152 = tpu.memref_slice %arg5[%mul3A_1110] : memref<1600000xf32, #tpu.memory_space<hbm>> -> memref<128xf32, #tpu.memory_space<hbm>>
      tpu.wait_dma2 semaphore(%arg22 : memref<!tpu.dma_semaphore, #tpu.memory_space<semaphore_mem>>) src(%dma_wait3A_1152 : memref<128xf32, #tpu.memory_space<hbm>>) dst(%dma_wait3A_1151 : memref<128xf32, #tpu.memory_space<vmem>>)
      %dma_wait3A_1153 = arith.constant 0 : i32
      %dma_wait3A_1154 = tpu.memref_slice %arg13[%dma_wait3A_1153] : memref<2560xf32, #tpu.memory_space<vmem>> -> memref<128xf32, #tpu.memory_space<vmem>>
      %dma_wait3A_1155 = tpu.memref_slice %arg6[%mul3A_1110] : memref<1600000xf32, #tpu.memory_space<hbm>> -> memref<128xf32, #tpu.memory_space<hbm>>
      %dma_wait3A_1156 = arith.constant 0 : i32
      %dma_wait3A_1157 = tpu.memref_slice %arg13[%dma_wait3A_1156] : memref<2560xf32, #tpu.memory_space<vmem>> -> memref<128xf32, #tpu.memory_space<vmem>>
      %dma_wait3A_1158 = tpu.memref_slice %arg6[%mul3A_1110] : memref<1600000xf32, #tpu.memory_space<hbm>> -> memref<128xf32, #tpu.memory_space<hbm>>
      tpu.wait_dma2 semaphore(%arg22 : memref<!tpu.dma_semaphore, #tpu.memory_space<semaphore_mem>>) src(%dma_wait3A_1158 : memref<128xf32, #tpu.memory_space<hbm>>) dst(%dma_wait3A_1157 : memref<128xf32, #tpu.memory_space<vmem>>)
      %parallel_loop3A_1159 = arith.constant 0 : i32
      %parallel_loop3A_1160 = arith.constant 8 : i32
      %parallel_loop3A_1161 = arith.constant 1 : i32
      scf.for %parallel_loop3A_1162 = %parallel_loop3A_1159 to %parallel_loop3A_1160 step %parallel_loop3A_1161  : i32 {
        %parallel_loop3A_1163 = arith.constant 16 : i32
        %parallel_loop3A_1164 = arith.muli %parallel_loop3A_1162, %parallel_loop3A_1163 : i32
        %parallel_loop3A_1165 = arith.index_cast %parallel_loop3A_1164 : i32 to index
        %parallel_loop3A_1166 = tpu.vector_load %arg11[%parallel_loop3A_1165] {strides = array<i32>} : memref<2560xi32, #tpu.memory_space<vmem>>, vector<16xi32>,
        %parallel_loop3A_1167 = tpu.vector_load_idx %arg8[%parallel_loop3A_1166] : memref<50000xf32, #tpu.memory_space<vmem>>[vector<16xi32>], vector<16xf32>,
        %parallel_loop3A_1168 = arith.index_cast %parallel_loop3A_1164 : i32 to index
        %parallel_loop3A_1169 = tpu.vector_load %arg13[%parallel_loop3A_1168] {strides = array<i32>} : memref<2560xf32, #tpu.memory_space<vmem>>, vector<16xf32>,
        %parallel_loop3A_1170 = arith.constant 0.529177189 : f32
        %parallel_loop3A_1171 = vector.broadcast %parallel_loop3A_1170 : f32 to vector<16xf32>
        %parallel_loop3A_1172 = arith.mulf %parallel_loop3A_1169, %parallel_loop3A_1171 : vector<16xf32>
        %parallel_loop3A_1173 = arith.index_cast %parallel_loop3A_1164 : i32 to index
        %parallel_loop3A_1174 = tpu.vector_load %arg12[%parallel_loop3A_1173] {strides = array<i32>} : memref<2560xf32, #tpu.memory_space<vmem>>, vector<16xf32>,
        %parallel_loop3A_1175 = tpu.bitcast %parallel_loop3A_1174 : vector<16xf32> -> vector<16xi32>
        %parallel_loop3A_1176 = arith.constant 2129859011 : i32
        %parallel_loop3A_1177 = vector.broadcast %parallel_loop3A_1176 : i32 to vector<16xi32>
        %parallel_loop3A_1178 = arith.subi %parallel_loop3A_1177, %parallel_loop3A_1175 : vector<16xi32>
        %parallel_loop3A_1179 = tpu.bitcast %parallel_loop3A_1178 : vector<16xi32> -> vector<16xf32>
        %parallel_loop3A_1180 = arith.mulf %parallel_loop3A_1174, %parallel_loop3A_1179 : vector<16xf32>
        %parallel_loop3A_1181 = arith.constant 2.000000e+00 : f32
        %parallel_loop3A_1182 = vector.broadcast %parallel_loop3A_1181 : f32 to vector<16xf32>
        %parallel_loop3A_1183 = arith.subf %parallel_loop3A_1182, %parallel_loop3A_1180 : vector<16xf32>
        %parallel_loop3A_1184 = arith.mulf %parallel_loop3A_1179, %parallel_loop3A_1183 : vector<16xf32>
        %parallel_loop3A_1185 = arith.mulf %parallel_loop3A_1174, %parallel_loop3A_1184 : vector<16xf32>
        %parallel_loop3A_1186 = arith.constant 2.000000e+00 : f32
        %parallel_loop3A_1187 = vector.broadcast %parallel_loop3A_1186 : f32 to vector<16xf32>
        %parallel_loop3A_1188 = arith.subf %parallel_loop3A_1187, %parallel_loop3A_1185 : vector<16xf32>
        %parallel_loop3A_1189 = arith.mulf %parallel_loop3A_1184, %parallel_loop3A_1188 : vector<16xf32>
        %parallel_loop3A_1190 = arith.mulf %parallel_loop3A_1172, %parallel_loop3A_1189 : vector<16xf32>
        %parallel_loop3A_1191 = arith.index_cast %parallel_loop3A_1164 : i32 to index
        %parallel_loop3A_1192 = tpu.vector_load %arg10[%parallel_loop3A_1191] {strides = array<i32>} : memref<2560xi32, #tpu.memory_space<vmem>>, vector<16xi32>,
        %parallel_loop3A_1193 = arith.mulf %parallel_loop3A_1190, %parallel_loop3A_1167 : vector<16xf32>
        tpu.vector_store_idx %arg9[%parallel_loop3A_1192], %parallel_loop3A_1193 {add = true} : memref<50176xf32, #tpu.memory_space<vmem>>[vector<16xi32>], vector<16xf32>,
      } {sc.loop_unroll_factor = 4 : i64, sc.parallel_access}
    } else {
    }
    "tpu.region"() ({
      %run_scoped3A = tpu.sem_alloc : memref<!tpu.dma_semaphore, #tpu.memory_space<semaphore_mem>>
      %dma_start3A_1107 = arith.constant 0 : i32
      %dma_start3A_1108 = tpu.memref_slice %arg7[%add3A, %dma_start3A_1107] : memref<32x50176xf32, #tpu.memory_space<hbm>> -> memref<1x50176xf32, #tpu.memory_space<hbm>>
      %dma_start3A_1109 = tpu.memref_squeeze %dma_start3A_1108 : memref<1x50176xf32, #tpu.memory_space<hbm>> -> memref<50176xf32, #tpu.memory_space<hbm>>
      %dma_start3A_1110 = arith.constant 0 : i32
      %dma_start3A_1111 = tpu.memref_slice %arg7[%add3A, %dma_start3A_1110] : memref<32x50176xf32, #tpu.memory_space<hbm>> -> memref<1x50176xf32, #tpu.memory_space<hbm>>
      %dma_start3A_1112 = tpu.memref_squeeze %dma_start3A_1111 : memref<1x50176xf32, #tpu.memory_space<hbm>> -> memref<50176xf32, #tpu.memory_space<hbm>>
      tpu.enqueue_dma source(%arg9 : memref<50176xf32, #tpu.memory_space<vmem>>) target(%dma_start3A_1112 : memref<50176xf32, #tpu.memory_space<hbm>>) target_semaphore(%run_scoped3A : memref<!tpu.dma_semaphore, #tpu.memory_space<semaphore_mem>>)
      %dma_wait3A_1113 = arith.constant 0 : i32
      %dma_wait3A_1114 = tpu.memref_slice %arg7[%add3A, %dma_wait3A_1113] : memref<32x50176xf32, #tpu.memory_space<hbm>> -> memref<1x50176xf32, #tpu.memory_space<hbm>>
      %dma_wait3A_1115 = tpu.memref_squeeze %dma_wait3A_1114 : memref<1x50176xf32, #tpu.memory_space<hbm>> -> memref<50176xf32, #tpu.memory_space<hbm>>
      %dma_wait3A_1116 = arith.constant 0 : i32
      %dma_wait3A_1117 = tpu.memref_slice %arg7[%add3A, %dma_wait3A_1116] : memref<32x50176xf32, #tpu.memory_space<hbm>> -> memref<1x50176xf32, #tpu.memory_space<hbm>>
      %dma_wait3A_1118 = tpu.memref_squeeze %dma_wait3A_1117 : memref<1x50176xf32, #tpu.memory_space<hbm>> -> memref<50176xf32, #tpu.memory_space<hbm>>
      tpu.wait_dma2 semaphore(%run_scoped3A : memref<!tpu.dma_semaphore, #tpu.memory_space<semaphore_mem>>) src(%arg9 : memref<50176xf32, #tpu.memory_space<vmem>>) dst(%dma_wait3A_1118 : memref<50176xf32, #tpu.memory_space<hbm>>)
      tpu.yield
    }) : () -> ()
    return
  }
}

module attributes {stable_mosaic.version = 14 : i64} {
  func.func @_combine_body(%arg0: i32, %arg1: memref<56x128xf32, #tpu.memory_space<vmem>>, %arg2: memref<32x56x128xf32, #tpu.memory_space<vmem>>, %arg3: memref<56x128xf32, #tpu.memory_space<vmem>>) attributes {dimension_semantics = [#tpu.dimension_semantics<arbitrary>], iteration_bounds = array<i64: 7>, scalar_prefetch = 0 : i64, scratch_operands = 0 : i64, tpu.core_type = #tpu.core_type<tc>, window_params = [{transform_indices = @transform_0, window_bounds = array<i64: 56, 128>}, {transform_indices = @transform_1, window_bounds = array<i64: 32, 56, 128>}, {transform_indices = @transform_2, window_bounds = array<i64: 56, 128>}]} {
    %get3A = arith.constant 0 : index
    %get3A_0 = arith.constant 0 : index
    %get3A_1 = vector.load %arg1[%get3A, %get3A_0] : memref<56x128xf32, #tpu.memory_space<vmem>>, vector<56x128xf32>
    %mul3A = arith.constant 5.000000e-01 : f32
    %mul3A_2 = vector.broadcast %mul3A : f32 to vector<56x128xf32>
    %mul3A_3 = arith.mulf %mul3A_2, %get3A_1 : vector<56x128xf32>
    %get3A_4 = arith.constant 0 : index
    %get3A_5 = arith.constant 0 : index
    %get3A_6 = arith.constant 0 : index
    %get3A_7 = vector.load %arg2[%get3A_4, %get3A_5, %get3A_6] : memref<32x56x128xf32, #tpu.memory_space<vmem>>, vector<32x56x128xf32>
    %reduce_sum3A = arith.constant dense<0.000000e+00> : vector<56x128xf32>
    %reduce_sum3A_8 = vector.multi_reduction <add>, %get3A_7, %reduce_sum3A [0] : vector<32x56x128xf32> to vector<56x128xf32>
    %mul3A_9 = arith.mulf %mul3A_3, %reduce_sum3A_8 : vector<56x128xf32>
    %swap3A = arith.constant 0 : index
    %swap3A_10 = arith.constant 0 : index
    %swap3A_11 = vector.load %arg3[%swap3A, %swap3A_10] : memref<56x128xf32, #tpu.memory_space<vmem>>, vector<56x128xf32>
    tpu.vector_store %arg3[%swap3A, %swap3A_10], %mul3A_9 {strides = array<i32>} : memref<56x128xf32, #tpu.memory_space<vmem>>, vector<56x128xf32>,
    return
  }
  func.func @transform_0(%arg0: i32) -> (i32, i32) {
    %c0_i32 = arith.constant 0 : i32
    %c0_i32_0 = arith.constant 0 : i32
    return %arg0, %c0_i32 : i32, i32
  }
  func.func @transform_1(%arg0: i32) -> (i32, i32, i32) {
    %c0_i32 = arith.constant 0 : i32
    %c0_i32_0 = arith.constant 0 : i32
    %c0_i32_1 = arith.constant 0 : i32
    return %c0_i32, %arg0, %c0_i32_0 : i32, i32, i32
  }
  func.func @transform_2(%arg0: i32) -> (i32, i32) {
    %c0_i32 = arith.constant 0 : i32
    %c0_i32_0 = arith.constant 0 : i32
    return %arg0, %c0_i32 : i32, i32
  }
}

</mosaic_0001>

<sc_bundles>
// kernel: kernel.4.cloned.1.call-start
scs
__scs_entry_jumppad:
0x0: {  	(pc) =	sbr.rel $0x88, $3  }
0x1: {  	(tag) =	ssettag $0x0;
	lr =	simm.s32 $0x1  }
0x2: {  	[smem:$0x3F9C] =	sst lr;
	_ =	strace $0xD0000000  }
0x3: {  	_ = 	snop  }
0x4: {  	_ = 	snop  }
0x5: {  	_ = 	snop  }
0x6: {  	_ = 	snop  }
0x7: {  	_ = 	snop  }
__scs_overlays_trampoline_lowered:
0x8: {  	[smem:$0x3FAB] =	sst s0  }
0x9: {  	[smem:$0x3FAC] =	sst s1  }
0xa: {  	[smem:$0x3FAD] =	sst s2  }
0xb: {  	[smem:$0x3FAE] =	sst s3  }
0xc: {  	[smem:$0x3FAF] =	sst s4  }
0xd: {  	[smem:$0x3FB0] =	sst s5  }
0xe: {  	[smem:$0x3FB1] =	sst s6  }
0xf: {  	[smem:$0x3FB2] =	sst s7  }
0x10: {  	[smem:$0x3FB3] =	sst s8  }
0x11: {  	[smem:$0x3FB4] =	sst s9;
	s0 =	simm.s32 @!p0 $0x0  }
0x12: {  	s1 =	sld [smem:$0x3F9A];
	s0 =	simm.s32 @p0 $0x1  }
0x13: {  	[smem:$0x3FB5] =	sst s0;
	s0 =	simm.s32 @!p1 $0x0  }
0x14: {  	s2 =	sld [smem:$0x3F99];
	s0 =	simm.s32 @p1 $0x1  }
0x15: {  	[smem:$0x3FB6] =	sst s0;
	s0 =	simm.s32 @!p2 $0x0  }
0x16: {  	s3 =	sld [smem:$0x3FDB];
	s0 =	simm.s32 @p2 $0x1  }
0x17: {  	s4 =	simm.s32 $0x1BF5;
	[smem:$0x3FB8] =	sst s0  }
0x18: {  	s0 =	sld [smem:$0x3F9B];
	_ =	swait.ge [sflag:s4], $0x0  }
0x19: {  	s7 =	sld [smem:$0x3F9C]  }
0x1a: {  	s8 =	sadd.s32 $0xFFFFE003, lr  }
0x1b: {  	s9 =	sadd.s32 $0xFFFFFEF7, lr;
	s5 =	simm.s32 $0xFFFFFFFF;
	p2 =	slt.u32 s8, $0xFFFFF086  }
0x1c: {  	p1 =	slt.u32 s9, $0xF7A;
	s5 =	simm.s32 @!p2 $0x0  }
0x1d: {  	s5 =	simm.s32 @p1 $0x1;
	p0 =	seq.s32 s7, s2  }
0x1e: {  	s7 =	smul.u32 @!p0 $0xF7A, s2;
	p2 =	seq.s32 @!p0 s5, $0x0  }
0x1f: {  	s9 =	smul.u32 $0xF7A, s1;
	s8 =	simm.s32 @!p0 $0x1BF5;
	p2 =	por !p2, p0  }
0x20: {  	[sflag:s8] =	ssyncset.s32 @!p0 $0xFFFFF086;
	s6 =	sadd.s32 @!p0 s3, s7;
	s7 =	simm.s32 @!p0 $0x108  }
0x21: {  	s3 =	sadd.s32 s3, s9;
	s6 =	sadd.s32 @!p0 $0x88, s6;
	s7 =	simm.s32 @p2 $0x1082  }
0x22: {  	[simem:s7], [sflag:s8] =	dma.local @!p0 [hbm:s6], $0xF7A  }
0x23: {  	s9 =	sor.u32 $0xD0000000, s2;
	s6 =	simm.s32 $0x108;
	_ =	swait.ge @!p0 [sflag:s8], $0x0  }
0x24: {  	s3 =	sadd.s32 $0x88, s3;
	s6 =	simm.s32 @!p1 $0x1082;
	[sflag:s4] =	ssyncset.s32 $0xFFFFF086  }
0x25: {  	[simem:s6], [sflag:s4] =	dma.local [hbm:s3], $0xF7A  }
0x26: {  	[smem:$0x3F9C] =	sst s1;
	(tag) =	ssettag s2;
	_ =	strace s9  }
0x27: {  	s1 =	sld [smem:$0x3FAC]  }
0x28: {  	s2 =	sld [smem:$0x3FAD]  }
0x29: {  	s4 =	sld [smem:$0x3FAF]  }
0x2a: {  	p0 =	seq.s32 s5, $0x0;
	s5 =	sld [smem:$0x3FB0]  }
0x2b: {  	s6 =	sld [smem:$0x3FB1]  }
0x2c: {  	s7 =	sld [smem:$0x3FB2]  }
0x2d: {  	s3 =	simm.s32 $0x108;
	s8 =	sld [smem:$0x3FB3]  }
0x2e: {  	s3 =	simm.s32 @!p0 $0x1082;
	s9 =	sld [smem:$0x3FB4]  }
0x2f: {  	lr =	sadd.s32 s0, s3;
	s0 =	sld [smem:$0x3FAB]  }
0x30: {  	s3 =	sld [smem:$0x3FAE]  }
0x31: {  	[smem:$0x3FB7] =	sst s10  }
0x32: {  	s10 =	sld [smem:$0x3FB5];
	_ =	sdelay $0x3  }
0x33: {  	p0 =	seq.s32 s10, $0x1;
	s10 =	sld [smem:$0x3FB7];
	_ =	sdelay $0x3  }
0x34: {  	[smem:$0x3FB7] =	sst s10  }
0x35: {  	s10 =	sld [smem:$0x3FB6];
	_ =	sdelay $0x3  }
0x36: {  	p1 =	seq.s32 s10, $0x1;
	s10 =	sld [smem:$0x3FB7];
	_ =	sdelay $0x3  }
0x37: {  	[smem:$0x3FB7] =	sst s10  }
0x38: {  	s10 =	sld [smem:$0x3FB8]  }
0x39: {  	_ = 	snop;
	(pc) =	sbr.ind lr, $3  }
0x3a: {  	_ = 	snop  }
0x3b: {  	_ = 	snop  }
0x3c: {  	p2 =	seq.s32 s10, $0x1;
	s10 =	sld [smem:$0x3FB7]  }
0x3d: {  	_ =	shalt  }
0x3e: {  	_ =	shalt  }
0x3f: {  	_ =	shalt  }
0x40: {  	_ =	shalt  }
0x41: {  	_ =	shalt  }
0x42: {  	_ =	shalt  }
0x43: {  	_ =	shalt  }
0x44: {  	_ =	shalt  }
0x45: {  	_ =	shalt  }
0x46: {  	_ =	shalt  }
0x47: {  	_ =	shalt  }
0x48: {  	_ =	shalt  }
0x49: {  	_ =	shalt  }
0x4a: {  	_ =	shalt  }
0x4b: {  	_ =	shalt  }
0x4c: {  	_ =	shalt  }
0x4d: {  	_ =	shalt  }
0x4e: {  	_ =	shalt  }
0x4f: {  	_ =	shalt  }
0x50: {  	_ =	shalt  }
0x51: {  	_ =	shalt  }
0x52: {  	_ =	shalt  }
0x53: {  	_ =	shalt  }
0x54: {  	_ =	shalt  }
0x55: {  	_ =	shalt  }
0x56: {  	_ =	shalt  }
0x57: {  	_ =	shalt  }
0x58: {  	_ =	shalt  }
0x59: {  	_ =	shalt  }
0x5a: {  	_ =	shalt  }
0x5b: {  	_ =	shalt  }
0x5c: {  	_ =	shalt  }
0x5d: {  	_ =	shalt  }
0x5e: {  	_ =	shalt  }
0x5f: {  	_ =	shalt  }
0x60: {  	_ =	shalt  }
0x61: {  	_ =	shalt  }
0x62: {  	_ =	shalt  }
0x63: {  	_ =	shalt  }
0x64: {  	_ =	shalt  }
0x65: {  	_ =	shalt  }
0x66: {  	_ =	shalt  }
0x67: {  	_ =	shalt  }
0x68: {  	_ =	shalt  }
0x69: {  	_ =	shalt  }
0x6a: {  	_ =	shalt  }
0x6b: {  	_ =	shalt  }
0x6c: {  	_ =	shalt  }
0x6d: {  	_ =	shalt  }
0x6e: {  	_ =	shalt  }
0x6f: {  	_ =	shalt  }
0x70: {  	_ =	shalt  }
0x71: {  	_ =	shalt  }
0x72: {  	_ =	shalt  }
0x73: {  	_ =	shalt  }
0x74: {  	_ =	shalt  }
0x75: {  	_ =	shalt  }
0x76: {  	_ =	shalt  }
0x77: {  	_ =	shalt  }
0x78: {  	_ =	shalt  }
0x79: {  	_ =	shalt  }
0x7a: {  	_ =	shalt  }
0x7b: {  	_ =	shalt  }
0x7c: {  	_ =	shalt  }
0x7d: {  	_ =	shalt  }
0x7e: {  	_ =	shalt  }
0x7f: {  	_ =	shalt  }
0x80: {  	_ =	shalt  }
0x81: {  	_ =	shalt  }
0x82: {  	_ =	shalt  }
0x83: {  	_ =	shalt  }
0x84: {  	_ =	shalt  }
0x85: {  	_ =	shalt  }
0x86: {  	_ =	shalt  }
0x87: {  	_ =	shalt  }
.Lfunc_end0:
.L_simem_size_0:
called_computation_lowered:
.L_overlay_start_0:
0x88: {  	s2 =	sld [smem:$0x3FD9]  }
0x89: {  	s3 =	sld [smem:$0x3FFE];
	_ =	sdelay $0x1  }
0x8a: {  	s1 =	srdreg.scid  }
0x8b: {  	s0 =	sand.u32 $0x1, s1  }
0x8c: {  	s17 =	sshll.u32 s0, $0xA;
	s2 =	sadd.s32 s3, s2  }
0x8d: {  	s2 =	sadd.s32 s2, s17  }
0x8e: {  	[smem:$0x3FC3] =	sst s2  }
0x8f: {  	_ = 	snop  }
0x90: {  	s2 =	sld [smem:$0x3FC9]  }
0x91: {  	s18 =	sld [smem:$0x3FC8]  }
0x92: {  	s4 =	sld [smem:$0x3FC7]  }
0x93: {  	s5 =	sld [smem:$0x3FC6]  }
0x94: {  	s6 =	sld [smem:$0x3FC5];
	(tm) =	ssettm $0x1  }
0x95: {  	s7 =	sld [smem:$0x3FFB];
	_ =	sdelay $0x3  }
0x96: {  	_ =	strace s7  }
0x97: {  	s7 =	sld [smem:$0x3FFC];
	_ =	sdelay $0x3  }
0x98: {  	_ =	strace s7  }
0x99: {  	s7 =	sld [smem:$0x3FFD];
	_ =	sdelay $0x3  }
0x9a: {  	_ =	strace s7  }
0x9b: {  	_ =	strace $0x8FFFFFFF  }
0x9c: {  	s19 =	sld [smem:$0x3FDB];
	_ =	sdelay $0x1  }
0x9d: {  	s8 =	simm.s32 $_scs_section_size  }
0x9e: {  	s9 =	simm.s32 $_size__tile_overlayer_lowered;
	s10 =	simm.s32 $_tile_overlayer_lowered  }
0x9f: {  	s22 =	simm.s32 $0x1BFF;
	s21 =	sshll.u32 s10, $0x1;
	s7 =	sadd.s32 s8, s19  }
0xa0: {  	s11 =	simm.s32 $0x0;
	s20 =	sshll.u32 s9, $0x1;
	s9 =	sadd.s32 s21, s7  }
0xa1: {  	[timem:s11], [sflag:s22] =	dma.local [hbm:s9], s20  }
0xa2: {  	_ =	swait.ge [sflag:s22], s20  }
0xa3: {  	s8 =	ssub.s32 $0x0, s20;
	[sflag:s22] =	ssyncset.done $0x0  }
0xa4: {  	[sflag:s22] =	ssyncadd.s32 s8;
	_ =	sdelay $0x1  }
0xa5: {  	s23 =	simm.s32 $0x1B8B  }
0xa6: {  	_ =	swait.ge [sflag:s23], $0x1  }
0xa7: {  	[sflag:s23] =	ssyncset.done $0x0  }
0xa8: {  	s25 =	simm.s32 $0x1B8E;
	s24 =	sld [smem:$0x3FFE];
	[sflag:s23] =	ssyncadd.s32 $0xFFFFFFFF  }
0xa9: {  	s26 =	simm.s32 $execute0_lowered;
	[smem:$0x3FD2] =	sst s25  }
0xaa: {  	s9 =	sshll.u32 s26, $0x1;
	_ =	strace $0x80000046;
	[dreg:$0x1] =	wrdreg $0xFFFFFFFF  }
0xab: {  	s28 =	simm.s32 $_size_execute0_lowered;
	s7 =	sadd.s32 s7, s9;
	[dreg:$0x0] =	wrdreg $0x0  }
0xac: {  	s9 =	sshll.u32 s28, $0x1;
	[dreg:$0x2] =	wrdreg s7  }
0xad: {  	[dreg:$0x3] =	wrdreg s9  }
0xae: {  	[dreg:$0x4] =	wrdreg $0xC0  }
0xaf: {  	_ =	task [dreg:s11], $0x5FFFF  }
0xb0: {  	[dreg:$0x1] =	wrdreg $0xFFFFFFFF  }
0xb1: {  	[dreg:$0x0] =	wrdreg $0x60  }
0xb2: {  	[dreg:$0x2] =	wrdreg s2  }
0xb3: {  	[dreg:$0x3] =	wrdreg s18  }
0xb4: {  	[dreg:$0x4] =	wrdreg s4  }
0xb5: {  	[dreg:$0x5] =	wrdreg s5  }
0xb6: {  	[dreg:$0x6] =	wrdreg s6  }
0xb7: {  	[dreg:$0x7] =	wrdreg s24  }
0xb8: {  	[dreg:$0x8] =	wrdreg $0x9  }
0xb9: {  	_ =	task.clear_ibuf [dreg:s11], $0x9FFFF;
	_ =	strace $0x90000046  }
0xba: {  	s29 =	simm.s32 $0x9;
	_ =	strace $0x80000048  }
0xbb: {  	_ =	swait.ge [sflag:s29], $0x1  }
0xbc: {  	[sflag:s29] =	ssyncadd.s32 $0xFFFFFFFF  }
0xbd: {  	_ =	strace $0x90000048  }
0xbe: {  	_ =	sfence  }
0xbf: {  	s30 =	sld [smem:$0x0];
	_ =	sdelay $0x2  }
0xc0: {  	s31 =	sshll.u32 s1, $0xD;
	s1 =	sshrl.u32 s1, $0x2  }
0xc1: {  	s3 =	sand.u32 $0x4000, s31;
	s1 =	sadd.s32 s1, s30  }
0xc2: {  	s0 =	sor.u32 s3, s0;
	s1 =	sshll.u32 s1, $0x11  }
0xc3: {  	s0 =	sor.u32 s1, s0  }
0xc4: {  	s0 =	sadd.s32 $0x8F2B, s0  }
0xc5: {  	[sflag:s0] =	ssyncadd.remote.s32 $0x1  }
0xc6: {  	_ =	sfence.sel $0xFFFF  }
0xc7: {  	[dreg:$0x0] =	wrdreg $0xFFFFFFFF;
	(pc) =	sbr.abs _section_cstart, $3  }
0xc8: {  	[dreg:$0x1] =	wrdreg $0xFFFFFFFF  }
0xc9: {  	_ =	task.clear_ibuf [dreg:s11], $0x2FFFF;
	_ =	strace $0x9FFFFFFF  }
0xca: {  	(tm) =	ssettm $0x7FFFFFFF  }
0xcb: {  	_ =	shalt  }
tec
execute0_lowered:
.L_overlay_start_1:
0x0: {  	(tag) =	ssettag $0x1  }
0x1: {  	s0 =	rddreg [dreg:$0x1];
	s1 =	srdreg.scid  }
0x2: {  	s12 =	stileid.u32;
	s2 =	rddreg [dreg:$0x2]  }
0x3: {  	s3 =	rddreg [dreg:$0x3];
	s5 =	sand.u32 $0x1, s1;
	s21 =	sshll.u32 s12, $0x1  }
0x4: {  	s4 =	rddreg [dreg:$0x4];
	s7 =	sor.u32 s5, s21  }
0x5: {  	s8 =	rddreg [dreg:$0x5];
	s9 =	smul.u32 $0x1860, s7  }
0x6: {  	s1 =	simm.s32 $0x0;
	s10 =	ssub.s32 $0x2, s5;
	s6 =	smul.u32 $0x1880, s7  }
0x7: {  	[smem:$0x7FF] =	sst s1;
	s11 =	smul.u32 $0xC300, s7;
	s23 =	sadd.s32 s0, s9  }
0x8: {  	s5 =	sadd.s32 s6, s8;
	s24 =	sadd.s32 s2, s9;
	[dreg:$0x7] =	wrdreg s23  }
0x9: {  	s8 =	sshrl.u32 s11, $0x3;
	s25 =	sadd.s32 s3, s9;
	[dreg:$0x8] =	wrdreg s24  }
0xa: {  	s9 =	sadd.s32 s4, s9;
	[dreg:$0x9] =	wrdreg s25;
	s26 =	sadd.s32 $0x140, s8  }
0xb: {  	[dreg:$0xa] =	wrdreg s9;
	s11 =	sadd.s32 s0, s26  }
0xc: {  	s13 =	sadd.s32 s2, s26;
	[dreg:$0xb] =	wrdreg s11  }
0xd: {  	s14 =	sadd.s32 s3, s26;
	[dreg:$0xc] =	wrdreg s13  }
0xe: {  	s16 =	sadd.s32 $0x280, s8;
	s15 =	sadd.s32 s4, s26;
	[dreg:$0xd] =	wrdreg s14  }
0xf: {  	s17 =	sadd.s32 s0, s16;
	[dreg:$0xe] =	wrdreg s15  }
0x10: {  	s18 =	sadd.s32 s2, s16;
	[dreg:$0xf] =	wrdreg s17  }
0x11: {  	s20 =	sadd.s32 s3, s16;
	[dreg:$0x10] =	wrdreg s18  }
0x12: {  	s19 =	sadd.s32 $0x3C0, s8;
	s9 =	sadd.s32 s4, s16;
	[dreg:$0x11] =	wrdreg s20  }
0x13: {  	s22 =	sshrl.u32 s10, $0x1;
	s21 =	sadd.s32 s0, s19;
	[dreg:$0x12] =	wrdreg s9  }
0x14: {  	s6 =	ssub.s32 s10, s22;
	s22 =	sadd.s32 s2, s19;
	[dreg:$0x13] =	wrdreg s21  }
0x15: {  	s23 =	sadd.s32 s3, s19;
	[dreg:$0x14] =	wrdreg s22  }
0x16: {  	s24 =	sadd.s32 $0x500, s8;
	s10 =	sadd.s32 s4, s19;
	[dreg:$0x15] =	wrdreg s23  }
0x17: {  	s25 =	sadd.s32 s0, s24;
	[dreg:$0x16] =	wrdreg s10  }
0x18: {  	s26 =	sadd.s32 s2, s24;
	[dreg:$0x17] =	wrdreg s25  }
0x19: {  	[dreg:$0x18] =	wrdreg s26;
	s11 =	sadd.s32 s3, s24  }
0x1a: {  	s16 =	sadd.s32 $0x780, s8;
	s9 =	sadd.s32 s4, s24;
	[dreg:$0x19] =	wrdreg s11  }
0x1b: {  	s18 =	sadd.s32 s0, s16;
	[dreg:$0x1a] =	wrdreg s9  }
0x1c: {  	s19 =	sadd.s32 s2, s16;
	[dreg:$0x1f] =	wrdreg s18  }
0x1d: {  	s20 =	sadd.s32 s3, s16;
	[smem:$0x7C7] =	sst s19  }
0x1e: {  	s13 =	sadd.s32 $0x640, s8;
	s10 =	sadd.s32 s4, s16;
	[smem:$0x7C8] =	sst s20  }
0x1f: {  	s14 =	sadd.s32 s0, s13;
	[smem:$0x7C9] =	sst s10  }
0x20: {  	s15 =	sadd.s32 s2, s13;
	[dreg:$0x1b] =	wrdreg s14  }
0x21: {  	s17 =	sadd.s32 s3, s13;
	[dreg:$0x1c] =	wrdreg s15  }
0x22: {  	s21 =	sadd.s32 $0x8C0, s8;
	s9 =	sadd.s32 s4, s13;
	[dreg:$0x1d] =	wrdreg s17  }
0x23: {  	s22 =	sadd.s32 s0, s21;
	[dreg:$0x1e] =	wrdreg s9  }
0x24: {  	s23 =	sadd.s32 s2, s21;
	[smem:$0x7CA] =	sst s22  }
0x25: {  	s25 =	sadd.s32 $0xA00, s8;
	s24 =	sadd.s32 s3, s21;
	[smem:$0x7CB] =	sst s23  }
0x26: {  	s26 =	sadd.s32 s0, s25;
	[smem:$0x7CC] =	sst s24  }
0x27: {  	s11 =	sadd.s32 s2, s25;
	[smem:$0x7CE] =	sst s26  }
0x28: {  	s9 =	sadd.s32 s4, s21;
	[smem:$0x7CF] =	sst s11  }
0x29: {  	s13 =	sadd.s32 $0xB40, s8;
	s14 =	sadd.s32 s3, s25;
	[smem:$0x7CD] =	sst s9  }
0x2a: {  	s15 =	sadd.s32 s0, s13;
	[smem:$0x7D0] =	sst s14  }
0x2b: {  	s16 =	sadd.s32 s2, s13;
	[smem:$0x7D2] =	sst s15  }
0x2c: {  	s17 =	sadd.s32 s3, s13;
	[smem:$0x7D3] =	sst s16  }
0x2d: {  	s18 =	sadd.s32 $0xC80, s8;
	s10 =	sadd.s32 s4, s13;
	[smem:$0x7D4] =	sst s17  }
0x2e: {  	s19 =	sadd.s32 s0, s18;
	[smem:$0x7D5] =	sst s10  }
0x2f: {  	s20 =	sadd.s32 s2, s18;
	[smem:$0x7D6] =	sst s19  }
0x30: {  	s21 =	sadd.s32 s3, s18;
	[smem:$0x7D7] =	sst s20  }
0x31: {  	s22 =	sadd.s32 $0xDC0, s8;
	s9 =	sadd.s32 s4, s25;
	[smem:$0x7D8] =	sst s21  }
0x32: {  	s23 =	sadd.s32 s0, s22;
	[smem:$0x7D1] =	sst s9  }
0x33: {  	s24 =	sadd.s32 s2, s22;
	[smem:$0x7DA] =	sst s23  }
0x34: {  	s26 =	sadd.s32 s3, s22;
	[smem:$0x7DB] =	sst s24  }
0x35: {  	s25 =	sadd.s32 $0xF00, s8;
	s9 =	sadd.s32 s4, s18;
	[smem:$0x7DC] =	sst s26  }
0x36: {  	s11 =	sadd.s32 s0, s25;
	[smem:$0x7D9] =	sst s9  }
0x37: {  	s13 =	sadd.s32 s2, s25;
	[smem:$0x7DE] =	sst s11  }
0x38: {  	s14 =	sadd.s32 s3, s25;
	[smem:$0x7DF] =	sst s13  }
0x39: {  	s15 =	sadd.s32 $0x1040, s8;
	s10 =	sadd.s32 s4, s25;
	[smem:$0x7E0] =	sst s14  }
0x3a: {  	s16 =	sadd.s32 s0, s15;
	[smem:$0x7E1] =	sst s10  }
0x3b: {  	s17 =	sadd.s32 s2, s15;
	[smem:$0x7E2] =	sst s16  }
0x3c: {  	s19 =	sadd.s32 $0x1180, s8;
	s18 =	sadd.s32 s3, s15;
	[smem:$0x7E3] =	sst s17  }
0x3d: {  	s20 =	sadd.s32 s0, s19;
	[smem:$0x7E4] =	sst s18  }
0x3e: {  	s21 =	sadd.s32 s2, s19;
	[smem:$0x7E6] =	sst s20  }
0x3f: {  	s28 =	simm.s32 $0x1A550;
	s23 =	sadd.s32 s3, s19;
	[smem:$0x7E7] =	sst s21  }
0x40: {  	s29 =	simm.s32 $0x1AF50;
	s9 =	sadd.s32 s4, s22;
	[smem:$0x7E8] =	sst s23  }
0x41: {  	s22 =	sadd.s32 $0x12C0, s8;
	[smem:$0x7DD] =	sst s9;
	s9 =	sadd.s32 s4, s15  }
0x42: {  	s30 =	simm.s32 $0x1B950;
	s24 =	sadd.s32 s0, s22;
	[smem:$0x7E5] =	sst s9  }
0x43: {  	s31 =	simm.s32 $0x1C350;
	s25 =	sadd.s32 s2, s22;
	[smem:$0x7EA] =	sst s24  }
0x44: {  	p0 =	sgt.u32 s12, $0x9;
	s26 =	sadd.s32 s3, s22;
	[smem:$0x7EB] =	sst s25  }
0x45: {  	s11 =	sadd.s32 $0x1400, s8;
	s10 =	sadd.s32 s4, s22;
	[smem:$0x7EC] =	sst s26  }
0x46: {  	s12 =	simm.s32 $0x0;
	s13 =	sadd.s32 s0, s11;
	[smem:$0x7ED] =	sst s10  }
0x47: {  	s7 =	sshll.u32 s7, $0x4;
	s14 =	sadd.s32 s2, s11;
	[smem:$0x7EE] =	sst s13  }
0x48: {  	s16 =	sadd.s32 $0x1540, s8;
	s15 =	sadd.s32 s3, s11;
	[smem:$0x7EF] =	sst s14  }
0x49: {  	s7 =	sor.u32 $0x30C00, s7;
	s17 =	sadd.s32 s0, s16;
	[smem:$0x7F0] =	sst s15  }
0x4a: {  	s20 =	sadd.s32 $0x1680, s8;
	s18 =	sadd.s32 s2, s16;
	[smem:$0x7F2] =	sst s17  }
0x4b: {  	s8 =	sadd.s32 $0x17C0, s8;
	s21 =	sadd.s32 s0, s20;
	[smem:$0x7F3] =	sst s18  }
0x4c: {  	s22 =	sadd.s32 s2, s20;
	s23 =	sadd.s32 s3, s20;
	[smem:$0x7F6] =	sst s21  }
0x4d: {  	s9 =	sadd.s32 s4, s19;
	s19 =	sadd.s32 s3, s16;
	[smem:$0x7F7] =	sst s22  }
0x4e: {  	[smem:$0x7F8] =	sst s23;
	s18 =	sadd.s32 s0, s8;
	s21 =	sadd.s32 s4, s8  }
0x4f: {  	s0 =	sadd.s32 s0, s7;
	s24 =	sadd.s32 s2, s7;
	[smem:$0x7E9] =	sst s9  }
0x50: {  	s25 =	sadd.s32 s3, s7;
	s26 =	sadd.s32 s4, s7;
	[smem:$0x7F4] =	sst s19  }
0x51: {  	s22 =	sadd.s32 $0x800, s5;
	s23 =	smax.u32 s6, $0x1;
	[smem:$0x7FA] =	sst s0  }
0x52: {  	s5 =	simm.s32 $0x1E150;
	s6 =	simm.s32 $0x1EB50;
	[smem:$0x7FB] =	sst s24  }
0x53: {  	s7 =	simm.s32 $0x1F550;
	s10 =	simm.s32 $0x3;
	[smem:$0x7FC] =	sst s25  }
0x54: {  	s9 =	sadd.s32 s4, s11;
	s19 =	sadd.s32 s2, s8;
	[smem:$0x7FD] =	sst s26  }
0x55: {  	s24 =	simm.s32 $0x18750;
	s25 =	simm.s32 $0x19150;
	s26 =	simm.s32 $0x19B50  }
.Ltmp0:
0x56: {  	s0 =	simm.s32 $0x1CD50;
	s2 =	simm.s32 $0x4;
	(pc) =	sbr.rel .LBB2_1-.Ltmp0, $4  }
0x57: {  	s11 =	simm.s32 $0x5;
	[smem:$0x7F1] =	sst s9;
	s9 =	sadd.s32 s4, s16  }
0x58: {  	[smem:$0x7F5] =	sst s9;
	s9 =	sadd.s32 s4, s20;
	s20 =	sadd.s32 s3, s8  }
0x59: {  	s3 =	simm.s32 $0x1;
	s4 =	simm.s32 $0x1D750;
	[smem:$0x7F9] =	sst s9  }
0x5a: {  	v0 =	vimm.f32 $0.0e+00;
	s8 =	simm.s32 $0xC350;
	s9 =	simm.s32 $0x2;
	_ =	strace $0x80000047  }
.LBB2_46:
0x5b: {  	s12 =	sadd.s32 $0x1, s12  }
0x5c: {  	p1 =	sne.s32 s12, s23  }
.Ltmp1:
0x5d: {  	_ = 	snop;
	(pc) =	sbr.rel @!p1 .LBB2_47-.Ltmp1, $4  }
0x5e: {  	[hbm4b:s22+s1] =	stream.linear.scatter [tilespmem:s8], [sflag:$0x5], $0xC400, $0x38;
	[tilespmem:$0x1FF50] =	vst v63  }
0x5f: {  	_ =	swait.ge [sflag:s11], $0xC400  }
0x60: {  	[sflag:s11] =	ssyncset.done $0x0  }
0x61: {  	[sflag:s11] =	ssyncadd.s32 $0xFFFF3C00  }
.LBB2_1:
0x62: {  	s13 =	rddreg [dreg:$0x0]  }
0x63: {  	[tilespmem:s1], [sflag:$0x4] =	stream.linear.gather [hbm4b:s13+s1], $0xC350, $0x38;
	[tilespmem:$0x1FF50] =	vst v63  }
0x64: {  	s14 =	rddreg [dreg:$0x7]  }
0x65: {  	[tilespmem:s24], [sflag:$0x1] =	stream.linear.gather [hbm4b:s14+s1], $0xA00, $0x38;
	[tilespmem:$0x1FF50] =	vst v63  }
0x66: {  	s15 =	rddreg [dreg:$0x8]  }
0x67: {  	[tilespmem:s25], [sflag:$0x1] =	stream.linear.gather [hbm4b:s15+s1], $0xA00, $0x38;
	[tilespmem:$0x1FF50] =	vst v63  }
0x68: {  	s16 =	rddreg [dreg:$0x9]  }
0x69: {  	[tilespmem:s26], [sflag:$0x1] =	stream.linear.gather [hbm4b:s16+s1], $0xA00, $0x38;
	[tilespmem:$0x1FF50] =	vst v63  }
0x6a: {  	s17 =	rddreg [dreg:$0xa]  }
0x6b: {  	[tilespmem:s28], [sflag:$0x1] =	stream.linear.gather [hbm4b:s17+s1], $0xA00, $0x38;
	[tilespmem:$0x1FF50] =	vst v63  }
0x6c: {  	s14 =	rddreg [dreg:$0xb]  }
0x6d: {  	[tilespmem:s29], [sflag:$0x2] =	stream.linear.gather [hbm4b:s14+s1], $0xA00, $0x38;
	[tilespmem:$0x1FF50] =	vst v63  }
0x6e: {  	s15 =	rddreg [dreg:$0xc]  }
0x6f: {  	[tilespmem:s30], [sflag:$0x2] =	stream.linear.gather [hbm4b:s15+s1], $0xA00, $0x38;
	[tilespmem:$0x1FF50] =	vst v63  }
0x70: {  	s16 =	rddreg [dreg:$0xd]  }
0x71: {  	[tilespmem:s31], [sflag:$0x2] =	stream.linear.gather [hbm4b:s16+s1], $0xA00, $0x38;
	[tilespmem:$0x1FF50] =	vst v63  }
0x72: {  	s13 =	simm.s32 $0x40;
	s17 =	rddreg [dreg:$0xe];
	s14 =	simm.s32 $0x0  }
0x73: {  	[tilespmem:s0], [sflag:$0x2] =	stream.linear.gather [hbm4b:s17+s1], $0xA00, $0x38;
	[tilespmem:$0x1FF50] =	vst v63  }
.LBB2_2:
0x74: {  	p1 =	sne.s32 s13, $0x30FC0;
	[tilespmem:s14+$0xC350] =	vst v0;
	s14 =	smov.u32 s13;
	s13 =	sadd.s32 $0x40, s13  }
.Ltmp2:
0x75: {  	(pc) =	sbr.rel @p1 .LBB2_2-.Ltmp2, $2  }
0x76: {  	_ =	sdelay $0x2  }
0x77: {  	s14 =	sshra.s32 s14, $0x2  }
0x78: {  	[tilespmem:s14+$0xC350] =	vst v0  }
0x79: {  	_ =	swait.ge [sflag:s2], $0xC350  }
0x7a: {  	[sflag:s2] =	ssyncset.done $0x0  }
0x7b: {  	[sflag:s2] =	ssyncadd.s32 $0xFFFF3CB0  }
0x7c: {  	_ =	swait.ge [sflag:s3], $0xA00  }
0x7d: {  	[sflag:s3] =	ssyncset.done $0x0  }
0x7e: {  	[sflag:s3] =	ssyncadd.s32 $0xFFFFF600  }
0x7f: {  	_ =	swait.ge [sflag:s3], $0xA00  }
0x80: {  	[sflag:s3] =	ssyncset.done $0x0  }
0x81: {  	[sflag:s3] =	ssyncadd.s32 $0xFFFFF600  }
0x82: {  	_ =	swait.ge [sflag:s3], $0xA00  }
0x83: {  	[sflag:s3] =	ssyncset.done $0x0  }
0x84: {  	[sflag:s3] =	ssyncadd.s32 $0xFFFFF600  }
0x85: {  	_ =	swait.ge [sflag:s3], $0xA00  }
0x86: {  	[sflag:s3] =	ssyncset.done $0x0  }
0x87: {  	s13 =	rddreg [dreg:$0xf];
	[sflag:s3] =	ssyncadd.s32 $0xFFFFF600  }
0x88: {  	[tilespmem:s4], [sflag:$0x3] =	stream.linear.gather [hbm4b:s13+s1], $0xA00, $0x38;
	[tilespmem:$0x1FF50] =	vst v63  }
0x89: {  	s14 =	rddreg [dreg:$0x10]  }
0x8a: {  	[tilespmem:s5], [sflag:$0x3] =	stream.linear.gather [hbm4b:s14+s1], $0xA00, $0x38;
	[tilespmem:$0x1FF50] =	vst v63  }
0x8b: {  	s15 =	rddreg [dreg:$0x11]  }
0x8c: {  	[tilespmem:s6], [sflag:$0x3] =	stream.linear.gather [hbm4b:s15+s1], $0xA00, $0x38;
	[tilespmem:$0x1FF50] =	vst v63  }
0x8d: {  	s17 =	simm.s32 $0x19B70;
	s16 =	rddreg [dreg:$0x12]  }
0x8e: {  	[tilespmem:s7], [sflag:$0x3] =	stream.linear.gather [hbm4b:s16+s1], $0xA00, $0x38;
	[tilespmem:$0x1FF50] =	vst v63  }
0x8f: {  	v1 =	vld [tilespmem:s17+$0x10]  }
0x90: {  	v2 =	vld [tilespmem:s17+$0xFFFFFFE0];
	_ =	sdelay $0x1  }
0x91: {  	v3 =	vld [tilespmem:s17+$0xFFFFFFF0];
	_ =	sdelay $0x1  }
0x92: {  	v4 =	vld [tilespmem:s17+$0x0];
	v5 =	vsub.s32 $0x7EF311C3, v1  }
0x93: {  	s13 =	simm.s32 $0x19170;
	v6 =	vsub.s32 $0x7EF311C3, v2;
	v8 =	vmul.f32 v5, v1  }
0x94: {  	v7 =	vld [tilespmem:s13+$0x10];
	v9 =	vmul.f32 v6, v2  }
0x95: {  	v11 =	vld [tilespmem:s13+$0xFFFFFFF0];
	v10 =	vsub.s32 $0x7EF311C3, v3;
	v8 =	vsub.f32 $2.000000000e+00, v8  }
0x96: {  	v14 =	vld [tilespmem:s13+$0xFFFFFFE0];
	v12 =	vmul.f32 v10, v3;
	v9 =	vsub.f32 $2.000000000e+00, v9  }
0x97: {  	s14 =	simm.s32 $0x1A570;
	v16 =	vld [tilespmem:s13+$0x0];
	v13 =	vsub.s32 $0x7EF311C3, v4;
	v5 =	vmul.f32 v5, v8  }
0x98: {  	v15 =	vmul.f32 v13, v4;
	v12 =	vsub.f32 $2.000000000e+00, v12;
	v6 =	vmul.f32 v6, v9;
	v9 =	vld [tilespmem:s14+$0x10]  }
0x99: {  	s15 =	simm.s32 $0x18770;
	v61 =	vld [tilespmem:s14+$0xFFFFFFE0];
	v1 =	vmul.f32 v5, v1  }
0x9a: {  	v62 =	vld [tilespmem:s15+$0x10];
	v8 =	vsub.f32 $2.000000000e+00, v15;
	v10 =	vmul.f32 v10, v12  }
0x9b: {  	v63 =	vld [tilespmem:s14+$0xFFFFFFF0];
	v2 =	vmul.f32 v6, v2;
	v1 =	vsub.f32 $2.000000000e+00, v1  }
0x9c: {  	v7 =	vld.idx.msk [tilespmem:v7+s1+$0x0], $0xffff;
	v8 =	vmul.f32 v13, v8;
	v3 =	vmul.f32 v10, v3  }
0x9d: {  	v17 =	vld [tilespmem:s14+$0x0];
	v2 =	vsub.f32 $2.000000000e+00, v2;
	v9 =	vmul.f32 $5.291771890e-01, v9;
	v1 =	vmul.f32 v1, v5  }
0x9e: {  	v14 =	vld.idx.msk [tilespmem:v14+s1+$0x0], $0xffff;
	v4 =	vmul.f32 v8, v4;
	v3 =	vsub.f32 $2.000000000e+00, v3;
	v5 =	vmul.f32 $5.291771890e-01, v61  }
0x9f: {  	v6 =	vmul.f32 v2, v6;
	v2 =	vld.idx.msk [tilespmem:v11+s1+$0x0], $0xffff;
	v1 =	vmul.f32 v1, v9  }
0xa0: {  	v10 =	vmul.f32 v3, v10;
	v3 =	vld [tilespmem:s15+$0xFFFFFFE0];
	v11 =	vmul.f32 $5.291771890e-01, v63;
	v9 =	vsub.f32 $2.000000000e+00, v4  }
0xa1: {  	v6 =	vmul.f32 v6, v5;
	v4 =	vld.idx.msk [tilespmem:v16+s1+$0x0], $0xffff;
	v1 =	vmul.f32 v1, v7  }
0xa2: {  	v5 =	vld [tilespmem:s15+$0xFFFFFFF0];
	v8 =	vmul.f32 v9, v8;
	v9 =	vmul.f32 $5.291771890e-01, v17  }
0xa3: {  	v7 =	vmul.f32 v10, v11;
	[tilespmem:v62+s8+$0x0] =	vst.idx.add.f32.msk $0xffff, v1  }
0xa4: {  	s16 =	simm.s32 $0x0;
	s17 =	simm.s32 $0x19BB0;
	v6 =	vmul.f32 v6, v14;
	v8 =	vmul.f32 v8, v9;
	v1 =	vld [tilespmem:s15+$0x0]  }
.LBB2_4:
0xa5: {  	v9 =	vld [tilespmem:s17+$0x10];
	s16 =	sadd.s32 $0x4, s16;
	v2 =	vmul.f32 v7, v2  }
0xa6: {  	v7 =	vld [tilespmem:s17+$0xFFFFFFE0];
	p1 =	slt.u32 s16, $0x9C;
	v4 =	vmul.f32 v8, v4  }
0xa7: {  	v8 =	vld [tilespmem:s17+$0xFFFFFFF0]  }
0xa8: {  	v10 =	vld [tilespmem:s17+$0x0]  }
0xa9: {  	[tilespmem:v3+s8+$0x0] =	vst.idx.add.f32.msk $0xffff, v6  }
0xaa: {  	s13 =	sadd.s32 $0x40, s13;
	v3 =	vsub.s32 $0x7EF311C3, v9;
	[tilespmem:v5+s8+$0x0] =	vst.idx.add.f32.msk $0xffff, v2  }
0xab: {  	v2 =	vsub.s32 $0x7EF311C3, v7;
	v5 =	vld [tilespmem:s13+$0x10];
	v6 =	vmul.f32 v3, v9  }
0xac: {  	v11 =	vmul.f32 v2, v7;
	v12 =	vld [tilespmem:s13+$0xFFFFFFF0];
	v13 =	vsub.s32 $0x7EF311C3, v8  }
0xad: {  	v14 =	vmul.f32 v13, v8;
	v15 =	vld [tilespmem:s13+$0x0];
	v16 =	vsub.s32 $0x7EF311C3, v10;
	v6 =	vsub.f32 $2.000000000e+00, v6  }
0xae: {  	v17 =	vld [tilespmem:s13+$0xFFFFFFE0];
	v11 =	vsub.f32 $2.000000000e+00, v11;
	v18 =	vmul.f32 v16, v10  }
0xaf: {  	s14 =	sadd.s32 $0x40, s14;
	v14 =	vsub.f32 $2.000000000e+00, v14;
	v3 =	vmul.f32 v3, v6;
	[tilespmem:v1+s8+$0x0] =	vst.idx.add.f32.msk $0xffff, v4  }
0xb0: {  	v1 =	vmul.f32 v2, v11;
	v2 =	vsub.f32 $2.000000000e+00, v18;
	v4 =	vld [tilespmem:s14+$0x10]  }
0xb1: {  	s15 =	sadd.s32 $0x40, s15;
	v6 =	vld [tilespmem:s14+$0xFFFFFFE0];
	v11 =	vmul.f32 v13, v14;
	v9 =	vmul.f32 v3, v9  }
0xb2: {  	v7 =	vmul.f32 v1, v7;
	v13 =	vmul.f32 v16, v2;
	v14 =	vld [tilespmem:s15+$0x10]  }
0xb3: {  	v2 =	vmul.f32 v11, v8;
	v5 =	vld.idx.msk [tilespmem:v5+s1+$0x0], $0xffff;
	v8 =	vsub.f32 $2.000000000e+00, v9  }
0xb4: {  	v7 =	vsub.f32 $2.000000000e+00, v7;
	v9 =	vld [tilespmem:s14+$0xFFFFFFF0];
	v10 =	vmul.f32 v13, v10  }
0xb5: {  	v16 =	vsub.f32 $2.000000000e+00, v2;
	v18 =	vld [tilespmem:s14+$0x0];
	v4 =	vmul.f32 $5.291771890e-01, v4;
	v3 =	vmul.f32 v8, v3  }
0xb6: {  	v8 =	vld.idx.msk [tilespmem:v17+s1+$0x0], $0xffff;
	v6 =	vmul.f32 $5.291771890e-01, v6;
	v1 =	vmul.f32 v7, v1;
	v7 =	vsub.f32 $2.000000000e+00, v10  }
0xb7: {  	v2 =	vld.idx.msk [tilespmem:v12+s1+$0x0], $0xffff;
	v10 =	vmul.f32 v16, v11;
	v11 =	vmul.f32 v3, v4  }
.Ltmp3:
0xb8: {  	v1 =	vmul.f32 v1, v6;
	v4 =	vld.idx.msk [tilespmem:v15+s1+$0x0], $0xffff;
	v12 =	vmul.f32 v7, v13;
	(pc) =	sbr.rel @p1 .LBB2_4-.Ltmp3, $4  }
0xb9: {  	v3 =	vld [tilespmem:s15+$0xFFFFFFE0];
	v6 =	vmul.f32 $5.291771890e-01, v9;
	v9 =	vmul.f32 v11, v5  }
0xba: {  	v5 =	vld [tilespmem:s15+$0xFFFFFFF0];
	v11 =	vmul.f32 $5.291771890e-01, v18  }
0xbb: {  	v7 =	vmul.f32 v10, v6;
	[tilespmem:v14+s8+$0x0] =	vst.idx.add.f32.msk $0xffff, v9  }
0xbc: {  	s17 =	sadd.s32 $0x40, s17;
	v6 =	vmul.f32 v1, v8;
	v8 =	vmul.f32 v12, v11;
	v1 =	vld [tilespmem:s15+$0x0]  }
0xbd: {  	_ =	sdelay $0x4  }
0xbe: {  	v2 =	vmul.f32 v7, v2  }
0xbf: {  	v4 =	vmul.f32 v8, v4;
	[tilespmem:v3+s8+$0x0] =	vst.idx.add.f32.msk $0xffff, v6  }
0xc0: {  	[tilespmem:v5+s8+$0x0] =	vst.idx.add.f32.msk $0xffff, v2  }
0xc1: {  	[tilespmem:v1+s8+$0x0] =	vst.idx.add.f32.msk $0xffff, v4  }
0xc2: {  	_ =	swait.ge [sflag:s9], $0xA00  }
0xc3: {  	[sflag:s9] =	ssyncset.done $0x0  }
0xc4: {  	[sflag:s9] =	ssyncadd.s32 $0xFFFFF600  }
0xc5: {  	_ =	swait.ge [sflag:s9], $0xA00  }
0xc6: {  	[sflag:s9] =	ssyncset.done $0x0  }
0xc7: {  	[sflag:s9] =	ssyncadd.s32 $0xFFFFF600  }
0xc8: {  	_ =	swait.ge [sflag:s9], $0xA00  }
0xc9: {  	[sflag:s9] =	ssyncset.done $0x0  }
0xca: {  	[sflag:s9] =	ssyncadd.s32 $0xFFFFF600  }
0xcb: {  	_ =	swait.ge [sflag:s9], $0xA00  }
0xcc: {  	[sflag:s9] =	ssyncset.done $0x0  }
0xcd: {  	s13 =	rddreg [dreg:$0x13];
	[sflag:s9] =	ssyncadd.s32 $0xFFFFF600  }
0xce: {  	[tilespmem:s24], [sflag:$0x1] =	stream.linear.gather [hbm4b:s13+s1], $0xA00, $0x38;
	[tilespmem:$0x1FF50] =	vst v63  }
0xcf: {  	s14 =	rddreg [dreg:$0x14]  }
0xd0: {  	[tilespmem:s25], [sflag:$0x1] =	stream.linear.gather [hbm4b:s14+s1], $0xA00, $0x38;
	[tilespmem:$0x1FF50] =	vst v63  }
0xd1: {  	s15 =	rddreg [dreg:$0x15]  }
0xd2: {  	[tilespmem:s26], [sflag:$0x1] =	stream.linear.gather [hbm4b:s15+s1], $0xA00, $0x38;
	[tilespmem:$0x1FF50] =	vst v63  }
0xd3: {  	s17 =	simm.s32 $0x1C370;
	s16 =	rddreg [dreg:$0x16]  }
0xd4: {  	[tilespmem:s28], [sflag:$0x1] =	stream.linear.gather [hbm4b:s16+s1], $0xA00, $0x38;
	[tilespmem:$0x1FF50] =	vst v63  }
0xd5: {  	v1 =	vld [tilespmem:s17+$0x10]  }
0xd6: {  	v2 =	vld [tilespmem:s17+$0xFFFFFFE0];
	_ =	sdelay $0x1  }
0xd7: {  	v3 =	vld [tilespmem:s17+$0xFFFFFFF0];
	_ =	sdelay $0x1  }
0xd8: {  	v4 =	vld [tilespmem:s17+$0x0];
	v5 =	vsub.s32 $0x7EF311C3, v1  }
0xd9: {  	s13 =	simm.s32 $0x1B970;
	v6 =	vsub.s32 $0x7EF311C3, v2;
	v8 =	vmul.f32 v5, v1  }
0xda: {  	v7 =	vld [tilespmem:s13+$0x10];
	v9 =	vmul.f32 v6, v2  }
0xdb: {  	v11 =	vld [tilespmem:s13+$0xFFFFFFF0];
	v10 =	vsub.s32 $0x7EF311C3, v3;
	v8 =	vsub.f32 $2.000000000e+00, v8  }
0xdc: {  	v14 =	vld [tilespmem:s13+$0xFFFFFFE0];
	v12 =	vmul.f32 v10, v3;
	v9 =	vsub.f32 $2.000000000e+00, v9  }
0xdd: {  	s14 =	simm.s32 $0x1CD70;
	v16 =	vld [tilespmem:s13+$0x0];
	v13 =	vsub.s32 $0x7EF311C3, v4;
	v5 =	vmul.f32 v5, v8  }
0xde: {  	v15 =	vmul.f32 v13, v4;
	v12 =	vsub.f32 $2.000000000e+00, v12;
	v6 =	vmul.f32 v6, v9;
	v9 =	vld [tilespmem:s14+$0x10]  }
0xdf: {  	s15 =	simm.s32 $0x1AF70;
	v61 =	vld [tilespmem:s14+$0xFFFFFFE0];
	v1 =	vmul.f32 v5, v1  }
0xe0: {  	v62 =	vld [tilespmem:s15+$0x10];
	v8 =	vsub.f32 $2.000000000e+00, v15;
	v10 =	vmul.f32 v10, v12  }
0xe1: {  	v63 =	vld [tilespmem:s14+$0xFFFFFFF0];
	v2 =	vmul.f32 v6, v2;
	v1 =	vsub.f32 $2.000000000e+00, v1  }
0xe2: {  	v7 =	vld.idx.msk [tilespmem:v7+s1+$0x0], $0xffff;
	v8 =	vmul.f32 v13, v8;
	v3 =	vmul.f32 v10, v3  }
0xe3: {  	v17 =	vld [tilespmem:s14+$0x0];
	v2 =	vsub.f32 $2.000000000e+00, v2;
	v9 =	vmul.f32 $5.291771890e-01, v9;
	v1 =	vmul.f32 v1, v5  }
0xe4: {  	v14 =	vld.idx.msk [tilespmem:v14+s1+$0x0], $0xffff;
	v4 =	vmul.f32 v8, v4;
	v3 =	vsub.f32 $2.000000000e+00, v3;
	v5 =	vmul.f32 $5.291771890e-01, v61  }
0xe5: {  	v6 =	vmul.f32 v2, v6;
	v2 =	vld.idx.msk [tilespmem:v11+s1+$0x0], $0xffff;
	v1 =	vmul.f32 v1, v9  }
0xe6: {  	v10 =	vmul.f32 v3, v10;
	v3 =	vld [tilespmem:s15+$0xFFFFFFE0];
	v11 =	vmul.f32 $5.291771890e-01, v63;
	v9 =	vsub.f32 $2.000000000e+00, v4  }
0xe7: {  	v6 =	vmul.f32 v6, v5;
	v4 =	vld.idx.msk [tilespmem:v16+s1+$0x0], $0xffff;
	v1 =	vmul.f32 v1, v7  }
0xe8: {  	v5 =	vld [tilespmem:s15+$0xFFFFFFF0];
	v8 =	vmul.f32 v9, v8;
	v9 =	vmul.f32 $5.291771890e-01, v17  }
0xe9: {  	v7 =	vmul.f32 v10, v11;
	[tilespmem:v62+s8+$0x0] =	vst.idx.add.f32.msk $0xffff, v1  }
0xea: {  	s16 =	simm.s32 $0x0;
	s17 =	simm.s32 $0x1C3B0;
	v6 =	vmul.f32 v6, v14;
	v8 =	vmul.f32 v8, v9;
	v1 =	vld [tilespmem:s15+$0x0]  }
.LBB2_6:
0xeb: {  	v9 =	vld [tilespmem:s17+$0x10];
	s16 =	sadd.s32 $0x4, s16;
	v2 =	vmul.f32 v7, v2  }
0xec: {  	v7 =	vld [tilespmem:s17+$0xFFFFFFE0];
	p1 =	slt.u32 s16, $0x9C;
	v4 =	vmul.f32 v8, v4  }
0xed: {  	v8 =	vld [tilespmem:s17+$0xFFFFFFF0]  }
0xee: {  	v10 =	vld [tilespmem:s17+$0x0]  }
0xef: {  	[tilespmem:v3+s8+$0x0] =	vst.idx.add.f32.msk $0xffff, v6  }
0xf0: {  	s13 =	sadd.s32 $0x40, s13;
	v3 =	vsub.s32 $0x7EF311C3, v9;
	[tilespmem:v5+s8+$0x0] =	vst.idx.add.f32.msk $0xffff, v2  }
0xf1: {  	v2 =	vsub.s32 $0x7EF311C3, v7;
	v5 =	vld [tilespmem:s13+$0x10];
	v6 =	vmul.f32 v3, v9  }
0xf2: {  	v11 =	vmul.f32 v2, v7;
	v12 =	vld [tilespmem:s13+$0xFFFFFFF0];
	v13 =	vsub.s32 $0x7EF311C3, v8  }
0xf3: {  	v14 =	vmul.f32 v13, v8;
	v15 =	vld [tilespmem:s13+$0x0];
	v16 =	vsub.s32 $0x7EF311C3, v10;
	v6 =	vsub.f32 $2.000000000e+00, v6  }
0xf4: {  	v17 =	vld [tilespmem:s13+$0xFFFFFFE0];
	v11 =	vsub.f32 $2.000000000e+00, v11;
	v18 =	vmul.f32 v16, v10  }
0xf5: {  	s14 =	sadd.s32 $0x40, s14;
	v14 =	vsub.f32 $2.000000000e+00, v14;
	v3 =	vmul.f32 v3, v6;
	[tilespmem:v1+s8+$0x0] =	vst.idx.add.f32.msk $0xffff, v4  }
0xf6: {  	v1 =	vmul.f32 v2, v11;
	v2 =	vsub.f32 $2.000000000e+00, v18;
	v4 =	vld [tilespmem:s14+$0x10]  }
0xf7: {  	s15 =	sadd.s32 $0x40, s15;
	v6 =	vld [tilespmem:s14+$0xFFFFFFE0];
	v11 =	vmul.f32 v13, v14;
	v9 =	vmul.f32 v3, v9  }
0xf8: {  	v7 =	vmul.f32 v1, v7;
	v13 =	vmul.f32 v16, v2;
	v14 =	vld [tilespmem:s15+$0x10]  }
0xf9: {  	v2 =	vmul.f32 v11, v8;
	v5 =	vld.idx.msk [tilespmem:v5+s1+$0x0], $0xffff;
	v8 =	vsub.f32 $2.000000000e+00, v9  }
0xfa: {  	v7 =	vsub.f32 $2.000000000e+00, v7;
	v9 =	vld [tilespmem:s14+$0xFFFFFFF0];
	v10 =	vmul.f32 v13, v10  }
0xfb: {  	v16 =	vsub.f32 $2.000000000e+00, v2;
	v18 =	vld [tilespmem:s14+$0x0];
	v4 =	vmul.f32 $5.291771890e-01, v4;
	v3 =	vmul.f32 v8, v3  }
0xfc: {  	v8 =	vld.idx.msk [tilespmem:v17+s1+$0x0], $0xffff;
	v6 =	vmul.f32 $5.291771890e-01, v6;
	v1 =	vmul.f32 v7, v1;
	v7 =	vsub.f32 $2.000000000e+00, v10  }
0xfd: {  	v2 =	vld.idx.msk [tilespmem:v12+s1+$0x0], $0xffff;
	v10 =	vmul.f32 v16, v11;
	v11 =	vmul.f32 v3, v4  }
.Ltmp4:
0xfe: {  	v1 =	vmul.f32 v1, v6;
	v4 =	vld.idx.msk [tilespmem:v15+s1+$0x0], $0xffff;
	v12 =	vmul.f32 v7, v13;
	(pc) =	sbr.rel @p1 .LBB2_6-.Ltmp4, $4  }
0xff: {  	v3 =	vld [tilespmem:s15+$0xFFFFFFE0];
	v6 =	vmul.f32 $5.291771890e-01, v9;
	v9 =	vmul.f32 v11, v5  }
0x100: {  	v5 =	vld [tilespmem:s15+$0xFFFFFFF0];
	v11 =	vmul.f32 $5.291771890e-01, v18  }
0x101: {  	v7 =	vmul.f32 v10, v6;
	[tilespmem:v14+s8+$0x0] =	vst.idx.add.f32.msk $0xffff, v9  }
0x102: {  	s17 =	sadd.s32 $0x40, s17;
	v6 =	vmul.f32 v1, v8;
	v8 =	vmul.f32 v12, v11;
	v1 =	vld [tilespmem:s15+$0x0]  }
0x103: {  	_ =	sdelay $0x4  }
0x104: {  	v2 =	vmul.f32 v7, v2  }
0x105: {  	v4 =	vmul.f32 v8, v4;
	[tilespmem:v3+s8+$0x0] =	vst.idx.add.f32.msk $0xffff, v6  }
0x106: {  	[tilespmem:v5+s8+$0x0] =	vst.idx.add.f32.msk $0xffff, v2  }
0x107: {  	[tilespmem:v1+s8+$0x0] =	vst.idx.add.f32.msk $0xffff, v4  }
0x108: {  	_ =	swait.ge [sflag:s10], $0xA00  }
0x109: {  	[sflag:s10] =	ssyncset.done $0x0  }
0x10a: {  	[sflag:s10] =	ssyncadd.s32 $0xFFFFF600  }
0x10b: {  	_ =	swait.ge [sflag:s10], $0xA00  }
0x10c: {  	[sflag:s10] =	ssyncset.done $0x0  }
0x10d: {  	[sflag:s10] =	ssyncadd.s32 $0xFFFFF600  }
0x10e: {  	_ =	swait.ge [sflag:s10], $0xA00  }
0x10f: {  	[sflag:s10] =	ssyncset.done $0x0  }
0x110: {  	[sflag:s10] =	ssyncadd.s32 $0xFFFFF600  }
0x111: {  	_ =	swait.ge [sflag:s10], $0xA00  }
0x112: {  	[sflag:s10] =	ssyncset.done $0x0  }
0x113: {  	s13 =	rddreg [dreg:$0x17];
	[sflag:s10] =	ssyncadd.s32 $0xFFFFF600  }
0x114: {  	[tilespmem:s29], [sflag:$0x2] =	stream.linear.gather [hbm4b:s13+s1], $0xA00, $0x38;
	[tilespmem:$0x1FF50] =	vst v63  }
0x115: {  	s14 =	rddreg [dreg:$0x18]  }
0x116: {  	[tilespmem:s30], [sflag:$0x2] =	stream.linear.gather [hbm4b:s14+s1], $0xA00, $0x38;
	[tilespmem:$0x1FF50] =	vst v63  }
0x117: {  	s15 =	rddreg [dreg:$0x19]  }
0x118: {  	[tilespmem:s31], [sflag:$0x2] =	stream.linear.gather [hbm4b:s15+s1], $0xA00, $0x38;
	[tilespmem:$0x1FF50] =	vst v63  }
0x119: {  	s17 =	simm.s32 $0x1EB70;
	s16 =	rddreg [dreg:$0x1a]  }
0x11a: {  	[tilespmem:s0], [sflag:$0x2] =	stream.linear.gather [hbm4b:s16+s1], $0xA00, $0x38;
	[tilespmem:$0x1FF50] =	vst v63  }
0x11b: {  	v1 =	vld [tilespmem:s17+$0x10]  }
0x11c: {  	v2 =	vld [tilespmem:s17+$0xFFFFFFE0];
	_ =	sdelay $0x1  }
0x11d: {  	v3 =	vld [tilespmem:s17+$0xFFFFFFF0];
	_ =	sdelay $0x1  }
0x11e: {  	v4 =	vld [tilespmem:s17+$0x0];
	v5 =	vsub.s32 $0x7EF311C3, v1  }
0x11f: {  	s13 =	simm.s32 $0x1E170;
	v6 =	vsub.s32 $0x7EF311C3, v2;
	v8 =	vmul.f32 v5, v1  }
0x120: {  	v7 =	vld [tilespmem:s13+$0x10];
	v9 =	vmul.f32 v6, v2  }
0x121: {  	v11 =	vld [tilespmem:s13+$0xFFFFFFF0];
	v10 =	vsub.s32 $0x7EF311C3, v3;
	v8 =	vsub.f32 $2.000000000e+00, v8  }
0x122: {  	v14 =	vld [tilespmem:s13+$0xFFFFFFE0];
	v12 =	vmul.f32 v10, v3;
	v9 =	vsub.f32 $2.000000000e+00, v9  }
0x123: {  	s14 =	simm.s32 $0x1F570;
	v16 =	vld [tilespmem:s13+$0x0];
	v13 =	vsub.s32 $0x7EF311C3, v4;
	v5 =	vmul.f32 v5, v8  }
0x124: {  	v15 =	vmul.f32 v13, v4;
	v12 =	vsub.f32 $2.000000000e+00, v12;
	v6 =	vmul.f32 v6, v9;
	v9 =	vld [tilespmem:s14+$0x10]  }
0x125: {  	s15 =	simm.s32 $0x1D770;
	v61 =	vld [tilespmem:s14+$0xFFFFFFE0];
	v1 =	vmul.f32 v5, v1  }
0x126: {  	v62 =	vld [tilespmem:s15+$0x10];
	v8 =	vsub.f32 $2.000000000e+00, v15;
	v10 =	vmul.f32 v10, v12  }
0x127: {  	v63 =	vld [tilespmem:s14+$0xFFFFFFF0];
	v2 =	vmul.f32 v6, v2;
	v1 =	vsub.f32 $2.000000000e+00, v1  }
0x128: {  	v7 =	vld.idx.msk [tilespmem:v7+s1+$0x0], $0xffff;
	v8 =	vmul.f32 v13, v8;
	v3 =	vmul.f32 v10, v3  }
0x129: {  	v17 =	vld [tilespmem:s14+$0x0];
	v2 =	vsub.f32 $2.000000000e+00, v2;
	v9 =	vmul.f32 $5.291771890e-01, v9;
	v1 =	vmul.f32 v1, v5  }
0x12a: {  	v14 =	vld.idx.msk [tilespmem:v14+s1+$0x0], $0xffff;
	v4 =	vmul.f32 v8, v4;
	v3 =	vsub.f32 $2.000000000e+00, v3;
	v5 =	vmul.f32 $5.291771890e-01, v61  }
0x12b: {  	v6 =	vmul.f32 v2, v6;
	v2 =	vld.idx.msk [tilespmem:v11+s1+$0x0], $0xffff;
	v1 =	vmul.f32 v1, v9  }
0x12c: {  	v10 =	vmul.f32 v3, v10;
	v3 =	vld [tilespmem:s15+$0xFFFFFFE0];
	v11 =	vmul.f32 $5.291771890e-01, v63;
	v9 =	vsub.f32 $2.000000000e+00, v4  }
0x12d: {  	v6 =	vmul.f32 v6, v5;
	v4 =	vld.idx.msk [tilespmem:v16+s1+$0x0], $0xffff;
	v1 =	vmul.f32 v1, v7  }
0x12e: {  	v5 =	vld [tilespmem:s15+$0xFFFFFFF0];
	v8 =	vmul.f32 v9, v8;
	v9 =	vmul.f32 $5.291771890e-01, v17  }
0x12f: {  	v7 =	vmul.f32 v10, v11;
	[tilespmem:v62+s8+$0x0] =	vst.idx.add.f32.msk $0xffff, v1  }
0x130: {  	s16 =	simm.s32 $0x0;
	s17 =	simm.s32 $0x1EBB0;
	v6 =	vmul.f32 v6, v14;
	v8 =	vmul.f32 v8, v9;
	v1 =	vld [tilespmem:s15+$0x0]  }
.LBB2_8:
0x131: {  	v9 =	vld [tilespmem:s17+$0x10];
	s16 =	sadd.s32 $0x4, s16;
	v2 =	vmul.f32 v7, v2  }
0x132: {  	v7 =	vld [tilespmem:s17+$0xFFFFFFE0];
	p1 =	slt.u32 s16, $0x9C;
	v4 =	vmul.f32 v8, v4  }
0x133: {  	v8 =	vld [tilespmem:s17+$0xFFFFFFF0]  }
0x134: {  	v10 =	vld [tilespmem:s17+$0x0]  }
0x135: {  	[tilespmem:v3+s8+$0x0] =	vst.idx.add.f32.msk $0xffff, v6  }
0x136: {  	s13 =	sadd.s32 $0x40, s13;
	v3 =	vsub.s32 $0x7EF311C3, v9;
	[tilespmem:v5+s8+$0x0] =	vst.idx.add.f32.msk $0xffff, v2  }
0x137: {  	v2 =	vsub.s32 $0x7EF311C3, v7;
	v5 =	vld [tilespmem:s13+$0x10];
	v6 =	vmul.f32 v3, v9  }
0x138: {  	v11 =	vmul.f32 v2, v7;
	v12 =	vld [tilespmem:s13+$0xFFFFFFF0];
	v13 =	vsub.s32 $0x7EF311C3, v8  }
0x139: {  	v14 =	vmul.f32 v13, v8;
	v15 =	vld [tilespmem:s13+$0x0];
	v16 =	vsub.s32 $0x7EF311C3, v10;
	v6 =	vsub.f32 $2.000000000e+00, v6  }
0x13a: {  	v17 =	vld [tilespmem:s13+$0xFFFFFFE0];
	v11 =	vsub.f32 $2.000000000e+00, v11;
	v18 =	vmul.f32 v16, v10  }
0x13b: {  	s14 =	sadd.s32 $0x40, s14;
	v14 =	vsub.f32 $2.000000000e+00, v14;
	v3 =	vmul.f32 v3, v6;
	[tilespmem:v1+s8+$0x0] =	vst.idx.add.f32.msk $0xffff, v4  }
0x13c: {  	v1 =	vmul.f32 v2, v11;
	v2 =	vsub.f32 $2.000000000e+00, v18;
	v4 =	vld [tilespmem:s14+$0x10]  }
0x13d: {  	s15 =	sadd.s32 $0x40, s15;
	v6 =	vld [tilespmem:s14+$0xFFFFFFE0];
	v11 =	vmul.f32 v13, v14;
	v9 =	vmul.f32 v3, v9  }
0x13e: {  	v7 =	vmul.f32 v1, v7;
	v13 =	vmul.f32 v16, v2;
	v14 =	vld [tilespmem:s15+$0x10]  }
0x13f: {  	v2 =	vmul.f32 v11, v8;
	v5 =	vld.idx.msk [tilespmem:v5+s1+$0x0], $0xffff;
	v8 =	vsub.f32 $2.000000000e+00, v9  }
0x140: {  	v7 =	vsub.f32 $2.000000000e+00, v7;
	v9 =	vld [tilespmem:s14+$0xFFFFFFF0];
	v10 =	vmul.f32 v13, v10  }
0x141: {  	v16 =	vsub.f32 $2.000000000e+00, v2;
	v18 =	vld [tilespmem:s14+$0x0];
	v4 =	vmul.f32 $5.291771890e-01, v4;
	v3 =	vmul.f32 v8, v3  }
0x142: {  	v8 =	vld.idx.msk [tilespmem:v17+s1+$0x0], $0xffff;
	v6 =	vmul.f32 $5.291771890e-01, v6;
	v1 =	vmul.f32 v7, v1;
	v7 =	vsub.f32 $2.000000000e+00, v10  }
0x143: {  	v2 =	vld.idx.msk [tilespmem:v12+s1+$0x0], $0xffff;
	v10 =	vmul.f32 v16, v11;
	v11 =	vmul.f32 v3, v4  }
.Ltmp5:
0x144: {  	v1 =	vmul.f32 v1, v6;
	v4 =	vld.idx.msk [tilespmem:v15+s1+$0x0], $0xffff;
	v12 =	vmul.f32 v7, v13;
	(pc) =	sbr.rel @p1 .LBB2_8-.Ltmp5, $4  }
0x145: {  	v3 =	vld [tilespmem:s15+$0xFFFFFFE0];
	v6 =	vmul.f32 $5.291771890e-01, v9;
	v9 =	vmul.f32 v11, v5  }
0x146: {  	v5 =	vld [tilespmem:s15+$0xFFFFFFF0];
	v11 =	vmul.f32 $5.291771890e-01, v18  }
0x147: {  	v7 =	vmul.f32 v10, v6;
	[tilespmem:v14+s8+$0x0] =	vst.idx.add.f32.msk $0xffff, v9  }
0x148: {  	s17 =	sadd.s32 $0x40, s17;
	v6 =	vmul.f32 v1, v8;
	v8 =	vmul.f32 v12, v11;
	v1 =	vld [tilespmem:s15+$0x0]  }
0x149: {  	_ =	sdelay $0x4  }
0x14a: {  	v2 =	vmul.f32 v7, v2  }
0x14b: {  	v4 =	vmul.f32 v8, v4;
	[tilespmem:v3+s8+$0x0] =	vst.idx.add.f32.msk $0xffff, v6  }
0x14c: {  	[tilespmem:v5+s8+$0x0] =	vst.idx.add.f32.msk $0xffff, v2  }
0x14d: {  	[tilespmem:v1+s8+$0x0] =	vst.idx.add.f32.msk $0xffff, v4  }
0x14e: {  	_ =	swait.ge [sflag:s3], $0xA00  }
0x14f: {  	[sflag:s3] =	ssyncset.done $0x0  }
0x150: {  	[sflag:s3] =	ssyncadd.s32 $0xFFFFF600  }
0x151: {  	_ =	swait.ge [sflag:s3], $0xA00  }
0x152: {  	[sflag:s3] =	ssyncset.done $0x0  }
0x153: {  	[sflag:s3] =	ssyncadd.s32 $0xFFFFF600  }
0x154: {  	_ =	swait.ge [sflag:s3], $0xA00  }
0x155: {  	[sflag:s3] =	ssyncset.done $0x0  }
0x156: {  	[sflag:s3] =	ssyncadd.s32 $0xFFFFF600  }
0x157: {  	_ =	swait.ge [sflag:s3], $0xA00  }
0x158: {  	[sflag:s3] =	ssyncset.done $0x0  }
0x159: {  	s13 =	rddreg [dreg:$0x1b];
	[sflag:s3] =	ssyncadd.s32 $0xFFFFF600  }
0x15a: {  	[tilespmem:s4], [sflag:$0x3] =	stream.linear.gather [hbm4b:s13+s1], $0xA00, $0x38;
	[tilespmem:$0x1FF50] =	vst v63  }
0x15b: {  	s14 =	rddreg [dreg:$0x1c]  }
0x15c: {  	[tilespmem:s5], [sflag:$0x3] =	stream.linear.gather [hbm4b:s14+s1], $0xA00, $0x38;
	[tilespmem:$0x1FF50] =	vst v63  }
0x15d: {  	s15 =	rddreg [dreg:$0x1d]  }
0x15e: {  	[tilespmem:s6], [sflag:$0x3] =	stream.linear.gather [hbm4b:s15+s1], $0xA00, $0x38;
	[tilespmem:$0x1FF50] =	vst v63  }
0x15f: {  	s17 =	simm.s32 $0x19B70;
	s16 =	rddreg [dreg:$0x1e]  }
0x160: {  	[tilespmem:s7], [sflag:$0x3] =	stream.linear.gather [hbm4b:s16+s1], $0xA00, $0x38;
	[tilespmem:$0x1FF50] =	vst v63  }
0x161: {  	v1 =	vld [tilespmem:s17+$0x10]  }
0x162: {  	v2 =	vld [tilespmem:s17+$0xFFFFFFE0];
	_ =	sdelay $0x1  }
0x163: {  	v3 =	vld [tilespmem:s17+$0xFFFFFFF0];
	_ =	sdelay $0x1  }
0x164: {  	v4 =	vld [tilespmem:s17+$0x0];
	v5 =	vsub.s32 $0x7EF311C3, v1  }
0x165: {  	s13 =	simm.s32 $0x19170;
	v6 =	vsub.s32 $0x7EF311C3, v2;
	v8 =	vmul.f32 v5, v1  }
0x166: {  	v7 =	vld [tilespmem:s13+$0x10];
	v9 =	vmul.f32 v6, v2  }
0x167: {  	v11 =	vld [tilespmem:s13+$0xFFFFFFF0];
	v10 =	vsub.s32 $0x7EF311C3, v3;
	v8 =	vsub.f32 $2.000000000e+00, v8  }
0x168: {  	v14 =	vld [tilespmem:s13+$0xFFFFFFE0];
	v12 =	vmul.f32 v10, v3;
	v9 =	vsub.f32 $2.000000000e+00, v9  }
0x169: {  	s14 =	simm.s32 $0x1A570;
	v16 =	vld [tilespmem:s13+$0x0];
	v13 =	vsub.s32 $0x7EF311C3, v4;
	v5 =	vmul.f32 v5, v8  }
0x16a: {  	v15 =	vmul.f32 v13, v4;
	v12 =	vsub.f32 $2.000000000e+00, v12;
	v6 =	vmul.f32 v6, v9;
	v9 =	vld [tilespmem:s14+$0x10]  }
0x16b: {  	s15 =	simm.s32 $0x18770;
	v61 =	vld [tilespmem:s14+$0xFFFFFFE0];
	v1 =	vmul.f32 v5, v1  }
0x16c: {  	v62 =	vld [tilespmem:s15+$0x10];
	v8 =	vsub.f32 $2.000000000e+00, v15;
	v10 =	vmul.f32 v10, v12  }
0x16d: {  	v63 =	vld [tilespmem:s14+$0xFFFFFFF0];
	v2 =	vmul.f32 v6, v2;
	v1 =	vsub.f32 $2.000000000e+00, v1  }
0x16e: {  	v7 =	vld.idx.msk [tilespmem:v7+s1+$0x0], $0xffff;
	v8 =	vmul.f32 v13, v8;
	v3 =	vmul.f32 v10, v3  }
0x16f: {  	v17 =	vld [tilespmem:s14+$0x0];
	v2 =	vsub.f32 $2.000000000e+00, v2;
	v9 =	vmul.f32 $5.291771890e-01, v9;
	v1 =	vmul.f32 v1, v5  }
0x170: {  	v14 =	vld.idx.msk [tilespmem:v14+s1+$0x0], $0xffff;
	v4 =	vmul.f32 v8, v4;
	v3 =	vsub.f32 $2.000000000e+00, v3;
	v5 =	vmul.f32 $5.291771890e-01, v61  }
0x171: {  	v6 =	vmul.f32 v2, v6;
	v2 =	vld.idx.msk [tilespmem:v11+s1+$0x0], $0xffff;
	v1 =	vmul.f32 v1, v9  }
0x172: {  	v10 =	vmul.f32 v3, v10;
	v3 =	vld [tilespmem:s15+$0xFFFFFFE0];
	v11 =	vmul.f32 $5.291771890e-01, v63;
	v9 =	vsub.f32 $2.000000000e+00, v4  }
0x173: {  	v6 =	vmul.f32 v6, v5;
	v4 =	vld.idx.msk [tilespmem:v16+s1+$0x0], $0xffff;
	v1 =	vmul.f32 v1, v7  }
0x174: {  	v5 =	vld [tilespmem:s15+$0xFFFFFFF0];
	v8 =	vmul.f32 v9, v8;
	v9 =	vmul.f32 $5.291771890e-01, v17  }
0x175: {  	v7 =	vmul.f32 v10, v11;
	[tilespmem:v62+s8+$0x0] =	vst.idx.add.f32.msk $0xffff, v1  }
0x176: {  	s16 =	simm.s32 $0x0;
	s17 =	simm.s32 $0x19BB0;
	v6 =	vmul.f32 v6, v14;
	v8 =	vmul.f32 v8, v9;
	v1 =	vld [tilespmem:s15+$0x0]  }
.LBB2_10:
0x177: {  	v9 =	vld [tilespmem:s17+$0x10];
	s16 =	sadd.s32 $0x4, s16;
	v2 =	vmul.f32 v7, v2  }
0x178: {  	v7 =	vld [tilespmem:s17+$0xFFFFFFE0];
	p1 =	slt.u32 s16, $0x9C;
	v4 =	vmul.f32 v8, v4  }
0x179: {  	v8 =	vld [tilespmem:s17+$0xFFFFFFF0]  }
0x17a: {  	v10 =	vld [tilespmem:s17+$0x0]  }
0x17b: {  	[tilespmem:v3+s8+$0x0] =	vst.idx.add.f32.msk $0xffff, v6  }
0x17c: {  	s13 =	sadd.s32 $0x40, s13;
	v3 =	vsub.s32 $0x7EF311C3, v9;
	[tilespmem:v5+s8+$0x0] =	vst.idx.add.f32.msk $0xffff, v2  }
0x17d: {  	v2 =	vsub.s32 $0x7EF311C3, v7;
	v5 =	vld [tilespmem:s13+$0x10];
	v6 =	vmul.f32 v3, v9  }
0x17e: {  	v11 =	vmul.f32 v2, v7;
	v12 =	vld [tilespmem:s13+$0xFFFFFFF0];
	v13 =	vsub.s32 $0x7EF311C3, v8  }
0x17f: {  	v14 =	vmul.f32 v13, v8;
	v15 =	vld [tilespmem:s13+$0x0];
	v16 =	vsub.s32 $0x7EF311C3, v10;
	v6 =	vsub.f32 $2.000000000e+00, v6  }
0x180: {  	v17 =	vld [tilespmem:s13+$0xFFFFFFE0];
	v11 =	vsub.f32 $2.000000000e+00, v11;
	v18 =	vmul.f32 v16, v10  }
0x181: {  	s14 =	sadd.s32 $0x40, s14;
	v14 =	vsub.f32 $2.000000000e+00, v14;
	v3 =	vmul.f32 v3, v6;
	[tilespmem:v1+s8+$0x0] =	vst.idx.add.f32.msk $0xffff, v4  }
0x182: {  	v1 =	vmul.f32 v2, v11;
	v2 =	vsub.f32 $2.000000000e+00, v18;
	v4 =	vld [tilespmem:s14+$0x10]  }
0x183: {  	s15 =	sadd.s32 $0x40, s15;
	v6 =	vld [tilespmem:s14+$0xFFFFFFE0];
	v11 =	vmul.f32 v13, v14;
	v9 =	vmul.f32 v3, v9  }
0x184: {  	v7 =	vmul.f32 v1, v7;
	v13 =	vmul.f32 v16, v2;
	v14 =	vld [tilespmem:s15+$0x10]  }
0x185: {  	v2 =	vmul.f32 v11, v8;
	v5 =	vld.idx.msk [tilespmem:v5+s1+$0x0], $0xffff;
	v8 =	vsub.f32 $2.000000000e+00, v9  }
0x186: {  	v7 =	vsub.f32 $2.000000000e+00, v7;
	v9 =	vld [tilespmem:s14+$0xFFFFFFF0];
	v10 =	vmul.f32 v13, v10  }
0x187: {  	v16 =	vsub.f32 $2.000000000e+00, v2;
	v18 =	vld [tilespmem:s14+$0x0];
	v4 =	vmul.f32 $5.291771890e-01, v4;
	v3 =	vmul.f32 v8, v3  }
0x188: {  	v8 =	vld.idx.msk [tilespmem:v17+s1+$0x0], $0xffff;
	v6 =	vmul.f32 $5.291771890e-01, v6;
	v1 =	vmul.f32 v7, v1;
	v7 =	vsub.f32 $2.000000000e+00, v10  }
0x189: {  	v2 =	vld.idx.msk [tilespmem:v12+s1+$0x0], $0xffff;
	v10 =	vmul.f32 v16, v11;
	v11 =	vmul.f32 v3, v4  }
.Ltmp6:
0x18a: {  	v1 =	vmul.f32 v1, v6;
	v4 =	vld.idx.msk [tilespmem:v15+s1+$0x0], $0xffff;
	v12 =	vmul.f32 v7, v13;
	(pc) =	sbr.rel @p1 .LBB2_10-.Ltmp6, $4  }
0x18b: {  	v3 =	vld [tilespmem:s15+$0xFFFFFFE0];
	v6 =	vmul.f32 $5.291771890e-01, v9;
	v9 =	vmul.f32 v11, v5  }
0x18c: {  	v5 =	vld [tilespmem:s15+$0xFFFFFFF0];
	v11 =	vmul.f32 $5.291771890e-01, v18  }
0x18d: {  	v7 =	vmul.f32 v10, v6;
	[tilespmem:v14+s8+$0x0] =	vst.idx.add.f32.msk $0xffff, v9  }
0x18e: {  	s17 =	sadd.s32 $0x40, s17;
	v6 =	vmul.f32 v1, v8;
	v8 =	vmul.f32 v12, v11;
	v1 =	vld [tilespmem:s15+$0x0]  }
0x18f: {  	_ =	sdelay $0x4  }
0x190: {  	v2 =	vmul.f32 v7, v2  }
0x191: {  	v4 =	vmul.f32 v8, v4;
	[tilespmem:v3+s8+$0x0] =	vst.idx.add.f32.msk $0xffff, v6  }
0x192: {  	[tilespmem:v5+s8+$0x0] =	vst.idx.add.f32.msk $0xffff, v2  }
0x193: {  	[tilespmem:v1+s8+$0x0] =	vst.idx.add.f32.msk $0xffff, v4  }
0x194: {  	_ =	swait.ge [sflag:s9], $0xA00  }
0x195: {  	[sflag:s9] =	ssyncset.done $0x0  }
0x196: {  	[sflag:s9] =	ssyncadd.s32 $0xFFFFF600  }
0x197: {  	_ =	swait.ge [sflag:s9], $0xA00  }
0x198: {  	[sflag:s9] =	ssyncset.done $0x0  }
0x199: {  	[sflag:s9] =	ssyncadd.s32 $0xFFFFF600  }
0x19a: {  	_ =	swait.ge [sflag:s9], $0xA00  }
0x19b: {  	[sflag:s9] =	ssyncset.done $0x0  }
0x19c: {  	[sflag:s9] =	ssyncadd.s32 $0xFFFFF600  }
0x19d: {  	_ =	swait.ge [sflag:s9], $0xA00  }
0x19e: {  	[sflag:s9] =	ssyncset.done $0x0;
	s13 =	rddreg [dreg:$0x1f]  }
0x19f: {  	s14 =	sld [smem:$0x7C7];
	[sflag:s9] =	ssyncadd.s32 $0xFFFFF600  }
0x1a0: {  	[tilespmem:s24], [sflag:$0x1] =	stream.linear.gather [hbm4b:s13+s1], $0xA00, $0x38;
	[tilespmem:$0x1FF50] =	vst v63  }
0x1a1: {  	s15 =	sld [smem:$0x7C8]  }
0x1a2: {  	[tilespmem:s25], [sflag:$0x1] =	stream.linear.gather [hbm4b:s14+s1], $0xA00, $0x38;
	[tilespmem:$0x1FF50] =	vst v63  }
0x1a3: {  	s16 =	sld [smem:$0x7C9]  }
0x1a4: {  	[tilespmem:s26], [sflag:$0x1] =	stream.linear.gather [hbm4b:s15+s1], $0xA00, $0x38;
	[tilespmem:$0x1FF50] =	vst v63  }
0x1a5: {  	s17 =	simm.s32 $0x1C370  }
0x1a6: {  	[tilespmem:s28], [sflag:$0x1] =	stream.linear.gather [hbm4b:s16+s1], $0xA00, $0x38;
	[tilespmem:$0x1FF50] =	vst v63  }
0x1a7: {  	v1 =	vld [tilespmem:s17+$0x10]  }
0x1a8: {  	v2 =	vld [tilespmem:s17+$0xFFFFFFE0];
	_ =	sdelay $0x1  }
0x1a9: {  	v3 =	vld [tilespmem:s17+$0xFFFFFFF0];
	_ =	sdelay $0x1  }
0x1aa: {  	v4 =	vld [tilespmem:s17+$0x0];
	v5 =	vsub.s32 $0x7EF311C3, v1  }
0x1ab: {  	s13 =	simm.s32 $0x1B970;
	v6 =	vsub.s32 $0x7EF311C3, v2;
	v8 =	vmul.f32 v5, v1  }
0x1ac: {  	v7 =	vld [tilespmem:s13+$0x10];
	v9 =	vmul.f32 v6, v2  }
0x1ad: {  	v11 =	vld [tilespmem:s13+$0xFFFFFFF0];
	v10 =	vsub.s32 $0x7EF311C3, v3;
	v8 =	vsub.f32 $2.000000000e+00, v8  }
0x1ae: {  	v14 =	vld [tilespmem:s13+$0xFFFFFFE0];
	v12 =	vmul.f32 v10, v3;
	v9 =	vsub.f32 $2.000000000e+00, v9  }
0x1af: {  	s14 =	simm.s32 $0x1CD70;
	v16 =	vld [tilespmem:s13+$0x0];
	v13 =	vsub.s32 $0x7EF311C3, v4;
	v5 =	vmul.f32 v5, v8  }
0x1b0: {  	v15 =	vmul.f32 v13, v4;
	v12 =	vsub.f32 $2.000000000e+00, v12;
	v6 =	vmul.f32 v6, v9;
	v9 =	vld [tilespmem:s14+$0x10]  }
0x1b1: {  	s15 =	simm.s32 $0x1AF70;
	v61 =	vld [tilespmem:s14+$0xFFFFFFE0];
	v1 =	vmul.f32 v5, v1  }
0x1b2: {  	v62 =	vld [tilespmem:s15+$0x10];
	v8 =	vsub.f32 $2.000000000e+00, v15;
	v10 =	vmul.f32 v10, v12  }
0x1b3: {  	v63 =	vld [tilespmem:s14+$0xFFFFFFF0];
	v2 =	vmul.f32 v6, v2;
	v1 =	vsub.f32 $2.000000000e+00, v1  }
0x1b4: {  	v7 =	vld.idx.msk [tilespmem:v7+s1+$0x0], $0xffff;
	v8 =	vmul.f32 v13, v8;
	v3 =	vmul.f32 v10, v3  }
0x1b5: {  	v17 =	vld [tilespmem:s14+$0x0];
	v2 =	vsub.f32 $2.000000000e+00, v2;
	v9 =	vmul.f32 $5.291771890e-01, v9;
	v1 =	vmul.f32 v1, v5  }
0x1b6: {  	v14 =	vld.idx.msk [tilespmem:v14+s1+$0x0], $0xffff;
	v4 =	vmul.f32 v8, v4;
	v3 =	vsub.f32 $2.000000000e+00, v3;
	v5 =	vmul.f32 $5.291771890e-01, v61  }
0x1b7: {  	v6 =	vmul.f32 v2, v6;
	v2 =	vld.idx.msk [tilespmem:v11+s1+$0x0], $0xffff;
	v1 =	vmul.f32 v1, v9  }
0x1b8: {  	v10 =	vmul.f32 v3, v10;
	v3 =	vld [tilespmem:s15+$0xFFFFFFE0];
	v11 =	vmul.f32 $5.291771890e-01, v63;
	v9 =	vsub.f32 $2.000000000e+00, v4  }
0x1b9: {  	v6 =	vmul.f32 v6, v5;
	v4 =	vld.idx.msk [tilespmem:v16+s1+$0x0], $0xffff;
	v1 =	vmul.f32 v1, v7  }
0x1ba: {  	v5 =	vld [tilespmem:s15+$0xFFFFFFF0];
	v8 =	vmul.f32 v9, v8;
	v9 =	vmul.f32 $5.291771890e-01, v17  }
0x1bb: {  	v7 =	vmul.f32 v10, v11;
	[tilespmem:v62+s8+$0x0] =	vst.idx.add.f32.msk $0xffff, v1  }
0x1bc: {  	s16 =	simm.s32 $0x0;
	s17 =	simm.s32 $0x1C3B0;
	v6 =	vmul.f32 v6, v14;
	v8 =	vmul.f32 v8, v9;
	v1 =	vld [tilespmem:s15+$0x0]  }
.LBB2_12:
0x1bd: {  	v9 =	vld [tilespmem:s17+$0x10];
	s16 =	sadd.s32 $0x4, s16;
	v2 =	vmul.f32 v7, v2  }
0x1be: {  	v7 =	vld [tilespmem:s17+$0xFFFFFFE0];
	p1 =	slt.u32 s16, $0x9C;
	v4 =	vmul.f32 v8, v4  }
0x1bf: {  	v8 =	vld [tilespmem:s17+$0xFFFFFFF0]  }
0x1c0: {  	v10 =	vld [tilespmem:s17+$0x0]  }
0x1c1: {  	[tilespmem:v3+s8+$0x0] =	vst.idx.add.f32.msk $0xffff, v6  }
0x1c2: {  	s13 =	sadd.s32 $0x40, s13;
	v3 =	vsub.s32 $0x7EF311C3, v9;
	[tilespmem:v5+s8+$0x0] =	vst.idx.add.f32.msk $0xffff, v2  }
0x1c3: {  	v2 =	vsub.s32 $0x7EF311C3, v7;
	v5 =	vld [tilespmem:s13+$0x10];
	v6 =	vmul.f32 v3, v9  }
0x1c4: {  	v11 =	vmul.f32 v2, v7;
	v12 =	vld [tilespmem:s13+$0xFFFFFFF0];
	v13 =	vsub.s32 $0x7EF311C3, v8  }
0x1c5: {  	v14 =	vmul.f32 v13, v8;
	v15 =	vld [tilespmem:s13+$0x0];
	v16 =	vsub.s32 $0x7EF311C3, v10;
	v6 =	vsub.f32 $2.000000000e+00, v6  }
0x1c6: {  	v17 =	vld [tilespmem:s13+$0xFFFFFFE0];
	v11 =	vsub.f32 $2.000000000e+00, v11;
	v18 =	vmul.f32 v16, v10  }
0x1c7: {  	s14 =	sadd.s32 $0x40, s14;
	v14 =	vsub.f32 $2.000000000e+00, v14;
	v3 =	vmul.f32 v3, v6;
	[tilespmem:v1+s8+$0x0] =	vst.idx.add.f32.msk $0xffff, v4  }
0x1c8: {  	v1 =	vmul.f32 v2, v11;
	v2 =	vsub.f32 $2.000000000e+00, v18;
	v4 =	vld [tilespmem:s14+$0x10]  }
0x1c9: {  	s15 =	sadd.s32 $0x40, s15;
	v6 =	vld [tilespmem:s14+$0xFFFFFFE0];
	v11 =	vmul.f32 v13, v14;
	v9 =	vmul.f32 v3, v9  }
0x1ca: {  	v7 =	vmul.f32 v1, v7;
	v13 =	vmul.f32 v16, v2;
	v14 =	vld [tilespmem:s15+$0x10]  }
0x1cb: {  	v2 =	vmul.f32 v11, v8;
	v5 =	vld.idx.msk [tilespmem:v5+s1+$0x0], $0xffff;
	v8 =	vsub.f32 $2.000000000e+00, v9  }
0x1cc: {  	v7 =	vsub.f32 $2.000000000e+00, v7;
	v9 =	vld [tilespmem:s14+$0xFFFFFFF0];
	v10 =	vmul.f32 v13, v10  }
0x1cd: {  	v16 =	vsub.f32 $2.000000000e+00, v2;
	v18 =	vld [tilespmem:s14+$0x0];
	v4 =	vmul.f32 $5.291771890e-01, v4;
	v3 =	vmul.f32 v8, v3  }
0x1ce: {  	v8 =	vld.idx.msk [tilespmem:v17+s1+$0x0], $0xffff;
	v6 =	vmul.f32 $5.291771890e-01, v6;
	v1 =	vmul.f32 v7, v1;
	v7 =	vsub.f32 $2.000000000e+00, v10  }
0x1cf: {  	v2 =	vld.idx.msk [tilespmem:v12+s1+$0x0], $0xffff;
	v10 =	vmul.f32 v16, v11;
	v11 =	vmul.f32 v3, v4  }
.Ltmp7:
0x1d0: {  	v1 =	vmul.f32 v1, v6;
	v4 =	vld.idx.msk [tilespmem:v15+s1+$0x0], $0xffff;
	v12 =	vmul.f32 v7, v13;
	(pc) =	sbr.rel @p1 .LBB2_12-.Ltmp7, $4  }
0x1d1: {  	v3 =	vld [tilespmem:s15+$0xFFFFFFE0];
	v6 =	vmul.f32 $5.291771890e-01, v9;
	v9 =	vmul.f32 v11, v5  }
0x1d2: {  	v5 =	vld [tilespmem:s15+$0xFFFFFFF0];
	v11 =	vmul.f32 $5.291771890e-01, v18  }
0x1d3: {  	v7 =	vmul.f32 v10, v6;
	[tilespmem:v14+s8+$0x0] =	vst.idx.add.f32.msk $0xffff, v9  }
0x1d4: {  	s17 =	sadd.s32 $0x40, s17;
	v6 =	vmul.f32 v1, v8;
	v8 =	vmul.f32 v12, v11;
	v1 =	vld [tilespmem:s15+$0x0]  }
0x1d5: {  	_ =	sdelay $0x4  }
0x1d6: {  	v2 =	vmul.f32 v7, v2  }
0x1d7: {  	v4 =	vmul.f32 v8, v4;
	[tilespmem:v3+s8+$0x0] =	vst.idx.add.f32.msk $0xffff, v6  }
0x1d8: {  	[tilespmem:v5+s8+$0x0] =	vst.idx.add.f32.msk $0xffff, v2  }
0x1d9: {  	[tilespmem:v1+s8+$0x0] =	vst.idx.add.f32.msk $0xffff, v4  }
0x1da: {  	_ =	swait.ge [sflag:s10], $0xA00  }
0x1db: {  	[sflag:s10] =	ssyncset.done $0x0  }
0x1dc: {  	[sflag:s10] =	ssyncadd.s32 $0xFFFFF600  }
0x1dd: {  	_ =	swait.ge [sflag:s10], $0xA00  }
0x1de: {  	[sflag:s10] =	ssyncset.done $0x0  }
0x1df: {  	[sflag:s10] =	ssyncadd.s32 $0xFFFFF600  }
0x1e0: {  	_ =	swait.ge [sflag:s10], $0xA00  }
0x1e1: {  	[sflag:s10] =	ssyncset.done $0x0  }
0x1e2: {  	[sflag:s10] =	ssyncadd.s32 $0xFFFFF600  }
0x1e3: {  	_ =	swait.ge [sflag:s10], $0xA00  }
0x1e4: {  	s13 =	sld [smem:$0x7CA]  }
0x1e5: {  	[sflag:s10] =	ssyncset.done $0x0  }
0x1e6: {  	s14 =	sld [smem:$0x7CB];
	[sflag:s10] =	ssyncadd.s32 $0xFFFFF600  }
0x1e7: {  	[tilespmem:s29], [sflag:$0x2] =	stream.linear.gather [hbm4b:s13+s1], $0xA00, $0x38;
	[tilespmem:$0x1FF50] =	vst v63  }
0x1e8: {  	s15 =	sld [smem:$0x7CC]  }
0x1e9: {  	[tilespmem:s30], [sflag:$0x2] =	stream.linear.gather [hbm4b:s14+s1], $0xA00, $0x38;
	[tilespmem:$0x1FF50] =	vst v63  }
0x1ea: {  	s16 =	sld [smem:$0x7CD]  }
0x1eb: {  	[tilespmem:s31], [sflag:$0x2] =	stream.linear.gather [hbm4b:s15+s1], $0xA00, $0x38;
	[tilespmem:$0x1FF50] =	vst v63  }
0x1ec: {  	s17 =	simm.s32 $0x1EB70  }
0x1ed: {  	[tilespmem:s0], [sflag:$0x2] =	stream.linear.gather [hbm4b:s16+s1], $0xA00, $0x38;
	[tilespmem:$0x1FF50] =	vst v63  }
0x1ee: {  	v1 =	vld [tilespmem:s17+$0x10]  }
0x1ef: {  	v2 =	vld [tilespmem:s17+$0xFFFFFFE0];
	_ =	sdelay $0x1  }
0x1f0: {  	v3 =	vld [tilespmem:s17+$0xFFFFFFF0];
	_ =	sdelay $0x1  }
0x1f1: {  	v4 =	vld [tilespmem:s17+$0x0];
	v5 =	vsub.s32 $0x7EF311C3, v1  }
0x1f2: {  	s13 =	simm.s32 $0x1E170;
	v6 =	vsub.s32 $0x7EF311C3, v2;
	v8 =	vmul.f32 v5, v1  }
0x1f3: {  	v7 =	vld [tilespmem:s13+$0x10];
	v9 =	vmul.f32 v6, v2  }
0x1f4: {  	v11 =	vld [tilespmem:s13+$0xFFFFFFF0];
	v10 =	vsub.s32 $0x7EF311C3, v3;
	v8 =	vsub.f32 $2.000000000e+00, v8  }
0x1f5: {  	v14 =	vld [tilespmem:s13+$0xFFFFFFE0];
	v12 =	vmul.f32 v10, v3;
	v9 =	vsub.f32 $2.000000000e+00, v9  }
0x1f6: {  	s14 =	simm.s32 $0x1F570;
	v16 =	vld [tilespmem:s13+$0x0];
	v13 =	vsub.s32 $0x7EF311C3, v4;
	v5 =	vmul.f32 v5, v8  }
0x1f7: {  	v15 =	vmul.f32 v13, v4;
	v12 =	vsub.f32 $2.000000000e+00, v12;
	v6 =	vmul.f32 v6, v9;
	v9 =	vld [tilespmem:s14+$0x10]  }
0x1f8: {  	s15 =	simm.s32 $0x1D770;
	v61 =	vld [tilespmem:s14+$0xFFFFFFE0];
	v1 =	vmul.f32 v5, v1  }
0x1f9: {  	v62 =	vld [tilespmem:s15+$0x10];
	v8 =	vsub.f32 $2.000000000e+00, v15;
	v10 =	vmul.f32 v10, v12  }
0x1fa: {  	v63 =	vld [tilespmem:s14+$0xFFFFFFF0];
	v2 =	vmul.f32 v6, v2;
	v1 =	vsub.f32 $2.000000000e+00, v1  }
0x1fb: {  	v7 =	vld.idx.msk [tilespmem:v7+s1+$0x0], $0xffff;
	v8 =	vmul.f32 v13, v8;
	v3 =	vmul.f32 v10, v3  }
0x1fc: {  	v17 =	vld [tilespmem:s14+$0x0];
	v2 =	vsub.f32 $2.000000000e+00, v2;
	v9 =	vmul.f32 $5.291771890e-01, v9;
	v1 =	vmul.f32 v1, v5  }
0x1fd: {  	v14 =	vld.idx.msk [tilespmem:v14+s1+$0x0], $0xffff;
	v4 =	vmul.f32 v8, v4;
	v3 =	vsub.f32 $2.000000000e+00, v3;
	v5 =	vmul.f32 $5.291771890e-01, v61  }
0x1fe: {  	v6 =	vmul.f32 v2, v6;
	v2 =	vld.idx.msk [tilespmem:v11+s1+$0x0], $0xffff;
	v1 =	vmul.f32 v1, v9  }
0x1ff: {  	v10 =	vmul.f32 v3, v10;
	v3 =	vld [tilespmem:s15+$0xFFFFFFE0];
	v11 =	vmul.f32 $5.291771890e-01, v63;
	v9 =	vsub.f32 $2.000000000e+00, v4  }
0x200: {  	v6 =	vmul.f32 v6, v5;
	v4 =	vld.idx.msk [tilespmem:v16+s1+$0x0], $0xffff;
	v1 =	vmul.f32 v1, v7  }
0x201: {  	v5 =	vld [tilespmem:s15+$0xFFFFFFF0];
	v8 =	vmul.f32 v9, v8;
	v9 =	vmul.f32 $5.291771890e-01, v17  }
0x202: {  	v7 =	vmul.f32 v10, v11;
	[tilespmem:v62+s8+$0x0] =	vst.idx.add.f32.msk $0xffff, v1  }
0x203: {  	s16 =	simm.s32 $0x0;
	s17 =	simm.s32 $0x1EBB0;
	v6 =	vmul.f32 v6, v14;
	v8 =	vmul.f32 v8, v9;
	v1 =	vld [tilespmem:s15+$0x0]  }
.LBB2_14:
0x204: {  	v9 =	vld [tilespmem:s17+$0x10];
	s16 =	sadd.s32 $0x4, s16;
	v2 =	vmul.f32 v7, v2  }
0x205: {  	v7 =	vld [tilespmem:s17+$0xFFFFFFE0];
	p1 =	slt.u32 s16, $0x9C;
	v4 =	vmul.f32 v8, v4  }
0x206: {  	v8 =	vld [tilespmem:s17+$0xFFFFFFF0]  }
0x207: {  	v10 =	vld [tilespmem:s17+$0x0]  }
0x208: {  	[tilespmem:v3+s8+$0x0] =	vst.idx.add.f32.msk $0xffff, v6  }
0x209: {  	s13 =	sadd.s32 $0x40, s13;
	v3 =	vsub.s32 $0x7EF311C3, v9;
	[tilespmem:v5+s8+$0x0] =	vst.idx.add.f32.msk $0xffff, v2  }
0x20a: {  	v2 =	vsub.s32 $0x7EF311C3, v7;
	v5 =	vld [tilespmem:s13+$0x10];
	v6 =	vmul.f32 v3, v9  }
0x20b: {  	v11 =	vmul.f32 v2, v7;
	v12 =	vld [tilespmem:s13+$0xFFFFFFF0];
	v13 =	vsub.s32 $0x7EF311C3, v8  }
0x20c: {  	v14 =	vmul.f32 v13, v8;
	v15 =	vld [tilespmem:s13+$0x0];
	v16 =	vsub.s32 $0x7EF311C3, v10;
	v6 =	vsub.f32 $2.000000000e+00, v6  }
0x20d: {  	v17 =	vld [tilespmem:s13+$0xFFFFFFE0];
	v11 =	vsub.f32 $2.000000000e+00, v11;
	v18 =	vmul.f32 v16, v10  }
0x20e: {  	s14 =	sadd.s32 $0x40, s14;
	v14 =	vsub.f32 $2.000000000e+00, v14;
	v3 =	vmul.f32 v3, v6;
	[tilespmem:v1+s8+$0x0] =	vst.idx.add.f32.msk $0xffff, v4  }
0x20f: {  	v1 =	vmul.f32 v2, v11;
	v2 =	vsub.f32 $2.000000000e+00, v18;
	v4 =	vld [tilespmem:s14+$0x10]  }
0x210: {  	s15 =	sadd.s32 $0x40, s15;
	v6 =	vld [tilespmem:s14+$0xFFFFFFE0];
	v11 =	vmul.f32 v13, v14;
	v9 =	vmul.f32 v3, v9  }
0x211: {  	v7 =	vmul.f32 v1, v7;
	v13 =	vmul.f32 v16, v2;
	v14 =	vld [tilespmem:s15+$0x10]  }
0x212: {  	v2 =	vmul.f32 v11, v8;
	v5 =	vld.idx.msk [tilespmem:v5+s1+$0x0], $0xffff;
	v8 =	vsub.f32 $2.000000000e+00, v9  }
0x213: {  	v7 =	vsub.f32 $2.000000000e+00, v7;
	v9 =	vld [tilespmem:s14+$0xFFFFFFF0];
	v10 =	vmul.f32 v13, v10  }
0x214: {  	v16 =	vsub.f32 $2.000000000e+00, v2;
	v18 =	vld [tilespmem:s14+$0x0];
	v4 =	vmul.f32 $5.291771890e-01, v4;
	v3 =	vmul.f32 v8, v3  }
0x215: {  	v8 =	vld.idx.msk [tilespmem:v17+s1+$0x0], $0xffff;
	v6 =	vmul.f32 $5.291771890e-01, v6;
	v1 =	vmul.f32 v7, v1;
	v7 =	vsub.f32 $2.000000000e+00, v10  }
0x216: {  	v2 =	vld.idx.msk [tilespmem:v12+s1+$0x0], $0xffff;
	v10 =	vmul.f32 v16, v11;
	v11 =	vmul.f32 v3, v4  }
.Ltmp8:
0x217: {  	v1 =	vmul.f32 v1, v6;
	v4 =	vld.idx.msk [tilespmem:v15+s1+$0x0], $0xffff;
	v12 =	vmul.f32 v7, v13;
	(pc) =	sbr.rel @p1 .LBB2_14-.Ltmp8, $4  }
0x218: {  	v3 =	vld [tilespmem:s15+$0xFFFFFFE0];
	v6 =	vmul.f32 $5.291771890e-01, v9;
	v9 =	vmul.f32 v11, v5  }
0x219: {  	v5 =	vld [tilespmem:s15+$0xFFFFFFF0];
	v11 =	vmul.f32 $5.291771890e-01, v18  }
0x21a: {  	v7 =	vmul.f32 v10, v6;
	[tilespmem:v14+s8+$0x0] =	vst.idx.add.f32.msk $0xffff, v9  }
0x21b: {  	s17 =	sadd.s32 $0x40, s17;
	v6 =	vmul.f32 v1, v8;
	v8 =	vmul.f32 v12, v11;
	v1 =	vld [tilespmem:s15+$0x0]  }
0x21c: {  	_ =	sdelay $0x4  }
0x21d: {  	v2 =	vmul.f32 v7, v2  }
0x21e: {  	v4 =	vmul.f32 v8, v4;
	[tilespmem:v3+s8+$0x0] =	vst.idx.add.f32.msk $0xffff, v6  }
0x21f: {  	[tilespmem:v5+s8+$0x0] =	vst.idx.add.f32.msk $0xffff, v2  }
0x220: {  	[tilespmem:v1+s8+$0x0] =	vst.idx.add.f32.msk $0xffff, v4  }
0x221: {  	_ =	swait.ge [sflag:s3], $0xA00  }
0x222: {  	[sflag:s3] =	ssyncset.done $0x0  }
0x223: {  	[sflag:s3] =	ssyncadd.s32 $0xFFFFF600  }
0x224: {  	_ =	swait.ge [sflag:s3], $0xA00  }
0x225: {  	[sflag:s3] =	ssyncset.done $0x0  }
0x226: {  	[sflag:s3] =	ssyncadd.s32 $0xFFFFF600  }
0x227: {  	_ =	swait.ge [sflag:s3], $0xA00  }
0x228: {  	[sflag:s3] =	ssyncset.done $0x0  }
0x229: {  	[sflag:s3] =	ssyncadd.s32 $0xFFFFF600  }
0x22a: {  	_ =	swait.ge [sflag:s3], $0xA00  }
0x22b: {  	s13 =	sld [smem:$0x7CE]  }
0x22c: {  	[sflag:s3] =	ssyncset.done $0x0  }
0x22d: {  	s14 =	sld [smem:$0x7CF];
	[sflag:s3] =	ssyncadd.s32 $0xFFFFF600  }
0x22e: {  	[tilespmem:s4], [sflag:$0x3] =	stream.linear.gather [hbm4b:s13+s1], $0xA00, $0x38;
	[tilespmem:$0x1FF50] =	vst v63  }
0x22f: {  	s15 =	sld [smem:$0x7D0]  }
0x230: {  	[tilespmem:s5], [sflag:$0x3] =	stream.linear.gather [hbm4b:s14+s1], $0xA00, $0x38;
	[tilespmem:$0x1FF50] =	vst v63  }
0x231: {  	s16 =	sld [smem:$0x7D1]  }
0x232: {  	[tilespmem:s6], [sflag:$0x3] =	stream.linear.gather [hbm4b:s15+s1], $0xA00, $0x38;
	[tilespmem:$0x1FF50] =	vst v63  }
0x233: {  	s17 =	simm.s32 $0x19B70  }
0x234: {  	[tilespmem:s7], [sflag:$0x3] =	stream.linear.gather [hbm4b:s16+s1], $0xA00, $0x38;
	[tilespmem:$0x1FF50] =	vst v63  }
0x235: {  	v1 =	vld [tilespmem:s17+$0x10]  }
0x236: {  	v2 =	vld [tilespmem:s17+$0xFFFFFFE0];
	_ =	sdelay $0x1  }
0x237: {  	v3 =	vld [tilespmem:s17+$0xFFFFFFF0];
	_ =	sdelay $0x1  }
0x238: {  	v4 =	vld [tilespmem:s17+$0x0];
	v5 =	vsub.s32 $0x7EF311C3, v1  }
0x239: {  	s13 =	simm.s32 $0x19170;
	v6 =	vsub.s32 $0x7EF311C3, v2;
	v8 =	vmul.f32 v5, v1  }
0x23a: {  	v7 =	vld [tilespmem:s13+$0x10];
	v9 =	vmul.f32 v6, v2  }
0x23b: {  	v11 =	vld [tilespmem:s13+$0xFFFFFFF0];
	v10 =	vsub.s32 $0x7EF311C3, v3;
	v8 =	vsub.f32 $2.000000000e+00, v8  }
0x23c: {  	v14 =	vld [tilespmem:s13+$0xFFFFFFE0];
	v12 =	vmul.f32 v10, v3;
	v9 =	vsub.f32 $2.000000000e+00, v9  }
0x23d: {  	s14 =	simm.s32 $0x1A570;
	v16 =	vld [tilespmem:s13+$0x0];
	v13 =	vsub.s32 $0x7EF311C3, v4;
	v5 =	vmul.f32 v5, v8  }
0x23e: {  	v15 =	vmul.f32 v13, v4;
	v12 =	vsub.f32 $2.000000000e+00, v12;
	v6 =	vmul.f32 v6, v9;
	v9 =	vld [tilespmem:s14+$0x10]  }
0x23f: {  	s15 =	simm.s32 $0x18770;
	v61 =	vld [tilespmem:s14+$0xFFFFFFE0];
	v1 =	vmul.f32 v5, v1  }
0x240: {  	v62 =	vld [tilespmem:s15+$0x10];
	v8 =	vsub.f32 $2.000000000e+00, v15;
	v10 =	vmul.f32 v10, v12  }
0x241: {  	v63 =	vld [tilespmem:s14+$0xFFFFFFF0];
	v2 =	vmul.f32 v6, v2;
	v1 =	vsub.f32 $2.000000000e+00, v1  }
0x242: {  	v7 =	vld.idx.msk [tilespmem:v7+s1+$0x0], $0xffff;
	v8 =	vmul.f32 v13, v8;
	v3 =	vmul.f32 v10, v3  }
0x243: {  	v17 =	vld [tilespmem:s14+$0x0];
	v2 =	vsub.f32 $2.000000000e+00, v2;
	v9 =	vmul.f32 $5.291771890e-01, v9;
	v1 =	vmul.f32 v1, v5  }
0x244: {  	v14 =	vld.idx.msk [tilespmem:v14+s1+$0x0], $0xffff;
	v4 =	vmul.f32 v8, v4;
	v3 =	vsub.f32 $2.000000000e+00, v3;
	v5 =	vmul.f32 $5.291771890e-01, v61  }
0x245: {  	v6 =	vmul.f32 v2, v6;
	v2 =	vld.idx.msk [tilespmem:v11+s1+$0x0], $0xffff;
	v1 =	vmul.f32 v1, v9  }
0x246: {  	v10 =	vmul.f32 v3, v10;
	v3 =	vld [tilespmem:s15+$0xFFFFFFE0];
	v11 =	vmul.f32 $5.291771890e-01, v63;
	v9 =	vsub.f32 $2.000000000e+00, v4  }
0x247: {  	v6 =	vmul.f32 v6, v5;
	v4 =	vld.idx.msk [tilespmem:v16+s1+$0x0], $0xffff;
	v1 =	vmul.f32 v1, v7  }
0x248: {  	v5 =	vld [tilespmem:s15+$0xFFFFFFF0];
	v8 =	vmul.f32 v9, v8;
	v9 =	vmul.f32 $5.291771890e-01, v17  }
0x249: {  	v7 =	vmul.f32 v10, v11;
	[tilespmem:v62+s8+$0x0] =	vst.idx.add.f32.msk $0xffff, v1  }
0x24a: {  	s16 =	simm.s32 $0x0;
	s17 =	simm.s32 $0x19BB0;
	v6 =	vmul.f32 v6, v14;
	v8 =	vmul.f32 v8, v9;
	v1 =	vld [tilespmem:s15+$0x0]  }
.LBB2_16:
0x24b: {  	v9 =	vld [tilespmem:s17+$0x10];
	s16 =	sadd.s32 $0x4, s16;
	v2 =	vmul.f32 v7, v2  }
0x24c: {  	v7 =	vld [tilespmem:s17+$0xFFFFFFE0];
	p1 =	slt.u32 s16, $0x9C;
	v4 =	vmul.f32 v8, v4  }
0x24d: {  	v8 =	vld [tilespmem:s17+$0xFFFFFFF0]  }
0x24e: {  	v10 =	vld [tilespmem:s17+$0x0]  }
0x24f: {  	[tilespmem:v3+s8+$0x0] =	vst.idx.add.f32.msk $0xffff, v6  }
0x250: {  	s13 =	sadd.s32 $0x40, s13;
	v3 =	vsub.s32 $0x7EF311C3, v9;
	[tilespmem:v5+s8+$0x0] =	vst.idx.add.f32.msk $0xffff, v2  }
0x251: {  	v2 =	vsub.s32 $0x7EF311C3, v7;
	v5 =	vld [tilespmem:s13+$0x10];
	v6 =	vmul.f32 v3, v9  }
0x252: {  	v11 =	vmul.f32 v2, v7;
	v12 =	vld [tilespmem:s13+$0xFFFFFFF0];
	v13 =	vsub.s32 $0x7EF311C3, v8  }
0x253: {  	v14 =	vmul.f32 v13, v8;
	v15 =	vld [tilespmem:s13+$0x0];
	v16 =	vsub.s32 $0x7EF311C3, v10;
	v6 =	vsub.f32 $2.000000000e+00, v6  }
0x254: {  	v17 =	vld [tilespmem:s13+$0xFFFFFFE0];
	v11 =	vsub.f32 $2.000000000e+00, v11;
	v18 =	vmul.f32 v16, v10  }
0x255: {  	s14 =	sadd.s32 $0x40, s14;
	v14 =	vsub.f32 $2.000000000e+00, v14;
	v3 =	vmul.f32 v3, v6;
	[tilespmem:v1+s8+$0x0] =	vst.idx.add.f32.msk $0xffff, v4  }
0x256: {  	v1 =	vmul.f32 v2, v11;
	v2 =	vsub.f32 $2.000000000e+00, v18;
	v4 =	vld [tilespmem:s14+$0x10]  }
0x257: {  	s15 =	sadd.s32 $0x40, s15;
	v6 =	vld [tilespmem:s14+$0xFFFFFFE0];
	v11 =	vmul.f32 v13, v14;
	v9 =	vmul.f32 v3, v9  }
0x258: {  	v7 =	vmul.f32 v1, v7;
	v13 =	vmul.f32 v16, v2;
	v14 =	vld [tilespmem:s15+$0x10]  }
0x259: {  	v2 =	vmul.f32 v11, v8;
	v5 =	vld.idx.msk [tilespmem:v5+s1+$0x0], $0xffff;
	v8 =	vsub.f32 $2.000000000e+00, v9  }
0x25a: {  	v7 =	vsub.f32 $2.000000000e+00, v7;
	v9 =	vld [tilespmem:s14+$0xFFFFFFF0];
	v10 =	vmul.f32 v13, v10  }
0x25b: {  	v16 =	vsub.f32 $2.000000000e+00, v2;
	v18 =	vld [tilespmem:s14+$0x0];
	v4 =	vmul.f32 $5.291771890e-01, v4;
	v3 =	vmul.f32 v8, v3  }
0x25c: {  	v8 =	vld.idx.msk [tilespmem:v17+s1+$0x0], $0xffff;
	v6 =	vmul.f32 $5.291771890e-01, v6;
	v1 =	vmul.f32 v7, v1;
	v7 =	vsub.f32 $2.000000000e+00, v10  }
0x25d: {  	v2 =	vld.idx.msk [tilespmem:v12+s1+$0x0], $0xffff;
	v10 =	vmul.f32 v16, v11;
	v11 =	vmul.f32 v3, v4  }
.Ltmp9:
0x25e: {  	v1 =	vmul.f32 v1, v6;
	v4 =	vld.idx.msk [tilespmem:v15+s1+$0x0], $0xffff;
	v12 =	vmul.f32 v7, v13;
	(pc) =	sbr.rel @p1 .LBB2_16-.Ltmp9, $4  }
0x25f: {  	v3 =	vld [tilespmem:s15+$0xFFFFFFE0];
	v6 =	vmul.f32 $5.291771890e-01, v9;
	v9 =	vmul.f32 v11, v5  }
0x260: {  	v5 =	vld [tilespmem:s15+$0xFFFFFFF0];
	v11 =	vmul.f32 $5.291771890e-01, v18  }
0x261: {  	v7 =	vmul.f32 v10, v6;
	[tilespmem:v14+s8+$0x0] =	vst.idx.add.f32.msk $0xffff, v9  }
0x262: {  	s17 =	sadd.s32 $0x40, s17;
	v6 =	vmul.f32 v1, v8;
	v8 =	vmul.f32 v12, v11;
	v1 =	vld [tilespmem:s15+$0x0]  }
0x263: {  	_ =	sdelay $0x4  }
0x264: {  	v2 =	vmul.f32 v7, v2  }
0x265: {  	v4 =	vmul.f32 v8, v4;
	[tilespmem:v3+s8+$0x0] =	vst.idx.add.f32.msk $0xffff, v6  }
0x266: {  	[tilespmem:v5+s8+$0x0] =	vst.idx.add.f32.msk $0xffff, v2  }
0x267: {  	[tilespmem:v1+s8+$0x0] =	vst.idx.add.f32.msk $0xffff, v4  }
0x268: {  	_ =	swait.ge [sflag:s9], $0xA00  }
0x269: {  	[sflag:s9] =	ssyncset.done $0x0  }
0x26a: {  	[sflag:s9] =	ssyncadd.s32 $0xFFFFF600  }
0x26b: {  	_ =	swait.ge [sflag:s9], $0xA00  }
0x26c: {  	[sflag:s9] =	ssyncset.done $0x0  }
0x26d: {  	[sflag:s9] =	ssyncadd.s32 $0xFFFFF600  }
0x26e: {  	_ =	swait.ge [sflag:s9], $0xA00  }
0x26f: {  	[sflag:s9] =	ssyncset.done $0x0  }
0x270: {  	[sflag:s9] =	ssyncadd.s32 $0xFFFFF600  }
0x271: {  	_ =	swait.ge [sflag:s9], $0xA00  }
0x272: {  	s13 =	sld [smem:$0x7D2]  }
0x273: {  	[sflag:s9] =	ssyncset.done $0x0  }
0x274: {  	s14 =	sld [smem:$0x7D3];
	[sflag:s9] =	ssyncadd.s32 $0xFFFFF600  }
0x275: {  	[tilespmem:s24], [sflag:$0x1] =	stream.linear.gather [hbm4b:s13+s1], $0xA00, $0x38;
	[tilespmem:$0x1FF50] =	vst v63  }
0x276: {  	s15 =	sld [smem:$0x7D4]  }
0x277: {  	[tilespmem:s25], [sflag:$0x1] =	stream.linear.gather [hbm4b:s14+s1], $0xA00, $0x38;
	[tilespmem:$0x1FF50] =	vst v63  }
0x278: {  	s16 =	sld [smem:$0x7D5]  }
0x279: {  	[tilespmem:s26], [sflag:$0x1] =	stream.linear.gather [hbm4b:s15+s1], $0xA00, $0x38;
	[tilespmem:$0x1FF50] =	vst v63  }
0x27a: {  	s17 =	simm.s32 $0x1C370  }
0x27b: {  	[tilespmem:s28], [sflag:$0x1] =	stream.linear.gather [hbm4b:s16+s1], $0xA00, $0x38;
	[tilespmem:$0x1FF50] =	vst v63  }
0x27c: {  	v1 =	vld [tilespmem:s17+$0x10]  }
0x27d: {  	v2 =	vld [tilespmem:s17+$0xFFFFFFE0];
	_ =	sdelay $0x1  }
0x27e: {  	v3 =	vld [tilespmem:s17+$0xFFFFFFF0];
	_ =	sdelay $0x1  }
0x27f: {  	v4 =	vld [tilespmem:s17+$0x0];
	v5 =	vsub.s32 $0x7EF311C3, v1  }
0x280: {  	s13 =	simm.s32 $0x1B970;
	v6 =	vsub.s32 $0x7EF311C3, v2;
	v8 =	vmul.f32 v5, v1  }
0x281: {  	v7 =	vld [tilespmem:s13+$0x10];
	v9 =	vmul.f32 v6, v2  }
0x282: {  	v11 =	vld [tilespmem:s13+$0xFFFFFFF0];
	v10 =	vsub.s32 $0x7EF311C3, v3;
	v8 =	vsub.f32 $2.000000000e+00, v8  }
0x283: {  	v14 =	vld [tilespmem:s13+$0xFFFFFFE0];
	v12 =	vmul.f32 v10, v3;
	v9 =	vsub.f32 $2.000000000e+00, v9  }
0x284: {  	s14 =	simm.s32 $0x1CD70;
	v16 =	vld [tilespmem:s13+$0x0];
	v13 =	vsub.s32 $0x7EF311C3, v4;
	v5 =	vmul.f32 v5, v8  }
0x285: {  	v15 =	vmul.f32 v13, v4;
	v12 =	vsub.f32 $2.000000000e+00, v12;
	v6 =	vmul.f32 v6, v9;
	v9 =	vld [tilespmem:s14+$0x10]  }
0x286: {  	s15 =	simm.s32 $0x1AF70;
	v61 =	vld [tilespmem:s14+$0xFFFFFFE0];
	v1 =	vmul.f32 v5, v1  }
0x287: {  	v62 =	vld [tilespmem:s15+$0x10];
	v8 =	vsub.f32 $2.000000000e+00, v15;
	v10 =	vmul.f32 v10, v12  }
0x288: {  	v63 =	vld [tilespmem:s14+$0xFFFFFFF0];
	v2 =	vmul.f32 v6, v2;
	v1 =	vsub.f32 $2.000000000e+00, v1  }
0x289: {  	v7 =	vld.idx.msk [tilespmem:v7+s1+$0x0], $0xffff;
	v8 =	vmul.f32 v13, v8;
	v3 =	vmul.f32 v10, v3  }
0x28a: {  	v17 =	vld [tilespmem:s14+$0x0];
	v2 =	vsub.f32 $2.000000000e+00, v2;
	v9 =	vmul.f32 $5.291771890e-01, v9;
	v1 =	vmul.f32 v1, v5  }
0x28b: {  	v14 =	vld.idx.msk [tilespmem:v14+s1+$0x0], $0xffff;
	v4 =	vmul.f32 v8, v4;
	v3 =	vsub.f32 $2.000000000e+00, v3;
	v5 =	vmul.f32 $5.291771890e-01, v61  }
0x28c: {  	v6 =	vmul.f32 v2, v6;
	v2 =	vld.idx.msk [tilespmem:v11+s1+$0x0], $0xffff;
	v1 =	vmul.f32 v1, v9  }
0x28d: {  	v10 =	vmul.f32 v3, v10;
	v3 =	vld [tilespmem:s15+$0xFFFFFFE0];
	v11 =	vmul.f32 $5.291771890e-01, v63;
	v9 =	vsub.f32 $2.000000000e+00, v4  }
0x28e: {  	v6 =	vmul.f32 v6, v5;
	v4 =	vld.idx.msk [tilespmem:v16+s1+$0x0], $0xffff;
	v1 =	vmul.f32 v1, v7  }
0x28f: {  	v5 =	vld [tilespmem:s15+$0xFFFFFFF0];
	v8 =	vmul.f32 v9, v8;
	v9 =	vmul.f32 $5.291771890e-01, v17  }
0x290: {  	v7 =	vmul.f32 v10, v11;
	[tilespmem:v62+s8+$0x0] =	vst.idx.add.f32.msk $0xffff, v1  }
0x291: {  	s16 =	simm.s32 $0x0;
	s17 =	simm.s32 $0x1C3B0;
	v6 =	vmul.f32 v6, v14;
	v8 =	vmul.f32 v8, v9;
	v1 =	vld [tilespmem:s15+$0x0]  }
.LBB2_18:
0x292: {  	v9 =	vld [tilespmem:s17+$0x10];
	s16 =	sadd.s32 $0x4, s16;
	v2 =	vmul.f32 v7, v2  }
0x293: {  	v7 =	vld [tilespmem:s17+$0xFFFFFFE0];
	p1 =	slt.u32 s16, $0x9C;
	v4 =	vmul.f32 v8, v4  }
0x294: {  	v8 =	vld [tilespmem:s17+$0xFFFFFFF0]  }
0x295: {  	v10 =	vld [tilespmem:s17+$0x0]  }
0x296: {  	[tilespmem:v3+s8+$0x0] =	vst.idx.add.f32.msk $0xffff, v6  }
0x297: {  	s13 =	sadd.s32 $0x40, s13;
	v3 =	vsub.s32 $0x7EF311C3, v9;
	[tilespmem:v5+s8+$0x0] =	vst.idx.add.f32.msk $0xffff, v2  }
0x298: {  	v2 =	vsub.s32 $0x7EF311C3, v7;
	v5 =	vld [tilespmem:s13+$0x10];
	v6 =	vmul.f32 v3, v9  }
0x299: {  	v11 =	vmul.f32 v2, v7;
	v12 =	vld [tilespmem:s13+$0xFFFFFFF0];
	v13 =	vsub.s32 $0x7EF311C3, v8  }
0x29a: {  	v14 =	vmul.f32 v13, v8;
	v15 =	vld [tilespmem:s13+$0x0];
	v16 =	vsub.s32 $0x7EF311C3, v10;
	v6 =	vsub.f32 $2.000000000e+00, v6  }
0x29b: {  	v17 =	vld [tilespmem:s13+$0xFFFFFFE0];
	v11 =	vsub.f32 $2.000000000e+00, v11;
	v18 =	vmul.f32 v16, v10  }
0x29c: {  	s14 =	sadd.s32 $0x40, s14;
	v14 =	vsub.f32 $2.000000000e+00, v14;
	v3 =	vmul.f32 v3, v6;
	[tilespmem:v1+s8+$0x0] =	vst.idx.add.f32.msk $0xffff, v4  }
0x29d: {  	v1 =	vmul.f32 v2, v11;
	v2 =	vsub.f32 $2.000000000e+00, v18;
	v4 =	vld [tilespmem:s14+$0x10]  }
0x29e: {  	s15 =	sadd.s32 $0x40, s15;
	v6 =	vld [tilespmem:s14+$0xFFFFFFE0];
	v11 =	vmul.f32 v13, v14;
	v9 =	vmul.f32 v3, v9  }
0x29f: {  	v7 =	vmul.f32 v1, v7;
	v13 =	vmul.f32 v16, v2;
	v14 =	vld [tilespmem:s15+$0x10]  }
0x2a0: {  	v2 =	vmul.f32 v11, v8;
	v5 =	vld.idx.msk [tilespmem:v5+s1+$0x0], $0xffff;
	v8 =	vsub.f32 $2.000000000e+00, v9  }
0x2a1: {  	v7 =	vsub.f32 $2.000000000e+00, v7;
	v9 =	vld [tilespmem:s14+$0xFFFFFFF0];
	v10 =	vmul.f32 v13, v10  }
0x2a2: {  	v16 =	vsub.f32 $2.000000000e+00, v2;
	v18 =	vld [tilespmem:s14+$0x0];
	v4 =	vmul.f32 $5.291771890e-01, v4;
	v3 =	vmul.f32 v8, v3  }
0x2a3: {  	v8 =	vld.idx.msk [tilespmem:v17+s1+$0x0], $0xffff;
	v6 =	vmul.f32 $5.291771890e-01, v6;
	v1 =	vmul.f32 v7, v1;
	v7 =	vsub.f32 $2.000000000e+00, v10  }
0x2a4: {  	v2 =	vld.idx.msk [tilespmem:v12+s1+$0x0], $0xffff;
	v10 =	vmul.f32 v16, v11;
	v11 =	vmul.f32 v3, v4  }
.Ltmp10:
0x2a5: {  	v1 =	vmul.f32 v1, v6;
	v4 =	vld.idx.msk [tilespmem:v15+s1+$0x0], $0xffff;
	v12 =	vmul.f32 v7, v13;
	(pc) =	sbr.rel @p1 .LBB2_18-.Ltmp10, $4  }
0x2a6: {  	v3 =	vld [tilespmem:s15+$0xFFFFFFE0];
	v6 =	vmul.f32 $5.291771890e-01, v9;
	v9 =	vmul.f32 v11, v5  }
0x2a7: {  	v5 =	vld [tilespmem:s15+$0xFFFFFFF0];
	v11 =	vmul.f32 $5.291771890e-01, v18  }
0x2a8: {  	v7 =	vmul.f32 v10, v6;
	[tilespmem:v14+s8+$0x0] =	vst.idx.add.f32.msk $0xffff, v9  }
0x2a9: {  	s17 =	sadd.s32 $0x40, s17;
	v6 =	vmul.f32 v1, v8;
	v8 =	vmul.f32 v12, v11;
	v1 =	vld [tilespmem:s15+$0x0]  }
0x2aa: {  	_ =	sdelay $0x4  }
0x2ab: {  	v2 =	vmul.f32 v7, v2  }
0x2ac: {  	v4 =	vmul.f32 v8, v4;
	[tilespmem:v3+s8+$0x0] =	vst.idx.add.f32.msk $0xffff, v6  }
0x2ad: {  	[tilespmem:v5+s8+$0x0] =	vst.idx.add.f32.msk $0xffff, v2  }
0x2ae: {  	[tilespmem:v1+s8+$0x0] =	vst.idx.add.f32.msk $0xffff, v4  }
0x2af: {  	_ =	swait.ge [sflag:s10], $0xA00  }
0x2b0: {  	[sflag:s10] =	ssyncset.done $0x0  }
0x2b1: {  	[sflag:s10] =	ssyncadd.s32 $0xFFFFF600  }
0x2b2: {  	_ =	swait.ge [sflag:s10], $0xA00  }
0x2b3: {  	[sflag:s10] =	ssyncset.done $0x0  }
0x2b4: {  	[sflag:s10] =	ssyncadd.s32 $0xFFFFF600  }
0x2b5: {  	_ =	swait.ge [sflag:s10], $0xA00  }
0x2b6: {  	[sflag:s10] =	ssyncset.done $0x0  }
0x2b7: {  	[sflag:s10] =	ssyncadd.s32 $0xFFFFF600  }
0x2b8: {  	_ =	swait.ge [sflag:s10], $0xA00  }
0x2b9: {  	s13 =	sld [smem:$0x7D6]  }
0x2ba: {  	[sflag:s10] =	ssyncset.done $0x0  }
0x2bb: {  	s14 =	sld [smem:$0x7D7];
	[sflag:s10] =	ssyncadd.s32 $0xFFFFF600  }
0x2bc: {  	[tilespmem:s29], [sflag:$0x2] =	stream.linear.gather [hbm4b:s13+s1], $0xA00, $0x38;
	[tilespmem:$0x1FF50] =	vst v63  }
0x2bd: {  	s15 =	sld [smem:$0x7D8]  }
0x2be: {  	[tilespmem:s30], [sflag:$0x2] =	stream.linear.gather [hbm4b:s14+s1], $0xA00, $0x38;
	[tilespmem:$0x1FF50] =	vst v63  }
0x2bf: {  	s16 =	sld [smem:$0x7D9]  }
0x2c0: {  	[tilespmem:s31], [sflag:$0x2] =	stream.linear.gather [hbm4b:s15+s1], $0xA00, $0x38;
	[tilespmem:$0x1FF50] =	vst v63  }
0x2c1: {  	s17 =	simm.s32 $0x1EB70  }
0x2c2: {  	[tilespmem:s0], [sflag:$0x2] =	stream.linear.gather [hbm4b:s16+s1], $0xA00, $0x38;
	[tilespmem:$0x1FF50] =	vst v63  }
0x2c3: {  	v1 =	vld [tilespmem:s17+$0x10]  }
0x2c4: {  	v2 =	vld [tilespmem:s17+$0xFFFFFFE0];
	_ =	sdelay $0x1  }
0x2c5: {  	v3 =	vld [tilespmem:s17+$0xFFFFFFF0];
	_ =	sdelay $0x1  }
0x2c6: {  	v4 =	vld [tilespmem:s17+$0x0];
	v5 =	vsub.s32 $0x7EF311C3, v1  }
0x2c7: {  	s13 =	simm.s32 $0x1E170;
	v6 =	vsub.s32 $0x7EF311C3, v2;
	v8 =	vmul.f32 v5, v1  }
0x2c8: {  	v7 =	vld [tilespmem:s13+$0x10];
	v9 =	vmul.f32 v6, v2  }
0x2c9: {  	v11 =	vld [tilespmem:s13+$0xFFFFFFF0];
	v10 =	vsub.s32 $0x7EF311C3, v3;
	v8 =	vsub.f32 $2.000000000e+00, v8  }
0x2ca: {  	v14 =	vld [tilespmem:s13+$0xFFFFFFE0];
	v12 =	vmul.f32 v10, v3;
	v9 =	vsub.f32 $2.000000000e+00, v9  }
0x2cb: {  	s14 =	simm.s32 $0x1F570;
	v16 =	vld [tilespmem:s13+$0x0];
	v13 =	vsub.s32 $0x7EF311C3, v4;
	v5 =	vmul.f32 v5, v8  }
0x2cc: {  	v15 =	vmul.f32 v13, v4;
	v12 =	vsub.f32 $2.000000000e+00, v12;
	v6 =	vmul.f32 v6, v9;
	v9 =	vld [tilespmem:s14+$0x10]  }
0x2cd: {  	s15 =	simm.s32 $0x1D770;
	v61 =	vld [tilespmem:s14+$0xFFFFFFE0];
	v1 =	vmul.f32 v5, v1  }
0x2ce: {  	v62 =	vld [tilespmem:s15+$0x10];
	v8 =	vsub.f32 $2.000000000e+00, v15;
	v10 =	vmul.f32 v10, v12  }
0x2cf: {  	v63 =	vld [tilespmem:s14+$0xFFFFFFF0];
	v2 =	vmul.f32 v6, v2;
	v1 =	vsub.f32 $2.000000000e+00, v1  }
0x2d0: {  	v7 =	vld.idx.msk [tilespmem:v7+s1+$0x0], $0xffff;
	v8 =	vmul.f32 v13, v8;
	v3 =	vmul.f32 v10, v3  }
0x2d1: {  	v17 =	vld [tilespmem:s14+$0x0];
	v2 =	vsub.f32 $2.000000000e+00, v2;
	v9 =	vmul.f32 $5.291771890e-01, v9;
	v1 =	vmul.f32 v1, v5  }
0x2d2: {  	v14 =	vld.idx.msk [tilespmem:v14+s1+$0x0], $0xffff;
	v4 =	vmul.f32 v8, v4;
	v3 =	vsub.f32 $2.000000000e+00, v3;
	v5 =	vmul.f32 $5.291771890e-01, v61  }
0x2d3: {  	v6 =	vmul.f32 v2, v6;
	v2 =	vld.idx.msk [tilespmem:v11+s1+$0x0], $0xffff;
	v1 =	vmul.f32 v1, v9  }
0x2d4: {  	v10 =	vmul.f32 v3, v10;
	v3 =	vld [tilespmem:s15+$0xFFFFFFE0];
	v11 =	vmul.f32 $5.291771890e-01, v63;
	v9 =	vsub.f32 $2.000000000e+00, v4  }
0x2d5: {  	v6 =	vmul.f32 v6, v5;
	v4 =	vld.idx.msk [tilespmem:v16+s1+$0x0], $0xffff;
	v1 =	vmul.f32 v1, v7  }
0x2d6: {  	v5 =	vld [tilespmem:s15+$0xFFFFFFF0];
	v8 =	vmul.f32 v9, v8;
	v9 =	vmul.f32 $5.291771890e-01, v17  }
0x2d7: {  	v7 =	vmul.f32 v10, v11;
	[tilespmem:v62+s8+$0x0] =	vst.idx.add.f32.msk $0xffff, v1  }
0x2d8: {  	s16 =	simm.s32 $0x0;
	s17 =	simm.s32 $0x1EBB0;
	v6 =	vmul.f32 v6, v14;
	v8 =	vmul.f32 v8, v9;
	v1 =	vld [tilespmem:s15+$0x0]  }
.LBB2_20:
0x2d9: {  	v9 =	vld [tilespmem:s17+$0x10];
	s16 =	sadd.s32 $0x4, s16;
	v2 =	vmul.f32 v7, v2  }
0x2da: {  	v7 =	vld [tilespmem:s17+$0xFFFFFFE0];
	p1 =	slt.u32 s16, $0x9C;
	v4 =	vmul.f32 v8, v4  }
0x2db: {  	v8 =	vld [tilespmem:s17+$0xFFFFFFF0]  }
0x2dc: {  	v10 =	vld [tilespmem:s17+$0x0]  }
0x2dd: {  	[tilespmem:v3+s8+$0x0] =	vst.idx.add.f32.msk $0xffff, v6  }
0x2de: {  	s13 =	sadd.s32 $0x40, s13;
	v3 =	vsub.s32 $0x7EF311C3, v9;
	[tilespmem:v5+s8+$0x0] =	vst.idx.add.f32.msk $0xffff, v2  }
0x2df: {  	v2 =	vsub.s32 $0x7EF311C3, v7;
	v5 =	vld [tilespmem:s13+$0x10];
	v6 =	vmul.f32 v3, v9  }
0x2e0: {  	v11 =	vmul.f32 v2, v7;
	v12 =	vld [tilespmem:s13+$0xFFFFFFF0];
	v13 =	vsub.s32 $0x7EF311C3, v8  }
0x2e1: {  	v14 =	vmul.f32 v13, v8;
	v15 =	vld [tilespmem:s13+$0x0];
	v16 =	vsub.s32 $0x7EF311C3, v10;
	v6 =	vsub.f32 $2.000000000e+00, v6  }
0x2e2: {  	v17 =	vld [tilespmem:s13+$0xFFFFFFE0];
	v11 =	vsub.f32 $2.000000000e+00, v11;
	v18 =	vmul.f32 v16, v10  }
0x2e3: {  	s14 =	sadd.s32 $0x40, s14;
	v14 =	vsub.f32 $2.000000000e+00, v14;
	v3 =	vmul.f32 v3, v6;
	[tilespmem:v1+s8+$0x0] =	vst.idx.add.f32.msk $0xffff, v4  }
0x2e4: {  	v1 =	vmul.f32 v2, v11;
	v2 =	vsub.f32 $2.000000000e+00, v18;
	v4 =	vld [tilespmem:s14+$0x10]  }
0x2e5: {  	s15 =	sadd.s32 $0x40, s15;
	v6 =	vld [tilespmem:s14+$0xFFFFFFE0];
	v11 =	vmul.f32 v13, v14;
	v9 =	vmul.f32 v3, v9  }
0x2e6: {  	v7 =	vmul.f32 v1, v7;
	v13 =	vmul.f32 v16, v2;
	v14 =	vld [tilespmem:s15+$0x10]  }
0x2e7: {  	v2 =	vmul.f32 v11, v8;
	v5 =	vld.idx.msk [tilespmem:v5+s1+$0x0], $0xffff;
	v8 =	vsub.f32 $2.000000000e+00, v9  }
0x2e8: {  	v7 =	vsub.f32 $2.000000000e+00, v7;
	v9 =	vld [tilespmem:s14+$0xFFFFFFF0];
	v10 =	vmul.f32 v13, v10  }
0x2e9: {  	v16 =	vsub.f32 $2.000000000e+00, v2;
	v18 =	vld [tilespmem:s14+$0x0];
	v4 =	vmul.f32 $5.291771890e-01, v4;
	v3 =	vmul.f32 v8, v3  }
0x2ea: {  	v8 =	vld.idx.msk [tilespmem:v17+s1+$0x0], $0xffff;
	v6 =	vmul.f32 $5.291771890e-01, v6;
	v1 =	vmul.f32 v7, v1;
	v7 =	vsub.f32 $2.000000000e+00, v10  }
0x2eb: {  	v2 =	vld.idx.msk [tilespmem:v12+s1+$0x0], $0xffff;
	v10 =	vmul.f32 v16, v11;
	v11 =	vmul.f32 v3, v4  }
.Ltmp11:
0x2ec: {  	v1 =	vmul.f32 v1, v6;
	v4 =	vld.idx.msk [tilespmem:v15+s1+$0x0], $0xffff;
	v12 =	vmul.f32 v7, v13;
	(pc) =	sbr.rel @p1 .LBB2_20-.Ltmp11, $4  }
0x2ed: {  	v3 =	vld [tilespmem:s15+$0xFFFFFFE0];
	v6 =	vmul.f32 $5.291771890e-01, v9;
	v9 =	vmul.f32 v11, v5  }
0x2ee: {  	v5 =	vld [tilespmem:s15+$0xFFFFFFF0];
	v11 =	vmul.f32 $5.291771890e-01, v18  }
0x2ef: {  	v7 =	vmul.f32 v10, v6;
	[tilespmem:v14+s8+$0x0] =	vst.idx.add.f32.msk $0xffff, v9  }
0x2f0: {  	s17 =	sadd.s32 $0x40, s17;
	v6 =	vmul.f32 v1, v8;
	v8 =	vmul.f32 v12, v11;
	v1 =	vld [tilespmem:s15+$0x0]  }
0x2f1: {  	_ =	sdelay $0x4  }
0x2f2: {  	v2 =	vmul.f32 v7, v2  }
0x2f3: {  	v4 =	vmul.f32 v8, v4;
	[tilespmem:v3+s8+$0x0] =	vst.idx.add.f32.msk $0xffff, v6  }
0x2f4: {  	[tilespmem:v5+s8+$0x0] =	vst.idx.add.f32.msk $0xffff, v2  }
0x2f5: {  	[tilespmem:v1+s8+$0x0] =	vst.idx.add.f32.msk $0xffff, v4  }
0x2f6: {  	_ =	swait.ge [sflag:s3], $0xA00  }
0x2f7: {  	[sflag:s3] =	ssyncset.done $0x0  }
0x2f8: {  	[sflag:s3] =	ssyncadd.s32 $0xFFFFF600  }
0x2f9: {  	_ =	swait.ge [sflag:s3], $0xA00  }
0x2fa: {  	[sflag:s3] =	ssyncset.done $0x0  }
0x2fb: {  	[sflag:s3] =	ssyncadd.s32 $0xFFFFF600  }
0x2fc: {  	_ =	swait.ge [sflag:s3], $0xA00  }
0x2fd: {  	[sflag:s3] =	ssyncset.done $0x0  }
0x2fe: {  	[sflag:s3] =	ssyncadd.s32 $0xFFFFF600  }
0x2ff: {  	_ =	swait.ge [sflag:s3], $0xA00  }
0x300: {  	s13 =	sld [smem:$0x7DA]  }
0x301: {  	[sflag:s3] =	ssyncset.done $0x0  }
0x302: {  	s14 =	sld [smem:$0x7DB];
	[sflag:s3] =	ssyncadd.s32 $0xFFFFF600  }
0x303: {  	[tilespmem:s4], [sflag:$0x3] =	stream.linear.gather [hbm4b:s13+s1], $0xA00, $0x38;
	[tilespmem:$0x1FF50] =	vst v63  }
0x304: {  	s15 =	sld [smem:$0x7DC]  }
0x305: {  	[tilespmem:s5], [sflag:$0x3] =	stream.linear.gather [hbm4b:s14+s1], $0xA00, $0x38;
	[tilespmem:$0x1FF50] =	vst v63  }
0x306: {  	s16 =	sld [smem:$0x7DD]  }
0x307: {  	[tilespmem:s6], [sflag:$0x3] =	stream.linear.gather [hbm4b:s15+s1], $0xA00, $0x38;
	[tilespmem:$0x1FF50] =	vst v63  }
0x308: {  	s17 =	simm.s32 $0x19B70  }
0x309: {  	[tilespmem:s7], [sflag:$0x3] =	stream.linear.gather [hbm4b:s16+s1], $0xA00, $0x38;
	[tilespmem:$0x1FF50] =	vst v63  }
0x30a: {  	v1 =	vld [tilespmem:s17+$0x10]  }
0x30b: {  	v2 =	vld [tilespmem:s17+$0xFFFFFFE0];
	_ =	sdelay $0x1  }
0x30c: {  	v3 =	vld [tilespmem:s17+$0xFFFFFFF0];
	_ =	sdelay $0x1  }
0x30d: {  	v4 =	vld [tilespmem:s17+$0x0];
	v5 =	vsub.s32 $0x7EF311C3, v1  }
0x30e: {  	s13 =	simm.s32 $0x19170;
	v6 =	vsub.s32 $0x7EF311C3, v2;
	v8 =	vmul.f32 v5, v1  }
0x30f: {  	v7 =	vld [tilespmem:s13+$0x10];
	v9 =	vmul.f32 v6, v2  }
0x310: {  	v11 =	vld [tilespmem:s13+$0xFFFFFFF0];
	v10 =	vsub.s32 $0x7EF311C3, v3;
	v8 =	vsub.f32 $2.000000000e+00, v8  }
0x311: {  	v14 =	vld [tilespmem:s13+$0xFFFFFFE0];
	v12 =	vmul.f32 v10, v3;
	v9 =	vsub.f32 $2.000000000e+00, v9  }
0x312: {  	s14 =	simm.s32 $0x1A570;
	v16 =	vld [tilespmem:s13+$0x0];
	v13 =	vsub.s32 $0x7EF311C3, v4;
	v5 =	vmul.f32 v5, v8  }
0x313: {  	v15 =	vmul.f32 v13, v4;
	v12 =	vsub.f32 $2.000000000e+00, v12;
	v6 =	vmul.f32 v6, v9;
	v9 =	vld [tilespmem:s14+$0x10]  }
0x314: {  	s15 =	simm.s32 $0x18770;
	v61 =	vld [tilespmem:s14+$0xFFFFFFE0];
	v1 =	vmul.f32 v5, v1  }
0x315: {  	v62 =	vld [tilespmem:s15+$0x10];
	v8 =	vsub.f32 $2.000000000e+00, v15;
	v10 =	vmul.f32 v10, v12  }
0x316: {  	v63 =	vld [tilespmem:s14+$0xFFFFFFF0];
	v2 =	vmul.f32 v6, v2;
	v1 =	vsub.f32 $2.000000000e+00, v1  }
0x317: {  	v7 =	vld.idx.msk [tilespmem:v7+s1+$0x0], $0xffff;
	v8 =	vmul.f32 v13, v8;
	v3 =	vmul.f32 v10, v3  }
0x318: {  	v17 =	vld [tilespmem:s14+$0x0];
	v2 =	vsub.f32 $2.000000000e+00, v2;
	v9 =	vmul.f32 $5.291771890e-01, v9;
	v1 =	vmul.f32 v1, v5  }
0x319: {  	v14 =	vld.idx.msk [tilespmem:v14+s1+$0x0], $0xffff;
	v4 =	vmul.f32 v8, v4;
	v3 =	vsub.f32 $2.000000000e+00, v3;
	v5 =	vmul.f32 $5.291771890e-01, v61  }
0x31a: {  	v6 =	vmul.f32 v2, v6;
	v2 =	vld.idx.msk [tilespmem:v11+s1+$0x0], $0xffff;
	v1 =	vmul.f32 v1, v9  }
0x31b: {  	v10 =	vmul.f32 v3, v10;
	v3 =	vld [tilespmem:s15+$0xFFFFFFE0];
	v11 =	vmul.f32 $5.291771890e-01, v63;
	v9 =	vsub.f32 $2.000000000e+00, v4  }
0x31c: {  	v6 =	vmul.f32 v6, v5;
	v4 =	vld.idx.msk [tilespmem:v16+s1+$0x0], $0xffff;
	v1 =	vmul.f32 v1, v7  }
0x31d: {  	v5 =	vld [tilespmem:s15+$0xFFFFFFF0];
	v8 =	vmul.f32 v9, v8;
	v9 =	vmul.f32 $5.291771890e-01, v17  }
0x31e: {  	v7 =	vmul.f32 v10, v11;
	[tilespmem:v62+s8+$0x0] =	vst.idx.add.f32.msk $0xffff, v1  }
0x31f: {  	s16 =	simm.s32 $0x0;
	s17 =	simm.s32 $0x19BB0;
	v6 =	vmul.f32 v6, v14;
	v8 =	vmul.f32 v8, v9;
	v1 =	vld [tilespmem:s15+$0x0]  }
.LBB2_22:
0x320: {  	v9 =	vld [tilespmem:s17+$0x10];
	s16 =	sadd.s32 $0x4, s16;
	v2 =	vmul.f32 v7, v2  }
0x321: {  	v7 =	vld [tilespmem:s17+$0xFFFFFFE0];
	p1 =	slt.u32 s16, $0x9C;
	v4 =	vmul.f32 v8, v4  }
0x322: {  	v8 =	vld [tilespmem:s17+$0xFFFFFFF0]  }
0x323: {  	v10 =	vld [tilespmem:s17+$0x0]  }
0x324: {  	[tilespmem:v3+s8+$0x0] =	vst.idx.add.f32.msk $0xffff, v6  }
0x325: {  	s13 =	sadd.s32 $0x40, s13;
	v3 =	vsub.s32 $0x7EF311C3, v9;
	[tilespmem:v5+s8+$0x0] =	vst.idx.add.f32.msk $0xffff, v2  }
0x326: {  	v2 =	vsub.s32 $0x7EF311C3, v7;
	v5 =	vld [tilespmem:s13+$0x10];
	v6 =	vmul.f32 v3, v9  }
0x327: {  	v11 =	vmul.f32 v2, v7;
	v12 =	vld [tilespmem:s13+$0xFFFFFFF0];
	v13 =	vsub.s32 $0x7EF311C3, v8  }
0x328: {  	v14 =	vmul.f32 v13, v8;
	v15 =	vld [tilespmem:s13+$0x0];
	v16 =	vsub.s32 $0x7EF311C3, v10;
	v6 =	vsub.f32 $2.000000000e+00, v6  }
0x329: {  	v17 =	vld [tilespmem:s13+$0xFFFFFFE0];
	v11 =	vsub.f32 $2.000000000e+00, v11;
	v18 =	vmul.f32 v16, v10  }
0x32a: {  	s14 =	sadd.s32 $0x40, s14;
	v14 =	vsub.f32 $2.000000000e+00, v14;
	v3 =	vmul.f32 v3, v6;
	[tilespmem:v1+s8+$0x0] =	vst.idx.add.f32.msk $0xffff, v4  }
0x32b: {  	v1 =	vmul.f32 v2, v11;
	v2 =	vsub.f32 $2.000000000e+00, v18;
	v4 =	vld [tilespmem:s14+$0x10]  }
0x32c: {  	s15 =	sadd.s32 $0x40, s15;
	v6 =	vld [tilespmem:s14+$0xFFFFFFE0];
	v11 =	vmul.f32 v13, v14;
	v9 =	vmul.f32 v3, v9  }
0x32d: {  	v7 =	vmul.f32 v1, v7;
	v13 =	vmul.f32 v16, v2;
	v14 =	vld [tilespmem:s15+$0x10]  }
0x32e: {  	v2 =	vmul.f32 v11, v8;
	v5 =	vld.idx.msk [tilespmem:v5+s1+$0x0], $0xffff;
	v8 =	vsub.f32 $2.000000000e+00, v9  }
0x32f: {  	v7 =	vsub.f32 $2.000000000e+00, v7;
	v9 =	vld [tilespmem:s14+$0xFFFFFFF0];
	v10 =	vmul.f32 v13, v10  }
0x330: {  	v16 =	vsub.f32 $2.000000000e+00, v2;
	v18 =	vld [tilespmem:s14+$0x0];
	v4 =	vmul.f32 $5.291771890e-01, v4;
	v3 =	vmul.f32 v8, v3  }
0x331: {  	v8 =	vld.idx.msk [tilespmem:v17+s1+$0x0], $0xffff;
	v6 =	vmul.f32 $5.291771890e-01, v6;
	v1 =	vmul.f32 v7, v1;
	v7 =	vsub.f32 $2.000000000e+00, v10  }
0x332: {  	v2 =	vld.idx.msk [tilespmem:v12+s1+$0x0], $0xffff;
	v10 =	vmul.f32 v16, v11;
	v11 =	vmul.f32 v3, v4  }
.Ltmp12:
0x333: {  	v1 =	vmul.f32 v1, v6;
	v4 =	vld.idx.msk [tilespmem:v15+s1+$0x0], $0xffff;
	v12 =	vmul.f32 v7, v13;
	(pc) =	sbr.rel @p1 .LBB2_22-.Ltmp12, $4  }
0x334: {  	v3 =	vld [tilespmem:s15+$0xFFFFFFE0];
	v6 =	vmul.f32 $5.291771890e-01, v9;
	v9 =	vmul.f32 v11, v5  }
0x335: {  	v5 =	vld [tilespmem:s15+$0xFFFFFFF0];
	v11 =	vmul.f32 $5.291771890e-01, v18  }
0x336: {  	v7 =	vmul.f32 v10, v6;
	[tilespmem:v14+s8+$0x0] =	vst.idx.add.f32.msk $0xffff, v9  }
0x337: {  	s17 =	sadd.s32 $0x40, s17;
	v6 =	vmul.f32 v1, v8;
	v8 =	vmul.f32 v12, v11;
	v1 =	vld [tilespmem:s15+$0x0]  }
0x338: {  	_ =	sdelay $0x4  }
0x339: {  	v2 =	vmul.f32 v7, v2  }
0x33a: {  	v4 =	vmul.f32 v8, v4;
	[tilespmem:v3+s8+$0x0] =	vst.idx.add.f32.msk $0xffff, v6  }
0x33b: {  	[tilespmem:v5+s8+$0x0] =	vst.idx.add.f32.msk $0xffff, v2  }
0x33c: {  	[tilespmem:v1+s8+$0x0] =	vst.idx.add.f32.msk $0xffff, v4  }
0x33d: {  	_ =	swait.ge [sflag:s9], $0xA00  }
0x33e: {  	[sflag:s9] =	ssyncset.done $0x0  }
0x33f: {  	[sflag:s9] =	ssyncadd.s32 $0xFFFFF600  }
0x340: {  	_ =	swait.ge [sflag:s9], $0xA00  }
0x341: {  	[sflag:s9] =	ssyncset.done $0x0  }
0x342: {  	[sflag:s9] =	ssyncadd.s32 $0xFFFFF600  }
0x343: {  	_ =	swait.ge [sflag:s9], $0xA00  }
0x344: {  	[sflag:s9] =	ssyncset.done $0x0  }
0x345: {  	[sflag:s9] =	ssyncadd.s32 $0xFFFFF600  }
0x346: {  	_ =	swait.ge [sflag:s9], $0xA00  }
0x347: {  	s13 =	sld [smem:$0x7DE]  }
0x348: {  	[sflag:s9] =	ssyncset.done $0x0  }
0x349: {  	s14 =	sld [smem:$0x7DF];
	[sflag:s9] =	ssyncadd.s32 $0xFFFFF600  }
0x34a: {  	[tilespmem:s24], [sflag:$0x1] =	stream.linear.gather [hbm4b:s13+s1], $0xA00, $0x38;
	[tilespmem:$0x1FF50] =	vst v63  }
0x34b: {  	s15 =	sld [smem:$0x7E0]  }
0x34c: {  	[tilespmem:s25], [sflag:$0x1] =	stream.linear.gather [hbm4b:s14+s1], $0xA00, $0x38;
	[tilespmem:$0x1FF50] =	vst v63  }
0x34d: {  	s16 =	sld [smem:$0x7E1]  }
0x34e: {  	[tilespmem:s26], [sflag:$0x1] =	stream.linear.gather [hbm4b:s15+s1], $0xA00, $0x38;
	[tilespmem:$0x1FF50] =	vst v63  }
0x34f: {  	s17 =	simm.s32 $0x1C370  }
0x350: {  	[tilespmem:s28], [sflag:$0x1] =	stream.linear.gather [hbm4b:s16+s1], $0xA00, $0x38;
	[tilespmem:$0x1FF50] =	vst v63  }
0x351: {  	v1 =	vld [tilespmem:s17+$0x10]  }
0x352: {  	v2 =	vld [tilespmem:s17+$0xFFFFFFE0];
	_ =	sdelay $0x1  }
0x353: {  	v3 =	vld [tilespmem:s17+$0xFFFFFFF0];
	_ =	sdelay $0x1  }
0x354: {  	v4 =	vld [tilespmem:s17+$0x0];
	v5 =	vsub.s32 $0x7EF311C3, v1  }
0x355: {  	s13 =	simm.s32 $0x1B970;
	v6 =	vsub.s32 $0x7EF311C3, v2;
	v8 =	vmul.f32 v5, v1  }
0x356: {  	v7 =	vld [tilespmem:s13+$0x10];
	v9 =	vmul.f32 v6, v2  }
0x357: {  	v11 =	vld [tilespmem:s13+$0xFFFFFFF0];
	v10 =	vsub.s32 $0x7EF311C3, v3;
	v8 =	vsub.f32 $2.000000000e+00, v8  }
0x358: {  	v14 =	vld [tilespmem:s13+$0xFFFFFFE0];
	v12 =	vmul.f32 v10, v3;
	v9 =	vsub.f32 $2.000000000e+00, v9  }
0x359: {  	s14 =	simm.s32 $0x1CD70;
	v16 =	vld [tilespmem:s13+$0x0];
	v13 =	vsub.s32 $0x7EF311C3, v4;
	v5 =	vmul.f32 v5, v8  }
0x35a: {  	v15 =	vmul.f32 v13, v4;
	v12 =	vsub.f32 $2.000000000e+00, v12;
	v6 =	vmul.f32 v6, v9;
	v9 =	vld [tilespmem:s14+$0x10]  }
0x35b: {  	s15 =	simm.s32 $0x1AF70;
	v61 =	vld [tilespmem:s14+$0xFFFFFFE0];
	v1 =	vmul.f32 v5, v1  }
0x35c: {  	v62 =	vld [tilespmem:s15+$0x10];
	v8 =	vsub.f32 $2.000000000e+00, v15;
	v10 =	vmul.f32 v10, v12  }
0x35d: {  	v63 =	vld [tilespmem:s14+$0xFFFFFFF0];
	v2 =	vmul.f32 v6, v2;
	v1 =	vsub.f32 $2.000000000e+00, v1  }
0x35e: {  	v7 =	vld.idx.msk [tilespmem:v7+s1+$0x0], $0xffff;
	v8 =	vmul.f32 v13, v8;
	v3 =	vmul.f32 v10, v3  }
0x35f: {  	v17 =	vld [tilespmem:s14+$0x0];
	v2 =	vsub.f32 $2.000000000e+00, v2;
	v9 =	vmul.f32 $5.291771890e-01, v9;
	v1 =	vmul.f32 v1, v5  }
0x360: {  	v14 =	vld.idx.msk [tilespmem:v14+s1+$0x0], $0xffff;
	v4 =	vmul.f32 v8, v4;
	v3 =	vsub.f32 $2.000000000e+00, v3;
	v5 =	vmul.f32 $5.291771890e-01, v61  }
0x361: {  	v6 =	vmul.f32 v2, v6;
	v2 =	vld.idx.msk [tilespmem:v11+s1+$0x0], $0xffff;
	v1 =	vmul.f32 v1, v9  }
0x362: {  	v10 =	vmul.f32 v3, v10;
	v3 =	vld [tilespmem:s15+$0xFFFFFFE0];
	v11 =	vmul.f32 $5.291771890e-01, v63;
	v9 =	vsub.f32 $2.000000000e+00, v4  }
0x363: {  	v6 =	vmul.f32 v6, v5;
	v4 =	vld.idx.msk [tilespmem:v16+s1+$0x0], $0xffff;
	v1 =	vmul.f32 v1, v7  }
0x364: {  	v5 =	vld [tilespmem:s15+$0xFFFFFFF0];
	v8 =	vmul.f32 v9, v8;
	v9 =	vmul.f32 $5.291771890e-01, v17  }
0x365: {  	v7 =	vmul.f32 v10, v11;
	[tilespmem:v62+s8+$0x0] =	vst.idx.add.f32.msk $0xffff, v1  }
0x366: {  	s16 =	simm.s32 $0x0;
	s17 =	simm.s32 $0x1C3B0;
	v6 =	vmul.f32 v6, v14;
	v8 =	vmul.f32 v8, v9;
	v1 =	vld [tilespmem:s15+$0x0]  }
.LBB2_24:
0x367: {  	v9 =	vld [tilespmem:s17+$0x10];
	s16 =	sadd.s32 $0x4, s16;
	v2 =	vmul.f32 v7, v2  }
0x368: {  	v7 =	vld [tilespmem:s17+$0xFFFFFFE0];
	p1 =	slt.u32 s16, $0x9C;
	v4 =	vmul.f32 v8, v4  }
0x369: {  	v8 =	vld [tilespmem:s17+$0xFFFFFFF0]  }
0x36a: {  	v10 =	vld [tilespmem:s17+$0x0]  }
0x36b: {  	[tilespmem:v3+s8+$0x0] =	vst.idx.add.f32.msk $0xffff, v6  }
0x36c: {  	s13 =	sadd.s32 $0x40, s13;
	v3 =	vsub.s32 $0x7EF311C3, v9;
	[tilespmem:v5+s8+$0x0] =	vst.idx.add.f32.msk $0xffff, v2  }
0x36d: {  	v2 =	vsub.s32 $0x7EF311C3, v7;
	v5 =	vld [tilespmem:s13+$0x10];
	v6 =	vmul.f32 v3, v9  }
0x36e: {  	v11 =	vmul.f32 v2, v7;
	v12 =	vld [tilespmem:s13+$0xFFFFFFF0];
	v13 =	vsub.s32 $0x7EF311C3, v8  }
0x36f: {  	v14 =	vmul.f32 v13, v8;
	v15 =	vld [tilespmem:s13+$0x0];
	v16 =	vsub.s32 $0x7EF311C3, v10;
	v6 =	vsub.f32 $2.000000000e+00, v6  }
0x370: {  	v17 =	vld [tilespmem:s13+$0xFFFFFFE0];
	v11 =	vsub.f32 $2.000000000e+00, v11;
	v18 =	vmul.f32 v16, v10  }
0x371: {  	s14 =	sadd.s32 $0x40, s14;
	v14 =	vsub.f32 $2.000000000e+00, v14;
	v3 =	vmul.f32 v3, v6;
	[tilespmem:v1+s8+$0x0] =	vst.idx.add.f32.msk $0xffff, v4  }
0x372: {  	v1 =	vmul.f32 v2, v11;
	v2 =	vsub.f32 $2.000000000e+00, v18;
	v4 =	vld [tilespmem:s14+$0x10]  }
0x373: {  	s15 =	sadd.s32 $0x40, s15;
	v6 =	vld [tilespmem:s14+$0xFFFFFFE0];
	v11 =	vmul.f32 v13, v14;
	v9 =	vmul.f32 v3, v9  }
0x374: {  	v7 =	vmul.f32 v1, v7;
	v13 =	vmul.f32 v16, v2;
	v14 =	vld [tilespmem:s15+$0x10]  }
0x375: {  	v2 =	vmul.f32 v11, v8;
	v5 =	vld.idx.msk [tilespmem:v5+s1+$0x0], $0xffff;
	v8 =	vsub.f32 $2.000000000e+00, v9  }
0x376: {  	v7 =	vsub.f32 $2.000000000e+00, v7;
	v9 =	vld [tilespmem:s14+$0xFFFFFFF0];
	v10 =	vmul.f32 v13, v10  }
0x377: {  	v16 =	vsub.f32 $2.000000000e+00, v2;
	v18 =	vld [tilespmem:s14+$0x0];
	v4 =	vmul.f32 $5.291771890e-01, v4;
	v3 =	vmul.f32 v8, v3  }
0x378: {  	v8 =	vld.idx.msk [tilespmem:v17+s1+$0x0], $0xffff;
	v6 =	vmul.f32 $5.291771890e-01, v6;
	v1 =	vmul.f32 v7, v1;
	v7 =	vsub.f32 $2.000000000e+00, v10  }
0x379: {  	v2 =	vld.idx.msk [tilespmem:v12+s1+$0x0], $0xffff;
	v10 =	vmul.f32 v16, v11;
	v11 =	vmul.f32 v3, v4  }
.Ltmp13:
0x37a: {  	v1 =	vmul.f32 v1, v6;
	v4 =	vld.idx.msk [tilespmem:v15+s1+$0x0], $0xffff;
	v12 =	vmul.f32 v7, v13;
	(pc) =	sbr.rel @p1 .LBB2_24-.Ltmp13, $4  }
0x37b: {  	v3 =	vld [tilespmem:s15+$0xFFFFFFE0];
	v6 =	vmul.f32 $5.291771890e-01, v9;
	v9 =	vmul.f32 v11, v5  }
0x37c: {  	v5 =	vld [tilespmem:s15+$0xFFFFFFF0];
	v11 =	vmul.f32 $5.291771890e-01, v18  }
0x37d: {  	v7 =	vmul.f32 v10, v6;
	[tilespmem:v14+s8+$0x0] =	vst.idx.add.f32.msk $0xffff, v9  }
0x37e: {  	s17 =	sadd.s32 $0x40, s17;
	v6 =	vmul.f32 v1, v8;
	v8 =	vmul.f32 v12, v11;
	v1 =	vld [tilespmem:s15+$0x0]  }
0x37f: {  	_ =	sdelay $0x4  }
0x380: {  	v2 =	vmul.f32 v7, v2  }
0x381: {  	v4 =	vmul.f32 v8, v4;
	[tilespmem:v3+s8+$0x0] =	vst.idx.add.f32.msk $0xffff, v6  }
0x382: {  	[tilespmem:v5+s8+$0x0] =	vst.idx.add.f32.msk $0xffff, v2  }
0x383: {  	[tilespmem:v1+s8+$0x0] =	vst.idx.add.f32.msk $0xffff, v4  }
0x384: {  	_ =	swait.ge [sflag:s10], $0xA00  }
0x385: {  	[sflag:s10] =	ssyncset.done $0x0  }
0x386: {  	[sflag:s10] =	ssyncadd.s32 $0xFFFFF600  }
0x387: {  	_ =	swait.ge [sflag:s10], $0xA00  }
0x388: {  	[sflag:s10] =	ssyncset.done $0x0  }
0x389: {  	[sflag:s10] =	ssyncadd.s32 $0xFFFFF600  }
0x38a: {  	_ =	swait.ge [sflag:s10], $0xA00  }
0x38b: {  	[sflag:s10] =	ssyncset.done $0x0  }
0x38c: {  	[sflag:s10] =	ssyncadd.s32 $0xFFFFF600  }
0x38d: {  	_ =	swait.ge [sflag:s10], $0xA00  }
0x38e: {  	s13 =	sld [smem:$0x7E2]  }
0x38f: {  	[sflag:s10] =	ssyncset.done $0x0  }
0x390: {  	s14 =	sld [smem:$0x7E3];
	[sflag:s10] =	ssyncadd.s32 $0xFFFFF600  }
0x391: {  	[tilespmem:s29], [sflag:$0x2] =	stream.linear.gather [hbm4b:s13+s1], $0xA00, $0x38;
	[tilespmem:$0x1FF50] =	vst v63  }
0x392: {  	s15 =	sld [smem:$0x7E4]  }
0x393: {  	[tilespmem:s30], [sflag:$0x2] =	stream.linear.gather [hbm4b:s14+s1], $0xA00, $0x38;
	[tilespmem:$0x1FF50] =	vst v63  }
0x394: {  	s16 =	sld [smem:$0x7E5]  }
0x395: {  	[tilespmem:s31], [sflag:$0x2] =	stream.linear.gather [hbm4b:s15+s1], $0xA00, $0x38;
	[tilespmem:$0x1FF50] =	vst v63  }
0x396: {  	s17 =	simm.s32 $0x1EB70  }
0x397: {  	[tilespmem:s0], [sflag:$0x2] =	stream.linear.gather [hbm4b:s16+s1], $0xA00, $0x38;
	[tilespmem:$0x1FF50] =	vst v63  }
0x398: {  	v1 =	vld [tilespmem:s17+$0x10]  }
0x399: {  	v2 =	vld [tilespmem:s17+$0xFFFFFFE0];
	_ =	sdelay $0x1  }
0x39a: {  	v3 =	vld [tilespmem:s17+$0xFFFFFFF0];
	_ =	sdelay $0x1  }
0x39b: {  	v4 =	vld [tilespmem:s17+$0x0];
	v5 =	vsub.s32 $0x7EF311C3, v1  }
0x39c: {  	s13 =	simm.s32 $0x1E170;
	v6 =	vsub.s32 $0x7EF311C3, v2;
	v8 =	vmul.f32 v5, v1  }
0x39d: {  	v7 =	vld [tilespmem:s13+$0x10];
	v9 =	vmul.f32 v6, v2  }
0x39e: {  	v11 =	vld [tilespmem:s13+$0xFFFFFFF0];
	v10 =	vsub.s32 $0x7EF311C3, v3;
	v8 =	vsub.f32 $2.000000000e+00, v8  }
0x39f: {  	v14 =	vld [tilespmem:s13+$0xFFFFFFE0];
	v12 =	vmul.f32 v10, v3;
	v9 =	vsub.f32 $2.000000000e+00, v9  }
0x3a0: {  	s14 =	simm.s32 $0x1F570;
	v16 =	vld [tilespmem:s13+$0x0];
	v13 =	vsub.s32 $0x7EF311C3, v4;
	v5 =	vmul.f32 v5, v8  }
0x3a1: {  	v15 =	vmul.f32 v13, v4;
	v12 =	vsub.f32 $2.000000000e+00, v12;
	v6 =	vmul.f32 v6, v9;
	v9 =	vld [tilespmem:s14+$0x10]  }
0x3a2: {  	s15 =	simm.s32 $0x1D770;
	v61 =	vld [tilespmem:s14+$0xFFFFFFE0];
	v1 =	vmul.f32 v5, v1  }
0x3a3: {  	v62 =	vld [tilespmem:s15+$0x10];
	v8 =	vsub.f32 $2.000000000e+00, v15;
	v10 =	vmul.f32 v10, v12  }
0x3a4: {  	v63 =	vld [tilespmem:s14+$0xFFFFFFF0];
	v2 =	vmul.f32 v6, v2;
	v1 =	vsub.f32 $2.000000000e+00, v1  }
0x3a5: {  	v7 =	vld.idx.msk [tilespmem:v7+s1+$0x0], $0xffff;
	v8 =	vmul.f32 v13, v8;
	v3 =	vmul.f32 v10, v3  }
0x3a6: {  	v17 =	vld [tilespmem:s14+$0x0];
	v2 =	vsub.f32 $2.000000000e+00, v2;
	v9 =	vmul.f32 $5.291771890e-01, v9;
	v1 =	vmul.f32 v1, v5  }
0x3a7: {  	v14 =	vld.idx.msk [tilespmem:v14+s1+$0x0], $0xffff;
	v4 =	vmul.f32 v8, v4;
	v3 =	vsub.f32 $2.000000000e+00, v3;
	v5 =	vmul.f32 $5.291771890e-01, v61  }
0x3a8: {  	v6 =	vmul.f32 v2, v6;
	v2 =	vld.idx.msk [tilespmem:v11+s1+$0x0], $0xffff;
	v1 =	vmul.f32 v1, v9  }
0x3a9: {  	v10 =	vmul.f32 v3, v10;
	v3 =	vld [tilespmem:s15+$0xFFFFFFE0];
	v11 =	vmul.f32 $5.291771890e-01, v63;
	v9 =	vsub.f32 $2.000000000e+00, v4  }
0x3aa: {  	v6 =	vmul.f32 v6, v5;
	v4 =	vld.idx.msk [tilespmem:v16+s1+$0x0], $0xffff;
	v1 =	vmul.f32 v1, v7  }
0x3ab: {  	v5 =	vld [tilespmem:s15+$0xFFFFFFF0];
	v8 =	vmul.f32 v9, v8;
	v9 =	vmul.f32 $5.291771890e-01, v17  }
0x3ac: {  	v7 =	vmul.f32 v10, v11;
	[tilespmem:v62+s8+$0x0] =	vst.idx.add.f32.msk $0xffff, v1  }
0x3ad: {  	s16 =	simm.s32 $0x0;
	s17 =	simm.s32 $0x1EBB0;
	v6 =	vmul.f32 v6, v14;
	v8 =	vmul.f32 v8, v9;
	v1 =	vld [tilespmem:s15+$0x0]  }
.LBB2_26:
0x3ae: {  	v9 =	vld [tilespmem:s17+$0x10];
	s16 =	sadd.s32 $0x4, s16;
	v2 =	vmul.f32 v7, v2  }
0x3af: {  	v7 =	vld [tilespmem:s17+$0xFFFFFFE0];
	p1 =	slt.u32 s16, $0x9C;
	v4 =	vmul.f32 v8, v4  }
0x3b0: {  	v8 =	vld [tilespmem:s17+$0xFFFFFFF0]  }
0x3b1: {  	v10 =	vld [tilespmem:s17+$0x0]  }
0x3b2: {  	[tilespmem:v3+s8+$0x0] =	vst.idx.add.f32.msk $0xffff, v6  }
0x3b3: {  	s13 =	sadd.s32 $0x40, s13;
	v3 =	vsub.s32 $0x7EF311C3, v9;
	[tilespmem:v5+s8+$0x0] =	vst.idx.add.f32.msk $0xffff, v2  }
0x3b4: {  	v2 =	vsub.s32 $0x7EF311C3, v7;
	v5 =	vld [tilespmem:s13+$0x10];
	v6 =	vmul.f32 v3, v9  }
0x3b5: {  	v11 =	vmul.f32 v2, v7;
	v12 =	vld [tilespmem:s13+$0xFFFFFFF0];
	v13 =	vsub.s32 $0x7EF311C3, v8  }
0x3b6: {  	v14 =	vmul.f32 v13, v8;
	v15 =	vld [tilespmem:s13+$0x0];
	v16 =	vsub.s32 $0x7EF311C3, v10;
	v6 =	vsub.f32 $2.000000000e+00, v6  }
0x3b7: {  	v17 =	vld [tilespmem:s13+$0xFFFFFFE0];
	v11 =	vsub.f32 $2.000000000e+00, v11;
	v18 =	vmul.f32 v16, v10  }
0x3b8: {  	s14 =	sadd.s32 $0x40, s14;
	v14 =	vsub.f32 $2.000000000e+00, v14;
	v3 =	vmul.f32 v3, v6;
	[tilespmem:v1+s8+$0x0] =	vst.idx.add.f32.msk $0xffff, v4  }
0x3b9: {  	v1 =	vmul.f32 v2, v11;
	v2 =	vsub.f32 $2.000000000e+00, v18;
	v4 =	vld [tilespmem:s14+$0x10]  }
0x3ba: {  	s15 =	sadd.s32 $0x40, s15;
	v6 =	vld [tilespmem:s14+$0xFFFFFFE0];
	v11 =	vmul.f32 v13, v14;
	v9 =	vmul.f32 v3, v9  }
0x3bb: {  	v7 =	vmul.f32 v1, v7;
	v13 =	vmul.f32 v16, v2;
	v14 =	vld [tilespmem:s15+$0x10]  }
0x3bc: {  	v2 =	vmul.f32 v11, v8;
	v5 =	vld.idx.msk [tilespmem:v5+s1+$0x0], $0xffff;
	v8 =	vsub.f32 $2.000000000e+00, v9  }
0x3bd: {  	v7 =	vsub.f32 $2.000000000e+00, v7;
	v9 =	vld [tilespmem:s14+$0xFFFFFFF0];
	v10 =	vmul.f32 v13, v10  }
0x3be: {  	v16 =	vsub.f32 $2.000000000e+00, v2;
	v18 =	vld [tilespmem:s14+$0x0];
	v4 =	vmul.f32 $5.291771890e-01, v4;
	v3 =	vmul.f32 v8, v3  }
0x3bf: {  	v8 =	vld.idx.msk [tilespmem:v17+s1+$0x0], $0xffff;
	v6 =	vmul.f32 $5.291771890e-01, v6;
	v1 =	vmul.f32 v7, v1;
	v7 =	vsub.f32 $2.000000000e+00, v10  }
0x3c0: {  	v2 =	vld.idx.msk [tilespmem:v12+s1+$0x0], $0xffff;
	v10 =	vmul.f32 v16, v11;
	v11 =	vmul.f32 v3, v4  }
.Ltmp14:
0x3c1: {  	v1 =	vmul.f32 v1, v6;
	v4 =	vld.idx.msk [tilespmem:v15+s1+$0x0], $0xffff;
	v12 =	vmul.f32 v7, v13;
	(pc) =	sbr.rel @p1 .LBB2_26-.Ltmp14, $4  }
0x3c2: {  	v3 =	vld [tilespmem:s15+$0xFFFFFFE0];
	v6 =	vmul.f32 $5.291771890e-01, v9;
	v9 =	vmul.f32 v11, v5  }
0x3c3: {  	v5 =	vld [tilespmem:s15+$0xFFFFFFF0];
	v11 =	vmul.f32 $5.291771890e-01, v18  }
0x3c4: {  	v7 =	vmul.f32 v10, v6;
	[tilespmem:v14+s8+$0x0] =	vst.idx.add.f32.msk $0xffff, v9  }
0x3c5: {  	s17 =	sadd.s32 $0x40, s17;
	v6 =	vmul.f32 v1, v8;
	v8 =	vmul.f32 v12, v11;
	v1 =	vld [tilespmem:s15+$0x0]  }
0x3c6: {  	_ =	sdelay $0x4  }
0x3c7: {  	v2 =	vmul.f32 v7, v2  }
0x3c8: {  	v4 =	vmul.f32 v8, v4;
	[tilespmem:v3+s8+$0x0] =	vst.idx.add.f32.msk $0xffff, v6  }
0x3c9: {  	[tilespmem:v5+s8+$0x0] =	vst.idx.add.f32.msk $0xffff, v2  }
0x3ca: {  	[tilespmem:v1+s8+$0x0] =	vst.idx.add.f32.msk $0xffff, v4  }
0x3cb: {  	_ =	swait.ge [sflag:s3], $0xA00  }
0x3cc: {  	[sflag:s3] =	ssyncset.done $0x0  }
0x3cd: {  	[sflag:s3] =	ssyncadd.s32 $0xFFFFF600  }
0x3ce: {  	_ =	swait.ge [sflag:s3], $0xA00  }
0x3cf: {  	[sflag:s3] =	ssyncset.done $0x0  }
0x3d0: {  	[sflag:s3] =	ssyncadd.s32 $0xFFFFF600  }
0x3d1: {  	_ =	swait.ge [sflag:s3], $0xA00  }
0x3d2: {  	[sflag:s3] =	ssyncset.done $0x0  }
0x3d3: {  	[sflag:s3] =	ssyncadd.s32 $0xFFFFF600  }
0x3d4: {  	_ =	swait.ge [sflag:s3], $0xA00  }
0x3d5: {  	s13 =	sld [smem:$0x7E6]  }
0x3d6: {  	[sflag:s3] =	ssyncset.done $0x0  }
0x3d7: {  	s14 =	sld [smem:$0x7E7];
	[sflag:s3] =	ssyncadd.s32 $0xFFFFF600  }
0x3d8: {  	[tilespmem:s4], [sflag:$0x3] =	stream.linear.gather [hbm4b:s13+s1], $0xA00, $0x38;
	[tilespmem:$0x1FF50] =	vst v63  }
0x3d9: {  	s15 =	sld [smem:$0x7E8]  }
0x3da: {  	[tilespmem:s5], [sflag:$0x3] =	stream.linear.gather [hbm4b:s14+s1], $0xA00, $0x38;
	[tilespmem:$0x1FF50] =	vst v63  }
0x3db: {  	s16 =	sld [smem:$0x7E9]  }
0x3dc: {  	[tilespmem:s6], [sflag:$0x3] =	stream.linear.gather [hbm4b:s15+s1], $0xA00, $0x38;
	[tilespmem:$0x1FF50] =	vst v63  }
0x3dd: {  	s17 =	simm.s32 $0x19B70  }
0x3de: {  	[tilespmem:s7], [sflag:$0x3] =	stream.linear.gather [hbm4b:s16+s1], $0xA00, $0x38;
	[tilespmem:$0x1FF50] =	vst v63  }
0x3df: {  	v1 =	vld [tilespmem:s17+$0x10]  }
0x3e0: {  	v2 =	vld [tilespmem:s17+$0xFFFFFFE0];
	_ =	sdelay $0x1  }
0x3e1: {  	v3 =	vld [tilespmem:s17+$0xFFFFFFF0];
	_ =	sdelay $0x1  }
0x3e2: {  	v4 =	vld [tilespmem:s17+$0x0];
	v5 =	vsub.s32 $0x7EF311C3, v1  }
0x3e3: {  	s13 =	simm.s32 $0x19170;
	v6 =	vsub.s32 $0x7EF311C3, v2;
	v8 =	vmul.f32 v5, v1  }
0x3e4: {  	v7 =	vld [tilespmem:s13+$0x10];
	v9 =	vmul.f32 v6, v2  }
0x3e5: {  	v11 =	vld [tilespmem:s13+$0xFFFFFFF0];
	v10 =	vsub.s32 $0x7EF311C3, v3;
	v8 =	vsub.f32 $2.000000000e+00, v8  }
0x3e6: {  	v14 =	vld [tilespmem:s13+$0xFFFFFFE0];
	v12 =	vmul.f32 v10, v3;
	v9 =	vsub.f32 $2.000000000e+00, v9  }
0x3e7: {  	s14 =	simm.s32 $0x1A570;
	v16 =	vld [tilespmem:s13+$0x0];
	v13 =	vsub.s32 $0x7EF311C3, v4;
	v5 =	vmul.f32 v5, v8  }
0x3e8: {  	v15 =	vmul.f32 v13, v4;
	v12 =	vsub.f32 $2.000000000e+00, v12;
	v6 =	vmul.f32 v6, v9;
	v9 =	vld [tilespmem:s14+$0x10]  }
0x3e9: {  	s15 =	simm.s32 $0x18770;
	v61 =	vld [tilespmem:s14+$0xFFFFFFE0];
	v1 =	vmul.f32 v5, v1  }
0x3ea: {  	v62 =	vld [tilespmem:s15+$0x10];
	v8 =	vsub.f32 $2.000000000e+00, v15;
	v10 =	vmul.f32 v10, v12  }
0x3eb: {  	v63 =	vld [tilespmem:s14+$0xFFFFFFF0];
	v2 =	vmul.f32 v6, v2;
	v1 =	vsub.f32 $2.000000000e+00, v1  }
0x3ec: {  	v7 =	vld.idx.msk [tilespmem:v7+s1+$0x0], $0xffff;
	v8 =	vmul.f32 v13, v8;
	v3 =	vmul.f32 v10, v3  }
0x3ed: {  	v17 =	vld [tilespmem:s14+$0x0];
	v2 =	vsub.f32 $2.000000000e+00, v2;
	v9 =	vmul.f32 $5.291771890e-01, v9;
	v1 =	vmul.f32 v1, v5  }
0x3ee: {  	v14 =	vld.idx.msk [tilespmem:v14+s1+$0x0], $0xffff;
	v4 =	vmul.f32 v8, v4;
	v3 =	vsub.f32 $2.000000000e+00, v3;
	v5 =	vmul.f32 $5.291771890e-01, v61  }
0x3ef: {  	v6 =	vmul.f32 v2, v6;
	v2 =	vld.idx.msk [tilespmem:v11+s1+$0x0], $0xffff;
	v1 =	vmul.f32 v1, v9  }
0x3f0: {  	v10 =	vmul.f32 v3, v10;
	v3 =	vld [tilespmem:s15+$0xFFFFFFE0];
	v11 =	vmul.f32 $5.291771890e-01, v63;
	v9 =	vsub.f32 $2.000000000e+00, v4  }
0x3f1: {  	v6 =	vmul.f32 v6, v5;
	v4 =	vld.idx.msk [tilespmem:v16+s1+$0x0], $0xffff;
	v1 =	vmul.f32 v1, v7  }
0x3f2: {  	v5 =	vld [tilespmem:s15+$0xFFFFFFF0];
	v8 =	vmul.f32 v9, v8;
	v9 =	vmul.f32 $5.291771890e-01, v17  }
0x3f3: {  	v7 =	vmul.f32 v10, v11;
	[tilespmem:v62+s8+$0x0] =	vst.idx.add.f32.msk $0xffff, v1  }
0x3f4: {  	s16 =	simm.s32 $0x0;
	s17 =	simm.s32 $0x19BB0;
	v6 =	vmul.f32 v6, v14;
	v8 =	vmul.f32 v8, v9;
	v1 =	vld [tilespmem:s15+$0x0]  }
.LBB2_28:
0x3f5: {  	v9 =	vld [tilespmem:s17+$0x10];
	s16 =	sadd.s32 $0x4, s16;
	v2 =	vmul.f32 v7, v2  }
0x3f6: {  	v7 =	vld [tilespmem:s17+$0xFFFFFFE0];
	p1 =	slt.u32 s16, $0x9C;
	v4 =	vmul.f32 v8, v4  }
0x3f7: {  	v8 =	vld [tilespmem:s17+$0xFFFFFFF0]  }
0x3f8: {  	v10 =	vld [tilespmem:s17+$0x0]  }
0x3f9: {  	[tilespmem:v3+s8+$0x0] =	vst.idx.add.f32.msk $0xffff, v6  }
0x3fa: {  	s13 =	sadd.s32 $0x40, s13;
	v3 =	vsub.s32 $0x7EF311C3, v9;
	[tilespmem:v5+s8+$0x0] =	vst.idx.add.f32.msk $0xffff, v2  }
0x3fb: {  	v2 =	vsub.s32 $0x7EF311C3, v7;
	v5 =	vld [tilespmem:s13+$0x10];
	v6 =	vmul.f32 v3, v9  }
0x3fc: {  	v11 =	vmul.f32 v2, v7;
	v12 =	vld [tilespmem:s13+$0xFFFFFFF0];
	v13 =	vsub.s32 $0x7EF311C3, v8  }
0x3fd: {  	v14 =	vmul.f32 v13, v8;
	v15 =	vld [tilespmem:s13+$0x0];
	v16 =	vsub.s32 $0x7EF311C3, v10;
	v6 =	vsub.f32 $2.000000000e+00, v6  }
0x3fe: {  	v17 =	vld [tilespmem:s13+$0xFFFFFFE0];
	v11 =	vsub.f32 $2.000000000e+00, v11;
	v18 =	vmul.f32 v16, v10  }
0x3ff: {  	s14 =	sadd.s32 $0x40, s14;
	v14 =	vsub.f32 $2.000000000e+00, v14;
	v3 =	vmul.f32 v3, v6;
	[tilespmem:v1+s8+$0x0] =	vst.idx.add.f32.msk $0xffff, v4  }
0x400: {  	v1 =	vmul.f32 v2, v11;
	v2 =	vsub.f32 $2.000000000e+00, v18;
	v4 =	vld [tilespmem:s14+$0x10]  }
0x401: {  	s15 =	sadd.s32 $0x40, s15;
	v6 =	vld [tilespmem:s14+$0xFFFFFFE0];
	v11 =	vmul.f32 v13, v14;
	v9 =	vmul.f32 v3, v9  }
0x402: {  	v7 =	vmul.f32 v1, v7;
	v13 =	vmul.f32 v16, v2;
	v14 =	vld [tilespmem:s15+$0x10]  }
0x403: {  	v2 =	vmul.f32 v11, v8;
	v5 =	vld.idx.msk [tilespmem:v5+s1+$0x0], $0xffff;
	v8 =	vsub.f32 $2.000000000e+00, v9  }
0x404: {  	v7 =	vsub.f32 $2.000000000e+00, v7;
	v9 =	vld [tilespmem:s14+$0xFFFFFFF0];
	v10 =	vmul.f32 v13, v10  }
0x405: {  	v16 =	vsub.f32 $2.000000000e+00, v2;
	v18 =	vld [tilespmem:s14+$0x0];
	v4 =	vmul.f32 $5.291771890e-01, v4;
	v3 =	vmul.f32 v8, v3  }
0x406: {  	v8 =	vld.idx.msk [tilespmem:v17+s1+$0x0], $0xffff;
	v6 =	vmul.f32 $5.291771890e-01, v6;
	v1 =	vmul.f32 v7, v1;
	v7 =	vsub.f32 $2.000000000e+00, v10  }
0x407: {  	v2 =	vld.idx.msk [tilespmem:v12+s1+$0x0], $0xffff;
	v10 =	vmul.f32 v16, v11;
	v11 =	vmul.f32 v3, v4  }
.Ltmp15:
0x408: {  	v1 =	vmul.f32 v1, v6;
	v4 =	vld.idx.msk [tilespmem:v15+s1+$0x0], $0xffff;
	v12 =	vmul.f32 v7, v13;
	(pc) =	sbr.rel @p1 .LBB2_28-.Ltmp15, $4  }
0x409: {  	v3 =	vld [tilespmem:s15+$0xFFFFFFE0];
	v6 =	vmul.f32 $5.291771890e-01, v9;
	v9 =	vmul.f32 v11, v5  }
0x40a: {  	v5 =	vld [tilespmem:s15+$0xFFFFFFF0];
	v11 =	vmul.f32 $5.291771890e-01, v18  }
0x40b: {  	v7 =	vmul.f32 v10, v6;
	[tilespmem:v14+s8+$0x0] =	vst.idx.add.f32.msk $0xffff, v9  }
0x40c: {  	s17 =	sadd.s32 $0x40, s17;
	v6 =	vmul.f32 v1, v8;
	v8 =	vmul.f32 v12, v11;
	v1 =	vld [tilespmem:s15+$0x0]  }
0x40d: {  	_ =	sdelay $0x4  }
0x40e: {  	v2 =	vmul.f32 v7, v2  }
0x40f: {  	v4 =	vmul.f32 v8, v4;
	[tilespmem:v3+s8+$0x0] =	vst.idx.add.f32.msk $0xffff, v6  }
0x410: {  	[tilespmem:v5+s8+$0x0] =	vst.idx.add.f32.msk $0xffff, v2  }
0x411: {  	[tilespmem:v1+s8+$0x0] =	vst.idx.add.f32.msk $0xffff, v4  }
0x412: {  	_ =	swait.ge [sflag:s9], $0xA00  }
0x413: {  	[sflag:s9] =	ssyncset.done $0x0  }
0x414: {  	[sflag:s9] =	ssyncadd.s32 $0xFFFFF600  }
0x415: {  	_ =	swait.ge [sflag:s9], $0xA00  }
0x416: {  	[sflag:s9] =	ssyncset.done $0x0  }
0x417: {  	[sflag:s9] =	ssyncadd.s32 $0xFFFFF600  }
0x418: {  	_ =	swait.ge [sflag:s9], $0xA00  }
0x419: {  	[sflag:s9] =	ssyncset.done $0x0  }
0x41a: {  	[sflag:s9] =	ssyncadd.s32 $0xFFFFF600  }
0x41b: {  	_ =	swait.ge [sflag:s9], $0xA00  }
0x41c: {  	s13 =	sld [smem:$0x7EA]  }
0x41d: {  	[sflag:s9] =	ssyncset.done $0x0  }
0x41e: {  	s14 =	sld [smem:$0x7EB];
	[sflag:s9] =	ssyncadd.s32 $0xFFFFF600  }
0x41f: {  	[tilespmem:s24], [sflag:$0x1] =	stream.linear.gather [hbm4b:s13+s1], $0xA00, $0x38;
	[tilespmem:$0x1FF50] =	vst v63  }
0x420: {  	s15 =	sld [smem:$0x7EC]  }
0x421: {  	[tilespmem:s25], [sflag:$0x1] =	stream.linear.gather [hbm4b:s14+s1], $0xA00, $0x38;
	[tilespmem:$0x1FF50] =	vst v63  }
0x422: {  	s16 =	sld [smem:$0x7ED]  }
0x423: {  	[tilespmem:s26], [sflag:$0x1] =	stream.linear.gather [hbm4b:s15+s1], $0xA00, $0x38;
	[tilespmem:$0x1FF50] =	vst v63  }
0x424: {  	s17 =	simm.s32 $0x1C370  }
0x425: {  	[tilespmem:s28], [sflag:$0x1] =	stream.linear.gather [hbm4b:s16+s1], $0xA00, $0x38;
	[tilespmem:$0x1FF50] =	vst v63  }
0x426: {  	v1 =	vld [tilespmem:s17+$0x10]  }
0x427: {  	v2 =	vld [tilespmem:s17+$0xFFFFFFE0];
	_ =	sdelay $0x1  }
0x428: {  	v3 =	vld [tilespmem:s17+$0xFFFFFFF0];
	_ =	sdelay $0x1  }
0x429: {  	v4 =	vld [tilespmem:s17+$0x0];
	v5 =	vsub.s32 $0x7EF311C3, v1  }
0x42a: {  	s13 =	simm.s32 $0x1B970;
	v6 =	vsub.s32 $0x7EF311C3, v2;
	v8 =	vmul.f32 v5, v1  }
0x42b: {  	v7 =	vld [tilespmem:s13+$0x10];
	v9 =	vmul.f32 v6, v2  }
0x42c: {  	v11 =	vld [tilespmem:s13+$0xFFFFFFF0];
	v10 =	vsub.s32 $0x7EF311C3, v3;
	v8 =	vsub.f32 $2.000000000e+00, v8  }
0x42d: {  	v14 =	vld [tilespmem:s13+$0xFFFFFFE0];
	v12 =	vmul.f32 v10, v3;
	v9 =	vsub.f32 $2.000000000e+00, v9  }
0x42e: {  	s14 =	simm.s32 $0x1CD70;
	v16 =	vld [tilespmem:s13+$0x0];
	v13 =	vsub.s32 $0x7EF311C3, v4;
	v5 =	vmul.f32 v5, v8  }
0x42f: {  	v15 =	vmul.f32 v13, v4;
	v12 =	vsub.f32 $2.000000000e+00, v12;
	v6 =	vmul.f32 v6, v9;
	v9 =	vld [tilespmem:s14+$0x10]  }
0x430: {  	s15 =	simm.s32 $0x1AF70;
	v61 =	vld [tilespmem:s14+$0xFFFFFFE0];
	v1 =	vmul.f32 v5, v1  }
0x431: {  	v62 =	vld [tilespmem:s15+$0x10];
	v8 =	vsub.f32 $2.000000000e+00, v15;
	v10 =	vmul.f32 v10, v12  }
0x432: {  	v63 =	vld [tilespmem:s14+$0xFFFFFFF0];
	v2 =	vmul.f32 v6, v2;
	v1 =	vsub.f32 $2.000000000e+00, v1  }
0x433: {  	v7 =	vld.idx.msk [tilespmem:v7+s1+$0x0], $0xffff;
	v8 =	vmul.f32 v13, v8;
	v3 =	vmul.f32 v10, v3  }
0x434: {  	v17 =	vld [tilespmem:s14+$0x0];
	v2 =	vsub.f32 $2.000000000e+00, v2;
	v9 =	vmul.f32 $5.291771890e-01, v9;
	v1 =	vmul.f32 v1, v5  }
0x435: {  	v14 =	vld.idx.msk [tilespmem:v14+s1+$0x0], $0xffff;
	v4 =	vmul.f32 v8, v4;
	v3 =	vsub.f32 $2.000000000e+00, v3;
	v5 =	vmul.f32 $5.291771890e-01, v61  }
0x436: {  	v6 =	vmul.f32 v2, v6;
	v2 =	vld.idx.msk [tilespmem:v11+s1+$0x0], $0xffff;
	v1 =	vmul.f32 v1, v9  }
0x437: {  	v10 =	vmul.f32 v3, v10;
	v3 =	vld [tilespmem:s15+$0xFFFFFFE0];
	v11 =	vmul.f32 $5.291771890e-01, v63;
	v9 =	vsub.f32 $2.000000000e+00, v4  }
0x438: {  	v6 =	vmul.f32 v6, v5;
	v4 =	vld.idx.msk [tilespmem:v16+s1+$0x0], $0xffff;
	v1 =	vmul.f32 v1, v7  }
0x439: {  	v5 =	vld [tilespmem:s15+$0xFFFFFFF0];
	v8 =	vmul.f32 v9, v8;
	v9 =	vmul.f32 $5.291771890e-01, v17  }
0x43a: {  	v7 =	vmul.f32 v10, v11;
	[tilespmem:v62+s8+$0x0] =	vst.idx.add.f32.msk $0xffff, v1  }
0x43b: {  	s16 =	simm.s32 $0x0;
	s17 =	simm.s32 $0x1C3B0;
	v6 =	vmul.f32 v6, v14;
	v8 =	vmul.f32 v8, v9;
	v1 =	vld [tilespmem:s15+$0x0]  }
.LBB2_30:
0x43c: {  	v9 =	vld [tilespmem:s17+$0x10];
	s16 =	sadd.s32 $0x4, s16;
	v2 =	vmul.f32 v7, v2  }
0x43d: {  	v7 =	vld [tilespmem:s17+$0xFFFFFFE0];
	p1 =	slt.u32 s16, $0x9C;
	v4 =	vmul.f32 v8, v4  }
0x43e: {  	v8 =	vld [tilespmem:s17+$0xFFFFFFF0]  }
0x43f: {  	v10 =	vld [tilespmem:s17+$0x0]  }
0x440: {  	[tilespmem:v3+s8+$0x0] =	vst.idx.add.f32.msk $0xffff, v6  }
0x441: {  	s13 =	sadd.s32 $0x40, s13;
	v3 =	vsub.s32 $0x7EF311C3, v9;
	[tilespmem:v5+s8+$0x0] =	vst.idx.add.f32.msk $0xffff, v2  }
0x442: {  	v2 =	vsub.s32 $0x7EF311C3, v7;
	v5 =	vld [tilespmem:s13+$0x10];
	v6 =	vmul.f32 v3, v9  }
0x443: {  	v11 =	vmul.f32 v2, v7;
	v12 =	vld [tilespmem:s13+$0xFFFFFFF0];
	v13 =	vsub.s32 $0x7EF311C3, v8  }
0x444: {  	v14 =	vmul.f32 v13, v8;
	v15 =	vld [tilespmem:s13+$0x0];
	v16 =	vsub.s32 $0x7EF311C3, v10;
	v6 =	vsub.f32 $2.000000000e+00, v6  }
0x445: {  	v17 =	vld [tilespmem:s13+$0xFFFFFFE0];
	v11 =	vsub.f32 $2.000000000e+00, v11;
	v18 =	vmul.f32 v16, v10  }
0x446: {  	s14 =	sadd.s32 $0x40, s14;
	v14 =	vsub.f32 $2.000000000e+00, v14;
	v3 =	vmul.f32 v3, v6;
	[tilespmem:v1+s8+$0x0] =	vst.idx.add.f32.msk $0xffff, v4  }
0x447: {  	v1 =	vmul.f32 v2, v11;
	v2 =	vsub.f32 $2.000000000e+00, v18;
	v4 =	vld [tilespmem:s14+$0x10]  }
0x448: {  	s15 =	sadd.s32 $0x40, s15;
	v6 =	vld [tilespmem:s14+$0xFFFFFFE0];
	v11 =	vmul.f32 v13, v14;
	v9 =	vmul.f32 v3, v9  }
0x449: {  	v7 =	vmul.f32 v1, v7;
	v13 =	vmul.f32 v16, v2;
	v14 =	vld [tilespmem:s15+$0x10]  }
0x44a: {  	v2 =	vmul.f32 v11, v8;
	v5 =	vld.idx.msk [tilespmem:v5+s1+$0x0], $0xffff;
	v8 =	vsub.f32 $2.000000000e+00, v9  }
0x44b: {  	v7 =	vsub.f32 $2.000000000e+00, v7;
	v9 =	vld [tilespmem:s14+$0xFFFFFFF0];
	v10 =	vmul.f32 v13, v10  }
0x44c: {  	v16 =	vsub.f32 $2.000000000e+00, v2;
	v18 =	vld [tilespmem:s14+$0x0];
	v4 =	vmul.f32 $5.291771890e-01, v4;
	v3 =	vmul.f32 v8, v3  }
0x44d: {  	v8 =	vld.idx.msk [tilespmem:v17+s1+$0x0], $0xffff;
	v6 =	vmul.f32 $5.291771890e-01, v6;
	v1 =	vmul.f32 v7, v1;
	v7 =	vsub.f32 $2.000000000e+00, v10  }
0x44e: {  	v2 =	vld.idx.msk [tilespmem:v12+s1+$0x0], $0xffff;
	v10 =	vmul.f32 v16, v11;
	v11 =	vmul.f32 v3, v4  }
.Ltmp16:
0x44f: {  	v1 =	vmul.f32 v1, v6;
	v4 =	vld.idx.msk [tilespmem:v15+s1+$0x0], $0xffff;
	v12 =	vmul.f32 v7, v13;
	(pc) =	sbr.rel @p1 .LBB2_30-.Ltmp16, $4  }
0x450: {  	v3 =	vld [tilespmem:s15+$0xFFFFFFE0];
	v6 =	vmul.f32 $5.291771890e-01, v9;
	v9 =	vmul.f32 v11, v5  }
0x451: {  	v5 =	vld [tilespmem:s15+$0xFFFFFFF0];
	v11 =	vmul.f32 $5.291771890e-01, v18  }
0x452: {  	v7 =	vmul.f32 v10, v6;
	[tilespmem:v14+s8+$0x0] =	vst.idx.add.f32.msk $0xffff, v9  }
0x453: {  	s17 =	sadd.s32 $0x40, s17;
	v6 =	vmul.f32 v1, v8;
	v8 =	vmul.f32 v12, v11;
	v1 =	vld [tilespmem:s15+$0x0]  }
0x454: {  	_ =	sdelay $0x4  }
0x455: {  	v2 =	vmul.f32 v7, v2  }
0x456: {  	v4 =	vmul.f32 v8, v4;
	[tilespmem:v3+s8+$0x0] =	vst.idx.add.f32.msk $0xffff, v6  }
0x457: {  	[tilespmem:v5+s8+$0x0] =	vst.idx.add.f32.msk $0xffff, v2  }
0x458: {  	[tilespmem:v1+s8+$0x0] =	vst.idx.add.f32.msk $0xffff, v4  }
0x459: {  	_ =	swait.ge [sflag:s10], $0xA00  }
0x45a: {  	[sflag:s10] =	ssyncset.done $0x0  }
0x45b: {  	[sflag:s10] =	ssyncadd.s32 $0xFFFFF600  }
0x45c: {  	_ =	swait.ge [sflag:s10], $0xA00  }
0x45d: {  	[sflag:s10] =	ssyncset.done $0x0  }
0x45e: {  	[sflag:s10] =	ssyncadd.s32 $0xFFFFF600  }
0x45f: {  	_ =	swait.ge [sflag:s10], $0xA00  }
0x460: {  	[sflag:s10] =	ssyncset.done $0x0  }
0x461: {  	[sflag:s10] =	ssyncadd.s32 $0xFFFFF600  }
0x462: {  	_ =	swait.ge [sflag:s10], $0xA00  }
0x463: {  	s13 =	sld [smem:$0x7EE]  }
0x464: {  	[sflag:s10] =	ssyncset.done $0x0  }
0x465: {  	s14 =	sld [smem:$0x7EF];
	[sflag:s10] =	ssyncadd.s32 $0xFFFFF600  }
0x466: {  	[tilespmem:s29], [sflag:$0x2] =	stream.linear.gather [hbm4b:s13+s1], $0xA00, $0x38;
	[tilespmem:$0x1FF50] =	vst v63  }
0x467: {  	s15 =	sld [smem:$0x7F0]  }
0x468: {  	[tilespmem:s30], [sflag:$0x2] =	stream.linear.gather [hbm4b:s14+s1], $0xA00, $0x38;
	[tilespmem:$0x1FF50] =	vst v63  }
0x469: {  	s16 =	sld [smem:$0x7F1]  }
0x46a: {  	[tilespmem:s31], [sflag:$0x2] =	stream.linear.gather [hbm4b:s15+s1], $0xA00, $0x38;
	[tilespmem:$0x1FF50] =	vst v63  }
0x46b: {  	s17 =	simm.s32 $0x1EB70  }
0x46c: {  	[tilespmem:s0], [sflag:$0x2] =	stream.linear.gather [hbm4b:s16+s1], $0xA00, $0x38;
	[tilespmem:$0x1FF50] =	vst v63  }
0x46d: {  	v1 =	vld [tilespmem:s17+$0x10]  }
0x46e: {  	v2 =	vld [tilespmem:s17+$0xFFFFFFE0];
	_ =	sdelay $0x1  }
0x46f: {  	v3 =	vld [tilespmem:s17+$0xFFFFFFF0];
	_ =	sdelay $0x1  }
0x470: {  	v4 =	vld [tilespmem:s17+$0x0];
	v5 =	vsub.s32 $0x7EF311C3, v1  }
0x471: {  	s13 =	simm.s32 $0x1E170;
	v6 =	vsub.s32 $0x7EF311C3, v2;
	v8 =	vmul.f32 v5, v1  }
0x472: {  	v7 =	vld [tilespmem:s13+$0x10];
	v9 =	vmul.f32 v6, v2  }
0x473: {  	v11 =	vld [tilespmem:s13+$0xFFFFFFF0];
	v10 =	vsub.s32 $0x7EF311C3, v3;
	v8 =	vsub.f32 $2.000000000e+00, v8  }
0x474: {  	v14 =	vld [tilespmem:s13+$0xFFFFFFE0];
	v12 =	vmul.f32 v10, v3;
	v9 =	vsub.f32 $2.000000000e+00, v9  }
0x475: {  	s14 =	simm.s32 $0x1F570;
	v16 =	vld [tilespmem:s13+$0x0];
	v13 =	vsub.s32 $0x7EF311C3, v4;
	v5 =	vmul.f32 v5, v8  }
0x476: {  	v15 =	vmul.f32 v13, v4;
	v12 =	vsub.f32 $2.000000000e+00, v12;
	v6 =	vmul.f32 v6, v9;
	v9 =	vld [tilespmem:s14+$0x10]  }
0x477: {  	s15 =	simm.s32 $0x1D770;
	v61 =	vld [tilespmem:s14+$0xFFFFFFE0];
	v1 =	vmul.f32 v5, v1  }
0x478: {  	v62 =	vld [tilespmem:s15+$0x10];
	v8 =	vsub.f32 $2.000000000e+00, v15;
	v10 =	vmul.f32 v10, v12  }
0x479: {  	v63 =	vld [tilespmem:s14+$0xFFFFFFF0];
	v2 =	vmul.f32 v6, v2;
	v1 =	vsub.f32 $2.000000000e+00, v1  }
0x47a: {  	v7 =	vld.idx.msk [tilespmem:v7+s1+$0x0], $0xffff;
	v8 =	vmul.f32 v13, v8;
	v3 =	vmul.f32 v10, v3  }
0x47b: {  	v17 =	vld [tilespmem:s14+$0x0];
	v2 =	vsub.f32 $2.000000000e+00, v2;
	v9 =	vmul.f32 $5.291771890e-01, v9;
	v1 =	vmul.f32 v1, v5  }
0x47c: {  	v14 =	vld.idx.msk [tilespmem:v14+s1+$0x0], $0xffff;
	v4 =	vmul.f32 v8, v4;
	v3 =	vsub.f32 $2.000000000e+00, v3;
	v5 =	vmul.f32 $5.291771890e-01, v61  }
0x47d: {  	v6 =	vmul.f32 v2, v6;
	v2 =	vld.idx.msk [tilespmem:v11+s1+$0x0], $0xffff;
	v1 =	vmul.f32 v1, v9  }
0x47e: {  	v10 =	vmul.f32 v3, v10;
	v3 =	vld [tilespmem:s15+$0xFFFFFFE0];
	v11 =	vmul.f32 $5.291771890e-01, v63;
	v9 =	vsub.f32 $2.000000000e+00, v4  }
0x47f: {  	v6 =	vmul.f32 v6, v5;
	v4 =	vld.idx.msk [tilespmem:v16+s1+$0x0], $0xffff;
	v1 =	vmul.f32 v1, v7  }
0x480: {  	v5 =	vld [tilespmem:s15+$0xFFFFFFF0];
	v8 =	vmul.f32 v9, v8;
	v9 =	vmul.f32 $5.291771890e-01, v17  }
0x481: {  	v7 =	vmul.f32 v10, v11;
	[tilespmem:v62+s8+$0x0] =	vst.idx.add.f32.msk $0xffff, v1  }
0x482: {  	s16 =	simm.s32 $0x0;
	s17 =	simm.s32 $0x1EBB0;
	v6 =	vmul.f32 v6, v14;
	v8 =	vmul.f32 v8, v9;
	v1 =	vld [tilespmem:s15+$0x0]  }
.LBB2_32:
0x483: {  	v9 =	vld [tilespmem:s17+$0x10];
	s16 =	sadd.s32 $0x4, s16;
	v2 =	vmul.f32 v7, v2  }
0x484: {  	v7 =	vld [tilespmem:s17+$0xFFFFFFE0];
	p1 =	slt.u32 s16, $0x9C;
	v4 =	vmul.f32 v8, v4  }
0x485: {  	v8 =	vld [tilespmem:s17+$0xFFFFFFF0]  }
0x486: {  	v10 =	vld [tilespmem:s17+$0x0]  }
0x487: {  	[tilespmem:v3+s8+$0x0] =	vst.idx.add.f32.msk $0xffff, v6  }
0x488: {  	s13 =	sadd.s32 $0x40, s13;
	v3 =	vsub.s32 $0x7EF311C3, v9;
	[tilespmem:v5+s8+$0x0] =	vst.idx.add.f32.msk $0xffff, v2  }
0x489: {  	v2 =	vsub.s32 $0x7EF311C3, v7;
	v5 =	vld [tilespmem:s13+$0x10];
	v6 =	vmul.f32 v3, v9  }
0x48a: {  	v11 =	vmul.f32 v2, v7;
	v12 =	vld [tilespmem:s13+$0xFFFFFFF0];
	v13 =	vsub.s32 $0x7EF311C3, v8  }
0x48b: {  	v14 =	vmul.f32 v13, v8;
	v15 =	vld [tilespmem:s13+$0x0];
	v16 =	vsub.s32 $0x7EF311C3, v10;
	v6 =	vsub.f32 $2.000000000e+00, v6  }
0x48c: {  	v17 =	vld [tilespmem:s13+$0xFFFFFFE0];
	v11 =	vsub.f32 $2.000000000e+00, v11;
	v18 =	vmul.f32 v16, v10  }
0x48d: {  	s14 =	sadd.s32 $0x40, s14;
	v14 =	vsub.f32 $2.000000000e+00, v14;
	v3 =	vmul.f32 v3, v6;
	[tilespmem:v1+s8+$0x0] =	vst.idx.add.f32.msk $0xffff, v4  }
0x48e: {  	v1 =	vmul.f32 v2, v11;
	v2 =	vsub.f32 $2.000000000e+00, v18;
	v4 =	vld [tilespmem:s14+$0x10]  }
0x48f: {  	s15 =	sadd.s32 $0x40, s15;
	v6 =	vld [tilespmem:s14+$0xFFFFFFE0];
	v11 =	vmul.f32 v13, v14;
	v9 =	vmul.f32 v3, v9  }
0x490: {  	v7 =	vmul.f32 v1, v7;
	v13 =	vmul.f32 v16, v2;
	v14 =	vld [tilespmem:s15+$0x10]  }
0x491: {  	v2 =	vmul.f32 v11, v8;
	v5 =	vld.idx.msk [tilespmem:v5+s1+$0x0], $0xffff;
	v8 =	vsub.f32 $2.000000000e+00, v9  }
0x492: {  	v7 =	vsub.f32 $2.000000000e+00, v7;
	v9 =	vld [tilespmem:s14+$0xFFFFFFF0];
	v10 =	vmul.f32 v13, v10  }
0x493: {  	v16 =	vsub.f32 $2.000000000e+00, v2;
	v18 =	vld [tilespmem:s14+$0x0];
	v4 =	vmul.f32 $5.291771890e-01, v4;
	v3 =	vmul.f32 v8, v3  }
0x494: {  	v8 =	vld.idx.msk [tilespmem:v17+s1+$0x0], $0xffff;
	v6 =	vmul.f32 $5.291771890e-01, v6;
	v1 =	vmul.f32 v7, v1;
	v7 =	vsub.f32 $2.000000000e+00, v10  }
0x495: {  	v2 =	vld.idx.msk [tilespmem:v12+s1+$0x0], $0xffff;
	v10 =	vmul.f32 v16, v11;
	v11 =	vmul.f32 v3, v4  }
.Ltmp17:
0x496: {  	v1 =	vmul.f32 v1, v6;
	v4 =	vld.idx.msk [tilespmem:v15+s1+$0x0], $0xffff;
	v12 =	vmul.f32 v7, v13;
	(pc) =	sbr.rel @p1 .LBB2_32-.Ltmp17, $4  }
0x497: {  	v3 =	vld [tilespmem:s15+$0xFFFFFFE0];
	v6 =	vmul.f32 $5.291771890e-01, v9;
	v9 =	vmul.f32 v11, v5  }
0x498: {  	v5 =	vld [tilespmem:s15+$0xFFFFFFF0];
	v11 =	vmul.f32 $5.291771890e-01, v18  }
0x499: {  	v7 =	vmul.f32 v10, v6;
	[tilespmem:v14+s8+$0x0] =	vst.idx.add.f32.msk $0xffff, v9  }
0x49a: {  	s17 =	sadd.s32 $0x40, s17;
	v6 =	vmul.f32 v1, v8;
	v8 =	vmul.f32 v12, v11;
	v1 =	vld [tilespmem:s15+$0x0]  }
0x49b: {  	_ =	sdelay $0x4  }
0x49c: {  	v2 =	vmul.f32 v7, v2  }
0x49d: {  	v4 =	vmul.f32 v8, v4;
	[tilespmem:v3+s8+$0x0] =	vst.idx.add.f32.msk $0xffff, v6  }
0x49e: {  	[tilespmem:v5+s8+$0x0] =	vst.idx.add.f32.msk $0xffff, v2  }
0x49f: {  	[tilespmem:v1+s8+$0x0] =	vst.idx.add.f32.msk $0xffff, v4  }
0x4a0: {  	_ =	swait.ge [sflag:s3], $0xA00  }
0x4a1: {  	[sflag:s3] =	ssyncset.done $0x0  }
0x4a2: {  	[sflag:s3] =	ssyncadd.s32 $0xFFFFF600  }
0x4a3: {  	_ =	swait.ge [sflag:s3], $0xA00  }
0x4a4: {  	[sflag:s3] =	ssyncset.done $0x0  }
0x4a5: {  	[sflag:s3] =	ssyncadd.s32 $0xFFFFF600  }
0x4a6: {  	_ =	swait.ge [sflag:s3], $0xA00  }
0x4a7: {  	[sflag:s3] =	ssyncset.done $0x0  }
0x4a8: {  	[sflag:s3] =	ssyncadd.s32 $0xFFFFF600  }
0x4a9: {  	_ =	swait.ge [sflag:s3], $0xA00  }
0x4aa: {  	s13 =	sld [smem:$0x7F2]  }
0x4ab: {  	[sflag:s3] =	ssyncset.done $0x0  }
0x4ac: {  	s14 =	sld [smem:$0x7F3];
	[sflag:s3] =	ssyncadd.s32 $0xFFFFF600  }
0x4ad: {  	[tilespmem:s4], [sflag:$0x3] =	stream.linear.gather [hbm4b:s13+s1], $0xA00, $0x38;
	[tilespmem:$0x1FF50] =	vst v63  }
0x4ae: {  	s15 =	sld [smem:$0x7F4]  }
0x4af: {  	[tilespmem:s5], [sflag:$0x3] =	stream.linear.gather [hbm4b:s14+s1], $0xA00, $0x38;
	[tilespmem:$0x1FF50] =	vst v63  }
0x4b0: {  	s16 =	sld [smem:$0x7F5]  }
0x4b1: {  	[tilespmem:s6], [sflag:$0x3] =	stream.linear.gather [hbm4b:s15+s1], $0xA00, $0x38;
	[tilespmem:$0x1FF50] =	vst v63  }
0x4b2: {  	s17 =	simm.s32 $0x19B70  }
0x4b3: {  	[tilespmem:s7], [sflag:$0x3] =	stream.linear.gather [hbm4b:s16+s1], $0xA00, $0x38;
	[tilespmem:$0x1FF50] =	vst v63  }
0x4b4: {  	v1 =	vld [tilespmem:s17+$0x10]  }
0x4b5: {  	v2 =	vld [tilespmem:s17+$0xFFFFFFE0];
	_ =	sdelay $0x1  }
0x4b6: {  	v3 =	vld [tilespmem:s17+$0xFFFFFFF0];
	_ =	sdelay $0x1  }
0x4b7: {  	v4 =	vld [tilespmem:s17+$0x0];
	v5 =	vsub.s32 $0x7EF311C3, v1  }
0x4b8: {  	s13 =	simm.s32 $0x19170;
	v6 =	vsub.s32 $0x7EF311C3, v2;
	v8 =	vmul.f32 v5, v1  }
0x4b9: {  	v7 =	vld [tilespmem:s13+$0x10];
	v9 =	vmul.f32 v6, v2  }
0x4ba: {  	v11 =	vld [tilespmem:s13+$0xFFFFFFF0];
	v10 =	vsub.s32 $0x7EF311C3, v3;
	v8 =	vsub.f32 $2.000000000e+00, v8  }
0x4bb: {  	v14 =	vld [tilespmem:s13+$0xFFFFFFE0];
	v12 =	vmul.f32 v10, v3;
	v9 =	vsub.f32 $2.000000000e+00, v9  }
0x4bc: {  	s14 =	simm.s32 $0x1A570;
	v16 =	vld [tilespmem:s13+$0x0];
	v13 =	vsub.s32 $0x7EF311C3, v4;
	v5 =	vmul.f32 v5, v8  }
0x4bd: {  	v15 =	vmul.f32 v13, v4;
	v12 =	vsub.f32 $2.000000000e+00, v12;
	v6 =	vmul.f32 v6, v9;
	v9 =	vld [tilespmem:s14+$0x10]  }
0x4be: {  	s15 =	simm.s32 $0x18770;
	v61 =	vld [tilespmem:s14+$0xFFFFFFE0];
	v1 =	vmul.f32 v5, v1  }
0x4bf: {  	v62 =	vld [tilespmem:s15+$0x10];
	v8 =	vsub.f32 $2.000000000e+00, v15;
	v10 =	vmul.f32 v10, v12  }
0x4c0: {  	v63 =	vld [tilespmem:s14+$0xFFFFFFF0];
	v2 =	vmul.f32 v6, v2;
	v1 =	vsub.f32 $2.000000000e+00, v1  }
0x4c1: {  	v7 =	vld.idx.msk [tilespmem:v7+s1+$0x0], $0xffff;
	v8 =	vmul.f32 v13, v8;
	v3 =	vmul.f32 v10, v3  }
0x4c2: {  	v17 =	vld [tilespmem:s14+$0x0];
	v2 =	vsub.f32 $2.000000000e+00, v2;
	v9 =	vmul.f32 $5.291771890e-01, v9;
	v1 =	vmul.f32 v1, v5  }
0x4c3: {  	v14 =	vld.idx.msk [tilespmem:v14+s1+$0x0], $0xffff;
	v4 =	vmul.f32 v8, v4;
	v3 =	vsub.f32 $2.000000000e+00, v3;
	v5 =	vmul.f32 $5.291771890e-01, v61  }
0x4c4: {  	v6 =	vmul.f32 v2, v6;
	v2 =	vld.idx.msk [tilespmem:v11+s1+$0x0], $0xffff;
	v1 =	vmul.f32 v1, v9  }
0x4c5: {  	v10 =	vmul.f32 v3, v10;
	v3 =	vld [tilespmem:s15+$0xFFFFFFE0];
	v11 =	vmul.f32 $5.291771890e-01, v63;
	v9 =	vsub.f32 $2.000000000e+00, v4  }
0x4c6: {  	v6 =	vmul.f32 v6, v5;
	v4 =	vld.idx.msk [tilespmem:v16+s1+$0x0], $0xffff;
	v1 =	vmul.f32 v1, v7  }
0x4c7: {  	v5 =	vld [tilespmem:s15+$0xFFFFFFF0];
	v8 =	vmul.f32 v9, v8;
	v9 =	vmul.f32 $5.291771890e-01, v17  }
0x4c8: {  	v7 =	vmul.f32 v10, v11;
	[tilespmem:v62+s8+$0x0] =	vst.idx.add.f32.msk $0xffff, v1  }
0x4c9: {  	s16 =	simm.s32 $0x0;
	s17 =	simm.s32 $0x19BB0;
	v6 =	vmul.f32 v6, v14;
	v8 =	vmul.f32 v8, v9;
	v1 =	vld [tilespmem:s15+$0x0]  }
.LBB2_34:
0x4ca: {  	v9 =	vld [tilespmem:s17+$0x10];
	s16 =	sadd.s32 $0x4, s16;
	v2 =	vmul.f32 v7, v2  }
0x4cb: {  	v7 =	vld [tilespmem:s17+$0xFFFFFFE0];
	p1 =	slt.u32 s16, $0x9C;
	v4 =	vmul.f32 v8, v4  }
0x4cc: {  	v8 =	vld [tilespmem:s17+$0xFFFFFFF0]  }
0x4cd: {  	v10 =	vld [tilespmem:s17+$0x0]  }
0x4ce: {  	[tilespmem:v3+s8+$0x0] =	vst.idx.add.f32.msk $0xffff, v6  }
0x4cf: {  	s13 =	sadd.s32 $0x40, s13;
	v3 =	vsub.s32 $0x7EF311C3, v9;
	[tilespmem:v5+s8+$0x0] =	vst.idx.add.f32.msk $0xffff, v2  }
0x4d0: {  	v2 =	vsub.s32 $0x7EF311C3, v7;
	v5 =	vld [tilespmem:s13+$0x10];
	v6 =	vmul.f32 v3, v9  }
0x4d1: {  	v11 =	vmul.f32 v2, v7;
	v12 =	vld [tilespmem:s13+$0xFFFFFFF0];
	v13 =	vsub.s32 $0x7EF311C3, v8  }
0x4d2: {  	v14 =	vmul.f32 v13, v8;
	v15 =	vld [tilespmem:s13+$0x0];
	v16 =	vsub.s32 $0x7EF311C3, v10;
	v6 =	vsub.f32 $2.000000000e+00, v6  }
0x4d3: {  	v17 =	vld [tilespmem:s13+$0xFFFFFFE0];
	v11 =	vsub.f32 $2.000000000e+00, v11;
	v18 =	vmul.f32 v16, v10  }
0x4d4: {  	s14 =	sadd.s32 $0x40, s14;
	v14 =	vsub.f32 $2.000000000e+00, v14;
	v3 =	vmul.f32 v3, v6;
	[tilespmem:v1+s8+$0x0] =	vst.idx.add.f32.msk $0xffff, v4  }
0x4d5: {  	v1 =	vmul.f32 v2, v11;
	v2 =	vsub.f32 $2.000000000e+00, v18;
	v4 =	vld [tilespmem:s14+$0x10]  }
0x4d6: {  	s15 =	sadd.s32 $0x40, s15;
	v6 =	vld [tilespmem:s14+$0xFFFFFFE0];
	v11 =	vmul.f32 v13, v14;
	v9 =	vmul.f32 v3, v9  }
0x4d7: {  	v7 =	vmul.f32 v1, v7;
	v13 =	vmul.f32 v16, v2;
	v14 =	vld [tilespmem:s15+$0x10]  }
0x4d8: {  	v2 =	vmul.f32 v11, v8;
	v5 =	vld.idx.msk [tilespmem:v5+s1+$0x0], $0xffff;
	v8 =	vsub.f32 $2.000000000e+00, v9  }
0x4d9: {  	v7 =	vsub.f32 $2.000000000e+00, v7;
	v9 =	vld [tilespmem:s14+$0xFFFFFFF0];
	v10 =	vmul.f32 v13, v10  }
0x4da: {  	v16 =	vsub.f32 $2.000000000e+00, v2;
	v18 =	vld [tilespmem:s14+$0x0];
	v4 =	vmul.f32 $5.291771890e-01, v4;
	v3 =	vmul.f32 v8, v3  }
0x4db: {  	v8 =	vld.idx.msk [tilespmem:v17+s1+$0x0], $0xffff;
	v6 =	vmul.f32 $5.291771890e-01, v6;
	v1 =	vmul.f32 v7, v1;
	v7 =	vsub.f32 $2.000000000e+00, v10  }
0x4dc: {  	v2 =	vld.idx.msk [tilespmem:v12+s1+$0x0], $0xffff;
	v10 =	vmul.f32 v16, v11;
	v11 =	vmul.f32 v3, v4  }
.Ltmp18:
0x4dd: {  	v1 =	vmul.f32 v1, v6;
	v4 =	vld.idx.msk [tilespmem:v15+s1+$0x0], $0xffff;
	v12 =	vmul.f32 v7, v13;
	(pc) =	sbr.rel @p1 .LBB2_34-.Ltmp18, $4  }
0x4de: {  	v3 =	vld [tilespmem:s15+$0xFFFFFFE0];
	v6 =	vmul.f32 $5.291771890e-01, v9;
	v9 =	vmul.f32 v11, v5  }
0x4df: {  	v5 =	vld [tilespmem:s15+$0xFFFFFFF0];
	v11 =	vmul.f32 $5.291771890e-01, v18  }
0x4e0: {  	v7 =	vmul.f32 v10, v6;
	[tilespmem:v14+s8+$0x0] =	vst.idx.add.f32.msk $0xffff, v9  }
0x4e1: {  	s17 =	sadd.s32 $0x40, s17;
	v6 =	vmul.f32 v1, v8;
	v8 =	vmul.f32 v12, v11;
	v1 =	vld [tilespmem:s15+$0x0]  }
0x4e2: {  	_ =	sdelay $0x4  }
0x4e3: {  	v2 =	vmul.f32 v7, v2  }
0x4e4: {  	v4 =	vmul.f32 v8, v4;
	[tilespmem:v3+s8+$0x0] =	vst.idx.add.f32.msk $0xffff, v6  }
0x4e5: {  	[tilespmem:v5+s8+$0x0] =	vst.idx.add.f32.msk $0xffff, v2  }
0x4e6: {  	[tilespmem:v1+s8+$0x0] =	vst.idx.add.f32.msk $0xffff, v4  }
0x4e7: {  	_ =	swait.ge [sflag:s9], $0xA00  }
0x4e8: {  	[sflag:s9] =	ssyncset.done $0x0  }
0x4e9: {  	[sflag:s9] =	ssyncadd.s32 $0xFFFFF600  }
0x4ea: {  	_ =	swait.ge [sflag:s9], $0xA00  }
0x4eb: {  	[sflag:s9] =	ssyncset.done $0x0  }
0x4ec: {  	[sflag:s9] =	ssyncadd.s32 $0xFFFFF600  }
0x4ed: {  	_ =	swait.ge [sflag:s9], $0xA00  }
0x4ee: {  	[sflag:s9] =	ssyncset.done $0x0  }
0x4ef: {  	[sflag:s9] =	ssyncadd.s32 $0xFFFFF600  }
0x4f0: {  	_ =	swait.ge [sflag:s9], $0xA00  }
0x4f1: {  	s13 =	sld [smem:$0x7F6]  }
0x4f2: {  	[sflag:s9] =	ssyncset.done $0x0  }
0x4f3: {  	s14 =	sld [smem:$0x7F7];
	[sflag:s9] =	ssyncadd.s32 $0xFFFFF600  }
0x4f4: {  	[tilespmem:s24], [sflag:$0x1] =	stream.linear.gather [hbm4b:s13+s1], $0xA00, $0x38;
	[tilespmem:$0x1FF50] =	vst v63  }
0x4f5: {  	s15 =	sld [smem:$0x7F8]  }
0x4f6: {  	[tilespmem:s25], [sflag:$0x1] =	stream.linear.gather [hbm4b:s14+s1], $0xA00, $0x38;
	[tilespmem:$0x1FF50] =	vst v63  }
0x4f7: {  	s16 =	sld [smem:$0x7F9]  }
0x4f8: {  	[tilespmem:s26], [sflag:$0x1] =	stream.linear.gather [hbm4b:s15+s1], $0xA00, $0x38;
	[tilespmem:$0x1FF50] =	vst v63  }
0x4f9: {  	s17 =	simm.s32 $0x1C370  }
0x4fa: {  	[tilespmem:s28], [sflag:$0x1] =	stream.linear.gather [hbm4b:s16+s1], $0xA00, $0x38;
	[tilespmem:$0x1FF50] =	vst v63  }
0x4fb: {  	v1 =	vld [tilespmem:s17+$0x10]  }
0x4fc: {  	v2 =	vld [tilespmem:s17+$0xFFFFFFE0];
	_ =	sdelay $0x1  }
0x4fd: {  	v3 =	vld [tilespmem:s17+$0xFFFFFFF0];
	_ =	sdelay $0x1  }
0x4fe: {  	v4 =	vld [tilespmem:s17+$0x0];
	v5 =	vsub.s32 $0x7EF311C3, v1  }
0x4ff: {  	s13 =	simm.s32 $0x1B970;
	v6 =	vsub.s32 $0x7EF311C3, v2;
	v8 =	vmul.f32 v5, v1  }
0x500: {  	v7 =	vld [tilespmem:s13+$0x10];
	v9 =	vmul.f32 v6, v2  }
0x501: {  	v11 =	vld [tilespmem:s13+$0xFFFFFFF0];
	v10 =	vsub.s32 $0x7EF311C3, v3;
	v8 =	vsub.f32 $2.000000000e+00, v8  }
0x502: {  	v14 =	vld [tilespmem:s13+$0xFFFFFFE0];
	v12 =	vmul.f32 v10, v3;
	v9 =	vsub.f32 $2.000000000e+00, v9  }
0x503: {  	s14 =	simm.s32 $0x1CD70;
	v16 =	vld [tilespmem:s13+$0x0];
	v13 =	vsub.s32 $0x7EF311C3, v4;
	v5 =	vmul.f32 v5, v8  }
0x504: {  	v15 =	vmul.f32 v13, v4;
	v12 =	vsub.f32 $2.000000000e+00, v12;
	v6 =	vmul.f32 v6, v9;
	v9 =	vld [tilespmem:s14+$0x10]  }
0x505: {  	s15 =	simm.s32 $0x1AF70;
	v61 =	vld [tilespmem:s14+$0xFFFFFFE0];
	v1 =	vmul.f32 v5, v1  }
0x506: {  	v62 =	vld [tilespmem:s15+$0x10];
	v8 =	vsub.f32 $2.000000000e+00, v15;
	v10 =	vmul.f32 v10, v12  }
0x507: {  	v63 =	vld [tilespmem:s14+$0xFFFFFFF0];
	v2 =	vmul.f32 v6, v2;
	v1 =	vsub.f32 $2.000000000e+00, v1  }
0x508: {  	v7 =	vld.idx.msk [tilespmem:v7+s1+$0x0], $0xffff;
	v8 =	vmul.f32 v13, v8;
	v3 =	vmul.f32 v10, v3  }
0x509: {  	v17 =	vld [tilespmem:s14+$0x0];
	v2 =	vsub.f32 $2.000000000e+00, v2;
	v9 =	vmul.f32 $5.291771890e-01, v9;
	v1 =	vmul.f32 v1, v5  }
0x50a: {  	v14 =	vld.idx.msk [tilespmem:v14+s1+$0x0], $0xffff;
	v4 =	vmul.f32 v8, v4;
	v3 =	vsub.f32 $2.000000000e+00, v3;
	v5 =	vmul.f32 $5.291771890e-01, v61  }
0x50b: {  	v6 =	vmul.f32 v2, v6;
	v2 =	vld.idx.msk [tilespmem:v11+s1+$0x0], $0xffff;
	v1 =	vmul.f32 v1, v9  }
0x50c: {  	v10 =	vmul.f32 v3, v10;
	v3 =	vld [tilespmem:s15+$0xFFFFFFE0];
	v11 =	vmul.f32 $5.291771890e-01, v63;
	v9 =	vsub.f32 $2.000000000e+00, v4  }
0x50d: {  	v6 =	vmul.f32 v6, v5;
	v4 =	vld.idx.msk [tilespmem:v16+s1+$0x0], $0xffff;
	v1 =	vmul.f32 v1, v7  }
0x50e: {  	v5 =	vld [tilespmem:s15+$0xFFFFFFF0];
	v8 =	vmul.f32 v9, v8;
	v9 =	vmul.f32 $5.291771890e-01, v17  }
0x50f: {  	v7 =	vmul.f32 v10, v11;
	[tilespmem:v62+s8+$0x0] =	vst.idx.add.f32.msk $0xffff, v1  }
0x510: {  	s16 =	simm.s32 $0x0;
	s17 =	simm.s32 $0x1C3B0;
	v6 =	vmul.f32 v6, v14;
	v8 =	vmul.f32 v8, v9;
	v1 =	vld [tilespmem:s15+$0x0]  }
.LBB2_36:
0x511: {  	v9 =	vld [tilespmem:s17+$0x10];
	s16 =	sadd.s32 $0x4, s16;
	v2 =	vmul.f32 v7, v2  }
0x512: {  	v7 =	vld [tilespmem:s17+$0xFFFFFFE0];
	p1 =	slt.u32 s16, $0x9C;
	v4 =	vmul.f32 v8, v4  }
0x513: {  	v8 =	vld [tilespmem:s17+$0xFFFFFFF0]  }
0x514: {  	v10 =	vld [tilespmem:s17+$0x0]  }
0x515: {  	[tilespmem:v3+s8+$0x0] =	vst.idx.add.f32.msk $0xffff, v6  }
0x516: {  	s13 =	sadd.s32 $0x40, s13;
	v3 =	vsub.s32 $0x7EF311C3, v9;
	[tilespmem:v5+s8+$0x0] =	vst.idx.add.f32.msk $0xffff, v2  }
0x517: {  	v2 =	vsub.s32 $0x7EF311C3, v7;
	v5 =	vld [tilespmem:s13+$0x10];
	v6 =	vmul.f32 v3, v9  }
0x518: {  	v11 =	vmul.f32 v2, v7;
	v12 =	vld [tilespmem:s13+$0xFFFFFFF0];
	v13 =	vsub.s32 $0x7EF311C3, v8  }
0x519: {  	v14 =	vmul.f32 v13, v8;
	v15 =	vld [tilespmem:s13+$0x0];
	v16 =	vsub.s32 $0x7EF311C3, v10;
	v6 =	vsub.f32 $2.000000000e+00, v6  }
0x51a: {  	v17 =	vld [tilespmem:s13+$0xFFFFFFE0];
	v11 =	vsub.f32 $2.000000000e+00, v11;
	v18 =	vmul.f32 v16, v10  }
0x51b: {  	s14 =	sadd.s32 $0x40, s14;
	v14 =	vsub.f32 $2.000000000e+00, v14;
	v3 =	vmul.f32 v3, v6;
	[tilespmem:v1+s8+$0x0] =	vst.idx.add.f32.msk $0xffff, v4  }
0x51c: {  	v1 =	vmul.f32 v2, v11;
	v2 =	vsub.f32 $2.000000000e+00, v18;
	v4 =	vld [tilespmem:s14+$0x10]  }
0x51d: {  	s15 =	sadd.s32 $0x40, s15;
	v6 =	vld [tilespmem:s14+$0xFFFFFFE0];
	v11 =	vmul.f32 v13, v14;
	v9 =	vmul.f32 v3, v9  }
0x51e: {  	v7 =	vmul.f32 v1, v7;
	v13 =	vmul.f32 v16, v2;
	v14 =	vld [tilespmem:s15+$0x10]  }
0x51f: {  	v2 =	vmul.f32 v11, v8;
	v5 =	vld.idx.msk [tilespmem:v5+s1+$0x0], $0xffff;
	v8 =	vsub.f32 $2.000000000e+00, v9  }
0x520: {  	v7 =	vsub.f32 $2.000000000e+00, v7;
	v9 =	vld [tilespmem:s14+$0xFFFFFFF0];
	v10 =	vmul.f32 v13, v10  }
0x521: {  	v16 =	vsub.f32 $2.000000000e+00, v2;
	v18 =	vld [tilespmem:s14+$0x0];
	v4 =	vmul.f32 $5.291771890e-01, v4;
	v3 =	vmul.f32 v8, v3  }
0x522: {  	v8 =	vld.idx.msk [tilespmem:v17+s1+$0x0], $0xffff;
	v6 =	vmul.f32 $5.291771890e-01, v6;
	v1 =	vmul.f32 v7, v1;
	v7 =	vsub.f32 $2.000000000e+00, v10  }
0x523: {  	v2 =	vld.idx.msk [tilespmem:v12+s1+$0x0], $0xffff;
	v10 =	vmul.f32 v16, v11;
	v11 =	vmul.f32 v3, v4  }
.Ltmp19:
0x524: {  	v1 =	vmul.f32 v1, v6;
	v4 =	vld.idx.msk [tilespmem:v15+s1+$0x0], $0xffff;
	v12 =	vmul.f32 v7, v13;
	(pc) =	sbr.rel @p1 .LBB2_36-.Ltmp19, $4  }
0x525: {  	v3 =	vld [tilespmem:s15+$0xFFFFFFE0];
	v6 =	vmul.f32 $5.291771890e-01, v9;
	v9 =	vmul.f32 v11, v5  }
0x526: {  	v5 =	vld [tilespmem:s15+$0xFFFFFFF0];
	v11 =	vmul.f32 $5.291771890e-01, v18  }
0x527: {  	v7 =	vmul.f32 v10, v6;
	[tilespmem:v14+s8+$0x0] =	vst.idx.add.f32.msk $0xffff, v9  }
0x528: {  	s17 =	sadd.s32 $0x40, s17;
	v6 =	vmul.f32 v1, v8;
	v8 =	vmul.f32 v12, v11;
	v1 =	vld [tilespmem:s15+$0x0]  }
0x529: {  	_ =	sdelay $0x4  }
0x52a: {  	v2 =	vmul.f32 v7, v2  }
0x52b: {  	v4 =	vmul.f32 v8, v4;
	[tilespmem:v3+s8+$0x0] =	vst.idx.add.f32.msk $0xffff, v6  }
0x52c: {  	[tilespmem:v5+s8+$0x0] =	vst.idx.add.f32.msk $0xffff, v2  }
0x52d: {  	[tilespmem:v1+s8+$0x0] =	vst.idx.add.f32.msk $0xffff, v4  }
0x52e: {  	_ =	swait.ge [sflag:s10], $0xA00  }
0x52f: {  	[sflag:s10] =	ssyncset.done $0x0  }
0x530: {  	[sflag:s10] =	ssyncadd.s32 $0xFFFFF600  }
0x531: {  	_ =	swait.ge [sflag:s10], $0xA00  }
0x532: {  	[sflag:s10] =	ssyncset.done $0x0  }
0x533: {  	[sflag:s10] =	ssyncadd.s32 $0xFFFFF600  }
0x534: {  	_ =	swait.ge [sflag:s10], $0xA00  }
0x535: {  	[sflag:s10] =	ssyncset.done $0x0  }
0x536: {  	[sflag:s10] =	ssyncadd.s32 $0xFFFFF600  }
0x537: {  	_ =	swait.ge [sflag:s10], $0xA00  }
0x538: {  	[sflag:s10] =	ssyncset.done $0x0  }
0x539: {  	[sflag:s10] =	ssyncadd.s32 $0xFFFFF600  }
0x53a: {  	[tilespmem:s29], [sflag:$0x2] =	stream.linear.gather [hbm4b:s18+s1], $0x500, $0x38;
	[tilespmem:$0x1FF50] =	vst v63  }
0x53b: {  	_ = 	snop  }
0x53c: {  	[tilespmem:s30], [sflag:$0x2] =	stream.linear.gather [hbm4b:s19+s1], $0x500, $0x38;
	[tilespmem:$0x1FF50] =	vst v63  }
0x53d: {  	_ = 	snop  }
0x53e: {  	[tilespmem:s31], [sflag:$0x2] =	stream.linear.gather [hbm4b:s20+s1], $0x500, $0x38;
	[tilespmem:$0x1FF50] =	vst v63  }
0x53f: {  	s13 =	simm.s32 $0x1EB70  }
0x540: {  	[tilespmem:s0], [sflag:$0x2] =	stream.linear.gather [hbm4b:s21+s1], $0x500, $0x38;
	[tilespmem:$0x1FF50] =	vst v63  }
0x541: {  	v1 =	vld [tilespmem:s13+$0x10]  }
0x542: {  	v2 =	vld [tilespmem:s13+$0xFFFFFFE0];
	_ =	sdelay $0x1  }
0x543: {  	v3 =	vld [tilespmem:s13+$0xFFFFFFF0];
	_ =	sdelay $0x1  }
0x544: {  	v4 =	vld [tilespmem:s13+$0x0];
	v5 =	vsub.s32 $0x7EF311C3, v1  }
0x545: {  	s13 =	simm.s32 $0x1E170;
	v6 =	vsub.s32 $0x7EF311C3, v2;
	v8 =	vmul.f32 v5, v1  }
0x546: {  	s14 =	simm.s32 $0x1F570;
	v7 =	vld [tilespmem:s13+$0x10];
	v9 =	vmul.f32 v6, v2  }
0x547: {  	v61 =	vld [tilespmem:s14+$0xFFFFFFE0];
	v10 =	vsub.s32 $0x7EF311C3, v3;
	v8 =	vsub.f32 $2.000000000e+00, v8  }
0x548: {  	v14 =	vld [tilespmem:s13+$0xFFFFFFE0];
	v12 =	vmul.f32 v10, v3;
	v9 =	vsub.f32 $2.000000000e+00, v9  }
0x549: {  	v11 =	vld [tilespmem:s13+$0xFFFFFFF0];
	v13 =	vsub.s32 $0x7EF311C3, v4;
	v5 =	vmul.f32 v5, v8  }
0x54a: {  	v15 =	vmul.f32 v13, v4;
	v12 =	vsub.f32 $2.000000000e+00, v12;
	v6 =	vmul.f32 v6, v9;
	v9 =	vld [tilespmem:s14+$0x10]  }
0x54b: {  	s15 =	simm.s32 $0x1D770;
	v16 =	vld [tilespmem:s13+$0x0];
	v1 =	vmul.f32 v5, v1  }
0x54c: {  	v62 =	vld [tilespmem:s15+$0x10];
	v8 =	vsub.f32 $2.000000000e+00, v15;
	v10 =	vmul.f32 v10, v12  }
0x54d: {  	v63 =	vld [tilespmem:s14+$0xFFFFFFF0];
	v2 =	vmul.f32 v6, v2;
	v1 =	vsub.f32 $2.000000000e+00, v1  }
0x54e: {  	v7 =	vld.idx.msk [tilespmem:v7+s1+$0x0], $0xffff;
	v8 =	vmul.f32 v13, v8;
	v3 =	vmul.f32 v10, v3  }
0x54f: {  	v17 =	vld [tilespmem:s14+$0x0];
	v2 =	vsub.f32 $2.000000000e+00, v2;
	v9 =	vmul.f32 $5.291771890e-01, v9;
	v1 =	vmul.f32 v1, v5  }
0x550: {  	v14 =	vld.idx.msk [tilespmem:v14+s1+$0x0], $0xffff;
	v4 =	vmul.f32 v8, v4;
	v3 =	vsub.f32 $2.000000000e+00, v3;
	v5 =	vmul.f32 $5.291771890e-01, v61  }
0x551: {  	v6 =	vmul.f32 v2, v6;
	v2 =	vld.idx.msk [tilespmem:v11+s1+$0x0], $0xffff;
	v1 =	vmul.f32 v1, v9  }
0x552: {  	v10 =	vmul.f32 v3, v10;
	v3 =	vld [tilespmem:s15+$0xFFFFFFE0];
	v11 =	vmul.f32 $5.291771890e-01, v63;
	v9 =	vsub.f32 $2.000000000e+00, v4  }
0x553: {  	v6 =	vmul.f32 v6, v5;
	v4 =	vld.idx.msk [tilespmem:v16+s1+$0x0], $0xffff;
	v1 =	vmul.f32 v1, v7  }
0x554: {  	v5 =	vld [tilespmem:s15+$0xFFFFFFF0];
	v8 =	vmul.f32 v9, v8;
	v9 =	vmul.f32 $5.291771890e-01, v17  }
0x555: {  	v7 =	vmul.f32 v10, v11;
	[tilespmem:v62+s8+$0x0] =	vst.idx.add.f32.msk $0xffff, v1  }
0x556: {  	s16 =	simm.s32 $0x0;
	s17 =	simm.s32 $0x1EBB0;
	v6 =	vmul.f32 v6, v14;
	v8 =	vmul.f32 v8, v9;
	v1 =	vld [tilespmem:s15+$0x0]  }
.LBB2_38:
0x557: {  	v9 =	vld [tilespmem:s17+$0x10];
	s16 =	sadd.s32 $0x4, s16;
	v2 =	vmul.f32 v7, v2  }
0x558: {  	v7 =	vld [tilespmem:s17+$0xFFFFFFE0];
	p1 =	slt.u32 s16, $0x9C;
	v4 =	vmul.f32 v8, v4  }
0x559: {  	v8 =	vld [tilespmem:s17+$0xFFFFFFF0]  }
0x55a: {  	v10 =	vld [tilespmem:s17+$0x0]  }
0x55b: {  	[tilespmem:v3+s8+$0x0] =	vst.idx.add.f32.msk $0xffff, v6  }
0x55c: {  	s13 =	sadd.s32 $0x40, s13;
	v3 =	vsub.s32 $0x7EF311C3, v9;
	[tilespmem:v5+s8+$0x0] =	vst.idx.add.f32.msk $0xffff, v2  }
0x55d: {  	v2 =	vsub.s32 $0x7EF311C3, v7;
	v5 =	vld [tilespmem:s13+$0x10];
	v6 =	vmul.f32 v3, v9  }
0x55e: {  	v11 =	vmul.f32 v2, v7;
	v12 =	vld [tilespmem:s13+$0xFFFFFFF0];
	v13 =	vsub.s32 $0x7EF311C3, v8  }
0x55f: {  	v14 =	vmul.f32 v13, v8;
	v15 =	vld [tilespmem:s13+$0x0];
	v16 =	vsub.s32 $0x7EF311C3, v10;
	v6 =	vsub.f32 $2.000000000e+00, v6  }
0x560: {  	v17 =	vld [tilespmem:s13+$0xFFFFFFE0];
	v11 =	vsub.f32 $2.000000000e+00, v11;
	v18 =	vmul.f32 v16, v10  }
0x561: {  	s14 =	sadd.s32 $0x40, s14;
	v14 =	vsub.f32 $2.000000000e+00, v14;
	v3 =	vmul.f32 v3, v6;
	[tilespmem:v1+s8+$0x0] =	vst.idx.add.f32.msk $0xffff, v4  }
0x562: {  	v1 =	vmul.f32 v2, v11;
	v2 =	vsub.f32 $2.000000000e+00, v18;
	v4 =	vld [tilespmem:s14+$0x10]  }
0x563: {  	s15 =	sadd.s32 $0x40, s15;
	v6 =	vld [tilespmem:s14+$0xFFFFFFE0];
	v11 =	vmul.f32 v13, v14;
	v9 =	vmul.f32 v3, v9  }
0x564: {  	v7 =	vmul.f32 v1, v7;
	v13 =	vmul.f32 v16, v2;
	v14 =	vld [tilespmem:s15+$0x10]  }
0x565: {  	v2 =	vmul.f32 v11, v8;
	v5 =	vld.idx.msk [tilespmem:v5+s1+$0x0], $0xffff;
	v8 =	vsub.f32 $2.000000000e+00, v9  }
0x566: {  	v7 =	vsub.f32 $2.000000000e+00, v7;
	v9 =	vld [tilespmem:s14+$0xFFFFFFF0];
	v10 =	vmul.f32 v13, v10  }
0x567: {  	v16 =	vsub.f32 $2.000000000e+00, v2;
	v18 =	vld [tilespmem:s14+$0x0];
	v4 =	vmul.f32 $5.291771890e-01, v4;
	v3 =	vmul.f32 v8, v3  }
0x568: {  	v8 =	vld.idx.msk [tilespmem:v17+s1+$0x0], $0xffff;
	v6 =	vmul.f32 $5.291771890e-01, v6;
	v1 =	vmul.f32 v7, v1;
	v7 =	vsub.f32 $2.000000000e+00, v10  }
0x569: {  	v2 =	vld.idx.msk [tilespmem:v12+s1+$0x0], $0xffff;
	v10 =	vmul.f32 v16, v11;
	v11 =	vmul.f32 v3, v4  }
.Ltmp20:
0x56a: {  	v1 =	vmul.f32 v1, v6;
	v4 =	vld.idx.msk [tilespmem:v15+s1+$0x0], $0xffff;
	v12 =	vmul.f32 v7, v13;
	(pc) =	sbr.rel @p1 .LBB2_38-.Ltmp20, $4  }
0x56b: {  	v3 =	vld [tilespmem:s15+$0xFFFFFFE0];
	v6 =	vmul.f32 $5.291771890e-01, v9;
	v9 =	vmul.f32 v11, v5  }
0x56c: {  	v5 =	vld [tilespmem:s15+$0xFFFFFFF0];
	v11 =	vmul.f32 $5.291771890e-01, v18  }
0x56d: {  	v7 =	vmul.f32 v10, v6;
	[tilespmem:v14+s8+$0x0] =	vst.idx.add.f32.msk $0xffff, v9  }
0x56e: {  	s17 =	sadd.s32 $0x40, s17;
	v6 =	vmul.f32 v1, v8;
	v8 =	vmul.f32 v12, v11;
	v1 =	vld [tilespmem:s15+$0x0]  }
0x56f: {  	_ =	sdelay $0x4  }
0x570: {  	v2 =	vmul.f32 v7, v2  }
0x571: {  	v4 =	vmul.f32 v8, v4;
	[tilespmem:v3+s8+$0x0] =	vst.idx.add.f32.msk $0xffff, v6  }
0x572: {  	[tilespmem:v5+s8+$0x0] =	vst.idx.add.f32.msk $0xffff, v2  }
0x573: {  	[tilespmem:v1+s8+$0x0] =	vst.idx.add.f32.msk $0xffff, v4  }
0x574: {  	_ =	swait.ge [sflag:s3], $0xA00  }
0x575: {  	[sflag:s3] =	ssyncset.done $0x0  }
0x576: {  	[sflag:s3] =	ssyncadd.s32 $0xFFFFF600  }
0x577: {  	_ =	swait.ge [sflag:s3], $0xA00  }
0x578: {  	[sflag:s3] =	ssyncset.done $0x0  }
0x579: {  	[sflag:s3] =	ssyncadd.s32 $0xFFFFF600  }
0x57a: {  	_ =	swait.ge [sflag:s3], $0xA00  }
0x57b: {  	[sflag:s3] =	ssyncset.done $0x0  }
0x57c: {  	[sflag:s3] =	ssyncadd.s32 $0xFFFFF600  }
0x57d: {  	_ =	swait.ge [sflag:s3], $0xA00  }
0x57e: {  	[sflag:s3] =	ssyncset.done $0x0  }
0x57f: {  	s13 =	simm.s32 $0x19B70;
	[sflag:s3] =	ssyncadd.s32 $0xFFFFF600  }
0x580: {  	v1 =	vld [tilespmem:s13+$0x10]  }
0x581: {  	v2 =	vld [tilespmem:s13+$0xFFFFFFE0];
	_ =	sdelay $0x1  }
0x582: {  	v3 =	vld [tilespmem:s13+$0xFFFFFFF0];
	_ =	sdelay $0x1  }
0x583: {  	v4 =	vld [tilespmem:s13+$0x0];
	v5 =	vsub.s32 $0x7EF311C3, v1  }
0x584: {  	s13 =	simm.s32 $0x19170;
	v6 =	vsub.s32 $0x7EF311C3, v2;
	v8 =	vmul.f32 v5, v1  }
0x585: {  	s14 =	simm.s32 $0x1A570;
	v7 =	vld [tilespmem:s13+$0x10];
	v9 =	vmul.f32 v6, v2  }
0x586: {  	v61 =	vld [tilespmem:s14+$0xFFFFFFE0];
	v10 =	vsub.s32 $0x7EF311C3, v3;
	v8 =	vsub.f32 $2.000000000e+00, v8  }
0x587: {  	v14 =	vld [tilespmem:s13+$0xFFFFFFE0];
	v12 =	vmul.f32 v10, v3;
	v9 =	vsub.f32 $2.000000000e+00, v9  }
0x588: {  	v11 =	vld [tilespmem:s13+$0xFFFFFFF0];
	v13 =	vsub.s32 $0x7EF311C3, v4;
	v5 =	vmul.f32 v5, v8  }
0x589: {  	v15 =	vmul.f32 v13, v4;
	v12 =	vsub.f32 $2.000000000e+00, v12;
	v6 =	vmul.f32 v6, v9;
	v9 =	vld [tilespmem:s14+$0x10]  }
0x58a: {  	s15 =	simm.s32 $0x18770;
	v16 =	vld [tilespmem:s13+$0x0];
	v1 =	vmul.f32 v5, v1  }
0x58b: {  	v62 =	vld [tilespmem:s15+$0x10];
	v8 =	vsub.f32 $2.000000000e+00, v15;
	v10 =	vmul.f32 v10, v12  }
0x58c: {  	v63 =	vld [tilespmem:s14+$0xFFFFFFF0];
	v2 =	vmul.f32 v6, v2;
	v1 =	vsub.f32 $2.000000000e+00, v1  }
0x58d: {  	v7 =	vld.idx.msk [tilespmem:v7+s1+$0x0], $0xffff;
	v8 =	vmul.f32 v13, v8;
	v3 =	vmul.f32 v10, v3  }
0x58e: {  	v17 =	vld [tilespmem:s14+$0x0];
	v2 =	vsub.f32 $2.000000000e+00, v2;
	v9 =	vmul.f32 $5.291771890e-01, v9;
	v1 =	vmul.f32 v1, v5  }
0x58f: {  	v14 =	vld.idx.msk [tilespmem:v14+s1+$0x0], $0xffff;
	v4 =	vmul.f32 v8, v4;
	v3 =	vsub.f32 $2.000000000e+00, v3;
	v5 =	vmul.f32 $5.291771890e-01, v61  }
0x590: {  	v6 =	vmul.f32 v2, v6;
	v2 =	vld.idx.msk [tilespmem:v11+s1+$0x0], $0xffff;
	v1 =	vmul.f32 v1, v9  }
0x591: {  	v10 =	vmul.f32 v3, v10;
	v3 =	vld [tilespmem:s15+$0xFFFFFFE0];
	v11 =	vmul.f32 $5.291771890e-01, v63;
	v9 =	vsub.f32 $2.000000000e+00, v4  }
0x592: {  	v6 =	vmul.f32 v6, v5;
	v4 =	vld.idx.msk [tilespmem:v16+s1+$0x0], $0xffff;
	v1 =	vmul.f32 v1, v7  }
0x593: {  	v5 =	vld [tilespmem:s15+$0xFFFFFFF0];
	v8 =	vmul.f32 v9, v8;
	v9 =	vmul.f32 $5.291771890e-01, v17  }
0x594: {  	v7 =	vmul.f32 v10, v11;
	[tilespmem:v62+s8+$0x0] =	vst.idx.add.f32.msk $0xffff, v1  }
0x595: {  	s16 =	simm.s32 $0x0;
	s17 =	simm.s32 $0x19BB0;
	v6 =	vmul.f32 v6, v14;
	v8 =	vmul.f32 v8, v9;
	v1 =	vld [tilespmem:s15+$0x0]  }
.LBB2_40:
0x596: {  	v9 =	vld [tilespmem:s17+$0x10];
	s16 =	sadd.s32 $0x4, s16;
	v2 =	vmul.f32 v7, v2  }
0x597: {  	v7 =	vld [tilespmem:s17+$0xFFFFFFE0];
	p1 =	slt.u32 s16, $0x9C;
	v4 =	vmul.f32 v8, v4  }
0x598: {  	v8 =	vld [tilespmem:s17+$0xFFFFFFF0]  }
0x599: {  	v10 =	vld [tilespmem:s17+$0x0]  }
0x59a: {  	[tilespmem:v3+s8+$0x0] =	vst.idx.add.f32.msk $0xffff, v6  }
0x59b: {  	s13 =	sadd.s32 $0x40, s13;
	v3 =	vsub.s32 $0x7EF311C3, v9;
	[tilespmem:v5+s8+$0x0] =	vst.idx.add.f32.msk $0xffff, v2  }
0x59c: {  	v2 =	vsub.s32 $0x7EF311C3, v7;
	v5 =	vld [tilespmem:s13+$0x10];
	v6 =	vmul.f32 v3, v9  }
0x59d: {  	v11 =	vmul.f32 v2, v7;
	v12 =	vld [tilespmem:s13+$0xFFFFFFF0];
	v13 =	vsub.s32 $0x7EF311C3, v8  }
0x59e: {  	v14 =	vmul.f32 v13, v8;
	v15 =	vld [tilespmem:s13+$0x0];
	v16 =	vsub.s32 $0x7EF311C3, v10;
	v6 =	vsub.f32 $2.000000000e+00, v6  }
0x59f: {  	v17 =	vld [tilespmem:s13+$0xFFFFFFE0];
	v11 =	vsub.f32 $2.000000000e+00, v11;
	v18 =	vmul.f32 v16, v10  }
0x5a0: {  	s14 =	sadd.s32 $0x40, s14;
	v14 =	vsub.f32 $2.000000000e+00, v14;
	v3 =	vmul.f32 v3, v6;
	[tilespmem:v1+s8+$0x0] =	vst.idx.add.f32.msk $0xffff, v4  }
0x5a1: {  	v1 =	vmul.f32 v2, v11;
	v2 =	vsub.f32 $2.000000000e+00, v18;
	v4 =	vld [tilespmem:s14+$0x10]  }
0x5a2: {  	s15 =	sadd.s32 $0x40, s15;
	v6 =	vld [tilespmem:s14+$0xFFFFFFE0];
	v11 =	vmul.f32 v13, v14;
	v9 =	vmul.f32 v3, v9  }
0x5a3: {  	v7 =	vmul.f32 v1, v7;
	v13 =	vmul.f32 v16, v2;
	v14 =	vld [tilespmem:s15+$0x10]  }
0x5a4: {  	v2 =	vmul.f32 v11, v8;
	v5 =	vld.idx.msk [tilespmem:v5+s1+$0x0], $0xffff;
	v8 =	vsub.f32 $2.000000000e+00, v9  }
0x5a5: {  	v7 =	vsub.f32 $2.000000000e+00, v7;
	v9 =	vld [tilespmem:s14+$0xFFFFFFF0];
	v10 =	vmul.f32 v13, v10  }
0x5a6: {  	v16 =	vsub.f32 $2.000000000e+00, v2;
	v18 =	vld [tilespmem:s14+$0x0];
	v4 =	vmul.f32 $5.291771890e-01, v4;
	v3 =	vmul.f32 v8, v3  }
0x5a7: {  	v8 =	vld.idx.msk [tilespmem:v17+s1+$0x0], $0xffff;
	v6 =	vmul.f32 $5.291771890e-01, v6;
	v1 =	vmul.f32 v7, v1;
	v7 =	vsub.f32 $2.000000000e+00, v10  }
0x5a8: {  	v2 =	vld.idx.msk [tilespmem:v12+s1+$0x0], $0xffff;
	v10 =	vmul.f32 v16, v11;
	v11 =	vmul.f32 v3, v4  }
.Ltmp21:
0x5a9: {  	v1 =	vmul.f32 v1, v6;
	v4 =	vld.idx.msk [tilespmem:v15+s1+$0x0], $0xffff;
	v12 =	vmul.f32 v7, v13;
	(pc) =	sbr.rel @p1 .LBB2_40-.Ltmp21, $4  }
0x5aa: {  	v3 =	vld [tilespmem:s15+$0xFFFFFFE0];
	v6 =	vmul.f32 $5.291771890e-01, v9;
	v9 =	vmul.f32 v11, v5  }
0x5ab: {  	v5 =	vld [tilespmem:s15+$0xFFFFFFF0];
	v11 =	vmul.f32 $5.291771890e-01, v18  }
0x5ac: {  	v7 =	vmul.f32 v10, v6;
	[tilespmem:v14+s8+$0x0] =	vst.idx.add.f32.msk $0xffff, v9  }
0x5ad: {  	s17 =	sadd.s32 $0x40, s17;
	v6 =	vmul.f32 v1, v8;
	v8 =	vmul.f32 v12, v11;
	v1 =	vld [tilespmem:s15+$0x0]  }
0x5ae: {  	_ =	sdelay $0x4  }
0x5af: {  	v2 =	vmul.f32 v7, v2  }
0x5b0: {  	v4 =	vmul.f32 v8, v4;
	[tilespmem:v3+s8+$0x0] =	vst.idx.add.f32.msk $0xffff, v6  }
0x5b1: {  	[tilespmem:v5+s8+$0x0] =	vst.idx.add.f32.msk $0xffff, v2  }
0x5b2: {  	[tilespmem:v1+s8+$0x0] =	vst.idx.add.f32.msk $0xffff, v4  }
0x5b3: {  	_ =	swait.ge [sflag:s9], $0x500  }
0x5b4: {  	[sflag:s9] =	ssyncset.done $0x0  }
0x5b5: {  	[sflag:s9] =	ssyncadd.s32 $0xFFFFFB00  }
0x5b6: {  	_ =	swait.ge [sflag:s9], $0x500  }
0x5b7: {  	[sflag:s9] =	ssyncset.done $0x0  }
0x5b8: {  	[sflag:s9] =	ssyncadd.s32 $0xFFFFFB00  }
0x5b9: {  	_ =	swait.ge [sflag:s9], $0x500  }
0x5ba: {  	[sflag:s9] =	ssyncset.done $0x0  }
0x5bb: {  	[sflag:s9] =	ssyncadd.s32 $0xFFFFFB00  }
0x5bc: {  	_ =	swait.ge [sflag:s9], $0x500  }
0x5bd: {  	[sflag:s9] =	ssyncset.done $0x0  }
0x5be: {  	s13 =	simm.s32 $0x1C370;
	[sflag:s9] =	ssyncadd.s32 $0xFFFFFB00  }
0x5bf: {  	v1 =	vld [tilespmem:s13+$0x10]  }
0x5c0: {  	v2 =	vld [tilespmem:s13+$0xFFFFFFE0];
	_ =	sdelay $0x1  }
0x5c1: {  	v3 =	vld [tilespmem:s13+$0xFFFFFFF0];
	_ =	sdelay $0x1  }
0x5c2: {  	v4 =	vld [tilespmem:s13+$0x0];
	v5 =	vsub.s32 $0x7EF311C3, v1  }
0x5c3: {  	s13 =	simm.s32 $0x1B970;
	v6 =	vsub.s32 $0x7EF311C3, v2;
	v8 =	vmul.f32 v5, v1  }
0x5c4: {  	s14 =	simm.s32 $0x1CD70;
	v7 =	vld [tilespmem:s13+$0x10];
	v9 =	vmul.f32 v6, v2  }
0x5c5: {  	v61 =	vld [tilespmem:s14+$0xFFFFFFE0];
	v10 =	vsub.s32 $0x7EF311C3, v3;
	v8 =	vsub.f32 $2.000000000e+00, v8  }
0x5c6: {  	v14 =	vld [tilespmem:s13+$0xFFFFFFE0];
	v12 =	vmul.f32 v10, v3;
	v9 =	vsub.f32 $2.000000000e+00, v9  }
0x5c7: {  	v11 =	vld [tilespmem:s13+$0xFFFFFFF0];
	v13 =	vsub.s32 $0x7EF311C3, v4;
	v5 =	vmul.f32 v5, v8  }
0x5c8: {  	v15 =	vmul.f32 v13, v4;
	v12 =	vsub.f32 $2.000000000e+00, v12;
	v6 =	vmul.f32 v6, v9;
	v9 =	vld [tilespmem:s14+$0x10]  }
0x5c9: {  	s15 =	simm.s32 $0x1AF70;
	v16 =	vld [tilespmem:s13+$0x0];
	v1 =	vmul.f32 v5, v1  }
0x5ca: {  	v62 =	vld [tilespmem:s15+$0x10];
	v8 =	vsub.f32 $2.000000000e+00, v15;
	v10 =	vmul.f32 v10, v12  }
0x5cb: {  	v63 =	vld [tilespmem:s14+$0xFFFFFFF0];
	v2 =	vmul.f32 v6, v2;
	v1 =	vsub.f32 $2.000000000e+00, v1  }
0x5cc: {  	v7 =	vld.idx.msk [tilespmem:v7+s1+$0x0], $0xffff;
	v8 =	vmul.f32 v13, v8;
	v3 =	vmul.f32 v10, v3  }
0x5cd: {  	v17 =	vld [tilespmem:s14+$0x0];
	v2 =	vsub.f32 $2.000000000e+00, v2;
	v9 =	vmul.f32 $5.291771890e-01, v9;
	v1 =	vmul.f32 v1, v5  }
0x5ce: {  	v14 =	vld.idx.msk [tilespmem:v14+s1+$0x0], $0xffff;
	v4 =	vmul.f32 v8, v4;
	v3 =	vsub.f32 $2.000000000e+00, v3;
	v5 =	vmul.f32 $5.291771890e-01, v61  }
0x5cf: {  	v6 =	vmul.f32 v2, v6;
	v2 =	vld.idx.msk [tilespmem:v11+s1+$0x0], $0xffff;
	v1 =	vmul.f32 v1, v9  }
0x5d0: {  	v10 =	vmul.f32 v3, v10;
	v3 =	vld [tilespmem:s15+$0xFFFFFFE0];
	v11 =	vmul.f32 $5.291771890e-01, v63;
	v9 =	vsub.f32 $2.000000000e+00, v4  }
0x5d1: {  	v6 =	vmul.f32 v6, v5;
	v4 =	vld.idx.msk [tilespmem:v16+s1+$0x0], $0xffff;
	v1 =	vmul.f32 v1, v7  }
0x5d2: {  	v5 =	vld [tilespmem:s15+$0xFFFFFFF0];
	v8 =	vmul.f32 v9, v8;
	v9 =	vmul.f32 $5.291771890e-01, v17  }
0x5d3: {  	v7 =	vmul.f32 v10, v11;
	[tilespmem:v62+s8+$0x0] =	vst.idx.add.f32.msk $0xffff, v1  }
0x5d4: {  	s16 =	simm.s32 $0x0;
	s17 =	simm.s32 $0x1C3B0;
	v6 =	vmul.f32 v6, v14;
	v8 =	vmul.f32 v8, v9;
	v1 =	vld [tilespmem:s15+$0x0]  }
.LBB2_42:
0x5d5: {  	v9 =	vld [tilespmem:s17+$0x10];
	s16 =	sadd.s32 $0x4, s16;
	v2 =	vmul.f32 v7, v2  }
0x5d6: {  	v7 =	vld [tilespmem:s17+$0xFFFFFFE0];
	p1 =	slt.u32 s16, $0x4C;
	v4 =	vmul.f32 v8, v4  }
0x5d7: {  	v8 =	vld [tilespmem:s17+$0xFFFFFFF0]  }
0x5d8: {  	v10 =	vld [tilespmem:s17+$0x0]  }
0x5d9: {  	[tilespmem:v3+s8+$0x0] =	vst.idx.add.f32.msk $0xffff, v6  }
0x5da: {  	s13 =	sadd.s32 $0x40, s13;
	v3 =	vsub.s32 $0x7EF311C3, v9;
	[tilespmem:v5+s8+$0x0] =	vst.idx.add.f32.msk $0xffff, v2  }
0x5db: {  	v2 =	vsub.s32 $0x7EF311C3, v7;
	v5 =	vld [tilespmem:s13+$0x10];
	v6 =	vmul.f32 v3, v9  }
0x5dc: {  	v11 =	vmul.f32 v2, v7;
	v12 =	vld [tilespmem:s13+$0xFFFFFFF0];
	v13 =	vsub.s32 $0x7EF311C3, v8  }
0x5dd: {  	v14 =	vmul.f32 v13, v8;
	v15 =	vld [tilespmem:s13+$0x0];
	v16 =	vsub.s32 $0x7EF311C3, v10;
	v6 =	vsub.f32 $2.000000000e+00, v6  }
0x5de: {  	v17 =	vld [tilespmem:s13+$0xFFFFFFE0];
	v11 =	vsub.f32 $2.000000000e+00, v11;
	v18 =	vmul.f32 v16, v10  }
0x5df: {  	s14 =	sadd.s32 $0x40, s14;
	v14 =	vsub.f32 $2.000000000e+00, v14;
	v3 =	vmul.f32 v3, v6;
	[tilespmem:v1+s8+$0x0] =	vst.idx.add.f32.msk $0xffff, v4  }
0x5e0: {  	v1 =	vmul.f32 v2, v11;
	v2 =	vsub.f32 $2.000000000e+00, v18;
	v4 =	vld [tilespmem:s14+$0x10]  }
0x5e1: {  	s15 =	sadd.s32 $0x40, s15;
	v6 =	vld [tilespmem:s14+$0xFFFFFFE0];
	v11 =	vmul.f32 v13, v14;
	v9 =	vmul.f32 v3, v9  }
0x5e2: {  	v7 =	vmul.f32 v1, v7;
	v13 =	vmul.f32 v16, v2;
	v14 =	vld [tilespmem:s15+$0x10]  }
0x5e3: {  	v2 =	vmul.f32 v11, v8;
	v5 =	vld.idx.msk [tilespmem:v5+s1+$0x0], $0xffff;
	v8 =	vsub.f32 $2.000000000e+00, v9  }
0x5e4: {  	v7 =	vsub.f32 $2.000000000e+00, v7;
	v9 =	vld [tilespmem:s14+$0xFFFFFFF0];
	v10 =	vmul.f32 v13, v10  }
0x5e5: {  	v16 =	vsub.f32 $2.000000000e+00, v2;
	v18 =	vld [tilespmem:s14+$0x0];
	v4 =	vmul.f32 $5.291771890e-01, v4;
	v3 =	vmul.f32 v8, v3  }
0x5e6: {  	v8 =	vld.idx.msk [tilespmem:v17+s1+$0x0], $0xffff;
	v6 =	vmul.f32 $5.291771890e-01, v6;
	v1 =	vmul.f32 v7, v1;
	v7 =	vsub.f32 $2.000000000e+00, v10  }
0x5e7: {  	v2 =	vld.idx.msk [tilespmem:v12+s1+$0x0], $0xffff;
	v10 =	vmul.f32 v16, v11;
	v11 =	vmul.f32 v3, v4  }
.Ltmp22:
0x5e8: {  	v1 =	vmul.f32 v1, v6;
	v4 =	vld.idx.msk [tilespmem:v15+s1+$0x0], $0xffff;
	v12 =	vmul.f32 v7, v13;
	(pc) =	sbr.rel @p1 .LBB2_42-.Ltmp22, $4  }
0x5e9: {  	v3 =	vld [tilespmem:s15+$0xFFFFFFE0];
	v6 =	vmul.f32 $5.291771890e-01, v9;
	v9 =	vmul.f32 v11, v5  }
0x5ea: {  	v5 =	vld [tilespmem:s15+$0xFFFFFFF0];
	v11 =	vmul.f32 $5.291771890e-01, v18  }
0x5eb: {  	v7 =	vmul.f32 v10, v6;
	[tilespmem:v14+s8+$0x0] =	vst.idx.add.f32.msk $0xffff, v9  }
0x5ec: {  	s17 =	sadd.s32 $0x40, s17;
	v6 =	vmul.f32 v1, v8;
	v8 =	vmul.f32 v12, v11;
	v1 =	vld [tilespmem:s15+$0x0]  }
0x5ed: {  	_ =	sdelay $0x3  }
.Ltmp23:
0x5ee: {  	_ = 	snop;
	(pc) =	sbr.rel @p0 .LBB2_46-.Ltmp23, $4  }
0x5ef: {  	v2 =	vmul.f32 v7, v2  }
0x5f0: {  	v4 =	vmul.f32 v8, v4;
	[tilespmem:v3+s8+$0x0] =	vst.idx.add.f32.msk $0xffff, v6  }
0x5f1: {  	[tilespmem:v5+s8+$0x0] =	vst.idx.add.f32.msk $0xffff, v2  }
0x5f2: {  	[tilespmem:v1+s8+$0x0] =	vst.idx.add.f32.msk $0xffff, v4  }
0x5f3: {  	s14 =	sld [smem:$0x7FA];
	_ =	sdelay $0x1  }
0x5f4: {  	s13 =	simm.s32 $0x0;
	s15 =	sld [smem:$0x7FB]  }
0x5f5: {  	[tilespmem:s24], [sflag:$0x1] =	stream.linear.gather [hbm4b:s14+s13], $0x80, $0x38;
	[tilespmem:$0x1FF50] =	vst v63  }
0x5f6: {  	s16 =	sld [smem:$0x7FC]  }
0x5f7: {  	[tilespmem:s25], [sflag:$0x1] =	stream.linear.gather [hbm4b:s15+s13], $0x80, $0x38;
	[tilespmem:$0x1FF50] =	vst v63  }
0x5f8: {  	s17 =	sld [smem:$0x7FD]  }
0x5f9: {  	[tilespmem:s26], [sflag:$0x1] =	stream.linear.gather [hbm4b:s16+s13], $0x80, $0x38;
	[tilespmem:$0x1FF50] =	vst v63  }
0x5fa: {  	_ = 	snop  }
0x5fb: {  	[tilespmem:s28], [sflag:$0x1] =	stream.linear.gather [hbm4b:s17+s13], $0x80, $0x38;
	[tilespmem:$0x1FF50] =	vst v63  }
0x5fc: {  	_ =	swait.ge [sflag:s3], $0x80  }
0x5fd: {  	[sflag:s3] =	ssyncset.done $0x0  }
0x5fe: {  	[sflag:s3] =	ssyncadd.s32 $0xFFFFFF80  }
0x5ff: {  	_ =	swait.ge [sflag:s3], $0x80  }
0x600: {  	[sflag:s3] =	ssyncset.done $0x0  }
0x601: {  	[sflag:s3] =	ssyncadd.s32 $0xFFFFFF80  }
0x602: {  	_ =	swait.ge [sflag:s3], $0x80  }
0x603: {  	[sflag:s3] =	ssyncset.done $0x0  }
0x604: {  	[sflag:s3] =	ssyncadd.s32 $0xFFFFFF80  }
0x605: {  	_ =	swait.ge [sflag:s3], $0x80  }
0x606: {  	[sflag:s3] =	ssyncset.done $0x0  }
0x607: {  	p1 =	por $0x1, $0x1;
	[sflag:s3] =	ssyncadd.s32 $0xFFFFFF80  }
.LBB2_45:
0x608: {  	v1 =	vld [tilespmem:s13+$0x19B50]  }
0x609: {  	v3 =	vld [tilespmem:s13+$0x19B60]  }
0x60a: {  	v7 =	vld [tilespmem:s13+$0x19B70]  }
0x60b: {  	v2 =	vld [tilespmem:s13+$0x19150]  }
0x60c: {  	v8 =	vld [tilespmem:s13+$0x19B80]  }
0x60d: {  	v5 =	vld [tilespmem:s13+$0x19160]  }
0x60e: {  	v11 =	vld [tilespmem:s13+$0x1A550];
	v4 =	vsub.s32 $0x7EF311C3, v1;
	v9 =	vsub.s32 $0x7EF311C3, v3  }
0x60f: {  	v52 =	vld [tilespmem:s13+$0x19170];
	v12 =	vsub.s32 $0x7EF311C3, v7;
	v6 =	vmul.f32 v4, v1;
	v10 =	vmul.f32 v9, v3  }
0x610: {  	v13 =	vld [tilespmem:s13+$0x18750];
	v14 =	vmul.f32 v12, v7  }
0x611: {  	v16 =	vld [tilespmem:s13+$0x1A560];
	v15 =	vsub.s32 $0x7EF311C3, v8;
	v6 =	vsub.f32 $2.000000000e+00, v6;
	v51 =	vsub.f32 $2.000000000e+00, v10  }
0x612: {  	v17 =	vld [tilespmem:s13+$0x19180];
	v53 =	vmul.f32 v15, v8;
	v14 =	vsub.f32 $2.000000000e+00, v14  }
0x613: {  	v54 =	vld [tilespmem:s13+$0x18760];
	v4 =	vmul.f32 v4, v6;
	v6 =	vmul.f32 v9, v51  }
0x614: {  	v57 =	vld [tilespmem:s13+$0x1A580];
	v9 =	vsub.f32 $2.000000000e+00, v53;
	v12 =	vmul.f32 v12, v14  }
0x615: {  	v55 =	vld [tilespmem:s13+$0x1A570];
	v1 =	vmul.f32 v4, v1;
	v3 =	vmul.f32 v6, v3  }
0x616: {  	v59 =	vld [tilespmem:s13+$0x18770];
	v9 =	vmul.f32 v15, v9;
	v7 =	vmul.f32 v12, v7  }
0x617: {  	v60 =	vld [tilespmem:s13+$0x18780];
	v11 =	vmul.f32 $5.291771890e-01, v11;
	v56 =	vmul.f32 $5.291771890e-01, v16;
	v1 =	vsub.f32 $2.000000000e+00, v1  }
0x618: {  	v2 =	vld.idx.msk [tilespmem:v2+s1+$0x0], $0xffff;
	v3 =	vsub.f32 $2.000000000e+00, v3;
	v8 =	vmul.f32 v9, v8;
	v7 =	vsub.f32 $2.000000000e+00, v7  }
0x619: {  	v62 =	vmul.f32 $5.291771890e-01, v57;
	v5 =	vld.idx.msk [tilespmem:v5+s1+$0x0], $0xffff;
	v1 =	vmul.f32 v1, v4  }
0x61a: {  	v58 =	vld.idx.msk [tilespmem:v52+s1+$0x0], $0xffff;
	v3 =	vmul.f32 v3, v6;
	v8 =	vsub.f32 $2.000000000e+00, v8;
	v7 =	vmul.f32 v7, v12  }
0x61b: {  	v61 =	vld.idx.msk [tilespmem:v17+s1+$0x0], $0xffff;
	v4 =	vmul.f32 $5.291771890e-01, v55;
	v1 =	vmul.f32 v1, v11  }
0x61c: {  	v3 =	vmul.f32 v3, v56;
	v8 =	vmul.f32 v8, v9  }
0x61d: {  	p2 =	por p1, p1;
	v1 =	vmul.f32 v1, v2;
	v2 =	vmul.f32 v7, v4  }
.Ltmp24:
0x61e: {  	v3 =	vmul.f32 v3, v5;
	v63 =	vmul.f32 v8, v62;
	(pc) =	sbr.rel @p2 .LBB2_45-.Ltmp24, $4  }
0x61f: {  	[tilespmem:v13+s8+$0x0] =	vst.idx.add.f32.msk $0xffff, v1;
	v1 =	vmul.f32 v2, v58  }
0x620: {  	[tilespmem:v54+s8+$0x0] =	vst.idx.add.f32.msk $0xffff, v3;
	v2 =	vmul.f32 v63, v61  }
0x621: {  	[tilespmem:v59+s8+$0x0] =	vst.idx.add.f32.msk $0xffff, v1  }
0x622: {  	s13 =	simm.s32 $0x40;
	p1 =	por $0x0, $0x0;
	[tilespmem:v60+s8+$0x0] =	vst.idx.add.f32.msk $0xffff, v2  }
.Ltmp25:
0x623: {  	_ = 	snop;
	(pc) =	sbr.rel .LBB2_46-.Ltmp25, $1  }
0x624: {  	_ =	sdelay $0x3  }
.LBB2_47:
0x625: {  	_ =	sfence.sel $0x180000  }
0x626: {  	[bflag:$0x0] =	sbarrier.arrive $0xFFFF  }
0x627: {  	_ =	strace $0x90000047  }
0x628: {  	s0 =	stileid.u32;
	[bflag:$0x2] =	sbarrier.arrive $0xFFFF  }
0x629: {  	p0 =	sne.s32 s0, $0x0;
	s0 =	rddreg [dreg:$0x6]  }
0x62a: {  	s0 =	sadd.s32 @!p0 $0x100000, s0  }
0x62b: {  	[sflag:s0] =	ssyncadd.tile.s32 @!p0 $0x1;
	_ =	shalt  }
.Lfunc_end2:
_tile_overlayer_lowered:
.L_overlay_start_2:
0x62c: {  	(tag) =	ssettag $0x2  }
0x62d: {  	s0 =	rddreg [dreg:$0x0];
	s2 =	stileid.u32  }
0x62e: {  	s1 =	rddreg [dreg:$0x1];
	p0 =	sne.s32 s2, $0x0  }
0x62f: {  	s3 =	rddreg [dreg:$0x2];
	[bflag:$0x3] =	sbarrier.arrive $0xFFFF;
	s2 =	simm.s32 @!p0 $0x1C05  }
0x630: {  	[timem:s3], [sflag:s2] =	dma.local @!p0 [hbm:s0], s1  }
0x631: {  	s0 =	simm.s32 @!p0 $0x5  }
0x632: {  	_ =	swait.ge @!p0 [sflag:s0], s1  }
0x633: {  	s1 =	ssub.s32 @!p0 $0x0, s1;
	[sflag:s0] =	ssyncset.done @!p0 $0x0  }
0x634: {  	[sflag:s0] =	ssyncadd.s32 @!p0 s1  }
0x635: {  	[bflag:$0x3] =	sbarrier.arrive $0xFFFF  }
0x636: {  	_ =	shalt  }

</sc_bundles>
